<compile_context>
chip_gen: v7x
topology: tpu7x:2x2x1
jax: 0.10.2.dev20260603
libtpu: 0.0.44.dev20260713+nightly
codegen_flags: <defaults>
</compile_context>

<pallas_src>
import jax
import jax.numpy as jnp
from jax import lax
from jax.experimental import pallas as pl
from jax.experimental.pallas import tpu as pltpu
from jax.experimental.pallas import tpu_sc as plsc

T = 100
D = 10000
LEVELS = 1000
SIG_MIN, SIG_MAX = -5.0, 5.0
CW = 128
NFULL = D // CW
TAIL = D - NFULL * CW
NCHUNK = NFULL + 1
PAD = NCHUNK * CW - D
NC, NS = 2, 16
NW = NC * NS
NV = CW // 16


def _tc_idx_body(inp_ref, idx_ref, selc_ref):
    def v2i(vals, low, high, n):
        idx = jnp.round((vals - low) / (high - low) * (n - 1))
        return jnp.clip(idx, 0, n - 1).astype(jnp.int32)

    idx_ref[...] = jnp.zeros((8, 128), jnp.int32)
    tcol = inp_ref[0:1, :]
    x = jnp.clip(inp_ref[1:2, :], SIG_MIN, SIG_MAX)
    y = jnp.clip(inp_ref[2:3, :], SIG_MIN, SIG_MAX)
    z = jnp.clip(inp_ref[3:4, :], SIG_MIN, SIG_MAX)
    idx_ref[0:1, 0:T] = v2i(x, SIG_MIN, SIG_MAX, LEVELS)
    idx_ref[1:2, 0:T] = v2i(y, SIG_MIN, SIG_MAX, LEVELS)
    idx_ref[2:3, 0:T] = v2i(z, SIG_MIN, SIG_MAX, LEVELS)
    itr = v2i(tcol, 0.0, float(T), T)
    idx_ref[3:4, 0:T] = itr
    lvl_iota = lax.broadcasted_iota(jnp.int32, (T, 1), 0)
    hits = (lvl_iota == itr).astype(jnp.float32)
    cnt = jnp.sum(hits, axis=1, keepdims=True).astype(jnp.int32)
    selc_ref[...] = jnp.bitwise_and(cnt, 1).astype(jnp.float32)


def _tc_tsign_body(selc_ref, lt_ref, ts_ref):
    neg = jnp.where(lt_ref[...] < 0.0, 1.0, 0.0)
    m = jnp.sum(neg * selc_ref[...], axis=0, keepdims=True)
    par = jnp.bitwise_and(m.astype(jnp.int32), 1)
    ts_ref[...] = (1 - 2 * par).astype(jnp.float32)


def _tc_fin_body(feat_ref, w_ref, b_ref, s_ref, ts_ref, out_ref):
    def sinus(k):
        def bf(v):
            return v.astype(jnp.bfloat16).astype(jnp.float32)
        p = (bf(w_ref[3 * k]) * bf(feat_ref[3 * k])
             + bf(w_ref[3 * k + 1]) * bf(feat_ref[3 * k + 1])
             + bf(w_ref[3 * k + 2]) * bf(feat_ref[3 * k + 2]))
        return jnp.cos(p + b_ref[k]) * jnp.sin(p)

    q = sinus(0) * sinus(1) * sinus(2) * sinus(3)
    out_ref[...] = jnp.where(s_ref[...] * ts_ref[...] * q > 0.0, 1.0, -1.0)


def _sc_body(idx_hbm, lx, ly, lz, tt_hbm, out_hbm,
             ib, cx, cy, cz,
             bx0, by0, bz0, bx1, by1, bz1,
             outv, sem0, sem1):
    cid = lax.axis_index("c")
    sid = lax.axis_index("s")
    w = sid * NC + cid
    c0 = (w * NCHUNK) // NW
    c1 = ((w + 1) * NCHUNK) // NW

    pltpu.sync_copy(idx_hbm, ib)
    for r, cref in ((0, cx), (1, cy), (2, cz)):
        for j in range(112 // 16):
            sl = pl.ds(j * 16, 16)
            cref[sl] = ib[r, sl]
    cxs = cx.at[pl.ds(0, T)]
    cys = cy.at[pl.ds(0, T)]
    czs = cz.at[pl.ds(0, T)]

    bufs = ((bx0, by0, bz0, sem0), (bx1, by1, bz1, sem1))

    def fire(k):
        bx, by, bz, sem = bufs[k % 2]
        cc = c0 + k

        @pl.when(cc < c1)
        def _():
            @pl.when(cc < NFULL)
            def _main():
                col = pl.multiple_of(cc * CW, CW)
                pltpu.async_copy(lx.at[cxs, pl.ds(col, CW)], bx, sem)
                pltpu.async_copy(ly.at[cys, pl.ds(col, CW)], by, sem)
                pltpu.async_copy(lz.at[czs, pl.ds(col, CW)], bz, sem)

            @pl.when(cc == NFULL)
            def _tail():
                for base, cref in ((LEVELS, cy), (2 * LEVELS, cz)):
                    for j in range(112 // 16):
                        sl = pl.ds(j * 16, 16)
                        cref[sl] = cref[sl] + base
                pltpu.async_copy(tt_hbm.at[cxs], bx, sem)
                pltpu.async_copy(tt_hbm.at[cys], by, sem)
                pltpu.async_copy(tt_hbm.at[czs], bz, sem)

    def compute(k):
        bx, by, bz, sem = bufs[k % 2]
        cc = c0 + k

        @pl.when(cc < c1)
        def _():
            for dst in (bx, by, bz):
                pltpu.make_async_copy(lx.at[cxs, pl.ds(0, CW)], dst,
                                      sem).wait()

            def t_body(t, accs):
                return tuple(
                    accs[j] * (bx[t, pl.ds(j * 16, 16)]
                               + by[t, pl.ds(j * 16, 16)]
                               + bz[t, pl.ds(j * 16, 16)])
                    for j in range(NV))

            accs = lax.fori_loop(
                0, T, t_body,
                tuple(jnp.ones((16,), jnp.float32) for _ in range(NV)))
            for j in range(NV):
                outv[0, pl.ds(j * 16, 16)] = accs[j]
            pltpu.sync_copy(outv, out_hbm.at[pl.ds(cc, 1)])

    fire(0)
    fire(1)
    compute(0)
    fire(2)
    compute(1)
    compute(2)


def kernel(input, feat, lvl_x, lvl_y, lvl_z, lvl_t, w_rms, b_rms, w_mfcc,
           b_mfcc, w_fft_mean, b_fft_mean, w_fft_max, b_fft_max):
    inp_t = input.T

    idx, selc = pl.pallas_call(
        _tc_idx_body,
        out_shape=[jax.ShapeDtypeStruct((8, 128), jnp.int32),
                   jax.ShapeDtypeStruct((T, 1), jnp.float32)],
        in_specs=[pl.BlockSpec(memory_space=pltpu.VMEM)],
        out_specs=[pl.BlockSpec(memory_space=pltpu.VMEM),
                   pl.BlockSpec(memory_space=pltpu.VMEM)],
    )(inp_t)

    tails = jnp.pad(
        jnp.concatenate([lvl_x[:, NFULL * CW:], lvl_y[:, NFULL * CW:],
                         lvl_z[:, NFULL * CW:]], axis=0),
        ((0, 0), (0, CW - TAIL)))

    mesh = plsc.VectorSubcoreMesh(core_axis_name="c", subcore_axis_name="s",
                                  num_cores=NC, num_subcores=NS)
    s = pl.kernel(
        _sc_body,
        out_type=jax.ShapeDtypeStruct((NCHUNK, CW), jnp.float32),
        mesh=mesh,
        scratch_types=[
            pltpu.VMEM((8, 128), jnp.int32),
            pltpu.VMEM((112,), jnp.int32),
            pltpu.VMEM((112,), jnp.int32),
            pltpu.VMEM((112,), jnp.int32),
            pltpu.VMEM((T, CW), jnp.float32),
            pltpu.VMEM((T, CW), jnp.float32),
            pltpu.VMEM((T, CW), jnp.float32),
            pltpu.VMEM((T, CW), jnp.float32),
            pltpu.VMEM((T, CW), jnp.float32),
            pltpu.VMEM((T, CW), jnp.float32),
            pltpu.VMEM((1, CW), jnp.float32),
            pltpu.SemaphoreType.DMA,
            pltpu.SemaphoreType.DMA,
        ],
    )(idx, lvl_x, lvl_y, lvl_z, tails)

    tsign = pl.pallas_call(
        _tc_tsign_body,
        out_shape=jax.ShapeDtypeStruct((1, D), jnp.float32),
        in_specs=[pl.BlockSpec(memory_space=pltpu.VMEM),
                  pl.BlockSpec(memory_space=pltpu.VMEM)],
        out_specs=pl.BlockSpec(memory_space=pltpu.VMEM),
    )(selc, lvl_t)
    tsign3 = jnp.pad(tsign.reshape(D), (0, PAD)).reshape(NCHUNK, CW)

    w_all = jnp.concatenate(
        [w_rms.T, w_mfcc.T, w_fft_mean.T, w_fft_max.T], axis=0)
    w_all = jnp.pad(w_all, ((0, 0), (0, PAD))).reshape(12, NCHUNK, CW)
    b_all = jnp.pad(jnp.stack([b_rms, b_mfcc, b_fft_mean, b_fft_max]),
                    ((0, 0), (0, PAD))).reshape(4, NCHUNK, CW)

    out2 = pl.pallas_call(
        _tc_fin_body,
        out_shape=jax.ShapeDtypeStruct((NCHUNK, CW), jnp.float32),
        in_specs=[
            pl.BlockSpec(memory_space=pltpu.SMEM),
            pl.BlockSpec(memory_space=pltpu.VMEM),
            pl.BlockSpec(memory_space=pltpu.VMEM),
            pl.BlockSpec(memory_space=pltpu.VMEM),
            pl.BlockSpec(memory_space=pltpu.VMEM),
        ],
        out_specs=pl.BlockSpec(memory_space=pltpu.VMEM),
    )(feat, w_all, b_all, s, tsign3)

    return out2.reshape(NCHUNK * CW)[:D]

# --- scband reference (transcript-rebuilt; emitter-appended) ---
"""Pipeline reference for scband-hdc-level-encoder-1271310319957 (READ-ONLY COPY).

The authoritative reference and input builder live on the scoring server;
editing this copy changes nothing except your own understanding.
"""

import jax, jax.numpy as jnp
import numpy as np

LEVELS = 1000
TIMESTAMPS = 100
DIM = 10000
SIG_MIN, SIG_MAX = -5.0, 5.0
NUM_RMS = 3; RMS_START = 0
NUM_MFCC = 3; MFCC_START = RMS_START + NUM_RMS
NUM_FFT_MEAN = 3; FFT_MEAN_START = MFCC_START + NUM_MFCC
NUM_FFT_MAX = 3; FFT_MAX_START = FFT_MEAN_START + NUM_FFT_MEAN


def make_level_table(key, num, dim):
    # torchhd-style level hypervectors: random +-1 base, consecutive levels flip
    # an increasing prefix (in a random permutation order), spanning dim//2 flips.
    k1, k2 = jax.random.split(key)
    base = jnp.where(jax.random.bernoulli(k1, 0.5, (dim,)), 1.0, -1.0).astype(jnp.float32)
    perm = jax.random.permutation(k2, dim)
    rank = jnp.zeros((dim,), dtype=jnp.int32).at[perm].set(jnp.arange(dim, dtype=jnp.int32))
    span = dim // 2
    flip_counts = jnp.round(jnp.arange(num) * span / max(num - 1, 1)).astype(jnp.int32)
    flip_mask = rank[None, :] < flip_counts[:, None]
    return jnp.where(flip_mask, -base[None, :], base[None, :])


def value_to_index(values, low, high, n):
    idx = jnp.round((values - low) / (high - low) * (n - 1))
    return jnp.clip(idx, 0, n - 1).astype(jnp.int32)


def level_lookup(table, values, low, high):
    idx = value_to_index(values, low, high, table.shape[0])
    return jnp.take(table, idx, axis=0)


def sinusoid(x, w, b):
    # torchhd embeddings.Sinusoid: cos(xW^T + b) * sin(xW^T)
    p = x @ w.T
    return jnp.cos(p + b) * jnp.sin(p)


def setup_inputs(seed: int = 0) -> dict:
    key = jax.random.key(seed)
    ks = jax.random.split(key, 16)
    inp = {}
    sig = jax.random.normal(ks[0], (TIMESTAMPS, 4), dtype=jnp.float32)
    # time column spans [0, TIMESTAMPS) so the timestamp-level gather hits many rows
    t = jax.random.uniform(ks[1], (TIMESTAMPS,), dtype=jnp.float32) * TIMESTAMPS
    inp["input"] = sig.at[:, 0].set(t)
    inp["feat"] = jax.random.normal(ks[2], (12,), dtype=jnp.float32)
    inp["lvl_x"] = make_level_table(ks[3], LEVELS, DIM)
    inp["lvl_y"] = make_level_table(ks[4], LEVELS, DIM)
    inp["lvl_z"] = make_level_table(ks[5], LEVELS, DIM)
    inp["lvl_t"] = make_level_table(ks[6], TIMESTAMPS, DIM)
    inp["w_rms"] = jax.random.normal(ks[7], (DIM, NUM_RMS), dtype=jnp.float32)
    inp["b_rms"] = jax.random.uniform(ks[8], (DIM,), dtype=jnp.float32) * 2.0 * np.pi
    inp["w_mfcc"] = jax.random.normal(ks[9], (DIM, NUM_MFCC), dtype=jnp.float32)
    inp["b_mfcc"] = jax.random.uniform(ks[10], (DIM,), dtype=jnp.float32) * 2.0 * np.pi
    inp["w_fft_mean"] = jax.random.normal(ks[11], (DIM, NUM_FFT_MEAN), dtype=jnp.float32)
    inp["b_fft_mean"] = jax.random.uniform(ks[12], (DIM,), dtype=jnp.float32) * 2.0 * np.pi
    inp["w_fft_max"] = jax.random.normal(ks[13], (DIM, NUM_FFT_MAX), dtype=jnp.float32)
    inp["b_fft_max"] = jax.random.uniform(ks[14], (DIM,), dtype=jnp.float32) * 2.0 * np.pi
    return inp


def reference(input, feat, lvl_x, lvl_y, lvl_z, lvl_t, w_rms, b_rms, w_mfcc, b_mfcc, w_fft_mean, b_fft_mean, w_fft_max, b_fft_max):
    x = jnp.clip(input[:, 1], SIG_MIN, SIG_MAX)
    y = jnp.clip(input[:, 2], SIG_MIN, SIG_MAX)
    z = jnp.clip(input[:, 3], SIG_MIN, SIG_MAX)
    x_levels = level_lookup(lvl_x, x, SIG_MIN, SIG_MAX)
    y_levels = level_lookup(lvl_y, y, SIG_MIN, SIG_MAX)
    z_levels = level_lookup(lvl_z, z, SIG_MIN, SIG_MAX)
    times = level_lookup(lvl_t, input[:, 0], 0.0, float(TIMESTAMPS))
    sample_hvs = (x_levels + y_levels + z_levels) * times
    # torchhd.multibind over MAP tensors = elementwise product along dim -2
    sample_hv = jnp.prod(sample_hvs, axis=-2)
    f1 = sinusoid(feat[RMS_START:RMS_START + NUM_RMS], w_rms, b_rms)
    f2 = sinusoid(feat[MFCC_START:MFCC_START + NUM_MFCC], w_mfcc, b_mfcc)
    f3 = sinusoid(feat[FFT_MEAN_START:FFT_MEAN_START + NUM_FFT_MEAN], w_fft_mean, b_fft_mean)
    f4 = sinusoid(feat[FFT_MAX_START:FFT_MAX_START + NUM_FFT_MAX], w_fft_max, b_fft_max)
    sample_hv = sample_hv * f1 * f2 * f3 * f4
    # torchhd.hard_quantize
    return jnp.where(sample_hv > 0, 1.0, -1.0).flatten()

if __name__ == "__main__":
    import jax
    _d = setup_inputs()
    print(jax.jit(kernel)(*tuple(_d.values())))

</pallas_src>

<mosaic_0001>
#map = affine_map<(d0, d1) -> (0, 0)>
module attributes {stable_mosaic.version = 14 : i64} {
  func.func @_sc_body(%arg0: i32, %arg1: i32, %arg2: memref<8x128xi32, #tpu.memory_space<hbm>>, %arg3: memref<1000x10000xf32, #tpu.memory_space<hbm>>, %arg4: memref<1000x10000xf32, #tpu.memory_space<hbm>>, %arg5: memref<1000x10000xf32, #tpu.memory_space<hbm>>, %arg6: memref<3000x128xf32, #tpu.memory_space<hbm>>, %arg7: memref<79x128xf32, #tpu.memory_space<hbm>>, %arg8: memref<8x128xi32, #tpu.memory_space<vmem>>, %arg9: memref<112xi32, #tpu.memory_space<vmem>>, %arg10: memref<112xi32, #tpu.memory_space<vmem>>, %arg11: memref<112xi32, #tpu.memory_space<vmem>>, %arg12: memref<100x128xf32, #tpu.memory_space<vmem>>, %arg13: memref<100x128xf32, #tpu.memory_space<vmem>>, %arg14: memref<100x128xf32, #tpu.memory_space<vmem>>, %arg15: memref<100x128xf32, #tpu.memory_space<vmem>>, %arg16: memref<100x128xf32, #tpu.memory_space<vmem>>, %arg17: memref<100x128xf32, #tpu.memory_space<vmem>>, %arg18: memref<1x128xf32, #tpu.memory_space<vmem>>, %arg19: memref<!tpu.dma_semaphore, #tpu.memory_space<semaphore_mem>>, %arg20: memref<!tpu.dma_semaphore, #tpu.memory_space<semaphore_mem>>) attributes {dimension_semantics = [#tpu.dimension_semantics<core_parallel>, #tpu.dimension_semantics<subcore_parallel>], iteration_bounds = array<i64: 2, 16>, scalar_prefetch = 0 : i64, scratch_operands = 13 : i64, tpu.core_type = #tpu.core_type<sc_vector_subcore>, window_params = [{transform_indices = #map}, {transform_indices = #map}, {transform_indices = #map}, {transform_indices = #map}, {transform_indices = #map}, {transform_indices = #map}]} {
    %mul3A = arith.constant 2 : i32
    %mul3A_0 = arith.muli %arg1, %mul3A : i32
    %add3A = arith.addi %mul3A_0, %arg0 : i32
    %mul3A_1 = arith.constant 79 : i32
    %mul3A_2 = arith.muli %add3A, %mul3A_1 : i32
    %jit3A = arith.constant 32 : i32
    %div3A = arith.divsi %mul3A_2, %jit3A : i32
    %sign3A = arith.constant 0 : i32
    %sign3A_3 = arith.cmpi sgt, %mul3A_2, %sign3A : i32
    %sign3A_4 = arith.extui %sign3A_3 : i1 to i32
    %sign3A_5 = arith.constant 0 : i32
    %sign3A_6 = arith.cmpi slt, %mul3A_2, %sign3A_5 : i32
    %sign3A_7 = arith.extui %sign3A_6 : i1 to i32
    %sign3A_8 = arith.subi %sign3A_4, %sign3A_7 : i32
    %sign3A_9 = arith.constant 0 : i32
    %sign3A_10 = arith.cmpi sgt, %jit3A, %sign3A_9 : i32
    %sign3A_11 = arith.extui %sign3A_10 : i1 to i32
    %sign3A_12 = arith.constant 0 : i32
    %sign3A_13 = arith.cmpi slt, %jit3A, %sign3A_12 : i32
    %sign3A_14 = arith.extui %sign3A_13 : i1 to i32
    %sign3A_15 = arith.subi %sign3A_11, %sign3A_14 : i32
    %ne3A = arith.cmpi ne, %sign3A_8, %sign3A_15 : i32
    %rem3A = arith.remsi %mul3A_2, %jit3A : i32
    %ne3A_16 = arith.constant 0 : i32
    %ne3A_17 = arith.cmpi ne, %rem3A, %ne3A_16 : i32
    %and3A = arith.andi %ne3A, %ne3A_17 : i1
    %sub3A = arith.constant 1 : i32
    %sub3A_18 = arith.subi %div3A, %sub3A : i32
    %select_n3A = arith.select %and3A, %sub3A_18, %div3A : i32
    %add3A_19 = arith.constant 1 : i32
    %add3A_20 = arith.addi %add3A, %add3A_19 : i32
    %mul3A_21 = arith.constant 79 : i32
    %mul3A_22 = arith.muli %add3A_20, %mul3A_21 : i32
    %jit3A_23 = arith.constant 32 : i32
    %div3A_24 = arith.divsi %mul3A_22, %jit3A_23 : i32
    %sign3A_25 = arith.constant 0 : i32
    %sign3A_26 = arith.cmpi sgt, %mul3A_22, %sign3A_25 : i32
    %sign3A_27 = arith.extui %sign3A_26 : i1 to i32
    %sign3A_28 = arith.constant 0 : i32
    %sign3A_29 = arith.cmpi slt, %mul3A_22, %sign3A_28 : i32
    %sign3A_30 = arith.extui %sign3A_29 : i1 to i32
    %sign3A_31 = arith.subi %sign3A_27, %sign3A_30 : i32
    %sign3A_32 = arith.constant 0 : i32
    %sign3A_33 = arith.cmpi sgt, %jit3A_23, %sign3A_32 : i32
    %sign3A_34 = arith.extui %sign3A_33 : i1 to i32
    %sign3A_35 = arith.constant 0 : i32
    %sign3A_36 = arith.cmpi slt, %jit3A_23, %sign3A_35 : i32
    %sign3A_37 = arith.extui %sign3A_36 : i1 to i32
    %sign3A_38 = arith.subi %sign3A_34, %sign3A_37 : i32
    %ne3A_39 = arith.cmpi ne, %sign3A_31, %sign3A_38 : i32
    %rem3A_40 = arith.remsi %mul3A_22, %jit3A_23 : i32
    %ne3A_41 = arith.constant 0 : i32
    %ne3A_42 = arith.cmpi ne, %rem3A_40, %ne3A_41 : i32
    %and3A_43 = arith.andi %ne3A_39, %ne3A_42 : i1
    %sub3A_44 = arith.constant 1 : i32
    %sub3A_45 = arith.subi %div3A_24, %sub3A_44 : i32
    %select_n3A_46 = arith.select %and3A_43, %sub3A_45, %div3A_24 : i32
    "tpu.region"() ({
      %run_scoped3A = tpu.sem_alloc : memref<!tpu.dma_semaphore, #tpu.memory_space<semaphore_mem>>
      tpu.enqueue_dma source(%arg2 : memref<8x128xi32, #tpu.memory_space<hbm>>) target(%arg8 : memref<8x128xi32, #tpu.memory_space<vmem>>) target_semaphore(%run_scoped3A : memref<!tpu.dma_semaphore, #tpu.memory_space<semaphore_mem>>)
      tpu.wait_dma2 semaphore(%run_scoped3A : memref<!tpu.dma_semaphore, #tpu.memory_space<semaphore_mem>>) src(%arg2 : memref<8x128xi32, #tpu.memory_space<hbm>>) dst(%arg8 : memref<8x128xi32, #tpu.memory_space<vmem>>)
      tpu.yield
    }) : () -> ()
    %get3A = arith.constant 0 : i32
    %get3A_47 = arith.index_cast %get3A : i32 to index
    %get3A_48 = arith.constant 0 : index
    %get3A_49 = tpu.vector_load %arg8[%get3A_47, %get3A_48] {strides = array<i32>} : memref<8x128xi32, #tpu.memory_space<vmem>>, vector<1x16xi32>,
    %get3A_50 = vector.shape_cast %get3A_49 : vector<1x16xi32> to vector<16xi32>
    %swap3A = arith.constant 0 : index
    %swap3A_51 = tpu.vector_load %arg9[%swap3A] {strides = array<i32>} : memref<112xi32, #tpu.memory_space<vmem>>, vector<16xi32>,
    %swap3A_52 = vector.shape_cast %swap3A_51 : vector<16xi32> to vector<16xi32>
    %swap3A_53 = vector.shape_cast %get3A_50 : vector<16xi32> to vector<16xi32>
    tpu.vector_store %arg9[%swap3A], %swap3A_53 {strides = array<i32>} : memref<112xi32, #tpu.memory_space<vmem>>, vector<16xi32>,
    %get3A_54 = arith.constant 0 : i32
    %get3A_55 = arith.index_cast %get3A_54 : i32 to index
    %get3A_56 = arith.constant 16 : index
    %get3A_57 = tpu.vector_load %arg8[%get3A_55, %get3A_56] {strides = array<i32>} : memref<8x128xi32, #tpu.memory_space<vmem>>, vector<1x16xi32>,
    %get3A_58 = vector.shape_cast %get3A_57 : vector<1x16xi32> to vector<16xi32>
    %swap3A_59 = arith.constant 16 : index
    %swap3A_60 = tpu.vector_load %arg9[%swap3A_59] {strides = array<i32>} : memref<112xi32, #tpu.memory_space<vmem>>, vector<16xi32>,
    %swap3A_61 = vector.shape_cast %swap3A_60 : vector<16xi32> to vector<16xi32>
    %swap3A_62 = vector.shape_cast %get3A_58 : vector<16xi32> to vector<16xi32>
    tpu.vector_store %arg9[%swap3A_59], %swap3A_62 {strides = array<i32>} : memref<112xi32, #tpu.memory_space<vmem>>, vector<16xi32>,
    %get3A_63 = arith.constant 0 : i32
    %get3A_64 = arith.index_cast %get3A_63 : i32 to index
    %get3A_65 = arith.constant 32 : index
    %get3A_66 = tpu.vector_load %arg8[%get3A_64, %get3A_65] {strides = array<i32>} : memref<8x128xi32, #tpu.memory_space<vmem>>, vector<1x16xi32>,
    %get3A_67 = vector.shape_cast %get3A_66 : vector<1x16xi32> to vector<16xi32>
    %swap3A_68 = arith.constant 32 : index
    %swap3A_69 = tpu.vector_load %arg9[%swap3A_68] {strides = array<i32>} : memref<112xi32, #tpu.memory_space<vmem>>, vector<16xi32>,
    %swap3A_70 = vector.shape_cast %swap3A_69 : vector<16xi32> to vector<16xi32>
    %swap3A_71 = vector.shape_cast %get3A_67 : vector<16xi32> to vector<16xi32>
    tpu.vector_store %arg9[%swap3A_68], %swap3A_71 {strides = array<i32>} : memref<112xi32, #tpu.memory_space<vmem>>, vector<16xi32>,
    %get3A_72 = arith.constant 0 : i32
    %get3A_73 = arith.index_cast %get3A_72 : i32 to index
    %get3A_74 = arith.constant 48 : index
    %get3A_75 = tpu.vector_load %arg8[%get3A_73, %get3A_74] {strides = array<i32>} : memref<8x128xi32, #tpu.memory_space<vmem>>, vector<1x16xi32>,
    %get3A_76 = vector.shape_cast %get3A_75 : vector<1x16xi32> to vector<16xi32>
    %swap3A_77 = arith.constant 48 : index
    %swap3A_78 = tpu.vector_load %arg9[%swap3A_77] {strides = array<i32>} : memref<112xi32, #tpu.memory_space<vmem>>, vector<16xi32>,
    %swap3A_79 = vector.shape_cast %swap3A_78 : vector<16xi32> to vector<16xi32>
    %swap3A_80 = vector.shape_cast %get3A_76 : vector<16xi32> to vector<16xi32>
    tpu.vector_store %arg9[%swap3A_77], %swap3A_80 {strides = array<i32>} : memref<112xi32, #tpu.memory_space<vmem>>, vector<16xi32>,
    %get3A_81 = arith.constant 0 : i32
    %get3A_82 = arith.index_cast %get3A_81 : i32 to index
    %get3A_83 = arith.constant 64 : index
    %get3A_84 = tpu.vector_load %arg8[%get3A_82, %get3A_83] {strides = array<i32>} : memref<8x128xi32, #tpu.memory_space<vmem>>, vector<1x16xi32>,
    %get3A_85 = vector.shape_cast %get3A_84 : vector<1x16xi32> to vector<16xi32>
    %swap3A_86 = arith.constant 64 : index
    %swap3A_87 = tpu.vector_load %arg9[%swap3A_86] {strides = array<i32>} : memref<112xi32, #tpu.memory_space<vmem>>, vector<16xi32>,
    %swap3A_88 = vector.shape_cast %swap3A_87 : vector<16xi32> to vector<16xi32>
    %swap3A_89 = vector.shape_cast %get3A_85 : vector<16xi32> to vector<16xi32>
    tpu.vector_store %arg9[%swap3A_86], %swap3A_89 {strides = array<i32>} : memref<112xi32, #tpu.memory_space<vmem>>, vector<16xi32>,
    %get3A_90 = arith.constant 0 : i32
    %get3A_91 = arith.index_cast %get3A_90 : i32 to index
    %get3A_92 = arith.constant 80 : index
    %get3A_93 = tpu.vector_load %arg8[%get3A_91, %get3A_92] {strides = array<i32>} : memref<8x128xi32, #tpu.memory_space<vmem>>, vector<1x16xi32>,
    %get3A_94 = vector.shape_cast %get3A_93 : vector<1x16xi32> to vector<16xi32>
    %swap3A_95 = arith.constant 80 : index
    %swap3A_96 = tpu.vector_load %arg9[%swap3A_95] {strides = array<i32>} : memref<112xi32, #tpu.memory_space<vmem>>, vector<16xi32>,
    %swap3A_97 = vector.shape_cast %swap3A_96 : vector<16xi32> to vector<16xi32>
    %swap3A_98 = vector.shape_cast %get3A_94 : vector<16xi32> to vector<16xi32>
    tpu.vector_store %arg9[%swap3A_95], %swap3A_98 {strides = array<i32>} : memref<112xi32, #tpu.memory_space<vmem>>, vector<16xi32>,
    %get3A_99 = arith.constant 0 : i32
    %get3A_100 = arith.index_cast %get3A_99 : i32 to index
    %get3A_101 = arith.constant 96 : index
    %get3A_102 = tpu.vector_load %arg8[%get3A_100, %get3A_101] {strides = array<i32>} : memref<8x128xi32, #tpu.memory_space<vmem>>, vector<1x16xi32>,
    %get3A_103 = vector.shape_cast %get3A_102 : vector<1x16xi32> to vector<16xi32>
    %swap3A_104 = arith.constant 96 : index
    %swap3A_105 = tpu.vector_load %arg9[%swap3A_104] {strides = array<i32>} : memref<112xi32, #tpu.memory_space<vmem>>, vector<16xi32>,
    %swap3A_106 = vector.shape_cast %swap3A_105 : vector<16xi32> to vector<16xi32>
    %swap3A_107 = vector.shape_cast %get3A_103 : vector<16xi32> to vector<16xi32>
    tpu.vector_store %arg9[%swap3A_104], %swap3A_107 {strides = array<i32>} : memref<112xi32, #tpu.memory_space<vmem>>, vector<16xi32>,
    %get3A_108 = arith.constant 1 : i32
    %get3A_109 = arith.index_cast %get3A_108 : i32 to index
    %get3A_110 = arith.constant 0 : index
    %get3A_111 = tpu.vector_load %arg8[%get3A_109, %get3A_110] {strides = array<i32>} : memref<8x128xi32, #tpu.memory_space<vmem>>, vector<1x16xi32>,
    %get3A_112 = vector.shape_cast %get3A_111 : vector<1x16xi32> to vector<16xi32>
    %swap3A_113 = arith.constant 0 : index
    %swap3A_114 = tpu.vector_load %arg10[%swap3A_113] {strides = array<i32>} : memref<112xi32, #tpu.memory_space<vmem>>, vector<16xi32>,
    %swap3A_115 = vector.shape_cast %swap3A_114 : vector<16xi32> to vector<16xi32>
    %swap3A_116 = vector.shape_cast %get3A_112 : vector<16xi32> to vector<16xi32>
    tpu.vector_store %arg10[%swap3A_113], %swap3A_116 {strides = array<i32>} : memref<112xi32, #tpu.memory_space<vmem>>, vector<16xi32>,
    %get3A_117 = arith.constant 1 : i32
    %get3A_118 = arith.index_cast %get3A_117 : i32 to index
    %get3A_119 = arith.constant 16 : index
    %get3A_120 = tpu.vector_load %arg8[%get3A_118, %get3A_119] {strides = array<i32>} : memref<8x128xi32, #tpu.memory_space<vmem>>, vector<1x16xi32>,
    %get3A_121 = vector.shape_cast %get3A_120 : vector<1x16xi32> to vector<16xi32>
    %swap3A_122 = arith.constant 16 : index
    %swap3A_123 = tpu.vector_load %arg10[%swap3A_122] {strides = array<i32>} : memref<112xi32, #tpu.memory_space<vmem>>, vector<16xi32>,
    %swap3A_124 = vector.shape_cast %swap3A_123 : vector<16xi32> to vector<16xi32>
    %swap3A_125 = vector.shape_cast %get3A_121 : vector<16xi32> to vector<16xi32>
    tpu.vector_store %arg10[%swap3A_122], %swap3A_125 {strides = array<i32>} : memref<112xi32, #tpu.memory_space<vmem>>, vector<16xi32>,
    %get3A_126 = arith.constant 1 : i32
    %get3A_127 = arith.index_cast %get3A_126 : i32 to index
    %get3A_128 = arith.constant 32 : index
    %get3A_129 = tpu.vector_load %arg8[%get3A_127, %get3A_128] {strides = array<i32>} : memref<8x128xi32, #tpu.memory_space<vmem>>, vector<1x16xi32>,
    %get3A_130 = vector.shape_cast %get3A_129 : vector<1x16xi32> to vector<16xi32>
    %swap3A_131 = arith.constant 32 : index
    %swap3A_132 = tpu.vector_load %arg10[%swap3A_131] {strides = array<i32>} : memref<112xi32, #tpu.memory_space<vmem>>, vector<16xi32>,
    %swap3A_133 = vector.shape_cast %swap3A_132 : vector<16xi32> to vector<16xi32>
    %swap3A_134 = vector.shape_cast %get3A_130 : vector<16xi32> to vector<16xi32>
    tpu.vector_store %arg10[%swap3A_131], %swap3A_134 {strides = array<i32>} : memref<112xi32, #tpu.memory_space<vmem>>, vector<16xi32>,
    %get3A_135 = arith.constant 1 : i32
    %get3A_136 = arith.index_cast %get3A_135 : i32 to index
    %get3A_137 = arith.constant 48 : index
    %get3A_138 = tpu.vector_load %arg8[%get3A_136, %get3A_137] {strides = array<i32>} : memref<8x128xi32, #tpu.memory_space<vmem>>, vector<1x16xi32>,
    %get3A_139 = vector.shape_cast %get3A_138 : vector<1x16xi32> to vector<16xi32>
    %swap3A_140 = arith.constant 48 : index
    %swap3A_141 = tpu.vector_load %arg10[%swap3A_140] {strides = array<i32>} : memref<112xi32, #tpu.memory_space<vmem>>, vector<16xi32>,
    %swap3A_142 = vector.shape_cast %swap3A_141 : vector<16xi32> to vector<16xi32>
    %swap3A_143 = vector.shape_cast %get3A_139 : vector<16xi32> to vector<16xi32>
    tpu.vector_store %arg10[%swap3A_140], %swap3A_143 {strides = array<i32>} : memref<112xi32, #tpu.memory_space<vmem>>, vector<16xi32>,
    %get3A_144 = arith.constant 1 : i32
    %get3A_145 = arith.index_cast %get3A_144 : i32 to index
    %get3A_146 = arith.constant 64 : index
    %get3A_147 = tpu.vector_load %arg8[%get3A_145, %get3A_146] {strides = array<i32>} : memref<8x128xi32, #tpu.memory_space<vmem>>, vector<1x16xi32>,
    %get3A_148 = vector.shape_cast %get3A_147 : vector<1x16xi32> to vector<16xi32>
    %swap3A_149 = arith.constant 64 : index
    %swap3A_150 = tpu.vector_load %arg10[%swap3A_149] {strides = array<i32>} : memref<112xi32, #tpu.memory_space<vmem>>, vector<16xi32>,
    %swap3A_151 = vector.shape_cast %swap3A_150 : vector<16xi32> to vector<16xi32>
    %swap3A_152 = vector.shape_cast %get3A_148 : vector<16xi32> to vector<16xi32>
    tpu.vector_store %arg10[%swap3A_149], %swap3A_152 {strides = array<i32>} : memref<112xi32, #tpu.memory_space<vmem>>, vector<16xi32>,
    %get3A_153 = arith.constant 1 : i32
    %get3A_154 = arith.index_cast %get3A_153 : i32 to index
    %get3A_155 = arith.constant 80 : index
    %get3A_156 = tpu.vector_load %arg8[%get3A_154, %get3A_155] {strides = array<i32>} : memref<8x128xi32, #tpu.memory_space<vmem>>, vector<1x16xi32>,
    %get3A_157 = vector.shape_cast %get3A_156 : vector<1x16xi32> to vector<16xi32>
    %swap3A_158 = arith.constant 80 : index
    %swap3A_159 = tpu.vector_load %arg10[%swap3A_158] {strides = array<i32>} : memref<112xi32, #tpu.memory_space<vmem>>, vector<16xi32>,
    %swap3A_160 = vector.shape_cast %swap3A_159 : vector<16xi32> to vector<16xi32>
    %swap3A_161 = vector.shape_cast %get3A_157 : vector<16xi32> to vector<16xi32>
    tpu.vector_store %arg10[%swap3A_158], %swap3A_161 {strides = array<i32>} : memref<112xi32, #tpu.memory_space<vmem>>, vector<16xi32>,
    %get3A_162 = arith.constant 1 : i32
    %get3A_163 = arith.index_cast %get3A_162 : i32 to index
    %get3A_164 = arith.constant 96 : index
    %get3A_165 = tpu.vector_load %arg8[%get3A_163, %get3A_164] {strides = array<i32>} : memref<8x128xi32, #tpu.memory_space<vmem>>, vector<1x16xi32>,
    %get3A_166 = vector.shape_cast %get3A_165 : vector<1x16xi32> to vector<16xi32>
    %swap3A_167 = arith.constant 96 : index
    %swap3A_168 = tpu.vector_load %arg10[%swap3A_167] {strides = array<i32>} : memref<112xi32, #tpu.memory_space<vmem>>, vector<16xi32>,
    %swap3A_169 = vector.shape_cast %swap3A_168 : vector<16xi32> to vector<16xi32>
    %swap3A_170 = vector.shape_cast %get3A_166 : vector<16xi32> to vector<16xi32>
    tpu.vector_store %arg10[%swap3A_167], %swap3A_170 {strides = array<i32>} : memref<112xi32, #tpu.memory_space<vmem>>, vector<16xi32>,
    %get3A_171 = arith.constant 2 : i32
    %get3A_172 = arith.index_cast %get3A_171 : i32 to index
    %get3A_173 = arith.constant 0 : index
    %get3A_174 = tpu.vector_load %arg8[%get3A_172, %get3A_173] {strides = array<i32>} : memref<8x128xi32, #tpu.memory_space<vmem>>, vector<1x16xi32>,
    %get3A_175 = vector.shape_cast %get3A_174 : vector<1x16xi32> to vector<16xi32>
    %swap3A_176 = arith.constant 0 : index
    %swap3A_177 = tpu.vector_load %arg11[%swap3A_176] {strides = array<i32>} : memref<112xi32, #tpu.memory_space<vmem>>, vector<16xi32>,
    %swap3A_178 = vector.shape_cast %swap3A_177 : vector<16xi32> to vector<16xi32>
    %swap3A_179 = vector.shape_cast %get3A_175 : vector<16xi32> to vector<16xi32>
    tpu.vector_store %arg11[%swap3A_176], %swap3A_179 {strides = array<i32>} : memref<112xi32, #tpu.memory_space<vmem>>, vector<16xi32>,
    %get3A_180 = arith.constant 2 : i32
    %get3A_181 = arith.index_cast %get3A_180 : i32 to index
    %get3A_182 = arith.constant 16 : index
    %get3A_183 = tpu.vector_load %arg8[%get3A_181, %get3A_182] {strides = array<i32>} : memref<8x128xi32, #tpu.memory_space<vmem>>, vector<1x16xi32>,
    %get3A_184 = vector.shape_cast %get3A_183 : vector<1x16xi32> to vector<16xi32>
    %swap3A_185 = arith.constant 16 : index
    %swap3A_186 = tpu.vector_load %arg11[%swap3A_185] {strides = array<i32>} : memref<112xi32, #tpu.memory_space<vmem>>, vector<16xi32>,
    %swap3A_187 = vector.shape_cast %swap3A_186 : vector<16xi32> to vector<16xi32>
    %swap3A_188 = vector.shape_cast %get3A_184 : vector<16xi32> to vector<16xi32>
    tpu.vector_store %arg11[%swap3A_185], %swap3A_188 {strides = array<i32>} : memref<112xi32, #tpu.memory_space<vmem>>, vector<16xi32>,
    %get3A_189 = arith.constant 2 : i32
    %get3A_190 = arith.index_cast %get3A_189 : i32 to index
    %get3A_191 = arith.constant 32 : index
    %get3A_192 = tpu.vector_load %arg8[%get3A_190, %get3A_191] {strides = array<i32>} : memref<8x128xi32, #tpu.memory_space<vmem>>, vector<1x16xi32>,
    %get3A_193 = vector.shape_cast %get3A_192 : vector<1x16xi32> to vector<16xi32>
    %swap3A_194 = arith.constant 32 : index
    %swap3A_195 = tpu.vector_load %arg11[%swap3A_194] {strides = array<i32>} : memref<112xi32, #tpu.memory_space<vmem>>, vector<16xi32>,
    %swap3A_196 = vector.shape_cast %swap3A_195 : vector<16xi32> to vector<16xi32>
    %swap3A_197 = vector.shape_cast %get3A_193 : vector<16xi32> to vector<16xi32>
    tpu.vector_store %arg11[%swap3A_194], %swap3A_197 {strides = array<i32>} : memref<112xi32, #tpu.memory_space<vmem>>, vector<16xi32>,
    %get3A_198 = arith.constant 2 : i32
    %get3A_199 = arith.index_cast %get3A_198 : i32 to index
    %get3A_200 = arith.constant 48 : index
    %get3A_201 = tpu.vector_load %arg8[%get3A_199, %get3A_200] {strides = array<i32>} : memref<8x128xi32, #tpu.memory_space<vmem>>, vector<1x16xi32>,
    %get3A_202 = vector.shape_cast %get3A_201 : vector<1x16xi32> to vector<16xi32>
    %swap3A_203 = arith.constant 48 : index
    %swap3A_204 = tpu.vector_load %arg11[%swap3A_203] {strides = array<i32>} : memref<112xi32, #tpu.memory_space<vmem>>, vector<16xi32>,
    %swap3A_205 = vector.shape_cast %swap3A_204 : vector<16xi32> to vector<16xi32>
    %swap3A_206 = vector.shape_cast %get3A_202 : vector<16xi32> to vector<16xi32>
    tpu.vector_store %arg11[%swap3A_203], %swap3A_206 {strides = array<i32>} : memref<112xi32, #tpu.memory_space<vmem>>, vector<16xi32>,
    %get3A_207 = arith.constant 2 : i32
    %get3A_208 = arith.index_cast %get3A_207 : i32 to index
    %get3A_209 = arith.constant 64 : index
    %get3A_210 = tpu.vector_load %arg8[%get3A_208, %get3A_209] {strides = array<i32>} : memref<8x128xi32, #tpu.memory_space<vmem>>, vector<1x16xi32>,
    %get3A_211 = vector.shape_cast %get3A_210 : vector<1x16xi32> to vector<16xi32>
    %swap3A_212 = arith.constant 64 : index
    %swap3A_213 = tpu.vector_load %arg11[%swap3A_212] {strides = array<i32>} : memref<112xi32, #tpu.memory_space<vmem>>, vector<16xi32>,
    %swap3A_214 = vector.shape_cast %swap3A_213 : vector<16xi32> to vector<16xi32>
    %swap3A_215 = vector.shape_cast %get3A_211 : vector<16xi32> to vector<16xi32>
    tpu.vector_store %arg11[%swap3A_212], %swap3A_215 {strides = array<i32>} : memref<112xi32, #tpu.memory_space<vmem>>, vector<16xi32>,
    %get3A_216 = arith.constant 2 : i32
    %get3A_217 = arith.index_cast %get3A_216 : i32 to index
    %get3A_218 = arith.constant 80 : index
    %get3A_219 = tpu.vector_load %arg8[%get3A_217, %get3A_218] {strides = array<i32>} : memref<8x128xi32, #tpu.memory_space<vmem>>, vector<1x16xi32>,
    %get3A_220 = vector.shape_cast %get3A_219 : vector<1x16xi32> to vector<16xi32>
    %swap3A_221 = arith.constant 80 : index
    %swap3A_222 = tpu.vector_load %arg11[%swap3A_221] {strides = array<i32>} : memref<112xi32, #tpu.memory_space<vmem>>, vector<16xi32>,
    %swap3A_223 = vector.shape_cast %swap3A_222 : vector<16xi32> to vector<16xi32>
    %swap3A_224 = vector.shape_cast %get3A_220 : vector<16xi32> to vector<16xi32>
    tpu.vector_store %arg11[%swap3A_221], %swap3A_224 {strides = array<i32>} : memref<112xi32, #tpu.memory_space<vmem>>, vector<16xi32>,
    %get3A_225 = arith.constant 2 : i32
    %get3A_226 = arith.index_cast %get3A_225 : i32 to index
    %get3A_227 = arith.constant 96 : index
    %get3A_228 = tpu.vector_load %arg8[%get3A_226, %get3A_227] {strides = array<i32>} : memref<8x128xi32, #tpu.memory_space<vmem>>, vector<1x16xi32>,
    %get3A_229 = vector.shape_cast %get3A_228 : vector<1x16xi32> to vector<16xi32>
    %swap3A_230 = arith.constant 96 : index
    %swap3A_231 = tpu.vector_load %arg11[%swap3A_230] {strides = array<i32>} : memref<112xi32, #tpu.memory_space<vmem>>, vector<16xi32>,
    %swap3A_232 = vector.shape_cast %swap3A_231 : vector<16xi32> to vector<16xi32>
    %swap3A_233 = vector.shape_cast %get3A_229 : vector<16xi32> to vector<16xi32>
    tpu.vector_store %arg11[%swap3A_230], %swap3A_233 {strides = array<i32>} : memref<112xi32, #tpu.memory_space<vmem>>, vector<16xi32>,
    %add3A_234 = arith.constant 0 : i32
    %add3A_235 = arith.addi %select_n3A, %add3A_234 : i32
    %lt3A = arith.cmpi slt, %add3A_235, %select_n3A_46 : i32
    %convert_element_type3A = arith.extui %lt3A : i1 to i32
    %cond3A = arith.constant 0 : i32
    %cond3A_236 = arith.cmpi ne, %convert_element_type3A, %cond3A : i32
    scf.if %cond3A_236 {
      %lt3A_267 = arith.constant 78 : i32
      %lt3A_268 = arith.cmpi slt, %add3A_235, %lt3A_267 : i32
      %convert_element_type3A_269 = arith.extui %lt3A_268 : i1 to i32
      %cond3A_270 = arith.constant 0 : i32
      %cond3A_271 = arith.cmpi ne, %convert_element_type3A_269, %cond3A_270 : i32
      scf.if %cond3A_271 {
        %mul3A_276 = arith.constant 128 : i32
        %mul3A_277 = arith.muli %add3A_235, %mul3A_276 : i32
        %multiple_of3A = tpu.assume_multiple %mul3A_277, 128 : i32
        %dma_start3A = arith.constant 0 : i32
        %dma_start3A_278 = tpu.memref_slice %arg9[%dma_start3A] : memref<112xi32, #tpu.memory_space<vmem>> -> memref<100xi32, #tpu.memory_space<vmem>>
        %dma_start3A_279 = arith.constant 0 : i32
        %dma_start3A_280 = tpu.memref_slice %arg3[%dma_start3A_279, %multiple_of3A] : memref<1000x10000xf32, #tpu.memory_space<hbm>> -> memref<1000x128xf32, #tpu.memory_space<hbm>>
        tpu.enqueue_indirect_dma source(%dma_start3A_280 : memref<1000x128xf32, #tpu.memory_space<hbm>>) target(%arg12 : memref<100x128xf32, #tpu.memory_space<vmem>>) offsets(%dma_start3A_278 : memref<100xi32, #tpu.memory_space<vmem>>) semaphore(%arg19 : memref<!tpu.dma_semaphore, #tpu.memory_space<semaphore_mem>>)
        %dma_start3A_281 = arith.constant 0 : i32
        %dma_start3A_282 = tpu.memref_slice %arg10[%dma_start3A_281] : memref<112xi32, #tpu.memory_space<vmem>> -> memref<100xi32, #tpu.memory_space<vmem>>
        %dma_start3A_283 = arith.constant 0 : i32
        %dma_start3A_284 = tpu.memref_slice %arg4[%dma_start3A_283, %multiple_of3A] : memref<1000x10000xf32, #tpu.memory_space<hbm>> -> memref<1000x128xf32, #tpu.memory_space<hbm>>
        tpu.enqueue_indirect_dma source(%dma_start3A_284 : memref<1000x128xf32, #tpu.memory_space<hbm>>) target(%arg13 : memref<100x128xf32, #tpu.memory_space<vmem>>) offsets(%dma_start3A_282 : memref<100xi32, #tpu.memory_space<vmem>>) semaphore(%arg19 : memref<!tpu.dma_semaphore, #tpu.memory_space<semaphore_mem>>)
        %dma_start3A_285 = arith.constant 0 : i32
        %dma_start3A_286 = tpu.memref_slice %arg11[%dma_start3A_285] : memref<112xi32, #tpu.memory_space<vmem>> -> memref<100xi32, #tpu.memory_space<vmem>>
        %dma_start3A_287 = arith.constant 0 : i32
        %dma_start3A_288 = tpu.memref_slice %arg5[%dma_start3A_287, %multiple_of3A] : memref<1000x10000xf32, #tpu.memory_space<hbm>> -> memref<1000x128xf32, #tpu.memory_space<hbm>>
        tpu.enqueue_indirect_dma source(%dma_start3A_288 : memref<1000x128xf32, #tpu.memory_space<hbm>>) target(%arg14 : memref<100x128xf32, #tpu.memory_space<vmem>>) offsets(%dma_start3A_286 : memref<100xi32, #tpu.memory_space<vmem>>) semaphore(%arg19 : memref<!tpu.dma_semaphore, #tpu.memory_space<semaphore_mem>>)
      } else {
      }
      %eq3A = arith.constant 78 : i32
      %eq3A_272 = arith.cmpi eq, %add3A_235, %eq3A : i32
      %convert_element_type3A_273 = arith.extui %eq3A_272 : i1 to i32
      %cond3A_274 = arith.constant 0 : i32
      %cond3A_275 = arith.cmpi ne, %convert_element_type3A_273, %cond3A_274 : i32
      scf.if %cond3A_275 {
        %get3A_276 = arith.constant 0 : index
        %get3A_277 = tpu.vector_load %arg10[%get3A_276] {strides = array<i32>} : memref<112xi32, #tpu.memory_space<vmem>>, vector<16xi32>,
        %get3A_278 = vector.shape_cast %get3A_277 : vector<16xi32> to vector<16xi32>
        %add3A_279 = arith.constant 1000 : i32
        %add3A_280 = vector.broadcast %add3A_279 : i32 to vector<16xi32>
        %add3A_281 = arith.addi %get3A_278, %add3A_280 : vector<16xi32>
        %swap3A_282 = arith.constant 0 : index
        %swap3A_283 = tpu.vector_load %arg10[%swap3A_282] {strides = array<i32>} : memref<112xi32, #tpu.memory_space<vmem>>, vector<16xi32>,
        %swap3A_284 = vector.shape_cast %swap3A_283 : vector<16xi32> to vector<16xi32>
        %swap3A_285 = vector.shape_cast %add3A_281 : vector<16xi32> to vector<16xi32>
        tpu.vector_store %arg10[%swap3A_282], %swap3A_285 {strides = array<i32>} : memref<112xi32, #tpu.memory_space<vmem>>, vector<16xi32>,
        %get3A_286 = arith.constant 16 : index
        %get3A_287 = tpu.vector_load %arg10[%get3A_286] {strides = array<i32>} : memref<112xi32, #tpu.memory_space<vmem>>, vector<16xi32>,
        %get3A_288 = vector.shape_cast %get3A_287 : vector<16xi32> to vector<16xi32>
        %add3A_289 = arith.constant 1000 : i32
        %add3A_290 = vector.broadcast %add3A_289 : i32 to vector<16xi32>
        %add3A_291 = arith.addi %get3A_288, %add3A_290 : vector<16xi32>
        %swap3A_292 = arith.constant 16 : index
        %swap3A_293 = tpu.vector_load %arg10[%swap3A_292] {strides = array<i32>} : memref<112xi32, #tpu.memory_space<vmem>>, vector<16xi32>,
        %swap3A_294 = vector.shape_cast %swap3A_293 : vector<16xi32> to vector<16xi32>
        %swap3A_295 = vector.shape_cast %add3A_291 : vector<16xi32> to vector<16xi32>
        tpu.vector_store %arg10[%swap3A_292], %swap3A_295 {strides = array<i32>} : memref<112xi32, #tpu.memory_space<vmem>>, vector<16xi32>,
        %get3A_296 = arith.constant 32 : index
        %get3A_297 = tpu.vector_load %arg10[%get3A_296] {strides = array<i32>} : memref<112xi32, #tpu.memory_space<vmem>>, vector<16xi32>,
        %get3A_298 = vector.shape_cast %get3A_297 : vector<16xi32> to vector<16xi32>
        %add3A_299 = arith.constant 1000 : i32
        %add3A_300 = vector.broadcast %add3A_299 : i32 to vector<16xi32>
        %add3A_301 = arith.addi %get3A_298, %add3A_300 : vector<16xi32>
        %swap3A_302 = arith.constant 32 : index
        %swap3A_303 = tpu.vector_load %arg10[%swap3A_302] {strides = array<i32>} : memref<112xi32, #tpu.memory_space<vmem>>, vector<16xi32>,
        %swap3A_304 = vector.shape_cast %swap3A_303 : vector<16xi32> to vector<16xi32>
        %swap3A_305 = vector.shape_cast %add3A_301 : vector<16xi32> to vector<16xi32>
        tpu.vector_store %arg10[%swap3A_302], %swap3A_305 {strides = array<i32>} : memref<112xi32, #tpu.memory_space<vmem>>, vector<16xi32>,
        %get3A_306 = arith.constant 48 : index
        %get3A_307 = tpu.vector_load %arg10[%get3A_306] {strides = array<i32>} : memref<112xi32, #tpu.memory_space<vmem>>, vector<16xi32>,
        %get3A_308 = vector.shape_cast %get3A_307 : vector<16xi32> to vector<16xi32>
        %add3A_309 = arith.constant 1000 : i32
        %add3A_310 = vector.broadcast %add3A_309 : i32 to vector<16xi32>
        %add3A_311 = arith.addi %get3A_308, %add3A_310 : vector<16xi32>
        %swap3A_312 = arith.constant 48 : index
        %swap3A_313 = tpu.vector_load %arg10[%swap3A_312] {strides = array<i32>} : memref<112xi32, #tpu.memory_space<vmem>>, vector<16xi32>,
        %swap3A_314 = vector.shape_cast %swap3A_313 : vector<16xi32> to vector<16xi32>
        %swap3A_315 = vector.shape_cast %add3A_311 : vector<16xi32> to vector<16xi32>
        tpu.vector_store %arg10[%swap3A_312], %swap3A_315 {strides = array<i32>} : memref<112xi32, #tpu.memory_space<vmem>>, vector<16xi32>,
        %get3A_316 = arith.constant 64 : index
        %get3A_317 = tpu.vector_load %arg10[%get3A_316] {strides = array<i32>} : memref<112xi32, #tpu.memory_space<vmem>>, vector<16xi32>,
        %get3A_318 = vector.shape_cast %get3A_317 : vector<16xi32> to vector<16xi32>
        %add3A_319 = arith.constant 1000 : i32
        %add3A_320 = vector.broadcast %add3A_319 : i32 to vector<16xi32>
        %add3A_321 = arith.addi %get3A_318, %add3A_320 : vector<16xi32>
        %swap3A_322 = arith.constant 64 : index
        %swap3A_323 = tpu.vector_load %arg10[%swap3A_322] {strides = array<i32>} : memref<112xi32, #tpu.memory_space<vmem>>, vector<16xi32>,
        %swap3A_324 = vector.shape_cast %swap3A_323 : vector<16xi32> to vector<16xi32>
        %swap3A_325 = vector.shape_cast %add3A_321 : vector<16xi32> to vector<16xi32>
        tpu.vector_store %arg10[%swap3A_322], %swap3A_325 {strides = array<i32>} : memref<112xi32, #tpu.memory_space<vmem>>, vector<16xi32>,
        %get3A_326 = arith.constant 80 : index
        %get3A_327 = tpu.vector_load %arg10[%get3A_326] {strides = array<i32>} : memref<112xi32, #tpu.memory_space<vmem>>, vector<16xi32>,
        %get3A_328 = vector.shape_cast %get3A_327 : vector<16xi32> to vector<16xi32>
        %add3A_329 = arith.constant 1000 : i32
        %add3A_330 = vector.broadcast %add3A_329 : i32 to vector<16xi32>
        %add3A_331 = arith.addi %get3A_328, %add3A_330 : vector<16xi32>
        %swap3A_332 = arith.constant 80 : index
        %swap3A_333 = tpu.vector_load %arg10[%swap3A_332] {strides = array<i32>} : memref<112xi32, #tpu.memory_space<vmem>>, vector<16xi32>,
        %swap3A_334 = vector.shape_cast %swap3A_333 : vector<16xi32> to vector<16xi32>
        %swap3A_335 = vector.shape_cast %add3A_331 : vector<16xi32> to vector<16xi32>
        tpu.vector_store %arg10[%swap3A_332], %swap3A_335 {strides = array<i32>} : memref<112xi32, #tpu.memory_space<vmem>>, vector<16xi32>,
        %get3A_336 = arith.constant 96 : index
        %get3A_337 = tpu.vector_load %arg10[%get3A_336] {strides = array<i32>} : memref<112xi32, #tpu.memory_space<vmem>>, vector<16xi32>,
        %get3A_338 = vector.shape_cast %get3A_337 : vector<16xi32> to vector<16xi32>
        %add3A_339 = arith.constant 1000 : i32
        %add3A_340 = vector.broadcast %add3A_339 : i32 to vector<16xi32>
        %add3A_341 = arith.addi %get3A_338, %add3A_340 : vector<16xi32>
        %swap3A_342 = arith.constant 96 : index
        %swap3A_343 = tpu.vector_load %arg10[%swap3A_342] {strides = array<i32>} : memref<112xi32, #tpu.memory_space<vmem>>, vector<16xi32>,
        %swap3A_344 = vector.shape_cast %swap3A_343 : vector<16xi32> to vector<16xi32>
        %swap3A_345 = vector.shape_cast %add3A_341 : vector<16xi32> to vector<16xi32>
        tpu.vector_store %arg10[%swap3A_342], %swap3A_345 {strides = array<i32>} : memref<112xi32, #tpu.memory_space<vmem>>, vector<16xi32>,
        %get3A_346 = arith.constant 0 : index
        %get3A_347 = tpu.vector_load %arg11[%get3A_346] {strides = array<i32>} : memref<112xi32, #tpu.memory_space<vmem>>, vector<16xi32>,
        %get3A_348 = vector.shape_cast %get3A_347 : vector<16xi32> to vector<16xi32>
        %add3A_349 = arith.constant 2000 : i32
        %add3A_350 = vector.broadcast %add3A_349 : i32 to vector<16xi32>
        %add3A_351 = arith.addi %get3A_348, %add3A_350 : vector<16xi32>
        %swap3A_352 = arith.constant 0 : index
        %swap3A_353 = tpu.vector_load %arg11[%swap3A_352] {strides = array<i32>} : memref<112xi32, #tpu.memory_space<vmem>>, vector<16xi32>,
        %swap3A_354 = vector.shape_cast %swap3A_353 : vector<16xi32> to vector<16xi32>
        %swap3A_355 = vector.shape_cast %add3A_351 : vector<16xi32> to vector<16xi32>
        tpu.vector_store %arg11[%swap3A_352], %swap3A_355 {strides = array<i32>} : memref<112xi32, #tpu.memory_space<vmem>>, vector<16xi32>,
        %get3A_356 = arith.constant 16 : index
        %get3A_357 = tpu.vector_load %arg11[%get3A_356] {strides = array<i32>} : memref<112xi32, #tpu.memory_space<vmem>>, vector<16xi32>,
        %get3A_358 = vector.shape_cast %get3A_357 : vector<16xi32> to vector<16xi32>
        %add3A_359 = arith.constant 2000 : i32
        %add3A_360 = vector.broadcast %add3A_359 : i32 to vector<16xi32>
        %add3A_361 = arith.addi %get3A_358, %add3A_360 : vector<16xi32>
        %swap3A_362 = arith.constant 16 : index
        %swap3A_363 = tpu.vector_load %arg11[%swap3A_362] {strides = array<i32>} : memref<112xi32, #tpu.memory_space<vmem>>, vector<16xi32>,
        %swap3A_364 = vector.shape_cast %swap3A_363 : vector<16xi32> to vector<16xi32>
        %swap3A_365 = vector.shape_cast %add3A_361 : vector<16xi32> to vector<16xi32>
        tpu.vector_store %arg11[%swap3A_362], %swap3A_365 {strides = array<i32>} : memref<112xi32, #tpu.memory_space<vmem>>, vector<16xi32>,
        %get3A_366 = arith.constant 32 : index
        %get3A_367 = tpu.vector_load %arg11[%get3A_366] {strides = array<i32>} : memref<112xi32, #tpu.memory_space<vmem>>, vector<16xi32>,
        %get3A_368 = vector.shape_cast %get3A_367 : vector<16xi32> to vector<16xi32>
        %add3A_369 = arith.constant 2000 : i32
        %add3A_370 = vector.broadcast %add3A_369 : i32 to vector<16xi32>
        %add3A_371 = arith.addi %get3A_368, %add3A_370 : vector<16xi32>
        %swap3A_372 = arith.constant 32 : index
        %swap3A_373 = tpu.vector_load %arg11[%swap3A_372] {strides = array<i32>} : memref<112xi32, #tpu.memory_space<vmem>>, vector<16xi32>,
        %swap3A_374 = vector.shape_cast %swap3A_373 : vector<16xi32> to vector<16xi32>
        %swap3A_375 = vector.shape_cast %add3A_371 : vector<16xi32> to vector<16xi32>
        tpu.vector_store %arg11[%swap3A_372], %swap3A_375 {strides = array<i32>} : memref<112xi32, #tpu.memory_space<vmem>>, vector<16xi32>,
        %get3A_376 = arith.constant 48 : index
        %get3A_377 = tpu.vector_load %arg11[%get3A_376] {strides = array<i32>} : memref<112xi32, #tpu.memory_space<vmem>>, vector<16xi32>,
        %get3A_378 = vector.shape_cast %get3A_377 : vector<16xi32> to vector<16xi32>
        %add3A_379 = arith.constant 2000 : i32
        %add3A_380 = vector.broadcast %add3A_379 : i32 to vector<16xi32>
        %add3A_381 = arith.addi %get3A_378, %add3A_380 : vector<16xi32>
        %swap3A_382 = arith.constant 48 : index
        %swap3A_383 = tpu.vector_load %arg11[%swap3A_382] {strides = array<i32>} : memref<112xi32, #tpu.memory_space<vmem>>, vector<16xi32>,
        %swap3A_384 = vector.shape_cast %swap3A_383 : vector<16xi32> to vector<16xi32>
        %swap3A_385 = vector.shape_cast %add3A_381 : vector<16xi32> to vector<16xi32>
        tpu.vector_store %arg11[%swap3A_382], %swap3A_385 {strides = array<i32>} : memref<112xi32, #tpu.memory_space<vmem>>, vector<16xi32>,
        %get3A_386 = arith.constant 64 : index
        %get3A_387 = tpu.vector_load %arg11[%get3A_386] {strides = array<i32>} : memref<112xi32, #tpu.memory_space<vmem>>, vector<16xi32>,
        %get3A_388 = vector.shape_cast %get3A_387 : vector<16xi32> to vector<16xi32>
        %add3A_389 = arith.constant 2000 : i32
        %add3A_390 = vector.broadcast %add3A_389 : i32 to vector<16xi32>
        %add3A_391 = arith.addi %get3A_388, %add3A_390 : vector<16xi32>
        %swap3A_392 = arith.constant 64 : index
        %swap3A_393 = tpu.vector_load %arg11[%swap3A_392] {strides = array<i32>} : memref<112xi32, #tpu.memory_space<vmem>>, vector<16xi32>,
        %swap3A_394 = vector.shape_cast %swap3A_393 : vector<16xi32> to vector<16xi32>
        %swap3A_395 = vector.shape_cast %add3A_391 : vector<16xi32> to vector<16xi32>
        tpu.vector_store %arg11[%swap3A_392], %swap3A_395 {strides = array<i32>} : memref<112xi32, #tpu.memory_space<vmem>>, vector<16xi32>,
        %get3A_396 = arith.constant 80 : index
        %get3A_397 = tpu.vector_load %arg11[%get3A_396] {strides = array<i32>} : memref<112xi32, #tpu.memory_space<vmem>>, vector<16xi32>,
        %get3A_398 = vector.shape_cast %get3A_397 : vector<16xi32> to vector<16xi32>
        %add3A_399 = arith.constant 2000 : i32
        %add3A_400 = vector.broadcast %add3A_399 : i32 to vector<16xi32>
        %add3A_401 = arith.addi %get3A_398, %add3A_400 : vector<16xi32>
        %swap3A_402 = arith.constant 80 : index
        %swap3A_403 = tpu.vector_load %arg11[%swap3A_402] {strides = array<i32>} : memref<112xi32, #tpu.memory_space<vmem>>, vector<16xi32>,
        %swap3A_404 = vector.shape_cast %swap3A_403 : vector<16xi32> to vector<16xi32>
        %swap3A_405 = vector.shape_cast %add3A_401 : vector<16xi32> to vector<16xi32>
        tpu.vector_store %arg11[%swap3A_402], %swap3A_405 {strides = array<i32>} : memref<112xi32, #tpu.memory_space<vmem>>, vector<16xi32>,
        %get3A_406 = arith.constant 96 : index
        %get3A_407 = tpu.vector_load %arg11[%get3A_406] {strides = array<i32>} : memref<112xi32, #tpu.memory_space<vmem>>, vector<16xi32>,
        %get3A_408 = vector.shape_cast %get3A_407 : vector<16xi32> to vector<16xi32>
        %add3A_409 = arith.constant 2000 : i32
        %add3A_410 = vector.broadcast %add3A_409 : i32 to vector<16xi32>
        %add3A_411 = arith.addi %get3A_408, %add3A_410 : vector<16xi32>
        %swap3A_412 = arith.constant 96 : index
        %swap3A_413 = tpu.vector_load %arg11[%swap3A_412] {strides = array<i32>} : memref<112xi32, #tpu.memory_space<vmem>>, vector<16xi32>,
        %swap3A_414 = vector.shape_cast %swap3A_413 : vector<16xi32> to vector<16xi32>
        %swap3A_415 = vector.shape_cast %add3A_411 : vector<16xi32> to vector<16xi32>
        tpu.vector_store %arg11[%swap3A_412], %swap3A_415 {strides = array<i32>} : memref<112xi32, #tpu.memory_space<vmem>>, vector<16xi32>,
        %dma_start3A = arith.constant 0 : i32
        %dma_start3A_416 = tpu.memref_slice %arg9[%dma_start3A] : memref<112xi32, #tpu.memory_space<vmem>> -> memref<100xi32, #tpu.memory_space<vmem>>
        %dma_start3A_417 = arith.constant 0 : i32
        %dma_start3A_418 = arith.constant 0 : i32
        %dma_start3A_419 = tpu.memref_slice %arg6[%dma_start3A_417, %dma_start3A_418] : memref<3000x128xf32, #tpu.memory_space<hbm>> -> memref<3000x128xf32, #tpu.memory_space<hbm>>
        tpu.enqueue_indirect_dma source(%dma_start3A_419 : memref<3000x128xf32, #tpu.memory_space<hbm>>) target(%arg12 : memref<100x128xf32, #tpu.memory_space<vmem>>) offsets(%dma_start3A_416 : memref<100xi32, #tpu.memory_space<vmem>>) semaphore(%arg19 : memref<!tpu.dma_semaphore, #tpu.memory_space<semaphore_mem>>)
        %dma_start3A_420 = arith.constant 0 : i32
        %dma_start3A_421 = tpu.memref_slice %arg10[%dma_start3A_420] : memref<112xi32, #tpu.memory_space<vmem>> -> memref<100xi32, #tpu.memory_space<vmem>>
        %dma_start3A_422 = arith.constant 0 : i32
        %dma_start3A_423 = arith.constant 0 : i32
        %dma_start3A_424 = tpu.memref_slice %arg6[%dma_start3A_422, %dma_start3A_423] : memref<3000x128xf32, #tpu.memory_space<hbm>> -> memref<3000x128xf32, #tpu.memory_space<hbm>>
        tpu.enqueue_indirect_dma source(%dma_start3A_424 : memref<3000x128xf32, #tpu.memory_space<hbm>>) target(%arg13 : memref<100x128xf32, #tpu.memory_space<vmem>>) offsets(%dma_start3A_421 : memref<100xi32, #tpu.memory_space<vmem>>) semaphore(%arg19 : memref<!tpu.dma_semaphore, #tpu.memory_space<semaphore_mem>>)
        %dma_start3A_425 = arith.constant 0 : i32
        %dma_start3A_426 = tpu.memref_slice %arg11[%dma_start3A_425] : memref<112xi32, #tpu.memory_space<vmem>> -> memref<100xi32, #tpu.memory_space<vmem>>
        %dma_start3A_427 = arith.constant 0 : i32
        %dma_start3A_428 = arith.constant 0 : i32
        %dma_start3A_429 = tpu.memref_slice %arg6[%dma_start3A_427, %dma_start3A_428] : memref<3000x128xf32, #tpu.memory_space<hbm>> -> memref<3000x128xf32, #tpu.memory_space<hbm>>
        tpu.enqueue_indirect_dma source(%dma_start3A_429 : memref<3000x128xf32, #tpu.memory_space<hbm>>) target(%arg14 : memref<100x128xf32, #tpu.memory_space<vmem>>) offsets(%dma_start3A_426 : memref<100xi32, #tpu.memory_space<vmem>>) semaphore(%arg19 : memref<!tpu.dma_semaphore, #tpu.memory_space<semaphore_mem>>)
      } else {
      }
    } else {
    }
    %add3A_237 = arith.constant 1 : i32
    %add3A_238 = arith.addi %select_n3A, %add3A_237 : i32
    %lt3A_239 = arith.cmpi slt, %add3A_238, %select_n3A_46 : i32
    %convert_element_type3A_240 = arith.extui %lt3A_239 : i1 to i32
    %cond3A_241 = arith.constant 0 : i32
    %cond3A_242 = arith.cmpi ne, %convert_element_type3A_240, %cond3A_241 : i32
    scf.if %cond3A_242 {
      %lt3A_267 = arith.constant 78 : i32
      %lt3A_268 = arith.cmpi slt, %add3A_238, %lt3A_267 : i32
      %convert_element_type3A_269 = arith.extui %lt3A_268 : i1 to i32
      %cond3A_270 = arith.constant 0 : i32
      %cond3A_271 = arith.cmpi ne, %convert_element_type3A_269, %cond3A_270 : i32
      scf.if %cond3A_271 {
        %mul3A_276 = arith.constant 128 : i32
        %mul3A_277 = arith.muli %add3A_238, %mul3A_276 : i32
        %multiple_of3A = tpu.assume_multiple %mul3A_277, 128 : i32
        %dma_start3A = arith.constant 0 : i32
        %dma_start3A_278 = tpu.memref_slice %arg9[%dma_start3A] : memref<112xi32, #tpu.memory_space<vmem>> -> memref<100xi32, #tpu.memory_space<vmem>>
        %dma_start3A_279 = arith.constant 0 : i32
        %dma_start3A_280 = tpu.memref_slice %arg3[%dma_start3A_279, %multiple_of3A] : memref<1000x10000xf32, #tpu.memory_space<hbm>> -> memref<1000x128xf32, #tpu.memory_space<hbm>>
        tpu.enqueue_indirect_dma source(%dma_start3A_280 : memref<1000x128xf32, #tpu.memory_space<hbm>>) target(%arg15 : memref<100x128xf32, #tpu.memory_space<vmem>>) offsets(%dma_start3A_278 : memref<100xi32, #tpu.memory_space<vmem>>) semaphore(%arg20 : memref<!tpu.dma_semaphore, #tpu.memory_space<semaphore_mem>>)
        %dma_start3A_281 = arith.constant 0 : i32
        %dma_start3A_282 = tpu.memref_slice %arg10[%dma_start3A_281] : memref<112xi32, #tpu.memory_space<vmem>> -> memref<100xi32, #tpu.memory_space<vmem>>
        %dma_start3A_283 = arith.constant 0 : i32
        %dma_start3A_284 = tpu.memref_slice %arg4[%dma_start3A_283, %multiple_of3A] : memref<1000x10000xf32, #tpu.memory_space<hbm>> -> memref<1000x128xf32, #tpu.memory_space<hbm>>
        tpu.enqueue_indirect_dma source(%dma_start3A_284 : memref<1000x128xf32, #tpu.memory_space<hbm>>) target(%arg16 : memref<100x128xf32, #tpu.memory_space<vmem>>) offsets(%dma_start3A_282 : memref<100xi32, #tpu.memory_space<vmem>>) semaphore(%arg20 : memref<!tpu.dma_semaphore, #tpu.memory_space<semaphore_mem>>)
        %dma_start3A_285 = arith.constant 0 : i32
        %dma_start3A_286 = tpu.memref_slice %arg11[%dma_start3A_285] : memref<112xi32, #tpu.memory_space<vmem>> -> memref<100xi32, #tpu.memory_space<vmem>>
        %dma_start3A_287 = arith.constant 0 : i32
        %dma_start3A_288 = tpu.memref_slice %arg5[%dma_start3A_287, %multiple_of3A] : memref<1000x10000xf32, #tpu.memory_space<hbm>> -> memref<1000x128xf32, #tpu.memory_space<hbm>>
        tpu.enqueue_indirect_dma source(%dma_start3A_288 : memref<1000x128xf32, #tpu.memory_space<hbm>>) target(%arg17 : memref<100x128xf32, #tpu.memory_space<vmem>>) offsets(%dma_start3A_286 : memref<100xi32, #tpu.memory_space<vmem>>) semaphore(%arg20 : memref<!tpu.dma_semaphore, #tpu.memory_space<semaphore_mem>>)
      } else {
      }
      %eq3A = arith.constant 78 : i32
      %eq3A_272 = arith.cmpi eq, %add3A_238, %eq3A : i32
      %convert_element_type3A_273 = arith.extui %eq3A_272 : i1 to i32
      %cond3A_274 = arith.constant 0 : i32
      %cond3A_275 = arith.cmpi ne, %convert_element_type3A_273, %cond3A_274 : i32
      scf.if %cond3A_275 {
        %get3A_276 = arith.constant 0 : index
        %get3A_277 = tpu.vector_load %arg10[%get3A_276] {strides = array<i32>} : memref<112xi32, #tpu.memory_space<vmem>>, vector<16xi32>,
        %get3A_278 = vector.shape_cast %get3A_277 : vector<16xi32> to vector<16xi32>
        %add3A_279 = arith.constant 1000 : i32
        %add3A_280 = vector.broadcast %add3A_279 : i32 to vector<16xi32>
        %add3A_281 = arith.addi %get3A_278, %add3A_280 : vector<16xi32>
        %swap3A_282 = arith.constant 0 : index
        %swap3A_283 = tpu.vector_load %arg10[%swap3A_282] {strides = array<i32>} : memref<112xi32, #tpu.memory_space<vmem>>, vector<16xi32>,
        %swap3A_284 = vector.shape_cast %swap3A_283 : vector<16xi32> to vector<16xi32>
        %swap3A_285 = vector.shape_cast %add3A_281 : vector<16xi32> to vector<16xi32>
        tpu.vector_store %arg10[%swap3A_282], %swap3A_285 {strides = array<i32>} : memref<112xi32, #tpu.memory_space<vmem>>, vector<16xi32>,
        %get3A_286 = arith.constant 16 : index
        %get3A_287 = tpu.vector_load %arg10[%get3A_286] {strides = array<i32>} : memref<112xi32, #tpu.memory_space<vmem>>, vector<16xi32>,
        %get3A_288 = vector.shape_cast %get3A_287 : vector<16xi32> to vector<16xi32>
        %add3A_289 = arith.constant 1000 : i32
        %add3A_290 = vector.broadcast %add3A_289 : i32 to vector<16xi32>
        %add3A_291 = arith.addi %get3A_288, %add3A_290 : vector<16xi32>
        %swap3A_292 = arith.constant 16 : index
        %swap3A_293 = tpu.vector_load %arg10[%swap3A_292] {strides = array<i32>} : memref<112xi32, #tpu.memory_space<vmem>>, vector<16xi32>,
        %swap3A_294 = vector.shape_cast %swap3A_293 : vector<16xi32> to vector<16xi32>
        %swap3A_295 = vector.shape_cast %add3A_291 : vector<16xi32> to vector<16xi32>
        tpu.vector_store %arg10[%swap3A_292], %swap3A_295 {strides = array<i32>} : memref<112xi32, #tpu.memory_space<vmem>>, vector<16xi32>,
        %get3A_296 = arith.constant 32 : index
        %get3A_297 = tpu.vector_load %arg10[%get3A_296] {strides = array<i32>} : memref<112xi32, #tpu.memory_space<vmem>>, vector<16xi32>,
        %get3A_298 = vector.shape_cast %get3A_297 : vector<16xi32> to vector<16xi32>
        %add3A_299 = arith.constant 1000 : i32
        %add3A_300 = vector.broadcast %add3A_299 : i32 to vector<16xi32>
        %add3A_301 = arith.addi %get3A_298, %add3A_300 : vector<16xi32>
        %swap3A_302 = arith.constant 32 : index
        %swap3A_303 = tpu.vector_load %arg10[%swap3A_302] {strides = array<i32>} : memref<112xi32, #tpu.memory_space<vmem>>, vector<16xi32>,
        %swap3A_304 = vector.shape_cast %swap3A_303 : vector<16xi32> to vector<16xi32>
        %swap3A_305 = vector.shape_cast %add3A_301 : vector<16xi32> to vector<16xi32>
        tpu.vector_store %arg10[%swap3A_302], %swap3A_305 {strides = array<i32>} : memref<112xi32, #tpu.memory_space<vmem>>, vector<16xi32>,
        %get3A_306 = arith.constant 48 : index
        %get3A_307 = tpu.vector_load %arg10[%get3A_306] {strides = array<i32>} : memref<112xi32, #tpu.memory_space<vmem>>, vector<16xi32>,
        %get3A_308 = vector.shape_cast %get3A_307 : vector<16xi32> to vector<16xi32>
        %add3A_309 = arith.constant 1000 : i32
        %add3A_310 = vector.broadcast %add3A_309 : i32 to vector<16xi32>
        %add3A_311 = arith.addi %get3A_308, %add3A_310 : vector<16xi32>
        %swap3A_312 = arith.constant 48 : index
        %swap3A_313 = tpu.vector_load %arg10[%swap3A_312] {strides = array<i32>} : memref<112xi32, #tpu.memory_space<vmem>>, vector<16xi32>,
        %swap3A_314 = vector.shape_cast %swap3A_313 : vector<16xi32> to vector<16xi32>
        %swap3A_315 = vector.shape_cast %add3A_311 : vector<16xi32> to vector<16xi32>
        tpu.vector_store %arg10[%swap3A_312], %swap3A_315 {strides = array<i32>} : memref<112xi32, #tpu.memory_space<vmem>>, vector<16xi32>,
        %get3A_316 = arith.constant 64 : index
        %get3A_317 = tpu.vector_load %arg10[%get3A_316] {strides = array<i32>} : memref<112xi32, #tpu.memory_space<vmem>>, vector<16xi32>,
        %get3A_318 = vector.shape_cast %get3A_317 : vector<16xi32> to vector<16xi32>
        %add3A_319 = arith.constant 1000 : i32
        %add3A_320 = vector.broadcast %add3A_319 : i32 to vector<16xi32>
        %add3A_321 = arith.addi %get3A_318, %add3A_320 : vector<16xi32>
        %swap3A_322 = arith.constant 64 : index
        %swap3A_323 = tpu.vector_load %arg10[%swap3A_322] {strides = array<i32>} : memref<112xi32, #tpu.memory_space<vmem>>, vector<16xi32>,
        %swap3A_324 = vector.shape_cast %swap3A_323 : vector<16xi32> to vector<16xi32>
        %swap3A_325 = vector.shape_cast %add3A_321 : vector<16xi32> to vector<16xi32>
        tpu.vector_store %arg10[%swap3A_322], %swap3A_325 {strides = array<i32>} : memref<112xi32, #tpu.memory_space<vmem>>, vector<16xi32>,
        %get3A_326 = arith.constant 80 : index
        %get3A_327 = tpu.vector_load %arg10[%get3A_326] {strides = array<i32>} : memref<112xi32, #tpu.memory_space<vmem>>, vector<16xi32>,
        %get3A_328 = vector.shape_cast %get3A_327 : vector<16xi32> to vector<16xi32>
        %add3A_329 = arith.constant 1000 : i32
        %add3A_330 = vector.broadcast %add3A_329 : i32 to vector<16xi32>
        %add3A_331 = arith.addi %get3A_328, %add3A_330 : vector<16xi32>
        %swap3A_332 = arith.constant 80 : index
        %swap3A_333 = tpu.vector_load %arg10[%swap3A_332] {strides = array<i32>} : memref<112xi32, #tpu.memory_space<vmem>>, vector<16xi32>,
        %swap3A_334 = vector.shape_cast %swap3A_333 : vector<16xi32> to vector<16xi32>
        %swap3A_335 = vector.shape_cast %add3A_331 : vector<16xi32> to vector<16xi32>
        tpu.vector_store %arg10[%swap3A_332], %swap3A_335 {strides = array<i32>} : memref<112xi32, #tpu.memory_space<vmem>>, vector<16xi32>,
        %get3A_336 = arith.constant 96 : index
        %get3A_337 = tpu.vector_load %arg10[%get3A_336] {strides = array<i32>} : memref<112xi32, #tpu.memory_space<vmem>>, vector<16xi32>,
        %get3A_338 = vector.shape_cast %get3A_337 : vector<16xi32> to vector<16xi32>
        %add3A_339 = arith.constant 1000 : i32
        %add3A_340 = vector.broadcast %add3A_339 : i32 to vector<16xi32>
        %add3A_341 = arith.addi %get3A_338, %add3A_340 : vector<16xi32>
        %swap3A_342 = arith.constant 96 : index
        %swap3A_343 = tpu.vector_load %arg10[%swap3A_342] {strides = array<i32>} : memref<112xi32, #tpu.memory_space<vmem>>, vector<16xi32>,
        %swap3A_344 = vector.shape_cast %swap3A_343 : vector<16xi32> to vector<16xi32>
        %swap3A_345 = vector.shape_cast %add3A_341 : vector<16xi32> to vector<16xi32>
        tpu.vector_store %arg10[%swap3A_342], %swap3A_345 {strides = array<i32>} : memref<112xi32, #tpu.memory_space<vmem>>, vector<16xi32>,
        %get3A_346 = arith.constant 0 : index
        %get3A_347 = tpu.vector_load %arg11[%get3A_346] {strides = array<i32>} : memref<112xi32, #tpu.memory_space<vmem>>, vector<16xi32>,
        %get3A_348 = vector.shape_cast %get3A_347 : vector<16xi32> to vector<16xi32>
        %add3A_349 = arith.constant 2000 : i32
        %add3A_350 = vector.broadcast %add3A_349 : i32 to vector<16xi32>
        %add3A_351 = arith.addi %get3A_348, %add3A_350 : vector<16xi32>
        %swap3A_352 = arith.constant 0 : index
        %swap3A_353 = tpu.vector_load %arg11[%swap3A_352] {strides = array<i32>} : memref<112xi32, #tpu.memory_space<vmem>>, vector<16xi32>,
        %swap3A_354 = vector.shape_cast %swap3A_353 : vector<16xi32> to vector<16xi32>
        %swap3A_355 = vector.shape_cast %add3A_351 : vector<16xi32> to vector<16xi32>
        tpu.vector_store %arg11[%swap3A_352], %swap3A_355 {strides = array<i32>} : memref<112xi32, #tpu.memory_space<vmem>>, vector<16xi32>,
        %get3A_356 = arith.constant 16 : index
        %get3A_357 = tpu.vector_load %arg11[%get3A_356] {strides = array<i32>} : memref<112xi32, #tpu.memory_space<vmem>>, vector<16xi32>,
        %get3A_358 = vector.shape_cast %get3A_357 : vector<16xi32> to vector<16xi32>
        %add3A_359 = arith.constant 2000 : i32
        %add3A_360 = vector.broadcast %add3A_359 : i32 to vector<16xi32>
        %add3A_361 = arith.addi %get3A_358, %add3A_360 : vector<16xi32>
        %swap3A_362 = arith.constant 16 : index
        %swap3A_363 = tpu.vector_load %arg11[%swap3A_362] {strides = array<i32>} : memref<112xi32, #tpu.memory_space<vmem>>, vector<16xi32>,
        %swap3A_364 = vector.shape_cast %swap3A_363 : vector<16xi32> to vector<16xi32>
        %swap3A_365 = vector.shape_cast %add3A_361 : vector<16xi32> to vector<16xi32>
        tpu.vector_store %arg11[%swap3A_362], %swap3A_365 {strides = array<i32>} : memref<112xi32, #tpu.memory_space<vmem>>, vector<16xi32>,
        %get3A_366 = arith.constant 32 : index
        %get3A_367 = tpu.vector_load %arg11[%get3A_366] {strides = array<i32>} : memref<112xi32, #tpu.memory_space<vmem>>, vector<16xi32>,
        %get3A_368 = vector.shape_cast %get3A_367 : vector<16xi32> to vector<16xi32>
        %add3A_369 = arith.constant 2000 : i32
        %add3A_370 = vector.broadcast %add3A_369 : i32 to vector<16xi32>
        %add3A_371 = arith.addi %get3A_368, %add3A_370 : vector<16xi32>
        %swap3A_372 = arith.constant 32 : index
        %swap3A_373 = tpu.vector_load %arg11[%swap3A_372] {strides = array<i32>} : memref<112xi32, #tpu.memory_space<vmem>>, vector<16xi32>,
        %swap3A_374 = vector.shape_cast %swap3A_373 : vector<16xi32> to vector<16xi32>
        %swap3A_375 = vector.shape_cast %add3A_371 : vector<16xi32> to vector<16xi32>
        tpu.vector_store %arg11[%swap3A_372], %swap3A_375 {strides = array<i32>} : memref<112xi32, #tpu.memory_space<vmem>>, vector<16xi32>,
        %get3A_376 = arith.constant 48 : index
        %get3A_377 = tpu.vector_load %arg11[%get3A_376] {strides = array<i32>} : memref<112xi32, #tpu.memory_space<vmem>>, vector<16xi32>,
        %get3A_378 = vector.shape_cast %get3A_377 : vector<16xi32> to vector<16xi32>
        %add3A_379 = arith.constant 2000 : i32
        %add3A_380 = vector.broadcast %add3A_379 : i32 to vector<16xi32>
        %add3A_381 = arith.addi %get3A_378, %add3A_380 : vector<16xi32>
        %swap3A_382 = arith.constant 48 : index
        %swap3A_383 = tpu.vector_load %arg11[%swap3A_382] {strides = array<i32>} : memref<112xi32, #tpu.memory_space<vmem>>, vector<16xi32>,
        %swap3A_384 = vector.shape_cast %swap3A_383 : vector<16xi32> to vector<16xi32>
        %swap3A_385 = vector.shape_cast %add3A_381 : vector<16xi32> to vector<16xi32>
        tpu.vector_store %arg11[%swap3A_382], %swap3A_385 {strides = array<i32>} : memref<112xi32, #tpu.memory_space<vmem>>, vector<16xi32>,
        %get3A_386 = arith.constant 64 : index
        %get3A_387 = tpu.vector_load %arg11[%get3A_386] {strides = array<i32>} : memref<112xi32, #tpu.memory_space<vmem>>, vector<16xi32>,
        %get3A_388 = vector.shape_cast %get3A_387 : vector<16xi32> to vector<16xi32>
        %add3A_389 = arith.constant 2000 : i32
        %add3A_390 = vector.broadcast %add3A_389 : i32 to vector<16xi32>
        %add3A_391 = arith.addi %get3A_388, %add3A_390 : vector<16xi32>
        %swap3A_392 = arith.constant 64 : index
        %swap3A_393 = tpu.vector_load %arg11[%swap3A_392] {strides = array<i32>} : memref<112xi32, #tpu.memory_space<vmem>>, vector<16xi32>,
        %swap3A_394 = vector.shape_cast %swap3A_393 : vector<16xi32> to vector<16xi32>
        %swap3A_395 = vector.shape_cast %add3A_391 : vector<16xi32> to vector<16xi32>
        tpu.vector_store %arg11[%swap3A_392], %swap3A_395 {strides = array<i32>} : memref<112xi32, #tpu.memory_space<vmem>>, vector<16xi32>,
        %get3A_396 = arith.constant 80 : index
        %get3A_397 = tpu.vector_load %arg11[%get3A_396] {strides = array<i32>} : memref<112xi32, #tpu.memory_space<vmem>>, vector<16xi32>,
        %get3A_398 = vector.shape_cast %get3A_397 : vector<16xi32> to vector<16xi32>
        %add3A_399 = arith.constant 2000 : i32
        %add3A_400 = vector.broadcast %add3A_399 : i32 to vector<16xi32>
        %add3A_401 = arith.addi %get3A_398, %add3A_400 : vector<16xi32>
        %swap3A_402 = arith.constant 80 : index
        %swap3A_403 = tpu.vector_load %arg11[%swap3A_402] {strides = array<i32>} : memref<112xi32, #tpu.memory_space<vmem>>, vector<16xi32>,
        %swap3A_404 = vector.shape_cast %swap3A_403 : vector<16xi32> to vector<16xi32>
        %swap3A_405 = vector.shape_cast %add3A_401 : vector<16xi32> to vector<16xi32>
        tpu.vector_store %arg11[%swap3A_402], %swap3A_405 {strides = array<i32>} : memref<112xi32, #tpu.memory_space<vmem>>, vector<16xi32>,
        %get3A_406 = arith.constant 96 : index
        %get3A_407 = tpu.vector_load %arg11[%get3A_406] {strides = array<i32>} : memref<112xi32, #tpu.memory_space<vmem>>, vector<16xi32>,
        %get3A_408 = vector.shape_cast %get3A_407 : vector<16xi32> to vector<16xi32>
        %add3A_409 = arith.constant 2000 : i32
        %add3A_410 = vector.broadcast %add3A_409 : i32 to vector<16xi32>
        %add3A_411 = arith.addi %get3A_408, %add3A_410 : vector<16xi32>
        %swap3A_412 = arith.constant 96 : index
        %swap3A_413 = tpu.vector_load %arg11[%swap3A_412] {strides = array<i32>} : memref<112xi32, #tpu.memory_space<vmem>>, vector<16xi32>,
        %swap3A_414 = vector.shape_cast %swap3A_413 : vector<16xi32> to vector<16xi32>
        %swap3A_415 = vector.shape_cast %add3A_411 : vector<16xi32> to vector<16xi32>
        tpu.vector_store %arg11[%swap3A_412], %swap3A_415 {strides = array<i32>} : memref<112xi32, #tpu.memory_space<vmem>>, vector<16xi32>,
        %dma_start3A = arith.constant 0 : i32
        %dma_start3A_416 = tpu.memref_slice %arg9[%dma_start3A] : memref<112xi32, #tpu.memory_space<vmem>> -> memref<100xi32, #tpu.memory_space<vmem>>
        %dma_start3A_417 = arith.constant 0 : i32
        %dma_start3A_418 = arith.constant 0 : i32
        %dma_start3A_419 = tpu.memref_slice %arg6[%dma_start3A_417, %dma_start3A_418] : memref<3000x128xf32, #tpu.memory_space<hbm>> -> memref<3000x128xf32, #tpu.memory_space<hbm>>
        tpu.enqueue_indirect_dma source(%dma_start3A_419 : memref<3000x128xf32, #tpu.memory_space<hbm>>) target(%arg15 : memref<100x128xf32, #tpu.memory_space<vmem>>) offsets(%dma_start3A_416 : memref<100xi32, #tpu.memory_space<vmem>>) semaphore(%arg20 : memref<!tpu.dma_semaphore, #tpu.memory_space<semaphore_mem>>)
        %dma_start3A_420 = arith.constant 0 : i32
        %dma_start3A_421 = tpu.memref_slice %arg10[%dma_start3A_420] : memref<112xi32, #tpu.memory_space<vmem>> -> memref<100xi32, #tpu.memory_space<vmem>>
        %dma_start3A_422 = arith.constant 0 : i32
        %dma_start3A_423 = arith.constant 0 : i32
        %dma_start3A_424 = tpu.memref_slice %arg6[%dma_start3A_422, %dma_start3A_423] : memref<3000x128xf32, #tpu.memory_space<hbm>> -> memref<3000x128xf32, #tpu.memory_space<hbm>>
        tpu.enqueue_indirect_dma source(%dma_start3A_424 : memref<3000x128xf32, #tpu.memory_space<hbm>>) target(%arg16 : memref<100x128xf32, #tpu.memory_space<vmem>>) offsets(%dma_start3A_421 : memref<100xi32, #tpu.memory_space<vmem>>) semaphore(%arg20 : memref<!tpu.dma_semaphore, #tpu.memory_space<semaphore_mem>>)
        %dma_start3A_425 = arith.constant 0 : i32
        %dma_start3A_426 = tpu.memref_slice %arg11[%dma_start3A_425] : memref<112xi32, #tpu.memory_space<vmem>> -> memref<100xi32, #tpu.memory_space<vmem>>
        %dma_start3A_427 = arith.constant 0 : i32
        %dma_start3A_428 = arith.constant 0 : i32
        %dma_start3A_429 = tpu.memref_slice %arg6[%dma_start3A_427, %dma_start3A_428] : memref<3000x128xf32, #tpu.memory_space<hbm>> -> memref<3000x128xf32, #tpu.memory_space<hbm>>
        tpu.enqueue_indirect_dma source(%dma_start3A_429 : memref<3000x128xf32, #tpu.memory_space<hbm>>) target(%arg17 : memref<100x128xf32, #tpu.memory_space<vmem>>) offsets(%dma_start3A_426 : memref<100xi32, #tpu.memory_space<vmem>>) semaphore(%arg20 : memref<!tpu.dma_semaphore, #tpu.memory_space<semaphore_mem>>)
      } else {
      }
    } else {
    }
    %add3A_243 = arith.constant 0 : i32
    %add3A_244 = arith.addi %select_n3A, %add3A_243 : i32
    %lt3A_245 = arith.cmpi slt, %add3A_244, %select_n3A_46 : i32
    %convert_element_type3A_246 = arith.extui %lt3A_245 : i1 to i32
    %cond3A_247 = arith.constant 0 : i32
    %cond3A_248 = arith.cmpi ne, %convert_element_type3A_246, %cond3A_247 : i32
    scf.if %cond3A_248 {
      %dma_wait3A = arith.constant 0 : i32
      %dma_wait3A_267 = tpu.memref_slice %arg9[%dma_wait3A] : memref<112xi32, #tpu.memory_space<vmem>> -> memref<100xi32, #tpu.memory_space<vmem>>
      %dma_wait3A_268 = arith.constant 0 : i32
      %dma_wait3A_269 = arith.constant 0 : i32
      %dma_wait3A_270 = tpu.memref_slice %arg3[%dma_wait3A_268, %dma_wait3A_269] : memref<1000x10000xf32, #tpu.memory_space<hbm>> -> memref<1000x128xf32, #tpu.memory_space<hbm>>
      tpu.wait_indirect_dma semaphore(%arg19 : memref<!tpu.dma_semaphore, #tpu.memory_space<semaphore_mem>>) src(%dma_wait3A_270 : memref<1000x128xf32, #tpu.memory_space<hbm>>) dst(%arg12 : memref<100x128xf32, #tpu.memory_space<vmem>>)
      %dma_wait3A_271 = arith.constant 0 : i32
      %dma_wait3A_272 = tpu.memref_slice %arg9[%dma_wait3A_271] : memref<112xi32, #tpu.memory_space<vmem>> -> memref<100xi32, #tpu.memory_space<vmem>>
      %dma_wait3A_273 = arith.constant 0 : i32
      %dma_wait3A_274 = arith.constant 0 : i32
      %dma_wait3A_275 = tpu.memref_slice %arg3[%dma_wait3A_273, %dma_wait3A_274] : memref<1000x10000xf32, #tpu.memory_space<hbm>> -> memref<1000x128xf32, #tpu.memory_space<hbm>>
      tpu.wait_indirect_dma semaphore(%arg19 : memref<!tpu.dma_semaphore, #tpu.memory_space<semaphore_mem>>) src(%dma_wait3A_275 : memref<1000x128xf32, #tpu.memory_space<hbm>>) dst(%arg13 : memref<100x128xf32, #tpu.memory_space<vmem>>)
      %dma_wait3A_276 = arith.constant 0 : i32
      %dma_wait3A_277 = tpu.memref_slice %arg9[%dma_wait3A_276] : memref<112xi32, #tpu.memory_space<vmem>> -> memref<100xi32, #tpu.memory_space<vmem>>
      %dma_wait3A_278 = arith.constant 0 : i32
      %dma_wait3A_279 = arith.constant 0 : i32
      %dma_wait3A_280 = tpu.memref_slice %arg3[%dma_wait3A_278, %dma_wait3A_279] : memref<1000x10000xf32, #tpu.memory_space<hbm>> -> memref<1000x128xf32, #tpu.memory_space<hbm>>
      tpu.wait_indirect_dma semaphore(%arg19 : memref<!tpu.dma_semaphore, #tpu.memory_space<semaphore_mem>>) src(%dma_wait3A_280 : memref<1000x128xf32, #tpu.memory_space<hbm>>) dst(%arg14 : memref<100x128xf32, #tpu.memory_space<vmem>>)
      %broadcast_in_dim3A = arith.constant 1.000000e+00 : f32
      %broadcast_in_dim3A_281 = vector.broadcast %broadcast_in_dim3A : f32 to vector<16xf32>
      %broadcast_in_dim3A_282 = arith.constant 1.000000e+00 : f32
      %broadcast_in_dim3A_283 = vector.broadcast %broadcast_in_dim3A_282 : f32 to vector<16xf32>
      %broadcast_in_dim3A_284 = arith.constant 1.000000e+00 : f32
      %broadcast_in_dim3A_285 = vector.broadcast %broadcast_in_dim3A_284 : f32 to vector<16xf32>
      %broadcast_in_dim3A_286 = arith.constant 1.000000e+00 : f32
      %broadcast_in_dim3A_287 = vector.broadcast %broadcast_in_dim3A_286 : f32 to vector<16xf32>
      %broadcast_in_dim3A_288 = arith.constant 1.000000e+00 : f32
      %broadcast_in_dim3A_289 = vector.broadcast %broadcast_in_dim3A_288 : f32 to vector<16xf32>
      %broadcast_in_dim3A_290 = arith.constant 1.000000e+00 : f32
      %broadcast_in_dim3A_291 = vector.broadcast %broadcast_in_dim3A_290 : f32 to vector<16xf32>
      %broadcast_in_dim3A_292 = arith.constant 1.000000e+00 : f32
      %broadcast_in_dim3A_293 = vector.broadcast %broadcast_in_dim3A_292 : f32 to vector<16xf32>
      %broadcast_in_dim3A_294 = arith.constant 1.000000e+00 : f32
      %broadcast_in_dim3A_295 = vector.broadcast %broadcast_in_dim3A_294 : f32 to vector<16xf32>
      %scan3A = arith.constant 0 : i32
      %scan3A_296 = arith.constant 100 : i32
      %scan3A_297 = arith.addi %scan3A, %scan3A_296 : i32
      %scan3A_298 = arith.constant 1 : i32
      %scan3A_299:8 = scf.for %scan3A_349 = %scan3A to %scan3A_297 step %scan3A_298 iter_args(%scan3A_350 = %broadcast_in_dim3A_281, %scan3A_351 = %broadcast_in_dim3A_283, %scan3A_352 = %broadcast_in_dim3A_285, %scan3A_353 = %broadcast_in_dim3A_287, %scan3A_354 = %broadcast_in_dim3A_289, %scan3A_355 = %broadcast_in_dim3A_291, %scan3A_356 = %broadcast_in_dim3A_293, %scan3A_357 = %broadcast_in_dim3A_295) -> (vector<16xf32>, vector<16xf32>, vector<16xf32>, vector<16xf32>, vector<16xf32>, vector<16xf32>, vector<16xf32>, vector<16xf32>)  : i32 {
        %get3A_358 = arith.index_cast %scan3A_349 : i32 to index
        %get3A_359 = arith.constant 0 : index
        %get3A_360 = tpu.vector_load %arg12[%get3A_358, %get3A_359] {strides = array<i32>} : memref<100x128xf32, #tpu.memory_space<vmem>>, vector<1x16xf32>,
        %get3A_361 = vector.shape_cast %get3A_360 : vector<1x16xf32> to vector<16xf32>
        %get3A_362 = arith.index_cast %scan3A_349 : i32 to index
        %get3A_363 = arith.constant 0 : index
        %get3A_364 = tpu.vector_load %arg13[%get3A_362, %get3A_363] {strides = array<i32>} : memref<100x128xf32, #tpu.memory_space<vmem>>, vector<1x16xf32>,
        %get3A_365 = vector.shape_cast %get3A_364 : vector<1x16xf32> to vector<16xf32>
        %add3A_366 = arith.addf %get3A_361, %get3A_365 : vector<16xf32>
        %get3A_367 = arith.index_cast %scan3A_349 : i32 to index
        %get3A_368 = arith.constant 0 : index
        %get3A_369 = tpu.vector_load %arg14[%get3A_367, %get3A_368] {strides = array<i32>} : memref<100x128xf32, #tpu.memory_space<vmem>>, vector<1x16xf32>,
        %get3A_370 = vector.shape_cast %get3A_369 : vector<1x16xf32> to vector<16xf32>
        %add3A_371 = arith.addf %add3A_366, %get3A_370 : vector<16xf32>
        %mul3A_372 = arith.mulf %scan3A_350, %add3A_371 : vector<16xf32>
        %get3A_373 = arith.index_cast %scan3A_349 : i32 to index
        %get3A_374 = arith.constant 16 : index
        %get3A_375 = tpu.vector_load %arg12[%get3A_373, %get3A_374] {strides = array<i32>} : memref<100x128xf32, #tpu.memory_space<vmem>>, vector<1x16xf32>,
        %get3A_376 = vector.shape_cast %get3A_375 : vector<1x16xf32> to vector<16xf32>
        %get3A_377 = arith.index_cast %scan3A_349 : i32 to index
        %get3A_378 = arith.constant 16 : index
        %get3A_379 = tpu.vector_load %arg13[%get3A_377, %get3A_378] {strides = array<i32>} : memref<100x128xf32, #tpu.memory_space<vmem>>, vector<1x16xf32>,
        %get3A_380 = vector.shape_cast %get3A_379 : vector<1x16xf32> to vector<16xf32>
        %add3A_381 = arith.addf %get3A_376, %get3A_380 : vector<16xf32>
        %get3A_382 = arith.index_cast %scan3A_349 : i32 to index
        %get3A_383 = arith.constant 16 : index
        %get3A_384 = tpu.vector_load %arg14[%get3A_382, %get3A_383] {strides = array<i32>} : memref<100x128xf32, #tpu.memory_space<vmem>>, vector<1x16xf32>,
        %get3A_385 = vector.shape_cast %get3A_384 : vector<1x16xf32> to vector<16xf32>
        %add3A_386 = arith.addf %add3A_381, %get3A_385 : vector<16xf32>
        %mul3A_387 = arith.mulf %scan3A_351, %add3A_386 : vector<16xf32>
        %get3A_388 = arith.index_cast %scan3A_349 : i32 to index
        %get3A_389 = arith.constant 32 : index
        %get3A_390 = tpu.vector_load %arg12[%get3A_388, %get3A_389] {strides = array<i32>} : memref<100x128xf32, #tpu.memory_space<vmem>>, vector<1x16xf32>,
        %get3A_391 = vector.shape_cast %get3A_390 : vector<1x16xf32> to vector<16xf32>
        %get3A_392 = arith.index_cast %scan3A_349 : i32 to index
        %get3A_393 = arith.constant 32 : index
        %get3A_394 = tpu.vector_load %arg13[%get3A_392, %get3A_393] {strides = array<i32>} : memref<100x128xf32, #tpu.memory_space<vmem>>, vector<1x16xf32>,
        %get3A_395 = vector.shape_cast %get3A_394 : vector<1x16xf32> to vector<16xf32>
        %add3A_396 = arith.addf %get3A_391, %get3A_395 : vector<16xf32>
        %get3A_397 = arith.index_cast %scan3A_349 : i32 to index
        %get3A_398 = arith.constant 32 : index
        %get3A_399 = tpu.vector_load %arg14[%get3A_397, %get3A_398] {strides = array<i32>} : memref<100x128xf32, #tpu.memory_space<vmem>>, vector<1x16xf32>,
        %get3A_400 = vector.shape_cast %get3A_399 : vector<1x16xf32> to vector<16xf32>
        %add3A_401 = arith.addf %add3A_396, %get3A_400 : vector<16xf32>
        %mul3A_402 = arith.mulf %scan3A_352, %add3A_401 : vector<16xf32>
        %get3A_403 = arith.index_cast %scan3A_349 : i32 to index
        %get3A_404 = arith.constant 48 : index
        %get3A_405 = tpu.vector_load %arg12[%get3A_403, %get3A_404] {strides = array<i32>} : memref<100x128xf32, #tpu.memory_space<vmem>>, vector<1x16xf32>,
        %get3A_406 = vector.shape_cast %get3A_405 : vector<1x16xf32> to vector<16xf32>
        %get3A_407 = arith.index_cast %scan3A_349 : i32 to index
        %get3A_408 = arith.constant 48 : index
        %get3A_409 = tpu.vector_load %arg13[%get3A_407, %get3A_408] {strides = array<i32>} : memref<100x128xf32, #tpu.memory_space<vmem>>, vector<1x16xf32>,
        %get3A_410 = vector.shape_cast %get3A_409 : vector<1x16xf32> to vector<16xf32>
        %add3A_411 = arith.addf %get3A_406, %get3A_410 : vector<16xf32>
        %get3A_412 = arith.index_cast %scan3A_349 : i32 to index
        %get3A_413 = arith.constant 48 : index
        %get3A_414 = tpu.vector_load %arg14[%get3A_412, %get3A_413] {strides = array<i32>} : memref<100x128xf32, #tpu.memory_space<vmem>>, vector<1x16xf32>,
        %get3A_415 = vector.shape_cast %get3A_414 : vector<1x16xf32> to vector<16xf32>
        %add3A_416 = arith.addf %add3A_411, %get3A_415 : vector<16xf32>
        %mul3A_417 = arith.mulf %scan3A_353, %add3A_416 : vector<16xf32>
        %get3A_418 = arith.index_cast %scan3A_349 : i32 to index
        %get3A_419 = arith.constant 64 : index
        %get3A_420 = tpu.vector_load %arg12[%get3A_418, %get3A_419] {strides = array<i32>} : memref<100x128xf32, #tpu.memory_space<vmem>>, vector<1x16xf32>,
        %get3A_421 = vector.shape_cast %get3A_420 : vector<1x16xf32> to vector<16xf32>
        %get3A_422 = arith.index_cast %scan3A_349 : i32 to index
        %get3A_423 = arith.constant 64 : index
        %get3A_424 = tpu.vector_load %arg13[%get3A_422, %get3A_423] {strides = array<i32>} : memref<100x128xf32, #tpu.memory_space<vmem>>, vector<1x16xf32>,
        %get3A_425 = vector.shape_cast %get3A_424 : vector<1x16xf32> to vector<16xf32>
        %add3A_426 = arith.addf %get3A_421, %get3A_425 : vector<16xf32>
        %get3A_427 = arith.index_cast %scan3A_349 : i32 to index
        %get3A_428 = arith.constant 64 : index
        %get3A_429 = tpu.vector_load %arg14[%get3A_427, %get3A_428] {strides = array<i32>} : memref<100x128xf32, #tpu.memory_space<vmem>>, vector<1x16xf32>,
        %get3A_430 = vector.shape_cast %get3A_429 : vector<1x16xf32> to vector<16xf32>
        %add3A_431 = arith.addf %add3A_426, %get3A_430 : vector<16xf32>
        %mul3A_432 = arith.mulf %scan3A_354, %add3A_431 : vector<16xf32>
        %get3A_433 = arith.index_cast %scan3A_349 : i32 to index
        %get3A_434 = arith.constant 80 : index
        %get3A_435 = tpu.vector_load %arg12[%get3A_433, %get3A_434] {strides = array<i32>} : memref<100x128xf32, #tpu.memory_space<vmem>>, vector<1x16xf32>,
        %get3A_436 = vector.shape_cast %get3A_435 : vector<1x16xf32> to vector<16xf32>
        %get3A_437 = arith.index_cast %scan3A_349 : i32 to index
        %get3A_438 = arith.constant 80 : index
        %get3A_439 = tpu.vector_load %arg13[%get3A_437, %get3A_438] {strides = array<i32>} : memref<100x128xf32, #tpu.memory_space<vmem>>, vector<1x16xf32>,
        %get3A_440 = vector.shape_cast %get3A_439 : vector<1x16xf32> to vector<16xf32>
        %add3A_441 = arith.addf %get3A_436, %get3A_440 : vector<16xf32>
        %get3A_442 = arith.index_cast %scan3A_349 : i32 to index
        %get3A_443 = arith.constant 80 : index
        %get3A_444 = tpu.vector_load %arg14[%get3A_442, %get3A_443] {strides = array<i32>} : memref<100x128xf32, #tpu.memory_space<vmem>>, vector<1x16xf32>,
        %get3A_445 = vector.shape_cast %get3A_444 : vector<1x16xf32> to vector<16xf32>
        %add3A_446 = arith.addf %add3A_441, %get3A_445 : vector<16xf32>
        %mul3A_447 = arith.mulf %scan3A_355, %add3A_446 : vector<16xf32>
        %get3A_448 = arith.index_cast %scan3A_349 : i32 to index
        %get3A_449 = arith.constant 96 : index
        %get3A_450 = tpu.vector_load %arg12[%get3A_448, %get3A_449] {strides = array<i32>} : memref<100x128xf32, #tpu.memory_space<vmem>>, vector<1x16xf32>,
        %get3A_451 = vector.shape_cast %get3A_450 : vector<1x16xf32> to vector<16xf32>
        %get3A_452 = arith.index_cast %scan3A_349 : i32 to index
        %get3A_453 = arith.constant 96 : index
        %get3A_454 = tpu.vector_load %arg13[%get3A_452, %get3A_453] {strides = array<i32>} : memref<100x128xf32, #tpu.memory_space<vmem>>, vector<1x16xf32>,
        %get3A_455 = vector.shape_cast %get3A_454 : vector<1x16xf32> to vector<16xf32>
        %add3A_456 = arith.addf %get3A_451, %get3A_455 : vector<16xf32>
        %get3A_457 = arith.index_cast %scan3A_349 : i32 to index
        %get3A_458 = arith.constant 96 : index
        %get3A_459 = tpu.vector_load %arg14[%get3A_457, %get3A_458] {strides = array<i32>} : memref<100x128xf32, #tpu.memory_space<vmem>>, vector<1x16xf32>,
        %get3A_460 = vector.shape_cast %get3A_459 : vector<1x16xf32> to vector<16xf32>
        %add3A_461 = arith.addf %add3A_456, %get3A_460 : vector<16xf32>
        %mul3A_462 = arith.mulf %scan3A_356, %add3A_461 : vector<16xf32>
        %get3A_463 = arith.index_cast %scan3A_349 : i32 to index
        %get3A_464 = arith.constant 112 : index
        %get3A_465 = tpu.vector_load %arg12[%get3A_463, %get3A_464] {strides = array<i32>} : memref<100x128xf32, #tpu.memory_space<vmem>>, vector<1x16xf32>,
        %get3A_466 = vector.shape_cast %get3A_465 : vector<1x16xf32> to vector<16xf32>
        %get3A_467 = arith.index_cast %scan3A_349 : i32 to index
        %get3A_468 = arith.constant 112 : index
        %get3A_469 = tpu.vector_load %arg13[%get3A_467, %get3A_468] {strides = array<i32>} : memref<100x128xf32, #tpu.memory_space<vmem>>, vector<1x16xf32>,
        %get3A_470 = vector.shape_cast %get3A_469 : vector<1x16xf32> to vector<16xf32>
        %add3A_471 = arith.addf %get3A_466, %get3A_470 : vector<16xf32>
        %get3A_472 = arith.index_cast %scan3A_349 : i32 to index
        %get3A_473 = arith.constant 112 : index
        %get3A_474 = tpu.vector_load %arg14[%get3A_472, %get3A_473] {strides = array<i32>} : memref<100x128xf32, #tpu.memory_space<vmem>>, vector<1x16xf32>,
        %get3A_475 = vector.shape_cast %get3A_474 : vector<1x16xf32> to vector<16xf32>
        %add3A_476 = arith.addf %add3A_471, %get3A_475 : vector<16xf32>
        %mul3A_477 = arith.mulf %scan3A_357, %add3A_476 : vector<16xf32>
        scf.yield %mul3A_372, %mul3A_387, %mul3A_402, %mul3A_417, %mul3A_432, %mul3A_447, %mul3A_462, %mul3A_477 : vector<16xf32>, vector<16xf32>, vector<16xf32>, vector<16xf32>, vector<16xf32>, vector<16xf32>, vector<16xf32>, vector<16xf32>
      }
      %scan3A_300 = arith.constant 100 : i32
      %swap3A_301 = arith.constant 0 : i32
      %swap3A_302 = arith.index_cast %swap3A_301 : i32 to index
      %swap3A_303 = arith.constant 0 : index
      %swap3A_304 = tpu.vector_load %arg18[%swap3A_302, %swap3A_303] {strides = array<i32>} : memref<1x128xf32, #tpu.memory_space<vmem>>, vector<1x16xf32>,
      %swap3A_305 = vector.shape_cast %swap3A_304 : vector<1x16xf32> to vector<16xf32>
      %swap3A_306 = vector.shape_cast %scan3A_299#0 : vector<16xf32> to vector<1x16xf32>
      tpu.vector_store %arg18[%swap3A_302, %swap3A_303], %swap3A_306 {strides = array<i32>} : memref<1x128xf32, #tpu.memory_space<vmem>>, vector<1x16xf32>,
      %swap3A_307 = arith.constant 0 : i32
      %swap3A_308 = arith.index_cast %swap3A_307 : i32 to index
      %swap3A_309 = arith.constant 16 : index
      %swap3A_310 = tpu.vector_load %arg18[%swap3A_308, %swap3A_309] {strides = array<i32>} : memref<1x128xf32, #tpu.memory_space<vmem>>, vector<1x16xf32>,
      %swap3A_311 = vector.shape_cast %swap3A_310 : vector<1x16xf32> to vector<16xf32>
      %swap3A_312 = vector.shape_cast %scan3A_299#1 : vector<16xf32> to vector<1x16xf32>
      tpu.vector_store %arg18[%swap3A_308, %swap3A_309], %swap3A_312 {strides = array<i32>} : memref<1x128xf32, #tpu.memory_space<vmem>>, vector<1x16xf32>,
      %swap3A_313 = arith.constant 0 : i32
      %swap3A_314 = arith.index_cast %swap3A_313 : i32 to index
      %swap3A_315 = arith.constant 32 : index
      %swap3A_316 = tpu.vector_load %arg18[%swap3A_314, %swap3A_315] {strides = array<i32>} : memref<1x128xf32, #tpu.memory_space<vmem>>, vector<1x16xf32>,
      %swap3A_317 = vector.shape_cast %swap3A_316 : vector<1x16xf32> to vector<16xf32>
      %swap3A_318 = vector.shape_cast %scan3A_299#2 : vector<16xf32> to vector<1x16xf32>
      tpu.vector_store %arg18[%swap3A_314, %swap3A_315], %swap3A_318 {strides = array<i32>} : memref<1x128xf32, #tpu.memory_space<vmem>>, vector<1x16xf32>,
      %swap3A_319 = arith.constant 0 : i32
      %swap3A_320 = arith.index_cast %swap3A_319 : i32 to index
      %swap3A_321 = arith.constant 48 : index
      %swap3A_322 = tpu.vector_load %arg18[%swap3A_320, %swap3A_321] {strides = array<i32>} : memref<1x128xf32, #tpu.memory_space<vmem>>, vector<1x16xf32>,
      %swap3A_323 = vector.shape_cast %swap3A_322 : vector<1x16xf32> to vector<16xf32>
      %swap3A_324 = vector.shape_cast %scan3A_299#3 : vector<16xf32> to vector<1x16xf32>
      tpu.vector_store %arg18[%swap3A_320, %swap3A_321], %swap3A_324 {strides = array<i32>} : memref<1x128xf32, #tpu.memory_space<vmem>>, vector<1x16xf32>,
      %swap3A_325 = arith.constant 0 : i32
      %swap3A_326 = arith.index_cast %swap3A_325 : i32 to index
      %swap3A_327 = arith.constant 64 : index
      %swap3A_328 = tpu.vector_load %arg18[%swap3A_326, %swap3A_327] {strides = array<i32>} : memref<1x128xf32, #tpu.memory_space<vmem>>, vector<1x16xf32>,
      %swap3A_329 = vector.shape_cast %swap3A_328 : vector<1x16xf32> to vector<16xf32>
      %swap3A_330 = vector.shape_cast %scan3A_299#4 : vector<16xf32> to vector<1x16xf32>
      tpu.vector_store %arg18[%swap3A_326, %swap3A_327], %swap3A_330 {strides = array<i32>} : memref<1x128xf32, #tpu.memory_space<vmem>>, vector<1x16xf32>,
      %swap3A_331 = arith.constant 0 : i32
      %swap3A_332 = arith.index_cast %swap3A_331 : i32 to index
      %swap3A_333 = arith.constant 80 : index
      %swap3A_334 = tpu.vector_load %arg18[%swap3A_332, %swap3A_333] {strides = array<i32>} : memref<1x128xf32, #tpu.memory_space<vmem>>, vector<1x16xf32>,
      %swap3A_335 = vector.shape_cast %swap3A_334 : vector<1x16xf32> to vector<16xf32>
      %swap3A_336 = vector.shape_cast %scan3A_299#5 : vector<16xf32> to vector<1x16xf32>
      tpu.vector_store %arg18[%swap3A_332, %swap3A_333], %swap3A_336 {strides = array<i32>} : memref<1x128xf32, #tpu.memory_space<vmem>>, vector<1x16xf32>,
      %swap3A_337 = arith.constant 0 : i32
      %swap3A_338 = arith.index_cast %swap3A_337 : i32 to index
      %swap3A_339 = arith.constant 96 : index
      %swap3A_340 = tpu.vector_load %arg18[%swap3A_338, %swap3A_339] {strides = array<i32>} : memref<1x128xf32, #tpu.memory_space<vmem>>, vector<1x16xf32>,
      %swap3A_341 = vector.shape_cast %swap3A_340 : vector<1x16xf32> to vector<16xf32>
      %swap3A_342 = vector.shape_cast %scan3A_299#6 : vector<16xf32> to vector<1x16xf32>
      tpu.vector_store %arg18[%swap3A_338, %swap3A_339], %swap3A_342 {strides = array<i32>} : memref<1x128xf32, #tpu.memory_space<vmem>>, vector<1x16xf32>,
      %swap3A_343 = arith.constant 0 : i32
      %swap3A_344 = arith.index_cast %swap3A_343 : i32 to index
      %swap3A_345 = arith.constant 112 : index
      %swap3A_346 = tpu.vector_load %arg18[%swap3A_344, %swap3A_345] {strides = array<i32>} : memref<1x128xf32, #tpu.memory_space<vmem>>, vector<1x16xf32>,
      %swap3A_347 = vector.shape_cast %swap3A_346 : vector<1x16xf32> to vector<16xf32>
      %swap3A_348 = vector.shape_cast %scan3A_299#7 : vector<16xf32> to vector<1x16xf32>
      tpu.vector_store %arg18[%swap3A_344, %swap3A_345], %swap3A_348 {strides = array<i32>} : memref<1x128xf32, #tpu.memory_space<vmem>>, vector<1x16xf32>,
      "tpu.region"() ({
        %run_scoped3A = tpu.sem_alloc : memref<!tpu.dma_semaphore, #tpu.memory_space<semaphore_mem>>
        %dma_start3A = arith.constant 0 : i32
        %dma_start3A_349 = tpu.memref_slice %arg7[%add3A_244, %dma_start3A] : memref<79x128xf32, #tpu.memory_space<hbm>> -> memref<1x128xf32, #tpu.memory_space<hbm>>
        %dma_start3A_350 = arith.constant 0 : i32
        %dma_start3A_351 = tpu.memref_slice %arg7[%add3A_244, %dma_start3A_350] : memref<79x128xf32, #tpu.memory_space<hbm>> -> memref<1x128xf32, #tpu.memory_space<hbm>>
        tpu.enqueue_dma source(%arg18 : memref<1x128xf32, #tpu.memory_space<vmem>>) target(%dma_start3A_351 : memref<1x128xf32, #tpu.memory_space<hbm>>) target_semaphore(%run_scoped3A : memref<!tpu.dma_semaphore, #tpu.memory_space<semaphore_mem>>)
        %dma_wait3A_352 = arith.constant 0 : i32
        %dma_wait3A_353 = tpu.memref_slice %arg7[%add3A_244, %dma_wait3A_352] : memref<79x128xf32, #tpu.memory_space<hbm>> -> memref<1x128xf32, #tpu.memory_space<hbm>>
        %dma_wait3A_354 = arith.constant 0 : i32
        %dma_wait3A_355 = tpu.memref_slice %arg7[%add3A_244, %dma_wait3A_354] : memref<79x128xf32, #tpu.memory_space<hbm>> -> memref<1x128xf32, #tpu.memory_space<hbm>>
        tpu.wait_dma2 semaphore(%run_scoped3A : memref<!tpu.dma_semaphore, #tpu.memory_space<semaphore_mem>>) src(%arg18 : memref<1x128xf32, #tpu.memory_space<vmem>>) dst(%dma_wait3A_355 : memref<1x128xf32, #tpu.memory_space<hbm>>)
        tpu.yield
      }) : () -> ()
    } else {
    }
    %add3A_249 = arith.constant 2 : i32
    %add3A_250 = arith.addi %select_n3A, %add3A_249 : i32
    %lt3A_251 = arith.cmpi slt, %add3A_250, %select_n3A_46 : i32
    %convert_element_type3A_252 = arith.extui %lt3A_251 : i1 to i32
    %cond3A_253 = arith.constant 0 : i32
    %cond3A_254 = arith.cmpi ne, %convert_element_type3A_252, %cond3A_253 : i32
    scf.if %cond3A_254 {
      %lt3A_267 = arith.constant 78 : i32
      %lt3A_268 = arith.cmpi slt, %add3A_250, %lt3A_267 : i32
      %convert_element_type3A_269 = arith.extui %lt3A_268 : i1 to i32
      %cond3A_270 = arith.constant 0 : i32
      %cond3A_271 = arith.cmpi ne, %convert_element_type3A_269, %cond3A_270 : i32
      scf.if %cond3A_271 {
        %mul3A_276 = arith.constant 128 : i32
        %mul3A_277 = arith.muli %add3A_250, %mul3A_276 : i32
        %multiple_of3A = tpu.assume_multiple %mul3A_277, 128 : i32
        %dma_start3A = arith.constant 0 : i32
        %dma_start3A_278 = tpu.memref_slice %arg9[%dma_start3A] : memref<112xi32, #tpu.memory_space<vmem>> -> memref<100xi32, #tpu.memory_space<vmem>>
        %dma_start3A_279 = arith.constant 0 : i32
        %dma_start3A_280 = tpu.memref_slice %arg3[%dma_start3A_279, %multiple_of3A] : memref<1000x10000xf32, #tpu.memory_space<hbm>> -> memref<1000x128xf32, #tpu.memory_space<hbm>>
        tpu.enqueue_indirect_dma source(%dma_start3A_280 : memref<1000x128xf32, #tpu.memory_space<hbm>>) target(%arg12 : memref<100x128xf32, #tpu.memory_space<vmem>>) offsets(%dma_start3A_278 : memref<100xi32, #tpu.memory_space<vmem>>) semaphore(%arg19 : memref<!tpu.dma_semaphore, #tpu.memory_space<semaphore_mem>>)
        %dma_start3A_281 = arith.constant 0 : i32
        %dma_start3A_282 = tpu.memref_slice %arg10[%dma_start3A_281] : memref<112xi32, #tpu.memory_space<vmem>> -> memref<100xi32, #tpu.memory_space<vmem>>
        %dma_start3A_283 = arith.constant 0 : i32
        %dma_start3A_284 = tpu.memref_slice %arg4[%dma_start3A_283, %multiple_of3A] : memref<1000x10000xf32, #tpu.memory_space<hbm>> -> memref<1000x128xf32, #tpu.memory_space<hbm>>
        tpu.enqueue_indirect_dma source(%dma_start3A_284 : memref<1000x128xf32, #tpu.memory_space<hbm>>) target(%arg13 : memref<100x128xf32, #tpu.memory_space<vmem>>) offsets(%dma_start3A_282 : memref<100xi32, #tpu.memory_space<vmem>>) semaphore(%arg19 : memref<!tpu.dma_semaphore, #tpu.memory_space<semaphore_mem>>)
        %dma_start3A_285 = arith.constant 0 : i32
        %dma_start3A_286 = tpu.memref_slice %arg11[%dma_start3A_285] : memref<112xi32, #tpu.memory_space<vmem>> -> memref<100xi32, #tpu.memory_space<vmem>>
        %dma_start3A_287 = arith.constant 0 : i32
        %dma_start3A_288 = tpu.memref_slice %arg5[%dma_start3A_287, %multiple_of3A] : memref<1000x10000xf32, #tpu.memory_space<hbm>> -> memref<1000x128xf32, #tpu.memory_space<hbm>>
        tpu.enqueue_indirect_dma source(%dma_start3A_288 : memref<1000x128xf32, #tpu.memory_space<hbm>>) target(%arg14 : memref<100x128xf32, #tpu.memory_space<vmem>>) offsets(%dma_start3A_286 : memref<100xi32, #tpu.memory_space<vmem>>) semaphore(%arg19 : memref<!tpu.dma_semaphore, #tpu.memory_space<semaphore_mem>>)
      } else {
      }
      %eq3A = arith.constant 78 : i32
      %eq3A_272 = arith.cmpi eq, %add3A_250, %eq3A : i32
      %convert_element_type3A_273 = arith.extui %eq3A_272 : i1 to i32
      %cond3A_274 = arith.constant 0 : i32
      %cond3A_275 = arith.cmpi ne, %convert_element_type3A_273, %cond3A_274 : i32
      scf.if %cond3A_275 {
        %get3A_276 = arith.constant 0 : index
        %get3A_277 = tpu.vector_load %arg10[%get3A_276] {strides = array<i32>} : memref<112xi32, #tpu.memory_space<vmem>>, vector<16xi32>,
        %get3A_278 = vector.shape_cast %get3A_277 : vector<16xi32> to vector<16xi32>
        %add3A_279 = arith.constant 1000 : i32
        %add3A_280 = vector.broadcast %add3A_279 : i32 to vector<16xi32>
        %add3A_281 = arith.addi %get3A_278, %add3A_280 : vector<16xi32>
        %swap3A_282 = arith.constant 0 : index
        %swap3A_283 = tpu.vector_load %arg10[%swap3A_282] {strides = array<i32>} : memref<112xi32, #tpu.memory_space<vmem>>, vector<16xi32>,
        %swap3A_284 = vector.shape_cast %swap3A_283 : vector<16xi32> to vector<16xi32>
        %swap3A_285 = vector.shape_cast %add3A_281 : vector<16xi32> to vector<16xi32>
        tpu.vector_store %arg10[%swap3A_282], %swap3A_285 {strides = array<i32>} : memref<112xi32, #tpu.memory_space<vmem>>, vector<16xi32>,
        %get3A_286 = arith.constant 16 : index
        %get3A_287 = tpu.vector_load %arg10[%get3A_286] {strides = array<i32>} : memref<112xi32, #tpu.memory_space<vmem>>, vector<16xi32>,
        %get3A_288 = vector.shape_cast %get3A_287 : vector<16xi32> to vector<16xi32>
        %add3A_289 = arith.constant 1000 : i32
        %add3A_290 = vector.broadcast %add3A_289 : i32 to vector<16xi32>
        %add3A_291 = arith.addi %get3A_288, %add3A_290 : vector<16xi32>
        %swap3A_292 = arith.constant 16 : index
        %swap3A_293 = tpu.vector_load %arg10[%swap3A_292] {strides = array<i32>} : memref<112xi32, #tpu.memory_space<vmem>>, vector<16xi32>,
        %swap3A_294 = vector.shape_cast %swap3A_293 : vector<16xi32> to vector<16xi32>
        %swap3A_295 = vector.shape_cast %add3A_291 : vector<16xi32> to vector<16xi32>
        tpu.vector_store %arg10[%swap3A_292], %swap3A_295 {strides = array<i32>} : memref<112xi32, #tpu.memory_space<vmem>>, vector<16xi32>,
        %get3A_296 = arith.constant 32 : index
        %get3A_297 = tpu.vector_load %arg10[%get3A_296] {strides = array<i32>} : memref<112xi32, #tpu.memory_space<vmem>>, vector<16xi32>,
        %get3A_298 = vector.shape_cast %get3A_297 : vector<16xi32> to vector<16xi32>
        %add3A_299 = arith.constant 1000 : i32
        %add3A_300 = vector.broadcast %add3A_299 : i32 to vector<16xi32>
        %add3A_301 = arith.addi %get3A_298, %add3A_300 : vector<16xi32>
        %swap3A_302 = arith.constant 32 : index
        %swap3A_303 = tpu.vector_load %arg10[%swap3A_302] {strides = array<i32>} : memref<112xi32, #tpu.memory_space<vmem>>, vector<16xi32>,
        %swap3A_304 = vector.shape_cast %swap3A_303 : vector<16xi32> to vector<16xi32>
        %swap3A_305 = vector.shape_cast %add3A_301 : vector<16xi32> to vector<16xi32>
        tpu.vector_store %arg10[%swap3A_302], %swap3A_305 {strides = array<i32>} : memref<112xi32, #tpu.memory_space<vmem>>, vector<16xi32>,
        %get3A_306 = arith.constant 48 : index
        %get3A_307 = tpu.vector_load %arg10[%get3A_306] {strides = array<i32>} : memref<112xi32, #tpu.memory_space<vmem>>, vector<16xi32>,
        %get3A_308 = vector.shape_cast %get3A_307 : vector<16xi32> to vector<16xi32>
        %add3A_309 = arith.constant 1000 : i32
        %add3A_310 = vector.broadcast %add3A_309 : i32 to vector<16xi32>
        %add3A_311 = arith.addi %get3A_308, %add3A_310 : vector<16xi32>
        %swap3A_312 = arith.constant 48 : index
        %swap3A_313 = tpu.vector_load %arg10[%swap3A_312] {strides = array<i32>} : memref<112xi32, #tpu.memory_space<vmem>>, vector<16xi32>,
        %swap3A_314 = vector.shape_cast %swap3A_313 : vector<16xi32> to vector<16xi32>
        %swap3A_315 = vector.shape_cast %add3A_311 : vector<16xi32> to vector<16xi32>
        tpu.vector_store %arg10[%swap3A_312], %swap3A_315 {strides = array<i32>} : memref<112xi32, #tpu.memory_space<vmem>>, vector<16xi32>,
        %get3A_316 = arith.constant 64 : index
        %get3A_317 = tpu.vector_load %arg10[%get3A_316] {strides = array<i32>} : memref<112xi32, #tpu.memory_space<vmem>>, vector<16xi32>,
        %get3A_318 = vector.shape_cast %get3A_317 : vector<16xi32> to vector<16xi32>
        %add3A_319 = arith.constant 1000 : i32
        %add3A_320 = vector.broadcast %add3A_319 : i32 to vector<16xi32>
        %add3A_321 = arith.addi %get3A_318, %add3A_320 : vector<16xi32>
        %swap3A_322 = arith.constant 64 : index
        %swap3A_323 = tpu.vector_load %arg10[%swap3A_322] {strides = array<i32>} : memref<112xi32, #tpu.memory_space<vmem>>, vector<16xi32>,
        %swap3A_324 = vector.shape_cast %swap3A_323 : vector<16xi32> to vector<16xi32>
        %swap3A_325 = vector.shape_cast %add3A_321 : vector<16xi32> to vector<16xi32>
        tpu.vector_store %arg10[%swap3A_322], %swap3A_325 {strides = array<i32>} : memref<112xi32, #tpu.memory_space<vmem>>, vector<16xi32>,
        %get3A_326 = arith.constant 80 : index
        %get3A_327 = tpu.vector_load %arg10[%get3A_326] {strides = array<i32>} : memref<112xi32, #tpu.memory_space<vmem>>, vector<16xi32>,
        %get3A_328 = vector.shape_cast %get3A_327 : vector<16xi32> to vector<16xi32>
        %add3A_329 = arith.constant 1000 : i32
        %add3A_330 = vector.broadcast %add3A_329 : i32 to vector<16xi32>
        %add3A_331 = arith.addi %get3A_328, %add3A_330 : vector<16xi32>
        %swap3A_332 = arith.constant 80 : index
        %swap3A_333 = tpu.vector_load %arg10[%swap3A_332] {strides = array<i32>} : memref<112xi32, #tpu.memory_space<vmem>>, vector<16xi32>,
        %swap3A_334 = vector.shape_cast %swap3A_333 : vector<16xi32> to vector<16xi32>
        %swap3A_335 = vector.shape_cast %add3A_331 : vector<16xi32> to vector<16xi32>
        tpu.vector_store %arg10[%swap3A_332], %swap3A_335 {strides = array<i32>} : memref<112xi32, #tpu.memory_space<vmem>>, vector<16xi32>,
        %get3A_336 = arith.constant 96 : index
        %get3A_337 = tpu.vector_load %arg10[%get3A_336] {strides = array<i32>} : memref<112xi32, #tpu.memory_space<vmem>>, vector<16xi32>,
        %get3A_338 = vector.shape_cast %get3A_337 : vector<16xi32> to vector<16xi32>
        %add3A_339 = arith.constant 1000 : i32
        %add3A_340 = vector.broadcast %add3A_339 : i32 to vector<16xi32>
        %add3A_341 = arith.addi %get3A_338, %add3A_340 : vector<16xi32>
        %swap3A_342 = arith.constant 96 : index
        %swap3A_343 = tpu.vector_load %arg10[%swap3A_342] {strides = array<i32>} : memref<112xi32, #tpu.memory_space<vmem>>, vector<16xi32>,
        %swap3A_344 = vector.shape_cast %swap3A_343 : vector<16xi32> to vector<16xi32>
        %swap3A_345 = vector.shape_cast %add3A_341 : vector<16xi32> to vector<16xi32>
        tpu.vector_store %arg10[%swap3A_342], %swap3A_345 {strides = array<i32>} : memref<112xi32, #tpu.memory_space<vmem>>, vector<16xi32>,
        %get3A_346 = arith.constant 0 : index
        %get3A_347 = tpu.vector_load %arg11[%get3A_346] {strides = array<i32>} : memref<112xi32, #tpu.memory_space<vmem>>, vector<16xi32>,
        %get3A_348 = vector.shape_cast %get3A_347 : vector<16xi32> to vector<16xi32>
        %add3A_349 = arith.constant 2000 : i32
        %add3A_350 = vector.broadcast %add3A_349 : i32 to vector<16xi32>
        %add3A_351 = arith.addi %get3A_348, %add3A_350 : vector<16xi32>
        %swap3A_352 = arith.constant 0 : index
        %swap3A_353 = tpu.vector_load %arg11[%swap3A_352] {strides = array<i32>} : memref<112xi32, #tpu.memory_space<vmem>>, vector<16xi32>,
        %swap3A_354 = vector.shape_cast %swap3A_353 : vector<16xi32> to vector<16xi32>
        %swap3A_355 = vector.shape_cast %add3A_351 : vector<16xi32> to vector<16xi32>
        tpu.vector_store %arg11[%swap3A_352], %swap3A_355 {strides = array<i32>} : memref<112xi32, #tpu.memory_space<vmem>>, vector<16xi32>,
        %get3A_356 = arith.constant 16 : index
        %get3A_357 = tpu.vector_load %arg11[%get3A_356] {strides = array<i32>} : memref<112xi32, #tpu.memory_space<vmem>>, vector<16xi32>,
        %get3A_358 = vector.shape_cast %get3A_357 : vector<16xi32> to vector<16xi32>
        %add3A_359 = arith.constant 2000 : i32
        %add3A_360 = vector.broadcast %add3A_359 : i32 to vector<16xi32>
        %add3A_361 = arith.addi %get3A_358, %add3A_360 : vector<16xi32>
        %swap3A_362 = arith.constant 16 : index
        %swap3A_363 = tpu.vector_load %arg11[%swap3A_362] {strides = array<i32>} : memref<112xi32, #tpu.memory_space<vmem>>, vector<16xi32>,
        %swap3A_364 = vector.shape_cast %swap3A_363 : vector<16xi32> to vector<16xi32>
        %swap3A_365 = vector.shape_cast %add3A_361 : vector<16xi32> to vector<16xi32>
        tpu.vector_store %arg11[%swap3A_362], %swap3A_365 {strides = array<i32>} : memref<112xi32, #tpu.memory_space<vmem>>, vector<16xi32>,
        %get3A_366 = arith.constant 32 : index
        %get3A_367 = tpu.vector_load %arg11[%get3A_366] {strides = array<i32>} : memref<112xi32, #tpu.memory_space<vmem>>, vector<16xi32>,
        %get3A_368 = vector.shape_cast %get3A_367 : vector<16xi32> to vector<16xi32>
        %add3A_369 = arith.constant 2000 : i32
        %add3A_370 = vector.broadcast %add3A_369 : i32 to vector<16xi32>
        %add3A_371 = arith.addi %get3A_368, %add3A_370 : vector<16xi32>
        %swap3A_372 = arith.constant 32 : index
        %swap3A_373 = tpu.vector_load %arg11[%swap3A_372] {strides = array<i32>} : memref<112xi32, #tpu.memory_space<vmem>>, vector<16xi32>,
        %swap3A_374 = vector.shape_cast %swap3A_373 : vector<16xi32> to vector<16xi32>
        %swap3A_375 = vector.shape_cast %add3A_371 : vector<16xi32> to vector<16xi32>
        tpu.vector_store %arg11[%swap3A_372], %swap3A_375 {strides = array<i32>} : memref<112xi32, #tpu.memory_space<vmem>>, vector<16xi32>,
        %get3A_376 = arith.constant 48 : index
        %get3A_377 = tpu.vector_load %arg11[%get3A_376] {strides = array<i32>} : memref<112xi32, #tpu.memory_space<vmem>>, vector<16xi32>,
        %get3A_378 = vector.shape_cast %get3A_377 : vector<16xi32> to vector<16xi32>
        %add3A_379 = arith.constant 2000 : i32
        %add3A_380 = vector.broadcast %add3A_379 : i32 to vector<16xi32>
        %add3A_381 = arith.addi %get3A_378, %add3A_380 : vector<16xi32>
        %swap3A_382 = arith.constant 48 : index
        %swap3A_383 = tpu.vector_load %arg11[%swap3A_382] {strides = array<i32>} : memref<112xi32, #tpu.memory_space<vmem>>, vector<16xi32>,
        %swap3A_384 = vector.shape_cast %swap3A_383 : vector<16xi32> to vector<16xi32>
        %swap3A_385 = vector.shape_cast %add3A_381 : vector<16xi32> to vector<16xi32>
        tpu.vector_store %arg11[%swap3A_382], %swap3A_385 {strides = array<i32>} : memref<112xi32, #tpu.memory_space<vmem>>, vector<16xi32>,
        %get3A_386 = arith.constant 64 : index
        %get3A_387 = tpu.vector_load %arg11[%get3A_386] {strides = array<i32>} : memref<112xi32, #tpu.memory_space<vmem>>, vector<16xi32>,
        %get3A_388 = vector.shape_cast %get3A_387 : vector<16xi32> to vector<16xi32>
        %add3A_389 = arith.constant 2000 : i32
        %add3A_390 = vector.broadcast %add3A_389 : i32 to vector<16xi32>
        %add3A_391 = arith.addi %get3A_388, %add3A_390 : vector<16xi32>
        %swap3A_392 = arith.constant 64 : index
        %swap3A_393 = tpu.vector_load %arg11[%swap3A_392] {strides = array<i32>} : memref<112xi32, #tpu.memory_space<vmem>>, vector<16xi32>,
        %swap3A_394 = vector.shape_cast %swap3A_393 : vector<16xi32> to vector<16xi32>
        %swap3A_395 = vector.shape_cast %add3A_391 : vector<16xi32> to vector<16xi32>
        tpu.vector_store %arg11[%swap3A_392], %swap3A_395 {strides = array<i32>} : memref<112xi32, #tpu.memory_space<vmem>>, vector<16xi32>,
        %get3A_396 = arith.constant 80 : index
        %get3A_397 = tpu.vector_load %arg11[%get3A_396] {strides = array<i32>} : memref<112xi32, #tpu.memory_space<vmem>>, vector<16xi32>,
        %get3A_398 = vector.shape_cast %get3A_397 : vector<16xi32> to vector<16xi32>
        %add3A_399 = arith.constant 2000 : i32
        %add3A_400 = vector.broadcast %add3A_399 : i32 to vector<16xi32>
        %add3A_401 = arith.addi %get3A_398, %add3A_400 : vector<16xi32>
        %swap3A_402 = arith.constant 80 : index
        %swap3A_403 = tpu.vector_load %arg11[%swap3A_402] {strides = array<i32>} : memref<112xi32, #tpu.memory_space<vmem>>, vector<16xi32>,
        %swap3A_404 = vector.shape_cast %swap3A_403 : vector<16xi32> to vector<16xi32>
        %swap3A_405 = vector.shape_cast %add3A_401 : vector<16xi32> to vector<16xi32>
        tpu.vector_store %arg11[%swap3A_402], %swap3A_405 {strides = array<i32>} : memref<112xi32, #tpu.memory_space<vmem>>, vector<16xi32>,
        %get3A_406 = arith.constant 96 : index
        %get3A_407 = tpu.vector_load %arg11[%get3A_406] {strides = array<i32>} : memref<112xi32, #tpu.memory_space<vmem>>, vector<16xi32>,
        %get3A_408 = vector.shape_cast %get3A_407 : vector<16xi32> to vector<16xi32>
        %add3A_409 = arith.constant 2000 : i32
        %add3A_410 = vector.broadcast %add3A_409 : i32 to vector<16xi32>
        %add3A_411 = arith.addi %get3A_408, %add3A_410 : vector<16xi32>
        %swap3A_412 = arith.constant 96 : index
        %swap3A_413 = tpu.vector_load %arg11[%swap3A_412] {strides = array<i32>} : memref<112xi32, #tpu.memory_space<vmem>>, vector<16xi32>,
        %swap3A_414 = vector.shape_cast %swap3A_413 : vector<16xi32> to vector<16xi32>
        %swap3A_415 = vector.shape_cast %add3A_411 : vector<16xi32> to vector<16xi32>
        tpu.vector_store %arg11[%swap3A_412], %swap3A_415 {strides = array<i32>} : memref<112xi32, #tpu.memory_space<vmem>>, vector<16xi32>,
        %dma_start3A = arith.constant 0 : i32
        %dma_start3A_416 = tpu.memref_slice %arg9[%dma_start3A] : memref<112xi32, #tpu.memory_space<vmem>> -> memref<100xi32, #tpu.memory_space<vmem>>
        %dma_start3A_417 = arith.constant 0 : i32
        %dma_start3A_418 = arith.constant 0 : i32
        %dma_start3A_419 = tpu.memref_slice %arg6[%dma_start3A_417, %dma_start3A_418] : memref<3000x128xf32, #tpu.memory_space<hbm>> -> memref<3000x128xf32, #tpu.memory_space<hbm>>
        tpu.enqueue_indirect_dma source(%dma_start3A_419 : memref<3000x128xf32, #tpu.memory_space<hbm>>) target(%arg12 : memref<100x128xf32, #tpu.memory_space<vmem>>) offsets(%dma_start3A_416 : memref<100xi32, #tpu.memory_space<vmem>>) semaphore(%arg19 : memref<!tpu.dma_semaphore, #tpu.memory_space<semaphore_mem>>)
        %dma_start3A_420 = arith.constant 0 : i32
        %dma_start3A_421 = tpu.memref_slice %arg10[%dma_start3A_420] : memref<112xi32, #tpu.memory_space<vmem>> -> memref<100xi32, #tpu.memory_space<vmem>>
        %dma_start3A_422 = arith.constant 0 : i32
        %dma_start3A_423 = arith.constant 0 : i32
        %dma_start3A_424 = tpu.memref_slice %arg6[%dma_start3A_422, %dma_start3A_423] : memref<3000x128xf32, #tpu.memory_space<hbm>> -> memref<3000x128xf32, #tpu.memory_space<hbm>>
        tpu.enqueue_indirect_dma source(%dma_start3A_424 : memref<3000x128xf32, #tpu.memory_space<hbm>>) target(%arg13 : memref<100x128xf32, #tpu.memory_space<vmem>>) offsets(%dma_start3A_421 : memref<100xi32, #tpu.memory_space<vmem>>) semaphore(%arg19 : memref<!tpu.dma_semaphore, #tpu.memory_space<semaphore_mem>>)
        %dma_start3A_425 = arith.constant 0 : i32
        %dma_start3A_426 = tpu.memref_slice %arg11[%dma_start3A_425] : memref<112xi32, #tpu.memory_space<vmem>> -> memref<100xi32, #tpu.memory_space<vmem>>
        %dma_start3A_427 = arith.constant 0 : i32
        %dma_start3A_428 = arith.constant 0 : i32
        %dma_start3A_429 = tpu.memref_slice %arg6[%dma_start3A_427, %dma_start3A_428] : memref<3000x128xf32, #tpu.memory_space<hbm>> -> memref<3000x128xf32, #tpu.memory_space<hbm>>
        tpu.enqueue_indirect_dma source(%dma_start3A_429 : memref<3000x128xf32, #tpu.memory_space<hbm>>) target(%arg14 : memref<100x128xf32, #tpu.memory_space<vmem>>) offsets(%dma_start3A_426 : memref<100xi32, #tpu.memory_space<vmem>>) semaphore(%arg19 : memref<!tpu.dma_semaphore, #tpu.memory_space<semaphore_mem>>)
      } else {
      }
    } else {
    }
    %add3A_255 = arith.constant 1 : i32
    %add3A_256 = arith.addi %select_n3A, %add3A_255 : i32
    %lt3A_257 = arith.cmpi slt, %add3A_256, %select_n3A_46 : i32
    %convert_element_type3A_258 = arith.extui %lt3A_257 : i1 to i32
    %cond3A_259 = arith.constant 0 : i32
    %cond3A_260 = arith.cmpi ne, %convert_element_type3A_258, %cond3A_259 : i32
    scf.if %cond3A_260 {
      %dma_wait3A = arith.constant 0 : i32
      %dma_wait3A_267 = tpu.memref_slice %arg9[%dma_wait3A] : memref<112xi32, #tpu.memory_space<vmem>> -> memref<100xi32, #tpu.memory_space<vmem>>
      %dma_wait3A_268 = arith.constant 0 : i32
      %dma_wait3A_269 = arith.constant 0 : i32
      %dma_wait3A_270 = tpu.memref_slice %arg3[%dma_wait3A_268, %dma_wait3A_269] : memref<1000x10000xf32, #tpu.memory_space<hbm>> -> memref<1000x128xf32, #tpu.memory_space<hbm>>
      tpu.wait_indirect_dma semaphore(%arg20 : memref<!tpu.dma_semaphore, #tpu.memory_space<semaphore_mem>>) src(%dma_wait3A_270 : memref<1000x128xf32, #tpu.memory_space<hbm>>) dst(%arg15 : memref<100x128xf32, #tpu.memory_space<vmem>>)
      %dma_wait3A_271 = arith.constant 0 : i32
      %dma_wait3A_272 = tpu.memref_slice %arg9[%dma_wait3A_271] : memref<112xi32, #tpu.memory_space<vmem>> -> memref<100xi32, #tpu.memory_space<vmem>>
      %dma_wait3A_273 = arith.constant 0 : i32
      %dma_wait3A_274 = arith.constant 0 : i32
      %dma_wait3A_275 = tpu.memref_slice %arg3[%dma_wait3A_273, %dma_wait3A_274] : memref<1000x10000xf32, #tpu.memory_space<hbm>> -> memref<1000x128xf32, #tpu.memory_space<hbm>>
      tpu.wait_indirect_dma semaphore(%arg20 : memref<!tpu.dma_semaphore, #tpu.memory_space<semaphore_mem>>) src(%dma_wait3A_275 : memref<1000x128xf32, #tpu.memory_space<hbm>>) dst(%arg16 : memref<100x128xf32, #tpu.memory_space<vmem>>)
      %dma_wait3A_276 = arith.constant 0 : i32
      %dma_wait3A_277 = tpu.memref_slice %arg9[%dma_wait3A_276] : memref<112xi32, #tpu.memory_space<vmem>> -> memref<100xi32, #tpu.memory_space<vmem>>
      %dma_wait3A_278 = arith.constant 0 : i32
      %dma_wait3A_279 = arith.constant 0 : i32
      %dma_wait3A_280 = tpu.memref_slice %arg3[%dma_wait3A_278, %dma_wait3A_279] : memref<1000x10000xf32, #tpu.memory_space<hbm>> -> memref<1000x128xf32, #tpu.memory_space<hbm>>
      tpu.wait_indirect_dma semaphore(%arg20 : memref<!tpu.dma_semaphore, #tpu.memory_space<semaphore_mem>>) src(%dma_wait3A_280 : memref<1000x128xf32, #tpu.memory_space<hbm>>) dst(%arg17 : memref<100x128xf32, #tpu.memory_space<vmem>>)
      %broadcast_in_dim3A = arith.constant 1.000000e+00 : f32
      %broadcast_in_dim3A_281 = vector.broadcast %broadcast_in_dim3A : f32 to vector<16xf32>
      %broadcast_in_dim3A_282 = arith.constant 1.000000e+00 : f32
      %broadcast_in_dim3A_283 = vector.broadcast %broadcast_in_dim3A_282 : f32 to vector<16xf32>
      %broadcast_in_dim3A_284 = arith.constant 1.000000e+00 : f32
      %broadcast_in_dim3A_285 = vector.broadcast %broadcast_in_dim3A_284 : f32 to vector<16xf32>
      %broadcast_in_dim3A_286 = arith.constant 1.000000e+00 : f32
      %broadcast_in_dim3A_287 = vector.broadcast %broadcast_in_dim3A_286 : f32 to vector<16xf32>
      %broadcast_in_dim3A_288 = arith.constant 1.000000e+00 : f32
      %broadcast_in_dim3A_289 = vector.broadcast %broadcast_in_dim3A_288 : f32 to vector<16xf32>
      %broadcast_in_dim3A_290 = arith.constant 1.000000e+00 : f32
      %broadcast_in_dim3A_291 = vector.broadcast %broadcast_in_dim3A_290 : f32 to vector<16xf32>
      %broadcast_in_dim3A_292 = arith.constant 1.000000e+00 : f32
      %broadcast_in_dim3A_293 = vector.broadcast %broadcast_in_dim3A_292 : f32 to vector<16xf32>
      %broadcast_in_dim3A_294 = arith.constant 1.000000e+00 : f32
      %broadcast_in_dim3A_295 = vector.broadcast %broadcast_in_dim3A_294 : f32 to vector<16xf32>
      %scan3A = arith.constant 0 : i32
      %scan3A_296 = arith.constant 100 : i32
      %scan3A_297 = arith.addi %scan3A, %scan3A_296 : i32
      %scan3A_298 = arith.constant 1 : i32
      %scan3A_299:8 = scf.for %scan3A_349 = %scan3A to %scan3A_297 step %scan3A_298 iter_args(%scan3A_350 = %broadcast_in_dim3A_281, %scan3A_351 = %broadcast_in_dim3A_283, %scan3A_352 = %broadcast_in_dim3A_285, %scan3A_353 = %broadcast_in_dim3A_287, %scan3A_354 = %broadcast_in_dim3A_289, %scan3A_355 = %broadcast_in_dim3A_291, %scan3A_356 = %broadcast_in_dim3A_293, %scan3A_357 = %broadcast_in_dim3A_295) -> (vector<16xf32>, vector<16xf32>, vector<16xf32>, vector<16xf32>, vector<16xf32>, vector<16xf32>, vector<16xf32>, vector<16xf32>)  : i32 {
        %get3A_358 = arith.index_cast %scan3A_349 : i32 to index
        %get3A_359 = arith.constant 0 : index
        %get3A_360 = tpu.vector_load %arg15[%get3A_358, %get3A_359] {strides = array<i32>} : memref<100x128xf32, #tpu.memory_space<vmem>>, vector<1x16xf32>,
        %get3A_361 = vector.shape_cast %get3A_360 : vector<1x16xf32> to vector<16xf32>
        %get3A_362 = arith.index_cast %scan3A_349 : i32 to index
        %get3A_363 = arith.constant 0 : index
        %get3A_364 = tpu.vector_load %arg16[%get3A_362, %get3A_363] {strides = array<i32>} : memref<100x128xf32, #tpu.memory_space<vmem>>, vector<1x16xf32>,
        %get3A_365 = vector.shape_cast %get3A_364 : vector<1x16xf32> to vector<16xf32>
        %add3A_366 = arith.addf %get3A_361, %get3A_365 : vector<16xf32>
        %get3A_367 = arith.index_cast %scan3A_349 : i32 to index
        %get3A_368 = arith.constant 0 : index
        %get3A_369 = tpu.vector_load %arg17[%get3A_367, %get3A_368] {strides = array<i32>} : memref<100x128xf32, #tpu.memory_space<vmem>>, vector<1x16xf32>,
        %get3A_370 = vector.shape_cast %get3A_369 : vector<1x16xf32> to vector<16xf32>
        %add3A_371 = arith.addf %add3A_366, %get3A_370 : vector<16xf32>
        %mul3A_372 = arith.mulf %scan3A_350, %add3A_371 : vector<16xf32>
        %get3A_373 = arith.index_cast %scan3A_349 : i32 to index
        %get3A_374 = arith.constant 16 : index
        %get3A_375 = tpu.vector_load %arg15[%get3A_373, %get3A_374] {strides = array<i32>} : memref<100x128xf32, #tpu.memory_space<vmem>>, vector<1x16xf32>,
        %get3A_376 = vector.shape_cast %get3A_375 : vector<1x16xf32> to vector<16xf32>
        %get3A_377 = arith.index_cast %scan3A_349 : i32 to index
        %get3A_378 = arith.constant 16 : index
        %get3A_379 = tpu.vector_load %arg16[%get3A_377, %get3A_378] {strides = array<i32>} : memref<100x128xf32, #tpu.memory_space<vmem>>, vector<1x16xf32>,
        %get3A_380 = vector.shape_cast %get3A_379 : vector<1x16xf32> to vector<16xf32>
        %add3A_381 = arith.addf %get3A_376, %get3A_380 : vector<16xf32>
        %get3A_382 = arith.index_cast %scan3A_349 : i32 to index
        %get3A_383 = arith.constant 16 : index
        %get3A_384 = tpu.vector_load %arg17[%get3A_382, %get3A_383] {strides = array<i32>} : memref<100x128xf32, #tpu.memory_space<vmem>>, vector<1x16xf32>,
        %get3A_385 = vector.shape_cast %get3A_384 : vector<1x16xf32> to vector<16xf32>
        %add3A_386 = arith.addf %add3A_381, %get3A_385 : vector<16xf32>
        %mul3A_387 = arith.mulf %scan3A_351, %add3A_386 : vector<16xf32>
        %get3A_388 = arith.index_cast %scan3A_349 : i32 to index
        %get3A_389 = arith.constant 32 : index
        %get3A_390 = tpu.vector_load %arg15[%get3A_388, %get3A_389] {strides = array<i32>} : memref<100x128xf32, #tpu.memory_space<vmem>>, vector<1x16xf32>,
        %get3A_391 = vector.shape_cast %get3A_390 : vector<1x16xf32> to vector<16xf32>
        %get3A_392 = arith.index_cast %scan3A_349 : i32 to index
        %get3A_393 = arith.constant 32 : index
        %get3A_394 = tpu.vector_load %arg16[%get3A_392, %get3A_393] {strides = array<i32>} : memref<100x128xf32, #tpu.memory_space<vmem>>, vector<1x16xf32>,
        %get3A_395 = vector.shape_cast %get3A_394 : vector<1x16xf32> to vector<16xf32>
        %add3A_396 = arith.addf %get3A_391, %get3A_395 : vector<16xf32>
        %get3A_397 = arith.index_cast %scan3A_349 : i32 to index
        %get3A_398 = arith.constant 32 : index
        %get3A_399 = tpu.vector_load %arg17[%get3A_397, %get3A_398] {strides = array<i32>} : memref<100x128xf32, #tpu.memory_space<vmem>>, vector<1x16xf32>,
        %get3A_400 = vector.shape_cast %get3A_399 : vector<1x16xf32> to vector<16xf32>
        %add3A_401 = arith.addf %add3A_396, %get3A_400 : vector<16xf32>
        %mul3A_402 = arith.mulf %scan3A_352, %add3A_401 : vector<16xf32>
        %get3A_403 = arith.index_cast %scan3A_349 : i32 to index
        %get3A_404 = arith.constant 48 : index
        %get3A_405 = tpu.vector_load %arg15[%get3A_403, %get3A_404] {strides = array<i32>} : memref<100x128xf32, #tpu.memory_space<vmem>>, vector<1x16xf32>,
        %get3A_406 = vector.shape_cast %get3A_405 : vector<1x16xf32> to vector<16xf32>
        %get3A_407 = arith.index_cast %scan3A_349 : i32 to index
        %get3A_408 = arith.constant 48 : index
        %get3A_409 = tpu.vector_load %arg16[%get3A_407, %get3A_408] {strides = array<i32>} : memref<100x128xf32, #tpu.memory_space<vmem>>, vector<1x16xf32>,
        %get3A_410 = vector.shape_cast %get3A_409 : vector<1x16xf32> to vector<16xf32>
        %add3A_411 = arith.addf %get3A_406, %get3A_410 : vector<16xf32>
        %get3A_412 = arith.index_cast %scan3A_349 : i32 to index
        %get3A_413 = arith.constant 48 : index
        %get3A_414 = tpu.vector_load %arg17[%get3A_412, %get3A_413] {strides = array<i32>} : memref<100x128xf32, #tpu.memory_space<vmem>>, vector<1x16xf32>,
        %get3A_415 = vector.shape_cast %get3A_414 : vector<1x16xf32> to vector<16xf32>
        %add3A_416 = arith.addf %add3A_411, %get3A_415 : vector<16xf32>
        %mul3A_417 = arith.mulf %scan3A_353, %add3A_416 : vector<16xf32>
        %get3A_418 = arith.index_cast %scan3A_349 : i32 to index
        %get3A_419 = arith.constant 64 : index
        %get3A_420 = tpu.vector_load %arg15[%get3A_418, %get3A_419] {strides = array<i32>} : memref<100x128xf32, #tpu.memory_space<vmem>>, vector<1x16xf32>,
        %get3A_421 = vector.shape_cast %get3A_420 : vector<1x16xf32> to vector<16xf32>
        %get3A_422 = arith.index_cast %scan3A_349 : i32 to index
        %get3A_423 = arith.constant 64 : index
        %get3A_424 = tpu.vector_load %arg16[%get3A_422, %get3A_423] {strides = array<i32>} : memref<100x128xf32, #tpu.memory_space<vmem>>, vector<1x16xf32>,
        %get3A_425 = vector.shape_cast %get3A_424 : vector<1x16xf32> to vector<16xf32>
        %add3A_426 = arith.addf %get3A_421, %get3A_425 : vector<16xf32>
        %get3A_427 = arith.index_cast %scan3A_349 : i32 to index
        %get3A_428 = arith.constant 64 : index
        %get3A_429 = tpu.vector_load %arg17[%get3A_427, %get3A_428] {strides = array<i32>} : memref<100x128xf32, #tpu.memory_space<vmem>>, vector<1x16xf32>,
        %get3A_430 = vector.shape_cast %get3A_429 : vector<1x16xf32> to vector<16xf32>
        %add3A_431 = arith.addf %add3A_426, %get3A_430 : vector<16xf32>
        %mul3A_432 = arith.mulf %scan3A_354, %add3A_431 : vector<16xf32>
        %get3A_433 = arith.index_cast %scan3A_349 : i32 to index
        %get3A_434 = arith.constant 80 : index
        %get3A_435 = tpu.vector_load %arg15[%get3A_433, %get3A_434] {strides = array<i32>} : memref<100x128xf32, #tpu.memory_space<vmem>>, vector<1x16xf32>,
        %get3A_436 = vector.shape_cast %get3A_435 : vector<1x16xf32> to vector<16xf32>
        %get3A_437 = arith.index_cast %scan3A_349 : i32 to index
        %get3A_438 = arith.constant 80 : index
        %get3A_439 = tpu.vector_load %arg16[%get3A_437, %get3A_438] {strides = array<i32>} : memref<100x128xf32, #tpu.memory_space<vmem>>, vector<1x16xf32>,
        %get3A_440 = vector.shape_cast %get3A_439 : vector<1x16xf32> to vector<16xf32>
        %add3A_441 = arith.addf %get3A_436, %get3A_440 : vector<16xf32>
        %get3A_442 = arith.index_cast %scan3A_349 : i32 to index
        %get3A_443 = arith.constant 80 : index
        %get3A_444 = tpu.vector_load %arg17[%get3A_442, %get3A_443] {strides = array<i32>} : memref<100x128xf32, #tpu.memory_space<vmem>>, vector<1x16xf32>,
        %get3A_445 = vector.shape_cast %get3A_444 : vector<1x16xf32> to vector<16xf32>
        %add3A_446 = arith.addf %add3A_441, %get3A_445 : vector<16xf32>
        %mul3A_447 = arith.mulf %scan3A_355, %add3A_446 : vector<16xf32>
        %get3A_448 = arith.index_cast %scan3A_349 : i32 to index
        %get3A_449 = arith.constant 96 : index
        %get3A_450 = tpu.vector_load %arg15[%get3A_448, %get3A_449] {strides = array<i32>} : memref<100x128xf32, #tpu.memory_space<vmem>>, vector<1x16xf32>,
        %get3A_451 = vector.shape_cast %get3A_450 : vector<1x16xf32> to vector<16xf32>
        %get3A_452 = arith.index_cast %scan3A_349 : i32 to index
        %get3A_453 = arith.constant 96 : index
        %get3A_454 = tpu.vector_load %arg16[%get3A_452, %get3A_453] {strides = array<i32>} : memref<100x128xf32, #tpu.memory_space<vmem>>, vector<1x16xf32>,
        %get3A_455 = vector.shape_cast %get3A_454 : vector<1x16xf32> to vector<16xf32>
        %add3A_456 = arith.addf %get3A_451, %get3A_455 : vector<16xf32>
        %get3A_457 = arith.index_cast %scan3A_349 : i32 to index
        %get3A_458 = arith.constant 96 : index
        %get3A_459 = tpu.vector_load %arg17[%get3A_457, %get3A_458] {strides = array<i32>} : memref<100x128xf32, #tpu.memory_space<vmem>>, vector<1x16xf32>,
        %get3A_460 = vector.shape_cast %get3A_459 : vector<1x16xf32> to vector<16xf32>
        %add3A_461 = arith.addf %add3A_456, %get3A_460 : vector<16xf32>
        %mul3A_462 = arith.mulf %scan3A_356, %add3A_461 : vector<16xf32>
        %get3A_463 = arith.index_cast %scan3A_349 : i32 to index
        %get3A_464 = arith.constant 112 : index
        %get3A_465 = tpu.vector_load %arg15[%get3A_463, %get3A_464] {strides = array<i32>} : memref<100x128xf32, #tpu.memory_space<vmem>>, vector<1x16xf32>,
        %get3A_466 = vector.shape_cast %get3A_465 : vector<1x16xf32> to vector<16xf32>
        %get3A_467 = arith.index_cast %scan3A_349 : i32 to index
        %get3A_468 = arith.constant 112 : index
        %get3A_469 = tpu.vector_load %arg16[%get3A_467, %get3A_468] {strides = array<i32>} : memref<100x128xf32, #tpu.memory_space<vmem>>, vector<1x16xf32>,
        %get3A_470 = vector.shape_cast %get3A_469 : vector<1x16xf32> to vector<16xf32>
        %add3A_471 = arith.addf %get3A_466, %get3A_470 : vector<16xf32>
        %get3A_472 = arith.index_cast %scan3A_349 : i32 to index
        %get3A_473 = arith.constant 112 : index
        %get3A_474 = tpu.vector_load %arg17[%get3A_472, %get3A_473] {strides = array<i32>} : memref<100x128xf32, #tpu.memory_space<vmem>>, vector<1x16xf32>,
        %get3A_475 = vector.shape_cast %get3A_474 : vector<1x16xf32> to vector<16xf32>
        %add3A_476 = arith.addf %add3A_471, %get3A_475 : vector<16xf32>
        %mul3A_477 = arith.mulf %scan3A_357, %add3A_476 : vector<16xf32>
        scf.yield %mul3A_372, %mul3A_387, %mul3A_402, %mul3A_417, %mul3A_432, %mul3A_447, %mul3A_462, %mul3A_477 : vector<16xf32>, vector<16xf32>, vector<16xf32>, vector<16xf32>, vector<16xf32>, vector<16xf32>, vector<16xf32>, vector<16xf32>
      }
      %scan3A_300 = arith.constant 100 : i32
      %swap3A_301 = arith.constant 0 : i32
      %swap3A_302 = arith.index_cast %swap3A_301 : i32 to index
      %swap3A_303 = arith.constant 0 : index
      %swap3A_304 = tpu.vector_load %arg18[%swap3A_302, %swap3A_303] {strides = array<i32>} : memref<1x128xf32, #tpu.memory_space<vmem>>, vector<1x16xf32>,
      %swap3A_305 = vector.shape_cast %swap3A_304 : vector<1x16xf32> to vector<16xf32>
      %swap3A_306 = vector.shape_cast %scan3A_299#0 : vector<16xf32> to vector<1x16xf32>
      tpu.vector_store %arg18[%swap3A_302, %swap3A_303], %swap3A_306 {strides = array<i32>} : memref<1x128xf32, #tpu.memory_space<vmem>>, vector<1x16xf32>,
      %swap3A_307 = arith.constant 0 : i32
      %swap3A_308 = arith.index_cast %swap3A_307 : i32 to index
      %swap3A_309 = arith.constant 16 : index
      %swap3A_310 = tpu.vector_load %arg18[%swap3A_308, %swap3A_309] {strides = array<i32>} : memref<1x128xf32, #tpu.memory_space<vmem>>, vector<1x16xf32>,
      %swap3A_311 = vector.shape_cast %swap3A_310 : vector<1x16xf32> to vector<16xf32>
      %swap3A_312 = vector.shape_cast %scan3A_299#1 : vector<16xf32> to vector<1x16xf32>
      tpu.vector_store %arg18[%swap3A_308, %swap3A_309], %swap3A_312 {strides = array<i32>} : memref<1x128xf32, #tpu.memory_space<vmem>>, vector<1x16xf32>,
      %swap3A_313 = arith.constant 0 : i32
      %swap3A_314 = arith.index_cast %swap3A_313 : i32 to index
      %swap3A_315 = arith.constant 32 : index
      %swap3A_316 = tpu.vector_load %arg18[%swap3A_314, %swap3A_315] {strides = array<i32>} : memref<1x128xf32, #tpu.memory_space<vmem>>, vector<1x16xf32>,
      %swap3A_317 = vector.shape_cast %swap3A_316 : vector<1x16xf32> to vector<16xf32>
      %swap3A_318 = vector.shape_cast %scan3A_299#2 : vector<16xf32> to vector<1x16xf32>
      tpu.vector_store %arg18[%swap3A_314, %swap3A_315], %swap3A_318 {strides = array<i32>} : memref<1x128xf32, #tpu.memory_space<vmem>>, vector<1x16xf32>,
      %swap3A_319 = arith.constant 0 : i32
      %swap3A_320 = arith.index_cast %swap3A_319 : i32 to index
      %swap3A_321 = arith.constant 48 : index
      %swap3A_322 = tpu.vector_load %arg18[%swap3A_320, %swap3A_321] {strides = array<i32>} : memref<1x128xf32, #tpu.memory_space<vmem>>, vector<1x16xf32>,
      %swap3A_323 = vector.shape_cast %swap3A_322 : vector<1x16xf32> to vector<16xf32>
      %swap3A_324 = vector.shape_cast %scan3A_299#3 : vector<16xf32> to vector<1x16xf32>
      tpu.vector_store %arg18[%swap3A_320, %swap3A_321], %swap3A_324 {strides = array<i32>} : memref<1x128xf32, #tpu.memory_space<vmem>>, vector<1x16xf32>,
      %swap3A_325 = arith.constant 0 : i32
      %swap3A_326 = arith.index_cast %swap3A_325 : i32 to index
      %swap3A_327 = arith.constant 64 : index
      %swap3A_328 = tpu.vector_load %arg18[%swap3A_326, %swap3A_327] {strides = array<i32>} : memref<1x128xf32, #tpu.memory_space<vmem>>, vector<1x16xf32>,
      %swap3A_329 = vector.shape_cast %swap3A_328 : vector<1x16xf32> to vector<16xf32>
      %swap3A_330 = vector.shape_cast %scan3A_299#4 : vector<16xf32> to vector<1x16xf32>
      tpu.vector_store %arg18[%swap3A_326, %swap3A_327], %swap3A_330 {strides = array<i32>} : memref<1x128xf32, #tpu.memory_space<vmem>>, vector<1x16xf32>,
      %swap3A_331 = arith.constant 0 : i32
      %swap3A_332 = arith.index_cast %swap3A_331 : i32 to index
      %swap3A_333 = arith.constant 80 : index
      %swap3A_334 = tpu.vector_load %arg18[%swap3A_332, %swap3A_333] {strides = array<i32>} : memref<1x128xf32, #tpu.memory_space<vmem>>, vector<1x16xf32>,
      %swap3A_335 = vector.shape_cast %swap3A_334 : vector<1x16xf32> to vector<16xf32>
      %swap3A_336 = vector.shape_cast %scan3A_299#5 : vector<16xf32> to vector<1x16xf32>
      tpu.vector_store %arg18[%swap3A_332, %swap3A_333], %swap3A_336 {strides = array<i32>} : memref<1x128xf32, #tpu.memory_space<vmem>>, vector<1x16xf32>,
      %swap3A_337 = arith.constant 0 : i32
      %swap3A_338 = arith.index_cast %swap3A_337 : i32 to index
      %swap3A_339 = arith.constant 96 : index
      %swap3A_340 = tpu.vector_load %arg18[%swap3A_338, %swap3A_339] {strides = array<i32>} : memref<1x128xf32, #tpu.memory_space<vmem>>, vector<1x16xf32>,
      %swap3A_341 = vector.shape_cast %swap3A_340 : vector<1x16xf32> to vector<16xf32>
      %swap3A_342 = vector.shape_cast %scan3A_299#6 : vector<16xf32> to vector<1x16xf32>
      tpu.vector_store %arg18[%swap3A_338, %swap3A_339], %swap3A_342 {strides = array<i32>} : memref<1x128xf32, #tpu.memory_space<vmem>>, vector<1x16xf32>,
      %swap3A_343 = arith.constant 0 : i32
      %swap3A_344 = arith.index_cast %swap3A_343 : i32 to index
      %swap3A_345 = arith.constant 112 : index
      %swap3A_346 = tpu.vector_load %arg18[%swap3A_344, %swap3A_345] {strides = array<i32>} : memref<1x128xf32, #tpu.memory_space<vmem>>, vector<1x16xf32>,
      %swap3A_347 = vector.shape_cast %swap3A_346 : vector<1x16xf32> to vector<16xf32>
      %swap3A_348 = vector.shape_cast %scan3A_299#7 : vector<16xf32> to vector<1x16xf32>
      tpu.vector_store %arg18[%swap3A_344, %swap3A_345], %swap3A_348 {strides = array<i32>} : memref<1x128xf32, #tpu.memory_space<vmem>>, vector<1x16xf32>,
      "tpu.region"() ({
        %run_scoped3A = tpu.sem_alloc : memref<!tpu.dma_semaphore, #tpu.memory_space<semaphore_mem>>
        %dma_start3A = arith.constant 0 : i32
        %dma_start3A_349 = tpu.memref_slice %arg7[%add3A_256, %dma_start3A] : memref<79x128xf32, #tpu.memory_space<hbm>> -> memref<1x128xf32, #tpu.memory_space<hbm>>
        %dma_start3A_350 = arith.constant 0 : i32
        %dma_start3A_351 = tpu.memref_slice %arg7[%add3A_256, %dma_start3A_350] : memref<79x128xf32, #tpu.memory_space<hbm>> -> memref<1x128xf32, #tpu.memory_space<hbm>>
        tpu.enqueue_dma source(%arg18 : memref<1x128xf32, #tpu.memory_space<vmem>>) target(%dma_start3A_351 : memref<1x128xf32, #tpu.memory_space<hbm>>) target_semaphore(%run_scoped3A : memref<!tpu.dma_semaphore, #tpu.memory_space<semaphore_mem>>)
        %dma_wait3A_352 = arith.constant 0 : i32
        %dma_wait3A_353 = tpu.memref_slice %arg7[%add3A_256, %dma_wait3A_352] : memref<79x128xf32, #tpu.memory_space<hbm>> -> memref<1x128xf32, #tpu.memory_space<hbm>>
        %dma_wait3A_354 = arith.constant 0 : i32
        %dma_wait3A_355 = tpu.memref_slice %arg7[%add3A_256, %dma_wait3A_354] : memref<79x128xf32, #tpu.memory_space<hbm>> -> memref<1x128xf32, #tpu.memory_space<hbm>>
        tpu.wait_dma2 semaphore(%run_scoped3A : memref<!tpu.dma_semaphore, #tpu.memory_space<semaphore_mem>>) src(%arg18 : memref<1x128xf32, #tpu.memory_space<vmem>>) dst(%dma_wait3A_355 : memref<1x128xf32, #tpu.memory_space<hbm>>)
        tpu.yield
      }) : () -> ()
    } else {
    }
    %add3A_261 = arith.constant 2 : i32
    %add3A_262 = arith.addi %select_n3A, %add3A_261 : i32
    %lt3A_263 = arith.cmpi slt, %add3A_262, %select_n3A_46 : i32
    %convert_element_type3A_264 = arith.extui %lt3A_263 : i1 to i32
    %cond3A_265 = arith.constant 0 : i32
    %cond3A_266 = arith.cmpi ne, %convert_element_type3A_264, %cond3A_265 : i32
    scf.if %cond3A_266 {
      %dma_wait3A = arith.constant 0 : i32
      %dma_wait3A_267 = tpu.memref_slice %arg9[%dma_wait3A] : memref<112xi32, #tpu.memory_space<vmem>> -> memref<100xi32, #tpu.memory_space<vmem>>
      %dma_wait3A_268 = arith.constant 0 : i32
      %dma_wait3A_269 = arith.constant 0 : i32
      %dma_wait3A_270 = tpu.memref_slice %arg3[%dma_wait3A_268, %dma_wait3A_269] : memref<1000x10000xf32, #tpu.memory_space<hbm>> -> memref<1000x128xf32, #tpu.memory_space<hbm>>
      tpu.wait_indirect_dma semaphore(%arg19 : memref<!tpu.dma_semaphore, #tpu.memory_space<semaphore_mem>>) src(%dma_wait3A_270 : memref<1000x128xf32, #tpu.memory_space<hbm>>) dst(%arg12 : memref<100x128xf32, #tpu.memory_space<vmem>>)
      %dma_wait3A_271 = arith.constant 0 : i32
      %dma_wait3A_272 = tpu.memref_slice %arg9[%dma_wait3A_271] : memref<112xi32, #tpu.memory_space<vmem>> -> memref<100xi32, #tpu.memory_space<vmem>>
      %dma_wait3A_273 = arith.constant 0 : i32
      %dma_wait3A_274 = arith.constant 0 : i32
      %dma_wait3A_275 = tpu.memref_slice %arg3[%dma_wait3A_273, %dma_wait3A_274] : memref<1000x10000xf32, #tpu.memory_space<hbm>> -> memref<1000x128xf32, #tpu.memory_space<hbm>>
      tpu.wait_indirect_dma semaphore(%arg19 : memref<!tpu.dma_semaphore, #tpu.memory_space<semaphore_mem>>) src(%dma_wait3A_275 : memref<1000x128xf32, #tpu.memory_space<hbm>>) dst(%arg13 : memref<100x128xf32, #tpu.memory_space<vmem>>)
      %dma_wait3A_276 = arith.constant 0 : i32
      %dma_wait3A_277 = tpu.memref_slice %arg9[%dma_wait3A_276] : memref<112xi32, #tpu.memory_space<vmem>> -> memref<100xi32, #tpu.memory_space<vmem>>
      %dma_wait3A_278 = arith.constant 0 : i32
      %dma_wait3A_279 = arith.constant 0 : i32
      %dma_wait3A_280 = tpu.memref_slice %arg3[%dma_wait3A_278, %dma_wait3A_279] : memref<1000x10000xf32, #tpu.memory_space<hbm>> -> memref<1000x128xf32, #tpu.memory_space<hbm>>
      tpu.wait_indirect_dma semaphore(%arg19 : memref<!tpu.dma_semaphore, #tpu.memory_space<semaphore_mem>>) src(%dma_wait3A_280 : memref<1000x128xf32, #tpu.memory_space<hbm>>) dst(%arg14 : memref<100x128xf32, #tpu.memory_space<vmem>>)
      %broadcast_in_dim3A = arith.constant 1.000000e+00 : f32
      %broadcast_in_dim3A_281 = vector.broadcast %broadcast_in_dim3A : f32 to vector<16xf32>
      %broadcast_in_dim3A_282 = arith.constant 1.000000e+00 : f32
      %broadcast_in_dim3A_283 = vector.broadcast %broadcast_in_dim3A_282 : f32 to vector<16xf32>
      %broadcast_in_dim3A_284 = arith.constant 1.000000e+00 : f32
      %broadcast_in_dim3A_285 = vector.broadcast %broadcast_in_dim3A_284 : f32 to vector<16xf32>
      %broadcast_in_dim3A_286 = arith.constant 1.000000e+00 : f32
      %broadcast_in_dim3A_287 = vector.broadcast %broadcast_in_dim3A_286 : f32 to vector<16xf32>
      %broadcast_in_dim3A_288 = arith.constant 1.000000e+00 : f32
      %broadcast_in_dim3A_289 = vector.broadcast %broadcast_in_dim3A_288 : f32 to vector<16xf32>
      %broadcast_in_dim3A_290 = arith.constant 1.000000e+00 : f32
      %broadcast_in_dim3A_291 = vector.broadcast %broadcast_in_dim3A_290 : f32 to vector<16xf32>
      %broadcast_in_dim3A_292 = arith.constant 1.000000e+00 : f32
      %broadcast_in_dim3A_293 = vector.broadcast %broadcast_in_dim3A_292 : f32 to vector<16xf32>
      %broadcast_in_dim3A_294 = arith.constant 1.000000e+00 : f32
      %broadcast_in_dim3A_295 = vector.broadcast %broadcast_in_dim3A_294 : f32 to vector<16xf32>
      %scan3A = arith.constant 0 : i32
      %scan3A_296 = arith.constant 100 : i32
      %scan3A_297 = arith.addi %scan3A, %scan3A_296 : i32
      %scan3A_298 = arith.constant 1 : i32
      %scan3A_299:8 = scf.for %scan3A_349 = %scan3A to %scan3A_297 step %scan3A_298 iter_args(%scan3A_350 = %broadcast_in_dim3A_281, %scan3A_351 = %broadcast_in_dim3A_283, %scan3A_352 = %broadcast_in_dim3A_285, %scan3A_353 = %broadcast_in_dim3A_287, %scan3A_354 = %broadcast_in_dim3A_289, %scan3A_355 = %broadcast_in_dim3A_291, %scan3A_356 = %broadcast_in_dim3A_293, %scan3A_357 = %broadcast_in_dim3A_295) -> (vector<16xf32>, vector<16xf32>, vector<16xf32>, vector<16xf32>, vector<16xf32>, vector<16xf32>, vector<16xf32>, vector<16xf32>)  : i32 {
        %get3A_358 = arith.index_cast %scan3A_349 : i32 to index
        %get3A_359 = arith.constant 0 : index
        %get3A_360 = tpu.vector_load %arg12[%get3A_358, %get3A_359] {strides = array<i32>} : memref<100x128xf32, #tpu.memory_space<vmem>>, vector<1x16xf32>,
        %get3A_361 = vector.shape_cast %get3A_360 : vector<1x16xf32> to vector<16xf32>
        %get3A_362 = arith.index_cast %scan3A_349 : i32 to index
        %get3A_363 = arith.constant 0 : index
        %get3A_364 = tpu.vector_load %arg13[%get3A_362, %get3A_363] {strides = array<i32>} : memref<100x128xf32, #tpu.memory_space<vmem>>, vector<1x16xf32>,
        %get3A_365 = vector.shape_cast %get3A_364 : vector<1x16xf32> to vector<16xf32>
        %add3A_366 = arith.addf %get3A_361, %get3A_365 : vector<16xf32>
        %get3A_367 = arith.index_cast %scan3A_349 : i32 to index
        %get3A_368 = arith.constant 0 : index
        %get3A_369 = tpu.vector_load %arg14[%get3A_367, %get3A_368] {strides = array<i32>} : memref<100x128xf32, #tpu.memory_space<vmem>>, vector<1x16xf32>,
        %get3A_370 = vector.shape_cast %get3A_369 : vector<1x16xf32> to vector<16xf32>
        %add3A_371 = arith.addf %add3A_366, %get3A_370 : vector<16xf32>
        %mul3A_372 = arith.mulf %scan3A_350, %add3A_371 : vector<16xf32>
        %get3A_373 = arith.index_cast %scan3A_349 : i32 to index
        %get3A_374 = arith.constant 16 : index
        %get3A_375 = tpu.vector_load %arg12[%get3A_373, %get3A_374] {strides = array<i32>} : memref<100x128xf32, #tpu.memory_space<vmem>>, vector<1x16xf32>,
        %get3A_376 = vector.shape_cast %get3A_375 : vector<1x16xf32> to vector<16xf32>
        %get3A_377 = arith.index_cast %scan3A_349 : i32 to index
        %get3A_378 = arith.constant 16 : index
        %get3A_379 = tpu.vector_load %arg13[%get3A_377, %get3A_378] {strides = array<i32>} : memref<100x128xf32, #tpu.memory_space<vmem>>, vector<1x16xf32>,
        %get3A_380 = vector.shape_cast %get3A_379 : vector<1x16xf32> to vector<16xf32>
        %add3A_381 = arith.addf %get3A_376, %get3A_380 : vector<16xf32>
        %get3A_382 = arith.index_cast %scan3A_349 : i32 to index
        %get3A_383 = arith.constant 16 : index
        %get3A_384 = tpu.vector_load %arg14[%get3A_382, %get3A_383] {strides = array<i32>} : memref<100x128xf32, #tpu.memory_space<vmem>>, vector<1x16xf32>,
        %get3A_385 = vector.shape_cast %get3A_384 : vector<1x16xf32> to vector<16xf32>
        %add3A_386 = arith.addf %add3A_381, %get3A_385 : vector<16xf32>
        %mul3A_387 = arith.mulf %scan3A_351, %add3A_386 : vector<16xf32>
        %get3A_388 = arith.index_cast %scan3A_349 : i32 to index
        %get3A_389 = arith.constant 32 : index
        %get3A_390 = tpu.vector_load %arg12[%get3A_388, %get3A_389] {strides = array<i32>} : memref<100x128xf32, #tpu.memory_space<vmem>>, vector<1x16xf32>,
        %get3A_391 = vector.shape_cast %get3A_390 : vector<1x16xf32> to vector<16xf32>
        %get3A_392 = arith.index_cast %scan3A_349 : i32 to index
        %get3A_393 = arith.constant 32 : index
        %get3A_394 = tpu.vector_load %arg13[%get3A_392, %get3A_393] {strides = array<i32>} : memref<100x128xf32, #tpu.memory_space<vmem>>, vector<1x16xf32>,
        %get3A_395 = vector.shape_cast %get3A_394 : vector<1x16xf32> to vector<16xf32>
        %add3A_396 = arith.addf %get3A_391, %get3A_395 : vector<16xf32>
        %get3A_397 = arith.index_cast %scan3A_349 : i32 to index
        %get3A_398 = arith.constant 32 : index
        %get3A_399 = tpu.vector_load %arg14[%get3A_397, %get3A_398] {strides = array<i32>} : memref<100x128xf32, #tpu.memory_space<vmem>>, vector<1x16xf32>,
        %get3A_400 = vector.shape_cast %get3A_399 : vector<1x16xf32> to vector<16xf32>
        %add3A_401 = arith.addf %add3A_396, %get3A_400 : vector<16xf32>
        %mul3A_402 = arith.mulf %scan3A_352, %add3A_401 : vector<16xf32>
        %get3A_403 = arith.index_cast %scan3A_349 : i32 to index
        %get3A_404 = arith.constant 48 : index
        %get3A_405 = tpu.vector_load %arg12[%get3A_403, %get3A_404] {strides = array<i32>} : memref<100x128xf32, #tpu.memory_space<vmem>>, vector<1x16xf32>,
        %get3A_406 = vector.shape_cast %get3A_405 : vector<1x16xf32> to vector<16xf32>
        %get3A_407 = arith.index_cast %scan3A_349 : i32 to index
        %get3A_408 = arith.constant 48 : index
        %get3A_409 = tpu.vector_load %arg13[%get3A_407, %get3A_408] {strides = array<i32>} : memref<100x128xf32, #tpu.memory_space<vmem>>, vector<1x16xf32>,
        %get3A_410 = vector.shape_cast %get3A_409 : vector<1x16xf32> to vector<16xf32>
        %add3A_411 = arith.addf %get3A_406, %get3A_410 : vector<16xf32>
        %get3A_412 = arith.index_cast %scan3A_349 : i32 to index
        %get3A_413 = arith.constant 48 : index
        %get3A_414 = tpu.vector_load %arg14[%get3A_412, %get3A_413] {strides = array<i32>} : memref<100x128xf32, #tpu.memory_space<vmem>>, vector<1x16xf32>,
        %get3A_415 = vector.shape_cast %get3A_414 : vector<1x16xf32> to vector<16xf32>
        %add3A_416 = arith.addf %add3A_411, %get3A_415 : vector<16xf32>
        %mul3A_417 = arith.mulf %scan3A_353, %add3A_416 : vector<16xf32>
        %get3A_418 = arith.index_cast %scan3A_349 : i32 to index
        %get3A_419 = arith.constant 64 : index
        %get3A_420 = tpu.vector_load %arg12[%get3A_418, %get3A_419] {strides = array<i32>} : memref<100x128xf32, #tpu.memory_space<vmem>>, vector<1x16xf32>,
        %get3A_421 = vector.shape_cast %get3A_420 : vector<1x16xf32> to vector<16xf32>
        %get3A_422 = arith.index_cast %scan3A_349 : i32 to index
        %get3A_423 = arith.constant 64 : index
        %get3A_424 = tpu.vector_load %arg13[%get3A_422, %get3A_423] {strides = array<i32>} : memref<100x128xf32, #tpu.memory_space<vmem>>, vector<1x16xf32>,
        %get3A_425 = vector.shape_cast %get3A_424 : vector<1x16xf32> to vector<16xf32>
        %add3A_426 = arith.addf %get3A_421, %get3A_425 : vector<16xf32>
        %get3A_427 = arith.index_cast %scan3A_349 : i32 to index
        %get3A_428 = arith.constant 64 : index
        %get3A_429 = tpu.vector_load %arg14[%get3A_427, %get3A_428] {strides = array<i32>} : memref<100x128xf32, #tpu.memory_space<vmem>>, vector<1x16xf32>,
        %get3A_430 = vector.shape_cast %get3A_429 : vector<1x16xf32> to vector<16xf32>
        %add3A_431 = arith.addf %add3A_426, %get3A_430 : vector<16xf32>
        %mul3A_432 = arith.mulf %scan3A_354, %add3A_431 : vector<16xf32>
        %get3A_433 = arith.index_cast %scan3A_349 : i32 to index
        %get3A_434 = arith.constant 80 : index
        %get3A_435 = tpu.vector_load %arg12[%get3A_433, %get3A_434] {strides = array<i32>} : memref<100x128xf32, #tpu.memory_space<vmem>>, vector<1x16xf32>,
        %get3A_436 = vector.shape_cast %get3A_435 : vector<1x16xf32> to vector<16xf32>
        %get3A_437 = arith.index_cast %scan3A_349 : i32 to index
        %get3A_438 = arith.constant 80 : index
        %get3A_439 = tpu.vector_load %arg13[%get3A_437, %get3A_438] {strides = array<i32>} : memref<100x128xf32, #tpu.memory_space<vmem>>, vector<1x16xf32>,
        %get3A_440 = vector.shape_cast %get3A_439 : vector<1x16xf32> to vector<16xf32>
        %add3A_441 = arith.addf %get3A_436, %get3A_440 : vector<16xf32>
        %get3A_442 = arith.index_cast %scan3A_349 : i32 to index
        %get3A_443 = arith.constant 80 : index
        %get3A_444 = tpu.vector_load %arg14[%get3A_442, %get3A_443] {strides = array<i32>} : memref<100x128xf32, #tpu.memory_space<vmem>>, vector<1x16xf32>,
        %get3A_445 = vector.shape_cast %get3A_444 : vector<1x16xf32> to vector<16xf32>
        %add3A_446 = arith.addf %add3A_441, %get3A_445 : vector<16xf32>
        %mul3A_447 = arith.mulf %scan3A_355, %add3A_446 : vector<16xf32>
        %get3A_448 = arith.index_cast %scan3A_349 : i32 to index
        %get3A_449 = arith.constant 96 : index
        %get3A_450 = tpu.vector_load %arg12[%get3A_448, %get3A_449] {strides = array<i32>} : memref<100x128xf32, #tpu.memory_space<vmem>>, vector<1x16xf32>,
        %get3A_451 = vector.shape_cast %get3A_450 : vector<1x16xf32> to vector<16xf32>
        %get3A_452 = arith.index_cast %scan3A_349 : i32 to index
        %get3A_453 = arith.constant 96 : index
        %get3A_454 = tpu.vector_load %arg13[%get3A_452, %get3A_453] {strides = array<i32>} : memref<100x128xf32, #tpu.memory_space<vmem>>, vector<1x16xf32>,
        %get3A_455 = vector.shape_cast %get3A_454 : vector<1x16xf32> to vector<16xf32>
        %add3A_456 = arith.addf %get3A_451, %get3A_455 : vector<16xf32>
        %get3A_457 = arith.index_cast %scan3A_349 : i32 to index
        %get3A_458 = arith.constant 96 : index
        %get3A_459 = tpu.vector_load %arg14[%get3A_457, %get3A_458] {strides = array<i32>} : memref<100x128xf32, #tpu.memory_space<vmem>>, vector<1x16xf32>,
        %get3A_460 = vector.shape_cast %get3A_459 : vector<1x16xf32> to vector<16xf32>
        %add3A_461 = arith.addf %add3A_456, %get3A_460 : vector<16xf32>
        %mul3A_462 = arith.mulf %scan3A_356, %add3A_461 : vector<16xf32>
        %get3A_463 = arith.index_cast %scan3A_349 : i32 to index
        %get3A_464 = arith.constant 112 : index
        %get3A_465 = tpu.vector_load %arg12[%get3A_463, %get3A_464] {strides = array<i32>} : memref<100x128xf32, #tpu.memory_space<vmem>>, vector<1x16xf32>,
        %get3A_466 = vector.shape_cast %get3A_465 : vector<1x16xf32> to vector<16xf32>
        %get3A_467 = arith.index_cast %scan3A_349 : i32 to index
        %get3A_468 = arith.constant 112 : index
        %get3A_469 = tpu.vector_load %arg13[%get3A_467, %get3A_468] {strides = array<i32>} : memref<100x128xf32, #tpu.memory_space<vmem>>, vector<1x16xf32>,
        %get3A_470 = vector.shape_cast %get3A_469 : vector<1x16xf32> to vector<16xf32>
        %add3A_471 = arith.addf %get3A_466, %get3A_470 : vector<16xf32>
        %get3A_472 = arith.index_cast %scan3A_349 : i32 to index
        %get3A_473 = arith.constant 112 : index
        %get3A_474 = tpu.vector_load %arg14[%get3A_472, %get3A_473] {strides = array<i32>} : memref<100x128xf32, #tpu.memory_space<vmem>>, vector<1x16xf32>,
        %get3A_475 = vector.shape_cast %get3A_474 : vector<1x16xf32> to vector<16xf32>
        %add3A_476 = arith.addf %add3A_471, %get3A_475 : vector<16xf32>
        %mul3A_477 = arith.mulf %scan3A_357, %add3A_476 : vector<16xf32>
        scf.yield %mul3A_372, %mul3A_387, %mul3A_402, %mul3A_417, %mul3A_432, %mul3A_447, %mul3A_462, %mul3A_477 : vector<16xf32>, vector<16xf32>, vector<16xf32>, vector<16xf32>, vector<16xf32>, vector<16xf32>, vector<16xf32>, vector<16xf32>
      }
      %scan3A_300 = arith.constant 100 : i32
      %swap3A_301 = arith.constant 0 : i32
      %swap3A_302 = arith.index_cast %swap3A_301 : i32 to index
      %swap3A_303 = arith.constant 0 : index
      %swap3A_304 = tpu.vector_load %arg18[%swap3A_302, %swap3A_303] {strides = array<i32>} : memref<1x128xf32, #tpu.memory_space<vmem>>, vector<1x16xf32>,
      %swap3A_305 = vector.shape_cast %swap3A_304 : vector<1x16xf32> to vector<16xf32>
      %swap3A_306 = vector.shape_cast %scan3A_299#0 : vector<16xf32> to vector<1x16xf32>
      tpu.vector_store %arg18[%swap3A_302, %swap3A_303], %swap3A_306 {strides = array<i32>} : memref<1x128xf32, #tpu.memory_space<vmem>>, vector<1x16xf32>,
      %swap3A_307 = arith.constant 0 : i32
      %swap3A_308 = arith.index_cast %swap3A_307 : i32 to index
      %swap3A_309 = arith.constant 16 : index
      %swap3A_310 = tpu.vector_load %arg18[%swap3A_308, %swap3A_309] {strides = array<i32>} : memref<1x128xf32, #tpu.memory_space<vmem>>, vector<1x16xf32>,
      %swap3A_311 = vector.shape_cast %swap3A_310 : vector<1x16xf32> to vector<16xf32>
      %swap3A_312 = vector.shape_cast %scan3A_299#1 : vector<16xf32> to vector<1x16xf32>
      tpu.vector_store %arg18[%swap3A_308, %swap3A_309], %swap3A_312 {strides = array<i32>} : memref<1x128xf32, #tpu.memory_space<vmem>>, vector<1x16xf32>,
      %swap3A_313 = arith.constant 0 : i32
      %swap3A_314 = arith.index_cast %swap3A_313 : i32 to index
      %swap3A_315 = arith.constant 32 : index
      %swap3A_316 = tpu.vector_load %arg18[%swap3A_314, %swap3A_315] {strides = array<i32>} : memref<1x128xf32, #tpu.memory_space<vmem>>, vector<1x16xf32>,
      %swap3A_317 = vector.shape_cast %swap3A_316 : vector<1x16xf32> to vector<16xf32>
      %swap3A_318 = vector.shape_cast %scan3A_299#2 : vector<16xf32> to vector<1x16xf32>
      tpu.vector_store %arg18[%swap3A_314, %swap3A_315], %swap3A_318 {strides = array<i32>} : memref<1x128xf32, #tpu.memory_space<vmem>>, vector<1x16xf32>,
      %swap3A_319 = arith.constant 0 : i32
      %swap3A_320 = arith.index_cast %swap3A_319 : i32 to index
      %swap3A_321 = arith.constant 48 : index
      %swap3A_322 = tpu.vector_load %arg18[%swap3A_320, %swap3A_321] {strides = array<i32>} : memref<1x128xf32, #tpu.memory_space<vmem>>, vector<1x16xf32>,
      %swap3A_323 = vector.shape_cast %swap3A_322 : vector<1x16xf32> to vector<16xf32>
      %swap3A_324 = vector.shape_cast %scan3A_299#3 : vector<16xf32> to vector<1x16xf32>
      tpu.vector_store %arg18[%swap3A_320, %swap3A_321], %swap3A_324 {strides = array<i32>} : memref<1x128xf32, #tpu.memory_space<vmem>>, vector<1x16xf32>,
      %swap3A_325 = arith.constant 0 : i32
      %swap3A_326 = arith.index_cast %swap3A_325 : i32 to index
      %swap3A_327 = arith.constant 64 : index
      %swap3A_328 = tpu.vector_load %arg18[%swap3A_326, %swap3A_327] {strides = array<i32>} : memref<1x128xf32, #tpu.memory_space<vmem>>, vector<1x16xf32>,
      %swap3A_329 = vector.shape_cast %swap3A_328 : vector<1x16xf32> to vector<16xf32>
      %swap3A_330 = vector.shape_cast %scan3A_299#4 : vector<16xf32> to vector<1x16xf32>
      tpu.vector_store %arg18[%swap3A_326, %swap3A_327], %swap3A_330 {strides = array<i32>} : memref<1x128xf32, #tpu.memory_space<vmem>>, vector<1x16xf32>,
      %swap3A_331 = arith.constant 0 : i32
      %swap3A_332 = arith.index_cast %swap3A_331 : i32 to index
      %swap3A_333 = arith.constant 80 : index
      %swap3A_334 = tpu.vector_load %arg18[%swap3A_332, %swap3A_333] {strides = array<i32>} : memref<1x128xf32, #tpu.memory_space<vmem>>, vector<1x16xf32>,
      %swap3A_335 = vector.shape_cast %swap3A_334 : vector<1x16xf32> to vector<16xf32>
      %swap3A_336 = vector.shape_cast %scan3A_299#5 : vector<16xf32> to vector<1x16xf32>
      tpu.vector_store %arg18[%swap3A_332, %swap3A_333], %swap3A_336 {strides = array<i32>} : memref<1x128xf32, #tpu.memory_space<vmem>>, vector<1x16xf32>,
      %swap3A_337 = arith.constant 0 : i32
      %swap3A_338 = arith.index_cast %swap3A_337 : i32 to index
      %swap3A_339 = arith.constant 96 : index
      %swap3A_340 = tpu.vector_load %arg18[%swap3A_338, %swap3A_339] {strides = array<i32>} : memref<1x128xf32, #tpu.memory_space<vmem>>, vector<1x16xf32>,
      %swap3A_341 = vector.shape_cast %swap3A_340 : vector<1x16xf32> to vector<16xf32>
      %swap3A_342 = vector.shape_cast %scan3A_299#6 : vector<16xf32> to vector<1x16xf32>
      tpu.vector_store %arg18[%swap3A_338, %swap3A_339], %swap3A_342 {strides = array<i32>} : memref<1x128xf32, #tpu.memory_space<vmem>>, vector<1x16xf32>,
      %swap3A_343 = arith.constant 0 : i32
      %swap3A_344 = arith.index_cast %swap3A_343 : i32 to index
      %swap3A_345 = arith.constant 112 : index
      %swap3A_346 = tpu.vector_load %arg18[%swap3A_344, %swap3A_345] {strides = array<i32>} : memref<1x128xf32, #tpu.memory_space<vmem>>, vector<1x16xf32>,
      %swap3A_347 = vector.shape_cast %swap3A_346 : vector<1x16xf32> to vector<16xf32>
      %swap3A_348 = vector.shape_cast %scan3A_299#7 : vector<16xf32> to vector<1x16xf32>
      tpu.vector_store %arg18[%swap3A_344, %swap3A_345], %swap3A_348 {strides = array<i32>} : memref<1x128xf32, #tpu.memory_space<vmem>>, vector<1x16xf32>,
      "tpu.region"() ({
        %run_scoped3A = tpu.sem_alloc : memref<!tpu.dma_semaphore, #tpu.memory_space<semaphore_mem>>
        %dma_start3A = arith.constant 0 : i32
        %dma_start3A_349 = tpu.memref_slice %arg7[%add3A_262, %dma_start3A] : memref<79x128xf32, #tpu.memory_space<hbm>> -> memref<1x128xf32, #tpu.memory_space<hbm>>
        %dma_start3A_350 = arith.constant 0 : i32
        %dma_start3A_351 = tpu.memref_slice %arg7[%add3A_262, %dma_start3A_350] : memref<79x128xf32, #tpu.memory_space<hbm>> -> memref<1x128xf32, #tpu.memory_space<hbm>>
        tpu.enqueue_dma source(%arg18 : memref<1x128xf32, #tpu.memory_space<vmem>>) target(%dma_start3A_351 : memref<1x128xf32, #tpu.memory_space<hbm>>) target_semaphore(%run_scoped3A : memref<!tpu.dma_semaphore, #tpu.memory_space<semaphore_mem>>)
        %dma_wait3A_352 = arith.constant 0 : i32
        %dma_wait3A_353 = tpu.memref_slice %arg7[%add3A_262, %dma_wait3A_352] : memref<79x128xf32, #tpu.memory_space<hbm>> -> memref<1x128xf32, #tpu.memory_space<hbm>>
        %dma_wait3A_354 = arith.constant 0 : i32
        %dma_wait3A_355 = tpu.memref_slice %arg7[%add3A_262, %dma_wait3A_354] : memref<79x128xf32, #tpu.memory_space<hbm>> -> memref<1x128xf32, #tpu.memory_space<hbm>>
        tpu.wait_dma2 semaphore(%run_scoped3A : memref<!tpu.dma_semaphore, #tpu.memory_space<semaphore_mem>>) src(%arg18 : memref<1x128xf32, #tpu.memory_space<vmem>>) dst(%dma_wait3A_355 : memref<1x128xf32, #tpu.memory_space<hbm>>)
        tpu.yield
      }) : () -> ()
    } else {
    }
    return
  }
}

module attributes {stable_mosaic.version = 14 : i64} {
  func.func @_tc_idx_body(%arg0: memref<4x100xf32, #tpu.memory_space<vmem>>, %arg1: memref<8x128xi32, #tpu.memory_space<vmem>>, %arg2: memref<100x1xf32, #tpu.memory_space<vmem>>) attributes {dimension_semantics = [], scalar_prefetch = 0 : i64, scratch_operands = 0 : i64, tpu.core_type = #tpu.core_type<tc>} {
    %broadcast_in_dim3A = arith.constant 0 : i32
    %broadcast_in_dim3A_0 = vector.broadcast %broadcast_in_dim3A : i32 to vector<8x128xi32>
    %swap3A = arith.constant 0 : index
    %swap3A_1 = arith.constant 0 : index
    %swap3A_2 = vector.load %arg1[%swap3A, %swap3A_1] : memref<8x128xi32, #tpu.memory_space<vmem>>, vector<8x128xi32>
    tpu.vector_store %arg1[%swap3A, %swap3A_1], %broadcast_in_dim3A_0 {strides = array<i32>} : memref<8x128xi32, #tpu.memory_space<vmem>>, vector<8x128xi32>,
    %get3A = arith.constant 0 : index
    %get3A_3 = arith.constant 0 : index
    %get3A_4 = vector.load %arg0[%get3A, %get3A_3] : memref<4x100xf32, #tpu.memory_space<vmem>>, vector<1x100xf32>
    %get3A_5 = arith.constant 1 : index
    %get3A_6 = arith.constant 0 : index
    %get3A_7 = vector.load %arg0[%get3A_5, %get3A_6] : memref<4x100xf32, #tpu.memory_space<vmem>>, vector<1x100xf32>
    %jit3A = arith.constant -5.000000e+00 : f32
    %jit3A_8 = arith.constant 5.000000e+00 : f32
    %max3A = vector.broadcast %jit3A : f32 to vector<1x100xf32>
    %max3A_9 = arith.maximumf %max3A, %get3A_7 : vector<1x100xf32>
    %min3A = vector.broadcast %jit3A_8 : f32 to vector<1x100xf32>
    %min3A_10 = arith.minimumf %min3A, %max3A_9 : vector<1x100xf32>
    %get3A_11 = arith.constant 2 : index
    %get3A_12 = arith.constant 0 : index
    %get3A_13 = vector.load %arg0[%get3A_11, %get3A_12] : memref<4x100xf32, #tpu.memory_space<vmem>>, vector<1x100xf32>
    %jit3A_14 = arith.constant -5.000000e+00 : f32
    %jit3A_15 = arith.constant 5.000000e+00 : f32
    %max3A_16 = vector.broadcast %jit3A_14 : f32 to vector<1x100xf32>
    %max3A_17 = arith.maximumf %max3A_16, %get3A_13 : vector<1x100xf32>
    %min3A_18 = vector.broadcast %jit3A_15 : f32 to vector<1x100xf32>
    %min3A_19 = arith.minimumf %min3A_18, %max3A_17 : vector<1x100xf32>
    %get3A_20 = arith.constant 3 : index
    %get3A_21 = arith.constant 0 : index
    %get3A_22 = vector.load %arg0[%get3A_20, %get3A_21] : memref<4x100xf32, #tpu.memory_space<vmem>>, vector<1x100xf32>
    %jit3A_23 = arith.constant -5.000000e+00 : f32
    %jit3A_24 = arith.constant 5.000000e+00 : f32
    %max3A_25 = vector.broadcast %jit3A_23 : f32 to vector<1x100xf32>
    %max3A_26 = arith.maximumf %max3A_25, %get3A_22 : vector<1x100xf32>
    %min3A_27 = vector.broadcast %jit3A_24 : f32 to vector<1x100xf32>
    %min3A_28 = arith.minimumf %min3A_27, %max3A_26 : vector<1x100xf32>
    %sub3A = arith.constant -5.000000e+00 : f32
    %sub3A_29 = vector.broadcast %sub3A : f32 to vector<1x100xf32>
    %sub3A_30 = arith.subf %min3A_10, %sub3A_29 : vector<1x100xf32>
    %div3A = arith.constant 1.000000e+01 : f32
    %div3A_31 = vector.broadcast %div3A : f32 to vector<1x100xf32>
    %div3A_32 = arith.divf %sub3A_30, %div3A_31 : vector<1x100xf32>
    %mul3A = arith.constant 9.990000e+02 : f32
    %mul3A_33 = vector.broadcast %mul3A : f32 to vector<1x100xf32>
    %mul3A_34 = arith.mulf %div3A_32, %mul3A_33 : vector<1x100xf32>
    %round3A = math.roundeven %mul3A_34 : vector<1x100xf32>
    %jit3A_35 = arith.constant 0 : i32
    %jit3A_36 = arith.constant 999 : i32
    %convert_element_type3A = arith.sitofp %jit3A_35 : i32 to f32
    %max3A_37 = vector.broadcast %convert_element_type3A : f32 to vector<1x100xf32>
    %max3A_38 = arith.maximumf %max3A_37, %round3A : vector<1x100xf32>
    %convert_element_type3A_39 = arith.sitofp %jit3A_36 : i32 to f32
    %min3A_40 = vector.broadcast %convert_element_type3A_39 : f32 to vector<1x100xf32>
    %min3A_41 = arith.minimumf %min3A_40, %max3A_38 : vector<1x100xf32>
    %convert_element_type3A_42 = arith.fptosi %min3A_41 : vector<1x100xf32> to vector<1x100xi32>
    %swap3A_43 = arith.constant 0 : index
    %swap3A_44 = arith.constant 0 : index
    %swap3A_45 = vector.load %arg1[%swap3A_43, %swap3A_44] : memref<8x128xi32, #tpu.memory_space<vmem>>, vector<1x100xi32>
    tpu.vector_store %arg1[%swap3A_43, %swap3A_44], %convert_element_type3A_42 {strides = array<i32>} : memref<8x128xi32, #tpu.memory_space<vmem>>, vector<1x100xi32>,
    %sub3A_46 = arith.constant -5.000000e+00 : f32
    %sub3A_47 = vector.broadcast %sub3A_46 : f32 to vector<1x100xf32>
    %sub3A_48 = arith.subf %min3A_19, %sub3A_47 : vector<1x100xf32>
    %div3A_49 = arith.constant 1.000000e+01 : f32
    %div3A_50 = vector.broadcast %div3A_49 : f32 to vector<1x100xf32>
    %div3A_51 = arith.divf %sub3A_48, %div3A_50 : vector<1x100xf32>
    %mul3A_52 = arith.constant 9.990000e+02 : f32
    %mul3A_53 = vector.broadcast %mul3A_52 : f32 to vector<1x100xf32>
    %mul3A_54 = arith.mulf %div3A_51, %mul3A_53 : vector<1x100xf32>
    %round3A_55 = math.roundeven %mul3A_54 : vector<1x100xf32>
    %jit3A_56 = arith.constant 0 : i32
    %jit3A_57 = arith.constant 999 : i32
    %convert_element_type3A_58 = arith.sitofp %jit3A_56 : i32 to f32
    %max3A_59 = vector.broadcast %convert_element_type3A_58 : f32 to vector<1x100xf32>
    %max3A_60 = arith.maximumf %max3A_59, %round3A_55 : vector<1x100xf32>
    %convert_element_type3A_61 = arith.sitofp %jit3A_57 : i32 to f32
    %min3A_62 = vector.broadcast %convert_element_type3A_61 : f32 to vector<1x100xf32>
    %min3A_63 = arith.minimumf %min3A_62, %max3A_60 : vector<1x100xf32>
    %convert_element_type3A_64 = arith.fptosi %min3A_63 : vector<1x100xf32> to vector<1x100xi32>
    %swap3A_65 = arith.constant 1 : index
    %swap3A_66 = arith.constant 0 : index
    %swap3A_67 = vector.load %arg1[%swap3A_65, %swap3A_66] : memref<8x128xi32, #tpu.memory_space<vmem>>, vector<1x100xi32>
    tpu.vector_store %arg1[%swap3A_65, %swap3A_66], %convert_element_type3A_64 {strides = array<i32>} : memref<8x128xi32, #tpu.memory_space<vmem>>, vector<1x100xi32>,
    %sub3A_68 = arith.constant -5.000000e+00 : f32
    %sub3A_69 = vector.broadcast %sub3A_68 : f32 to vector<1x100xf32>
    %sub3A_70 = arith.subf %min3A_28, %sub3A_69 : vector<1x100xf32>
    %div3A_71 = arith.constant 1.000000e+01 : f32
    %div3A_72 = vector.broadcast %div3A_71 : f32 to vector<1x100xf32>
    %div3A_73 = arith.divf %sub3A_70, %div3A_72 : vector<1x100xf32>
    %mul3A_74 = arith.constant 9.990000e+02 : f32
    %mul3A_75 = vector.broadcast %mul3A_74 : f32 to vector<1x100xf32>
    %mul3A_76 = arith.mulf %div3A_73, %mul3A_75 : vector<1x100xf32>
    %round3A_77 = math.roundeven %mul3A_76 : vector<1x100xf32>
    %jit3A_78 = arith.constant 0 : i32
    %jit3A_79 = arith.constant 999 : i32
    %convert_element_type3A_80 = arith.sitofp %jit3A_78 : i32 to f32
    %max3A_81 = vector.broadcast %convert_element_type3A_80 : f32 to vector<1x100xf32>
    %max3A_82 = arith.maximumf %max3A_81, %round3A_77 : vector<1x100xf32>
    %convert_element_type3A_83 = arith.sitofp %jit3A_79 : i32 to f32
    %min3A_84 = vector.broadcast %convert_element_type3A_83 : f32 to vector<1x100xf32>
    %min3A_85 = arith.minimumf %min3A_84, %max3A_82 : vector<1x100xf32>
    %convert_element_type3A_86 = arith.fptosi %min3A_85 : vector<1x100xf32> to vector<1x100xi32>
    %swap3A_87 = arith.constant 2 : index
    %swap3A_88 = arith.constant 0 : index
    %swap3A_89 = vector.load %arg1[%swap3A_87, %swap3A_88] : memref<8x128xi32, #tpu.memory_space<vmem>>, vector<1x100xi32>
    tpu.vector_store %arg1[%swap3A_87, %swap3A_88], %convert_element_type3A_86 {strides = array<i32>} : memref<8x128xi32, #tpu.memory_space<vmem>>, vector<1x100xi32>,
    %sub3A_90 = arith.constant 0.000000e+00 : f32
    %sub3A_91 = vector.broadcast %sub3A_90 : f32 to vector<1x100xf32>
    %sub3A_92 = arith.subf %get3A_4, %sub3A_91 : vector<1x100xf32>
    %div3A_93 = arith.constant 1.000000e+02 : f32
    %div3A_94 = vector.broadcast %div3A_93 : f32 to vector<1x100xf32>
    %div3A_95 = arith.divf %sub3A_92, %div3A_94 : vector<1x100xf32>
    %mul3A_96 = arith.constant 9.900000e+01 : f32
    %mul3A_97 = vector.broadcast %mul3A_96 : f32 to vector<1x100xf32>
    %mul3A_98 = arith.mulf %div3A_95, %mul3A_97 : vector<1x100xf32>
    %round3A_99 = math.roundeven %mul3A_98 : vector<1x100xf32>
    %jit3A_100 = arith.constant 0 : i32
    %jit3A_101 = arith.constant 99 : i32
    %convert_element_type3A_102 = arith.sitofp %jit3A_100 : i32 to f32
    %max3A_103 = vector.broadcast %convert_element_type3A_102 : f32 to vector<1x100xf32>
    %max3A_104 = arith.maximumf %max3A_103, %round3A_99 : vector<1x100xf32>
    %convert_element_type3A_105 = arith.sitofp %jit3A_101 : i32 to f32
    %min3A_106 = vector.broadcast %convert_element_type3A_105 : f32 to vector<1x100xf32>
    %min3A_107 = arith.minimumf %min3A_106, %max3A_104 : vector<1x100xf32>
    %convert_element_type3A_108 = arith.fptosi %min3A_107 : vector<1x100xf32> to vector<1x100xi32>
    %swap3A_109 = arith.constant 3 : index
    %swap3A_110 = arith.constant 0 : index
    %swap3A_111 = vector.load %arg1[%swap3A_109, %swap3A_110] : memref<8x128xi32, #tpu.memory_space<vmem>>, vector<1x100xi32>
    tpu.vector_store %arg1[%swap3A_109, %swap3A_110], %convert_element_type3A_108 {strides = array<i32>} : memref<8x128xi32, #tpu.memory_space<vmem>>, vector<1x100xi32>,
    %iota3A = tpu.iota {dimensions = array<i32: 0>} : vector<100x1xi32>
    %eq3A = vector.broadcast %iota3A : vector<100x1xi32> to vector<100x100xi32>
    %eq3A_112 = vector.broadcast %convert_element_type3A_108 : vector<1x100xi32> to vector<100x100xi32>
    %eq3A_113 = arith.cmpi eq, %eq3A, %eq3A_112 : vector<100x100xi32>
    %convert_element_type3A_114 = arith.extui %eq3A_113 : vector<100x100xi1> to vector<100x100xi32>
    %convert_element_type3A_115 = arith.sitofp %convert_element_type3A_114 : vector<100x100xi32> to vector<100x100xf32>
    %reduce_sum3A = arith.constant dense<0.000000e+00> : vector<100xf32>
    %reduce_sum3A_116 = vector.multi_reduction <add>, %convert_element_type3A_115, %reduce_sum3A [1] : vector<100x100xf32> to vector<100xf32>
    %broadcast_in_dim3A_117 = vector.shape_cast %reduce_sum3A_116 : vector<100xf32> to vector<100x1xf32>
    %convert_element_type3A_118 = arith.fptosi %broadcast_in_dim3A_117 : vector<100x1xf32> to vector<100x1xi32>
    %and3A = arith.constant 1 : i32
    %and3A_119 = vector.broadcast %and3A : i32 to vector<100x1xi32>
    %and3A_120 = arith.andi %convert_element_type3A_118, %and3A_119 : vector<100x1xi32>
    %convert_element_type3A_121 = arith.sitofp %and3A_120 : vector<100x1xi32> to vector<100x1xf32>
    %swap3A_122 = arith.constant 0 : index
    %swap3A_123 = arith.constant 0 : index
    %swap3A_124 = vector.load %arg2[%swap3A_122, %swap3A_123] : memref<100x1xf32, #tpu.memory_space<vmem>>, vector<100x1xf32>
    tpu.vector_store %arg2[%swap3A_122, %swap3A_123], %convert_element_type3A_121 {strides = array<i32>} : memref<100x1xf32, #tpu.memory_space<vmem>>, vector<100x1xf32>,
    return
  }
}

module attributes {stable_mosaic.version = 14 : i64} {
  func.func @_tc_tsign_body(%arg0: memref<100x1xf32, #tpu.memory_space<vmem>>, %arg1: memref<100x10000xf32, #tpu.memory_space<vmem>>, %arg2: memref<1x10000xf32, #tpu.memory_space<vmem>>) attributes {dimension_semantics = [], scalar_prefetch = 0 : i64, scratch_operands = 0 : i64, tpu.core_type = #tpu.core_type<tc>} {
    %get3A = arith.constant 0 : index
    %get3A_0 = arith.constant 0 : index
    %get3A_1 = vector.load %arg1[%get3A, %get3A_0] : memref<100x10000xf32, #tpu.memory_space<vmem>>, vector<100x10000xf32>
    %lt3A = arith.constant 0.000000e+00 : f32
    %lt3A_2 = vector.broadcast %lt3A : f32 to vector<100x10000xf32>
    %lt3A_3 = arith.cmpf olt, %get3A_1, %lt3A_2 : vector<100x10000xf32>
    %jit3A = arith.constant 1.000000e+00 : f32
    %jit3A_4 = arith.constant 0.000000e+00 : f32
    %broadcast_in_dim3A = vector.broadcast %jit3A : f32 to vector<100x10000xf32>
    %broadcast_in_dim3A_5 = vector.broadcast %jit3A_4 : f32 to vector<100x10000xf32>
    %select_n3A = arith.select %lt3A_3, %broadcast_in_dim3A, %broadcast_in_dim3A_5 : vector<100x10000xi1>, vector<100x10000xf32>
    %get3A_6 = arith.constant 0 : index
    %get3A_7 = arith.constant 0 : index
    %get3A_8 = vector.load %arg0[%get3A_6, %get3A_7] : memref<100x1xf32, #tpu.memory_space<vmem>>, vector<100x1xf32>
    %mul3A = vector.broadcast %get3A_8 : vector<100x1xf32> to vector<100x10000xf32>
    %mul3A_9 = arith.mulf %select_n3A, %mul3A : vector<100x10000xf32>
    %reduce_sum3A = arith.constant dense<0.000000e+00> : vector<10000xf32>
    %reduce_sum3A_10 = vector.multi_reduction <add>, %mul3A_9, %reduce_sum3A [0] : vector<100x10000xf32> to vector<10000xf32>
    %broadcast_in_dim3A_11 = vector.shape_cast %reduce_sum3A_10 : vector<10000xf32> to vector<1x10000xf32>
    %convert_element_type3A = arith.fptosi %broadcast_in_dim3A_11 : vector<1x10000xf32> to vector<1x10000xi32>
    %and3A = arith.constant 1 : i32
    %and3A_12 = vector.broadcast %and3A : i32 to vector<1x10000xi32>
    %and3A_13 = arith.andi %convert_element_type3A, %and3A_12 : vector<1x10000xi32>
    %mul3A_14 = arith.constant 2 : i32
    %mul3A_15 = vector.broadcast %mul3A_14 : i32 to vector<1x10000xi32>
    %mul3A_16 = arith.muli %mul3A_15, %and3A_13 : vector<1x10000xi32>
    %sub3A = arith.constant 1 : i32
    %sub3A_17 = vector.broadcast %sub3A : i32 to vector<1x10000xi32>
    %sub3A_18 = arith.subi %sub3A_17, %mul3A_16 : vector<1x10000xi32>
    %convert_element_type3A_19 = arith.sitofp %sub3A_18 : vector<1x10000xi32> to vector<1x10000xf32>
    %swap3A = arith.constant 0 : index
    %swap3A_20 = arith.constant 0 : index
    %swap3A_21 = vector.load %arg2[%swap3A, %swap3A_20] : memref<1x10000xf32, #tpu.memory_space<vmem>>, vector<1x10000xf32>
    tpu.vector_store %arg2[%swap3A, %swap3A_20], %convert_element_type3A_19 {strides = array<i32>} : memref<1x10000xf32, #tpu.memory_space<vmem>>, vector<1x10000xf32>,
    return
  }
}

module attributes {stable_mosaic.version = 14 : i64} {
  func.func @_tc_fin_body(%arg0: memref<12xf32, #tpu.memory_space<smem>>, %arg1: memref<12x79x128xf32, #tpu.memory_space<vmem>>, %arg2: memref<4x79x128xf32, #tpu.memory_space<vmem>>, %arg3: memref<79x128xf32, #tpu.memory_space<vmem>>, %arg4: memref<79x128xf32, #tpu.memory_space<vmem>>, %arg5: memref<79x128xf32, #tpu.memory_space<vmem>>) attributes {dimension_semantics = [], scalar_prefetch = 0 : i64, scratch_operands = 0 : i64, tpu.core_type = #tpu.core_type<tc>} {
    %get3A = arith.constant 0 : index
    %get3A_0 = arith.constant 0 : index
    %get3A_1 = arith.constant 0 : index
    %get3A_2 = vector.load %arg1[%get3A, %get3A_0, %get3A_1] : memref<12x79x128xf32, #tpu.memory_space<vmem>>, vector<1x79x128xf32>
    %get3A_3 = vector.shape_cast %get3A_2 : vector<1x79x128xf32> to vector<79x128xf32>
    %convert_element_type3A = arith.truncf %get3A_3 : vector<79x128xf32> to vector<79x128xbf16>
    %convert_element_type3A_4 = arith.extf %convert_element_type3A : vector<79x128xbf16> to vector<79x128xf32>
    %get3A_5 = arith.constant 0 : index
    %get3A_6 = memref.load %arg0[%get3A_5] : memref<12xf32, #tpu.memory_space<smem>>
    %convert_element_type3A_7 = arith.truncf %get3A_6 : f32 to bf16
    %convert_element_type3A_8 = arith.extf %convert_element_type3A_7 : bf16 to f32
    %mul3A = vector.broadcast %convert_element_type3A_8 : f32 to vector<79x128xf32>
    %mul3A_9 = arith.mulf %convert_element_type3A_4, %mul3A : vector<79x128xf32>
    %get3A_10 = arith.constant 1 : index
    %get3A_11 = arith.constant 0 : index
    %get3A_12 = arith.constant 0 : index
    %get3A_13 = vector.load %arg1[%get3A_10, %get3A_11, %get3A_12] : memref<12x79x128xf32, #tpu.memory_space<vmem>>, vector<1x79x128xf32>
    %get3A_14 = vector.shape_cast %get3A_13 : vector<1x79x128xf32> to vector<79x128xf32>
    %convert_element_type3A_15 = arith.truncf %get3A_14 : vector<79x128xf32> to vector<79x128xbf16>
    %convert_element_type3A_16 = arith.extf %convert_element_type3A_15 : vector<79x128xbf16> to vector<79x128xf32>
    %get3A_17 = arith.constant 1 : index
    %get3A_18 = memref.load %arg0[%get3A_17] : memref<12xf32, #tpu.memory_space<smem>>
    %convert_element_type3A_19 = arith.truncf %get3A_18 : f32 to bf16
    %convert_element_type3A_20 = arith.extf %convert_element_type3A_19 : bf16 to f32
    %mul3A_21 = vector.broadcast %convert_element_type3A_20 : f32 to vector<79x128xf32>
    %mul3A_22 = arith.mulf %convert_element_type3A_16, %mul3A_21 : vector<79x128xf32>
    %add3A = arith.addf %mul3A_9, %mul3A_22 : vector<79x128xf32>
    %get3A_23 = arith.constant 2 : index
    %get3A_24 = arith.constant 0 : index
    %get3A_25 = arith.constant 0 : index
    %get3A_26 = vector.load %arg1[%get3A_23, %get3A_24, %get3A_25] : memref<12x79x128xf32, #tpu.memory_space<vmem>>, vector<1x79x128xf32>
    %get3A_27 = vector.shape_cast %get3A_26 : vector<1x79x128xf32> to vector<79x128xf32>
    %convert_element_type3A_28 = arith.truncf %get3A_27 : vector<79x128xf32> to vector<79x128xbf16>
    %convert_element_type3A_29 = arith.extf %convert_element_type3A_28 : vector<79x128xbf16> to vector<79x128xf32>
    %get3A_30 = arith.constant 2 : index
    %get3A_31 = memref.load %arg0[%get3A_30] : memref<12xf32, #tpu.memory_space<smem>>
    %convert_element_type3A_32 = arith.truncf %get3A_31 : f32 to bf16
    %convert_element_type3A_33 = arith.extf %convert_element_type3A_32 : bf16 to f32
    %mul3A_34 = vector.broadcast %convert_element_type3A_33 : f32 to vector<79x128xf32>
    %mul3A_35 = arith.mulf %convert_element_type3A_29, %mul3A_34 : vector<79x128xf32>
    %add3A_36 = arith.addf %add3A, %mul3A_35 : vector<79x128xf32>
    %get3A_37 = arith.constant 0 : index
    %get3A_38 = arith.constant 0 : index
    %get3A_39 = arith.constant 0 : index
    %get3A_40 = vector.load %arg2[%get3A_37, %get3A_38, %get3A_39] : memref<4x79x128xf32, #tpu.memory_space<vmem>>, vector<1x79x128xf32>
    %get3A_41 = vector.shape_cast %get3A_40 : vector<1x79x128xf32> to vector<79x128xf32>
    %add3A_42 = arith.addf %add3A_36, %get3A_41 : vector<79x128xf32>
    %cos3A = math.cos %add3A_42 : vector<79x128xf32>
    %sin3A = math.sin %add3A_36 : vector<79x128xf32>
    %mul3A_43 = arith.mulf %cos3A, %sin3A : vector<79x128xf32>
    %get3A_44 = arith.constant 3 : index
    %get3A_45 = arith.constant 0 : index
    %get3A_46 = arith.constant 0 : index
    %get3A_47 = vector.load %arg1[%get3A_44, %get3A_45, %get3A_46] : memref<12x79x128xf32, #tpu.memory_space<vmem>>, vector<1x79x128xf32>
    %get3A_48 = vector.shape_cast %get3A_47 : vector<1x79x128xf32> to vector<79x128xf32>
    %convert_element_type3A_49 = arith.truncf %get3A_48 : vector<79x128xf32> to vector<79x128xbf16>
    %convert_element_type3A_50 = arith.extf %convert_element_type3A_49 : vector<79x128xbf16> to vector<79x128xf32>
    %get3A_51 = arith.constant 3 : index
    %get3A_52 = memref.load %arg0[%get3A_51] : memref<12xf32, #tpu.memory_space<smem>>
    %convert_element_type3A_53 = arith.truncf %get3A_52 : f32 to bf16
    %convert_element_type3A_54 = arith.extf %convert_element_type3A_53 : bf16 to f32
    %mul3A_55 = vector.broadcast %convert_element_type3A_54 : f32 to vector<79x128xf32>
    %mul3A_56 = arith.mulf %convert_element_type3A_50, %mul3A_55 : vector<79x128xf32>
    %get3A_57 = arith.constant 4 : index
    %get3A_58 = arith.constant 0 : index
    %get3A_59 = arith.constant 0 : index
    %get3A_60 = vector.load %arg1[%get3A_57, %get3A_58, %get3A_59] : memref<12x79x128xf32, #tpu.memory_space<vmem>>, vector<1x79x128xf32>
    %get3A_61 = vector.shape_cast %get3A_60 : vector<1x79x128xf32> to vector<79x128xf32>
    %convert_element_type3A_62 = arith.truncf %get3A_61 : vector<79x128xf32> to vector<79x128xbf16>
    %convert_element_type3A_63 = arith.extf %convert_element_type3A_62 : vector<79x128xbf16> to vector<79x128xf32>
    %get3A_64 = arith.constant 4 : index
    %get3A_65 = memref.load %arg0[%get3A_64] : memref<12xf32, #tpu.memory_space<smem>>
    %convert_element_type3A_66 = arith.truncf %get3A_65 : f32 to bf16
    %convert_element_type3A_67 = arith.extf %convert_element_type3A_66 : bf16 to f32
    %mul3A_68 = vector.broadcast %convert_element_type3A_67 : f32 to vector<79x128xf32>
    %mul3A_69 = arith.mulf %convert_element_type3A_63, %mul3A_68 : vector<79x128xf32>
    %add3A_70 = arith.addf %mul3A_56, %mul3A_69 : vector<79x128xf32>
    %get3A_71 = arith.constant 5 : index
    %get3A_72 = arith.constant 0 : index
    %get3A_73 = arith.constant 0 : index
    %get3A_74 = vector.load %arg1[%get3A_71, %get3A_72, %get3A_73] : memref<12x79x128xf32, #tpu.memory_space<vmem>>, vector<1x79x128xf32>
    %get3A_75 = vector.shape_cast %get3A_74 : vector<1x79x128xf32> to vector<79x128xf32>
    %convert_element_type3A_76 = arith.truncf %get3A_75 : vector<79x128xf32> to vector<79x128xbf16>
    %convert_element_type3A_77 = arith.extf %convert_element_type3A_76 : vector<79x128xbf16> to vector<79x128xf32>
    %get3A_78 = arith.constant 5 : index
    %get3A_79 = memref.load %arg0[%get3A_78] : memref<12xf32, #tpu.memory_space<smem>>
    %convert_element_type3A_80 = arith.truncf %get3A_79 : f32 to bf16
    %convert_element_type3A_81 = arith.extf %convert_element_type3A_80 : bf16 to f32
    %mul3A_82 = vector.broadcast %convert_element_type3A_81 : f32 to vector<79x128xf32>
    %mul3A_83 = arith.mulf %convert_element_type3A_77, %mul3A_82 : vector<79x128xf32>
    %add3A_84 = arith.addf %add3A_70, %mul3A_83 : vector<79x128xf32>
    %get3A_85 = arith.constant 1 : index
    %get3A_86 = arith.constant 0 : index
    %get3A_87 = arith.constant 0 : index
    %get3A_88 = vector.load %arg2[%get3A_85, %get3A_86, %get3A_87] : memref<4x79x128xf32, #tpu.memory_space<vmem>>, vector<1x79x128xf32>
    %get3A_89 = vector.shape_cast %get3A_88 : vector<1x79x128xf32> to vector<79x128xf32>
    %add3A_90 = arith.addf %add3A_84, %get3A_89 : vector<79x128xf32>
    %cos3A_91 = math.cos %add3A_90 : vector<79x128xf32>
    %sin3A_92 = math.sin %add3A_84 : vector<79x128xf32>
    %mul3A_93 = arith.mulf %cos3A_91, %sin3A_92 : vector<79x128xf32>
    %mul3A_94 = arith.mulf %mul3A_43, %mul3A_93 : vector<79x128xf32>
    %get3A_95 = arith.constant 6 : index
    %get3A_96 = arith.constant 0 : index
    %get3A_97 = arith.constant 0 : index
    %get3A_98 = vector.load %arg1[%get3A_95, %get3A_96, %get3A_97] : memref<12x79x128xf32, #tpu.memory_space<vmem>>, vector<1x79x128xf32>
    %get3A_99 = vector.shape_cast %get3A_98 : vector<1x79x128xf32> to vector<79x128xf32>
    %convert_element_type3A_100 = arith.truncf %get3A_99 : vector<79x128xf32> to vector<79x128xbf16>
    %convert_element_type3A_101 = arith.extf %convert_element_type3A_100 : vector<79x128xbf16> to vector<79x128xf32>
    %get3A_102 = arith.constant 6 : index
    %get3A_103 = memref.load %arg0[%get3A_102] : memref<12xf32, #tpu.memory_space<smem>>
    %convert_element_type3A_104 = arith.truncf %get3A_103 : f32 to bf16
    %convert_element_type3A_105 = arith.extf %convert_element_type3A_104 : bf16 to f32
    %mul3A_106 = vector.broadcast %convert_element_type3A_105 : f32 to vector<79x128xf32>
    %mul3A_107 = arith.mulf %convert_element_type3A_101, %mul3A_106 : vector<79x128xf32>
    %get3A_108 = arith.constant 7 : index
    %get3A_109 = arith.constant 0 : index
    %get3A_110 = arith.constant 0 : index
    %get3A_111 = vector.load %arg1[%get3A_108, %get3A_109, %get3A_110] : memref<12x79x128xf32, #tpu.memory_space<vmem>>, vector<1x79x128xf32>
    %get3A_112 = vector.shape_cast %get3A_111 : vector<1x79x128xf32> to vector<79x128xf32>
    %convert_element_type3A_113 = arith.truncf %get3A_112 : vector<79x128xf32> to vector<79x128xbf16>
    %convert_element_type3A_114 = arith.extf %convert_element_type3A_113 : vector<79x128xbf16> to vector<79x128xf32>
    %get3A_115 = arith.constant 7 : index
    %get3A_116 = memref.load %arg0[%get3A_115] : memref<12xf32, #tpu.memory_space<smem>>
    %convert_element_type3A_117 = arith.truncf %get3A_116 : f32 to bf16
    %convert_element_type3A_118 = arith.extf %convert_element_type3A_117 : bf16 to f32
    %mul3A_119 = vector.broadcast %convert_element_type3A_118 : f32 to vector<79x128xf32>
    %mul3A_120 = arith.mulf %convert_element_type3A_114, %mul3A_119 : vector<79x128xf32>
    %add3A_121 = arith.addf %mul3A_107, %mul3A_120 : vector<79x128xf32>
    %get3A_122 = arith.constant 8 : index
    %get3A_123 = arith.constant 0 : index
    %get3A_124 = arith.constant 0 : index
    %get3A_125 = vector.load %arg1[%get3A_122, %get3A_123, %get3A_124] : memref<12x79x128xf32, #tpu.memory_space<vmem>>, vector<1x79x128xf32>
    %get3A_126 = vector.shape_cast %get3A_125 : vector<1x79x128xf32> to vector<79x128xf32>
    %convert_element_type3A_127 = arith.truncf %get3A_126 : vector<79x128xf32> to vector<79x128xbf16>
    %convert_element_type3A_128 = arith.extf %convert_element_type3A_127 : vector<79x128xbf16> to vector<79x128xf32>
    %get3A_129 = arith.constant 8 : index
    %get3A_130 = memref.load %arg0[%get3A_129] : memref<12xf32, #tpu.memory_space<smem>>
    %convert_element_type3A_131 = arith.truncf %get3A_130 : f32 to bf16
    %convert_element_type3A_132 = arith.extf %convert_element_type3A_131 : bf16 to f32
    %mul3A_133 = vector.broadcast %convert_element_type3A_132 : f32 to vector<79x128xf32>
    %mul3A_134 = arith.mulf %convert_element_type3A_128, %mul3A_133 : vector<79x128xf32>
    %add3A_135 = arith.addf %add3A_121, %mul3A_134 : vector<79x128xf32>
    %get3A_136 = arith.constant 2 : index
    %get3A_137 = arith.constant 0 : index
    %get3A_138 = arith.constant 0 : index
    %get3A_139 = vector.load %arg2[%get3A_136, %get3A_137, %get3A_138] : memref<4x79x128xf32, #tpu.memory_space<vmem>>, vector<1x79x128xf32>
    %get3A_140 = vector.shape_cast %get3A_139 : vector<1x79x128xf32> to vector<79x128xf32>
    %add3A_141 = arith.addf %add3A_135, %get3A_140 : vector<79x128xf32>
    %cos3A_142 = math.cos %add3A_141 : vector<79x128xf32>
    %sin3A_143 = math.sin %add3A_135 : vector<79x128xf32>
    %mul3A_144 = arith.mulf %cos3A_142, %sin3A_143 : vector<79x128xf32>
    %mul3A_145 = arith.mulf %mul3A_94, %mul3A_144 : vector<79x128xf32>
    %get3A_146 = arith.constant 9 : index
    %get3A_147 = arith.constant 0 : index
    %get3A_148 = arith.constant 0 : index
    %get3A_149 = vector.load %arg1[%get3A_146, %get3A_147, %get3A_148] : memref<12x79x128xf32, #tpu.memory_space<vmem>>, vector<1x79x128xf32>
    %get3A_150 = vector.shape_cast %get3A_149 : vector<1x79x128xf32> to vector<79x128xf32>
    %convert_element_type3A_151 = arith.truncf %get3A_150 : vector<79x128xf32> to vector<79x128xbf16>
    %convert_element_type3A_152 = arith.extf %convert_element_type3A_151 : vector<79x128xbf16> to vector<79x128xf32>
    %get3A_153 = arith.constant 9 : index
    %get3A_154 = memref.load %arg0[%get3A_153] : memref<12xf32, #tpu.memory_space<smem>>
    %convert_element_type3A_155 = arith.truncf %get3A_154 : f32 to bf16
    %convert_element_type3A_156 = arith.extf %convert_element_type3A_155 : bf16 to f32
    %mul3A_157 = vector.broadcast %convert_element_type3A_156 : f32 to vector<79x128xf32>
    %mul3A_158 = arith.mulf %convert_element_type3A_152, %mul3A_157 : vector<79x128xf32>
    %get3A_159 = arith.constant 10 : index
    %get3A_160 = arith.constant 0 : index
    %get3A_161 = arith.constant 0 : index
    %get3A_162 = vector.load %arg1[%get3A_159, %get3A_160, %get3A_161] : memref<12x79x128xf32, #tpu.memory_space<vmem>>, vector<1x79x128xf32>
    %get3A_163 = vector.shape_cast %get3A_162 : vector<1x79x128xf32> to vector<79x128xf32>
    %convert_element_type3A_164 = arith.truncf %get3A_163 : vector<79x128xf32> to vector<79x128xbf16>
    %convert_element_type3A_165 = arith.extf %convert_element_type3A_164 : vector<79x128xbf16> to vector<79x128xf32>
    %get3A_166 = arith.constant 10 : index
    %get3A_167 = memref.load %arg0[%get3A_166] : memref<12xf32, #tpu.memory_space<smem>>
    %convert_element_type3A_168 = arith.truncf %get3A_167 : f32 to bf16
    %convert_element_type3A_169 = arith.extf %convert_element_type3A_168 : bf16 to f32
    %mul3A_170 = vector.broadcast %convert_element_type3A_169 : f32 to vector<79x128xf32>
    %mul3A_171 = arith.mulf %convert_element_type3A_165, %mul3A_170 : vector<79x128xf32>
    %add3A_172 = arith.addf %mul3A_158, %mul3A_171 : vector<79x128xf32>
    %get3A_173 = arith.constant 11 : index
    %get3A_174 = arith.constant 0 : index
    %get3A_175 = arith.constant 0 : index
    %get3A_176 = vector.load %arg1[%get3A_173, %get3A_174, %get3A_175] : memref<12x79x128xf32, #tpu.memory_space<vmem>>, vector<1x79x128xf32>
    %get3A_177 = vector.shape_cast %get3A_176 : vector<1x79x128xf32> to vector<79x128xf32>
    %convert_element_type3A_178 = arith.truncf %get3A_177 : vector<79x128xf32> to vector<79x128xbf16>
    %convert_element_type3A_179 = arith.extf %convert_element_type3A_178 : vector<79x128xbf16> to vector<79x128xf32>
    %get3A_180 = arith.constant 11 : index
    %get3A_181 = memref.load %arg0[%get3A_180] : memref<12xf32, #tpu.memory_space<smem>>
    %convert_element_type3A_182 = arith.truncf %get3A_181 : f32 to bf16
    %convert_element_type3A_183 = arith.extf %convert_element_type3A_182 : bf16 to f32
    %mul3A_184 = vector.broadcast %convert_element_type3A_183 : f32 to vector<79x128xf32>
    %mul3A_185 = arith.mulf %convert_element_type3A_179, %mul3A_184 : vector<79x128xf32>
    %add3A_186 = arith.addf %add3A_172, %mul3A_185 : vector<79x128xf32>
    %get3A_187 = arith.constant 3 : index
    %get3A_188 = arith.constant 0 : index
    %get3A_189 = arith.constant 0 : index
    %get3A_190 = vector.load %arg2[%get3A_187, %get3A_188, %get3A_189] : memref<4x79x128xf32, #tpu.memory_space<vmem>>, vector<1x79x128xf32>
    %get3A_191 = vector.shape_cast %get3A_190 : vector<1x79x128xf32> to vector<79x128xf32>
    %add3A_192 = arith.addf %add3A_186, %get3A_191 : vector<79x128xf32>
    %cos3A_193 = math.cos %add3A_192 : vector<79x128xf32>
    %sin3A_194 = math.sin %add3A_186 : vector<79x128xf32>
    %mul3A_195 = arith.mulf %cos3A_193, %sin3A_194 : vector<79x128xf32>
    %mul3A_196 = arith.mulf %mul3A_145, %mul3A_195 : vector<79x128xf32>
    %get3A_197 = arith.constant 0 : index
    %get3A_198 = arith.constant 0 : index
    %get3A_199 = vector.load %arg3[%get3A_197, %get3A_198] : memref<79x128xf32, #tpu.memory_space<vmem>>, vector<79x128xf32>
    %get3A_200 = arith.constant 0 : index
    %get3A_201 = arith.constant 0 : index
    %get3A_202 = vector.load %arg4[%get3A_200, %get3A_201] : memref<79x128xf32, #tpu.memory_space<vmem>>, vector<79x128xf32>
    %mul3A_203 = arith.mulf %get3A_199, %get3A_202 : vector<79x128xf32>
    %mul3A_204 = arith.mulf %mul3A_203, %mul3A_196 : vector<79x128xf32>
    %gt3A = arith.constant 0.000000e+00 : f32
    %gt3A_205 = vector.broadcast %gt3A : f32 to vector<79x128xf32>
    %gt3A_206 = arith.cmpf ogt, %mul3A_204, %gt3A_205 : vector<79x128xf32>
    %jit3A = arith.constant 1.000000e+00 : f32
    %jit3A_207 = arith.constant -1.000000e+00 : f32
    %broadcast_in_dim3A = vector.broadcast %jit3A : f32 to vector<79x128xf32>
    %broadcast_in_dim3A_208 = vector.broadcast %jit3A_207 : f32 to vector<79x128xf32>
    %select_n3A = arith.select %gt3A_206, %broadcast_in_dim3A, %broadcast_in_dim3A_208 : vector<79x128xi1>, vector<79x128xf32>
    %swap3A = arith.constant 0 : index
    %swap3A_209 = arith.constant 0 : index
    %swap3A_210 = vector.load %arg5[%swap3A, %swap3A_209] : memref<79x128xf32, #tpu.memory_space<vmem>>, vector<79x128xf32>
    tpu.vector_store %arg5[%swap3A, %swap3A_209], %select_n3A {strides = array<i32>} : memref<79x128xf32, #tpu.memory_space<vmem>>, vector<79x128xf32>,
    return
  }
}

</mosaic_0001>

<sc_bundles>
// kernel: kernel.6.cloned.1.call-start
scs
__scs_entry_jumppad:
0x0: {  	(pc) =	sbr.rel $0x88, $3  }
0x1: {  	(tag) =	ssettag $0x0;
	lr =	simm.s32 $0x1  }
0x2: {  	[smem:$0x3F93] =	sst lr;
	_ =	strace $0xD0000000  }
0x3: {  	_ = 	snop  }
0x4: {  	_ = 	snop  }
0x5: {  	_ = 	snop  }
0x6: {  	_ = 	snop  }
0x7: {  	_ = 	snop  }
__scs_overlays_trampoline_lowered:
0x8: {  	[smem:$0x3FA2] =	sst s0  }
0x9: {  	[smem:$0x3FA3] =	sst s1  }
0xa: {  	[smem:$0x3FA4] =	sst s2  }
0xb: {  	[smem:$0x3FA5] =	sst s3  }
0xc: {  	[smem:$0x3FA6] =	sst s4  }
0xd: {  	[smem:$0x3FA7] =	sst s5  }
0xe: {  	[smem:$0x3FA8] =	sst s6  }
0xf: {  	[smem:$0x3FA9] =	sst s7  }
0x10: {  	[smem:$0x3FAA] =	sst s8  }
0x11: {  	[smem:$0x3FAB] =	sst s9;
	s0 =	simm.s32 @!p0 $0x0  }
0x12: {  	s1 =	sld [smem:$0x3F91];
	s0 =	simm.s32 @p0 $0x1  }
0x13: {  	[smem:$0x3FAC] =	sst s0;
	s0 =	simm.s32 @!p1 $0x0  }
0x14: {  	s2 =	sld [smem:$0x3F90];
	s0 =	simm.s32 @p1 $0x1  }
0x15: {  	[smem:$0x3FAD] =	sst s0;
	s0 =	simm.s32 @!p2 $0x0  }
0x16: {  	s3 =	sld [smem:$0x3FDB];
	s0 =	simm.s32 @p2 $0x1  }
0x17: {  	s4 =	simm.s32 $0x1BF5;
	[smem:$0x3FAF] =	sst s0  }
0x18: {  	s0 =	sld [smem:$0x3F92];
	_ =	swait.ge [sflag:s4], $0x0  }
0x19: {  	s7 =	sld [smem:$0x3F93]  }
0x1a: {  	s8 =	sadd.s32 $0xFFFFE003, lr  }
0x1b: {  	s9 =	sadd.s32 $0xFFFFFEF7, lr;
	s5 =	simm.s32 $0xFFFFFFFF;
	p2 =	slt.u32 s8, $0xFFFFF086  }
0x1c: {  	p1 =	slt.u32 s9, $0xF7A;
	s5 =	simm.s32 @!p2 $0x0  }
0x1d: {  	s5 =	simm.s32 @p1 $0x1;
	p0 =	seq.s32 s7, s2  }
0x1e: {  	s7 =	smul.u32 @!p0 $0xF7A, s2;
	p2 =	seq.s32 @!p0 s5, $0x0  }
0x1f: {  	s9 =	smul.u32 $0xF7A, s1;
	s8 =	simm.s32 @!p0 $0x1BF5;
	p2 =	por !p2, p0  }
0x20: {  	[sflag:s8] =	ssyncset.s32 @!p0 $0xFFFFF086;
	s6 =	sadd.s32 @!p0 s3, s7;
	s7 =	simm.s32 @!p0 $0x108  }
0x21: {  	s3 =	sadd.s32 s3, s9;
	s6 =	sadd.s32 @!p0 $0x88, s6;
	s7 =	simm.s32 @p2 $0x1082  }
0x22: {  	[simem:s7], [sflag:s8] =	dma.local @!p0 [hbm:s6], $0xF7A  }
0x23: {  	s9 =	sor.u32 $0xD0000000, s2;
	s6 =	simm.s32 $0x108;
	_ =	swait.ge @!p0 [sflag:s8], $0x0  }
0x24: {  	s3 =	sadd.s32 $0x88, s3;
	s6 =	simm.s32 @!p1 $0x1082;
	[sflag:s4] =	ssyncset.s32 $0xFFFFF086  }
0x25: {  	[simem:s6], [sflag:s4] =	dma.local [hbm:s3], $0xF7A  }
0x26: {  	[smem:$0x3F93] =	sst s1;
	(tag) =	ssettag s2;
	_ =	strace s9  }
0x27: {  	s1 =	sld [smem:$0x3FA3]  }
0x28: {  	s2 =	sld [smem:$0x3FA4]  }
0x29: {  	s4 =	sld [smem:$0x3FA6]  }
0x2a: {  	p0 =	seq.s32 s5, $0x0;
	s5 =	sld [smem:$0x3FA7]  }
0x2b: {  	s6 =	sld [smem:$0x3FA8]  }
0x2c: {  	s7 =	sld [smem:$0x3FA9]  }
0x2d: {  	s3 =	simm.s32 $0x108;
	s8 =	sld [smem:$0x3FAA]  }
0x2e: {  	s3 =	simm.s32 @!p0 $0x1082;
	s9 =	sld [smem:$0x3FAB]  }
0x2f: {  	lr =	sadd.s32 s0, s3;
	s0 =	sld [smem:$0x3FA2]  }
0x30: {  	s3 =	sld [smem:$0x3FA5]  }
0x31: {  	[smem:$0x3FAE] =	sst s10  }
0x32: {  	s10 =	sld [smem:$0x3FAC];
	_ =	sdelay $0x3  }
0x33: {  	p0 =	seq.s32 s10, $0x1;
	s10 =	sld [smem:$0x3FAE];
	_ =	sdelay $0x3  }
0x34: {  	[smem:$0x3FAE] =	sst s10  }
0x35: {  	s10 =	sld [smem:$0x3FAD];
	_ =	sdelay $0x3  }
0x36: {  	p1 =	seq.s32 s10, $0x1;
	s10 =	sld [smem:$0x3FAE];
	_ =	sdelay $0x3  }
0x37: {  	[smem:$0x3FAE] =	sst s10  }
0x38: {  	s10 =	sld [smem:$0x3FAF]  }
0x39: {  	_ = 	snop;
	(pc) =	sbr.ind lr, $3  }
0x3a: {  	_ = 	snop  }
0x3b: {  	_ = 	snop  }
0x3c: {  	p2 =	seq.s32 s10, $0x1;
	s10 =	sld [smem:$0x3FAE]  }
0x3d: {  	_ =	shalt  }
0x3e: {  	_ =	shalt  }
0x3f: {  	_ =	shalt  }
0x40: {  	_ =	shalt  }
0x41: {  	_ =	shalt  }
0x42: {  	_ =	shalt  }
0x43: {  	_ =	shalt  }
0x44: {  	_ =	shalt  }
0x45: {  	_ =	shalt  }
0x46: {  	_ =	shalt  }
0x47: {  	_ =	shalt  }
0x48: {  	_ =	shalt  }
0x49: {  	_ =	shalt  }
0x4a: {  	_ =	shalt  }
0x4b: {  	_ =	shalt  }
0x4c: {  	_ =	shalt  }
0x4d: {  	_ =	shalt  }
0x4e: {  	_ =	shalt  }
0x4f: {  	_ =	shalt  }
0x50: {  	_ =	shalt  }
0x51: {  	_ =	shalt  }
0x52: {  	_ =	shalt  }
0x53: {  	_ =	shalt  }
0x54: {  	_ =	shalt  }
0x55: {  	_ =	shalt  }
0x56: {  	_ =	shalt  }
0x57: {  	_ =	shalt  }
0x58: {  	_ =	shalt  }
0x59: {  	_ =	shalt  }
0x5a: {  	_ =	shalt  }
0x5b: {  	_ =	shalt  }
0x5c: {  	_ =	shalt  }
0x5d: {  	_ =	shalt  }
0x5e: {  	_ =	shalt  }
0x5f: {  	_ =	shalt  }
0x60: {  	_ =	shalt  }
0x61: {  	_ =	shalt  }
0x62: {  	_ =	shalt  }
0x63: {  	_ =	shalt  }
0x64: {  	_ =	shalt  }
0x65: {  	_ =	shalt  }
0x66: {  	_ =	shalt  }
0x67: {  	_ =	shalt  }
0x68: {  	_ =	shalt  }
0x69: {  	_ =	shalt  }
0x6a: {  	_ =	shalt  }
0x6b: {  	_ =	shalt  }
0x6c: {  	_ =	shalt  }
0x6d: {  	_ =	shalt  }
0x6e: {  	_ =	shalt  }
0x6f: {  	_ =	shalt  }
0x70: {  	_ =	shalt  }
0x71: {  	_ =	shalt  }
0x72: {  	_ =	shalt  }
0x73: {  	_ =	shalt  }
0x74: {  	_ =	shalt  }
0x75: {  	_ =	shalt  }
0x76: {  	_ =	shalt  }
0x77: {  	_ =	shalt  }
0x78: {  	_ =	shalt  }
0x79: {  	_ =	shalt  }
0x7a: {  	_ =	shalt  }
0x7b: {  	_ =	shalt  }
0x7c: {  	_ =	shalt  }
0x7d: {  	_ =	shalt  }
0x7e: {  	_ =	shalt  }
0x7f: {  	_ =	shalt  }
0x80: {  	_ =	shalt  }
0x81: {  	_ =	shalt  }
0x82: {  	_ =	shalt  }
0x83: {  	_ =	shalt  }
0x84: {  	_ =	shalt  }
0x85: {  	_ =	shalt  }
0x86: {  	_ =	shalt  }
0x87: {  	_ =	shalt  }
.Lfunc_end0:
.L_simem_size_0:
called_computation_lowered:
.L_overlay_start_0:
0x88: {  	s2 =	sld [smem:$0x3FD9]  }
0x89: {  	s3 =	sld [smem:$0x3FFE];
	_ =	sdelay $0x1  }
0x8a: {  	s1 =	srdreg.scid  }
0x8b: {  	s0 =	sand.u32 $0x1, s1  }
0x8c: {  	s17 =	sshll.u32 s0, $0xA;
	s2 =	sadd.s32 s3, s2  }
0x8d: {  	s2 =	sadd.s32 s2, s17  }
0x8e: {  	[smem:$0x3FBA] =	sst s2  }
0x8f: {  	_ = 	snop  }
0x90: {  	s2 =	sld [smem:$0x3FC7]  }
0x91: {  	s18 =	sld [smem:$0x3FC6]  }
0x92: {  	s4 =	sld [smem:$0x3FC5]  }
0x93: {  	s5 =	sld [smem:$0x3FD0];
	(tm) =	ssettm $0x1  }
0x94: {  	s6 =	sld [smem:$0x3FFB];
	_ =	sdelay $0x3  }
0x95: {  	_ =	strace s6  }
0x96: {  	s6 =	sld [smem:$0x3FFC];
	_ =	sdelay $0x3  }
0x97: {  	_ =	strace s6  }
0x98: {  	s6 =	sld [smem:$0x3FFD];
	_ =	sdelay $0x3  }
0x99: {  	_ =	strace s6  }
0x9a: {  	_ =	strace $0x8FFFFFFF  }
0x9b: {  	s19 =	sld [smem:$0x3FDB];
	_ =	sdelay $0x1  }
0x9c: {  	s7 =	simm.s32 $_scs_section_size  }
0x9d: {  	s8 =	simm.s32 $_size__tile_overlayer_lowered;
	s9 =	simm.s32 $_tile_overlayer_lowered  }
0x9e: {  	s22 =	simm.s32 $0x1BFF;
	s21 =	sshll.u32 s9, $0x1;
	s6 =	sadd.s32 s7, s19  }
0x9f: {  	s10 =	simm.s32 $0x0;
	s20 =	sshll.u32 s8, $0x1;
	s8 =	sadd.s32 s21, s6  }
0xa0: {  	[timem:s10], [sflag:s22] =	dma.local [hbm:s8], s20  }
0xa1: {  	_ =	swait.ge [sflag:s22], s20  }
0xa2: {  	s7 =	ssub.s32 $0x0, s20;
	[sflag:s22] =	ssyncset.done $0x0  }
0xa3: {  	[sflag:s22] =	ssyncadd.s32 s7;
	_ =	sdelay $0x1  }
0xa4: {  	s23 =	simm.s32 $0x1B8B  }
0xa5: {  	_ =	swait.ge [sflag:s23], $0x1  }
0xa6: {  	[sflag:s23] =	ssyncset.done $0x0  }
0xa7: {  	s25 =	simm.s32 $0x1B8E;
	s24 =	sld [smem:$0x3FFE];
	[sflag:s23] =	ssyncadd.s32 $0xFFFFFFFF  }
0xa8: {  	s26 =	simm.s32 $execute0_lowered;
	[smem:$0x3FD2] =	sst s25  }
0xa9: {  	s8 =	sshll.u32 s26, $0x1;
	_ =	strace $0x80000046;
	[dreg:$0x1] =	wrdreg $0xFFFFFFFF  }
0xaa: {  	s28 =	simm.s32 $_size_execute0_lowered;
	s6 =	sadd.s32 s6, s8;
	[dreg:$0x0] =	wrdreg $0x0  }
0xab: {  	s8 =	sshll.u32 s28, $0x1;
	[dreg:$0x2] =	wrdreg s6  }
0xac: {  	[dreg:$0x3] =	wrdreg s8  }
0xad: {  	[dreg:$0x4] =	wrdreg $0xC0  }
0xae: {  	_ =	task [dreg:s10], $0x5FFFF  }
0xaf: {  	[dreg:$0x1] =	wrdreg $0xFFFFFFFF  }
0xb0: {  	[dreg:$0x0] =	wrdreg $0x60  }
0xb1: {  	[dreg:$0x2] =	wrdreg s24  }
0xb2: {  	[dreg:$0x3] =	wrdreg s2  }
0xb3: {  	[dreg:$0x4] =	wrdreg s18  }
0xb4: {  	[dreg:$0x5] =	wrdreg s4  }
0xb5: {  	[dreg:$0x6] =	wrdreg s5  }
0xb6: {  	[dreg:$0x7] =	wrdreg $0x9  }
0xb7: {  	_ =	task.clear_ibuf [dreg:s10], $0x8FFFF;
	_ =	strace $0x90000046  }
0xb8: {  	s29 =	simm.s32 $0x9;
	_ =	strace $0x80000048  }
0xb9: {  	_ =	swait.ge [sflag:s29], $0x1  }
0xba: {  	[sflag:s29] =	ssyncadd.s32 $0xFFFFFFFF  }
0xbb: {  	_ =	strace $0x90000048  }
0xbc: {  	_ =	sfence  }
0xbd: {  	s30 =	sld [smem:$0x0];
	_ =	sdelay $0x2  }
0xbe: {  	s31 =	sshll.u32 s1, $0xD;
	s1 =	sshrl.u32 s1, $0x2  }
0xbf: {  	s3 =	sand.u32 $0x4000, s31;
	s1 =	sadd.s32 s1, s30  }
0xc0: {  	s0 =	sor.u32 s3, s0;
	s1 =	sshll.u32 s1, $0x11  }
0xc1: {  	s0 =	sor.u32 s1, s0  }
0xc2: {  	s0 =	sadd.s32 $0x8F2B, s0  }
0xc3: {  	[sflag:s0] =	ssyncadd.remote.s32 $0x1  }
0xc4: {  	_ =	sfence.sel $0xFFFF  }
0xc5: {  	[dreg:$0x0] =	wrdreg $0xFFFFFFFF;
	(pc) =	sbr.abs _section_cstart, $3  }
0xc6: {  	[dreg:$0x1] =	wrdreg $0xFFFFFFFF  }
0xc7: {  	_ =	task.clear_ibuf [dreg:s10], $0x2FFFF;
	_ =	strace $0x9FFFFFFF  }
0xc8: {  	(tm) =	ssettm $0x7FFFFFFF  }
0xc9: {  	_ =	shalt  }
tec
execute0_lowered:
.L_overlay_start_1:
0x0: {  	(tag) =	ssettag $0x1  }
0x1: {  	s0 =	rddreg [dreg:$0x0]  }
0x2: {  	s1 =	rddreg [dreg:$0x1]  }
0x3: {  	s13 =	rddreg [dreg:$0x2]  }
0x4: {  	s14 =	rddreg [dreg:$0x3]  }
0x5: {  	s2 =	srdreg.scid;
	s3 =	stileid.u32  }
0x6: {  	s16 =	rddreg [dreg:$0x4];
	s23 =	simm.s32 $0x7F00;
	s28 =	simm.s32 $0x2  }
0x7: {  	s4 =	sand.u32 $0x1, s2;
	s3 =	sshll.u32 s3, $0x1;
	s2 =	simm.s32 $0x0  }
0x8: {  	s29 =	simm.s32 $0x0;
	s19 =	sor.u32 s4, s3;
	[smem:$0x7FF] =	sst s2  }
0x9: {  	s3 =	sadd.s32 $0x2200, s0;
	s6 =	ssub.s32 $0x2, s4;
	s4 =	sadd.s32 $0x2400, s0  }
0xa: {  	s5 =	smul.u32 $0x4F, s19;
	_ =	strace $0x80000047;
	s24 =	sshrl.u32 s6, $0x1  }
0xb: {  	p3 =	seq.s32 s19, $0x1F;
	s19 =	simm.s32 $0x8100;
	s0 =	ssub.s32 s6, s24  }
0xc: {  	s24 =	simm.s32 $0x7E80;
	s18 =	sshrl.u32 s5, $0x5;
	s25 =	sshll.u32 s5, $0x2  }
0xd: {  	s5 =	sadd.s32 $0x4F, s5;
	s17 =	smax.u32 s0, $0x1;
	s0 =	simm.s32 $0x8180  }
0xe: {  	s20 =	sadd.s32 $0x1, s18;
	s7 =	sand.u32 $0x3F80, s25;
	s21 =	sshrl.u32 s5, $0x5  }
0xf: {  	s11 =	sshll.u32 s18, $0x4;
	s22 =	sadd.s32 $0x2, s18;
	s25 =	simm.s32 $0x1  }
0x10: {  	s26 =	sshll.u32 s20, $0x7;
	s5 =	sadd.s32 s1, s7;
	s6 =	sadd.s32 s13, s7  }
0x11: {  	s7 =	sadd.s32 s14, s7;
	s11 =	sadd.s32 s16, s11;
	s15 =	sshll.u32 s22, $0x7  }
0x12: {  	v0 =	vimm.s32 $0x3;
	s30 =	sshll.u32 s20, $0x4;
	s31 =	sshll.u32 s22, $0x4;
	p0 =	sge.u32 s18, s21  }
0x13: {  	v1 =	vimm.s32 $0x7;
	v2 =	vimm.s32 $0x0;
	v3 =	vlaneseq.u32;
	s18 =	simm.s32 $0x3;
	p1 =	sge.u32 s20, s21;
	p2 =	sge.u32 s22, s21  }
.Ltmp0:
0x14: {  	vm0 =	vmmov $0x1;
	v4 =	vimm.s32 $0x1;
	v5 =	vimm.s32 $0x2;
	p4 =	sne.s32 s22, $0x4E;
	s20 =	simm.s32 $0x8080;
	(pc) =	sbr.rel .LBB2_1-.Ltmp0, $4  }
0x15: {  	v6 =	vimm.s32 $0x4;
	v7 =	vimm.s32 $0x5;
	v8 =	vimm.s32 $0x6;
	s21 =	simm.s32 $0x8000;
	s22 =	simm.s32 $0x7F80;
	s10 =	sand.u32 $0x1FFFFF80, s26  }
0x16: {  	v9 =	vimm.s32 $0x8;
	v10 =	vimm.s32 $0x9;
	v11 =	vimm.s32 $0xA;
	s12 =	sadd.s32 s1, s15;
	s26 =	simm.s32 $0x13D80;
	s8 =	sadd.s32 s1, s10  }
0x17: {  	v12 =	vimm.s32 $0xB;
	v13 =	vimm.s32 $0xC;
	v14 =	vimm.s32 $0xD;
	s9 =	sadd.s32 s13, s10;
	s10 =	sadd.s32 s14, s10;
	s13 =	sadd.s32 s13, s15  }
0x18: {  	v15 =	vimm.s32 $0xE;
	v16 =	vimm.s32 $0xF;
	v3 =	vmul.u32 $0x8, v3;
	s14 =	sadd.s32 s14, s15;
	s15 =	sadd.s32 s16, s30;
	s16 =	sadd.s32 s16, s31  }
.LBB2_20:
0x19: {  	v36 =	vld [tilespmem:s30+$0x39F0]  }
0x1a: {  	v37 =	vld [tilespmem:s30+$0x580]  }
0x1b: {  	v38 =	vld [tilespmem:s30+$0x3980]  }
0x1c: {  	v39 =	vld [tilespmem:s30+$0x590]  }
0x1d: {  	v40 =	vld [tilespmem:s30+$0x3990]  }
0x1e: {  	v41 =	vld [tilespmem:s30+$0x5A0]  }
0x1f: {  	v42 =	vld [tilespmem:s30+$0x39A0]  }
0x20: {  	v43 =	vld [tilespmem:s30+$0x5B0]  }
0x21: {  	v44 =	vld [tilespmem:s30+$0x39B0]  }
0x22: {  	v45 =	vld [tilespmem:s30+$0x5C0]  }
0x23: {  	v46 =	vld [tilespmem:s30+$0x39C0]  }
0x24: {  	v47 =	vld [tilespmem:s30+$0x5D0]  }
0x25: {  	v48 =	vld [tilespmem:s30+$0x39D0]  }
0x26: {  	v49 =	vld [tilespmem:s30+$0x5E0]  }
0x27: {  	v50 =	vld [tilespmem:s30+$0x39E0]  }
0x28: {  	v51 =	vld [tilespmem:s30+$0x6D80]  }
0x29: {  	v52 =	vld [tilespmem:s30+$0x6D90]  }
0x2a: {  	v20 =	vmul.f32 v34, v20;
	v26 =	vadd.f32 v30, v26;
	v29 =	vadd.f32 v33, v29;
	v60 =	vld [tilespmem:s30+$0x6DA0]  }
0x2b: {  	v24 =	vmul.f32 v35, v24;
	v28 =	vadd.f32 v32, v28;
	v62 =	vld [tilespmem:s30+$0x6DB0];
	v61 =	vadd.f32 v38, v37  }
0x2c: {  	v63 =	vadd.f32 v31, v27;
	v54 =	vld [tilespmem:s30+$0x6DE0];
	v23 =	vmul.f32 v26, v23;
	v39 =	vadd.f32 v40, v39  }
0x2d: {  	v22 =	vmul.f32 v29, v22;
	v40 =	vld [tilespmem:s30+$0x6DC0];
	v42 =	vadd.f32 v42, v41;
	v32 =	vadd.f32 v51, v61  }
0x2e: {  	v18 =	vmul.f32 v63, v18;
	v53 =	vadd.f32 v44, v43;
	v51 =	vld [tilespmem:s30+$0x6DD0];
	v27 =	vadd.f32 v52, v39  }
0x2f: {  	v56 =	vld [tilespmem:s30+$0x6DF0];
	v59 =	vadd.f32 v50, v49;
	v29 =	vadd.f32 v60, v42;
	v19 =	vmul.f32 v32, v19  }
0x30: {  	v55 =	vadd.f32 v46, v45;
	v58 =	vadd.f32 v62, v53;
	v20 =	vmul.f32 v27, v20  }
0x31: {  	v57 =	vadd.f32 v48, v47;
	v63 =	vadd.f32 v54, v59;
	v24 =	vmul.f32 v29, v24;
	[tilespmem:$0x13D80] =	vst v19  }
0x32: {  	v23 =	vmul.f32 v58, v23;
	v60 =	vadd.f32 v40, v55;
	v19 =	vadd.f32 v36, v25;
	[tilespmem:$0x13D90] =	vst v20  }
0x33: {  	v21 =	vmul.f32 v28, v21;
	v18 =	vmul.f32 v63, v18;
	[tilespmem:$0x13DA0] =	vst v24;
	v61 =	vadd.f32 v51, v57  }
0x34: {  	[tilespmem:$0x13DB0] =	vst v23;
	v62 =	vmul.f32 v60, v22;
	v19 =	vadd.f32 v56, v19  }
0x35: {  	[tilespmem:$0x13DE0] =	vst v18;
	v21 =	vmul.f32 v61, v21  }
0x36: {  	[tilespmem:$0x13DC0] =	vst v62;
	v17 =	vmul.f32 v19, v17  }
0x37: {  	[tilespmem:$0x13DD0] =	vst v21  }
0x38: {  	[tilespmem:$0x13DF0] =	vst v17  }
0x39: {  	[hbm4b:s16+s2] =	stream.linear.scatter [tilespmem:s26], [sflag:$0x3], $0x80, $0x38;
	[tilespmem:$0x13E00] =	vst v63  }
0x3a: {  	_ =	swait.ge [sflag:s18], $0x80  }
0x3b: {  	[sflag:s18] =	ssyncset.done $0x0  }
0x3c: {  	[sflag:s18] =	ssyncadd.s32 $0xFFFFFF80  }
.LBB2_21:
0x3d: {  	s29 =	sadd.s32 $0x1, s29  }
0x3e: {  	p5 =	sne.s32 s29, s17  }
.Ltmp1:
0x3f: {  	_ = 	snop;
	(pc) =	sbr.rel @!p5 .LBB2_22-.Ltmp1, $1  }
0x40: {  	_ =	sdelay $0x3  }
.LBB2_1:
0x41: {  	[tilespmem:s2], [sflag:$0x3] =	stream.linear.gather [hbm4b:s3+s2], $0x400, $0x38;
	[tilespmem:$0x13E00] =	vst v63  }
0x42: {  	_ =	swait.ge [sflag:s18], $0x400  }
0x43: {  	[sflag:s18] =	ssyncset.done $0x0  }
0x44: {  	[sflag:s18] =	ssyncadd.s32 $0xFFFFFC00  }
0x45: {  	v17 =	vld [tilespmem:$0x0]  }
0x46: {  	v18 =	vld [tilespmem:$0x10]  }
0x47: {  	v19 =	vld [tilespmem:$0x20]  }
0x48: {  	v20 =	vld [tilespmem:$0x30]  }
0x49: {  	v21 =	vld [tilespmem:$0x40]  }
0x4a: {  	[tilespmem:$0x400] =	vst v17;
	v17 =	vld [tilespmem:$0x50]  }
0x4b: {  	v58 =	vld [tilespmem:$0x90];
	[tilespmem:$0x410] =	vst v18  }
0x4c: {  	v59 =	vld [tilespmem:$0xA0];
	[tilespmem:$0x420] =	vst v19  }
0x4d: {  	v18 =	vld [tilespmem:$0x60];
	[tilespmem:$0x430] =	vst v20  }
0x4e: {  	v19 =	vld [tilespmem:$0x80];
	[tilespmem:$0x440] =	vst v21  }
0x4f: {  	[tilespmem:$0x450] =	vst v17;
	v17 =	vld [tilespmem:$0xB0]  }
0x50: {  	v60 =	vld [tilespmem:$0xE0];
	[tilespmem:$0x490] =	vst v58  }
0x51: {  	v61 =	vld [tilespmem:$0x100];
	[tilespmem:$0x4A0] =	vst v59  }
0x52: {  	[tilespmem:$0x460] =	vst v18;
	v18 =	vld [tilespmem:$0xC0]  }
0x53: {  	[tilespmem:$0x480] =	vst v19;
	v19 =	vld [tilespmem:$0xD0]  }
0x54: {  	[tilespmem:$0x4B0] =	vst v17;
	v17 =	vld [tilespmem:$0x110]  }
0x55: {  	v62 =	vld [tilespmem:$0x140];
	[tilespmem:$0x4E0] =	vst v60  }
0x56: {  	v63 =	vld [tilespmem:$0x150];
	[tilespmem:$0x500] =	vst v61  }
0x57: {  	[tilespmem:$0x4C0] =	vst v18;
	v18 =	vld [tilespmem:$0x120]  }
0x58: {  	[tilespmem:$0x4D0] =	vst v19;
	v19 =	vld [tilespmem:$0x130]  }
0x59: {  	[tilespmem:$0x510] =	vst v17;
	v17 =	vld [tilespmem:$0x160]  }
.Ltmp2:
0x5a: {  	[tilespmem:$0x540] =	vst v62;
	(pc) =	sbr.rel @p0 .LBB2_3-.Ltmp2, $4  }
0x5b: {  	[tilespmem:$0x550] =	vst v63  }
0x5c: {  	[tilespmem:$0x520] =	vst v18  }
0x5d: {  	[tilespmem:$0x530] =	vst v19  }
0x5e: {  	[tilespmem:$0x560] =	vst v17  }
0x5f: {  	v17 =	vld [tilespmem:$0x400];
	_ =	sdelay $0x4  }
0x60: {  	v18 =	vshrl.u32 v17, $0x3  }
0x61: {  	v18 =	vmul.u32 $0x278, v18  }
0x62: {  	v17 =	vand.u32 $0x7, v17  }
0x63: {  	v17 =	vor.u32 v17, v18  }
0x64: {  	v18 =	vperm.xlane v17, v2;
	_ =	sdelay $0x1  }
0x65: {  	v19 =	vperm.xlane v17, v4;
	v18 =	vadd.s32 v3, v18;
	_ =	sdelay $0x1  }
0x66: {  	v20 =	vperm.xlane v17, v5;
	v19 =	vadd.s32 v3, v19;
	_ =	sdelay $0x1  }
0x67: {  	s1 =	simm.s32 $0x580;
	v21 =	vperm.xlane v17, v0;
	v20 =	vadd.s32 v3, v20  }
0x68: {  	[tilespmem:s1], [sflag:$0x1] =	stream.indirect_vreg.gather [hbm4b:s5+s2], $0x80, v18, vm0, $0xb8;
	[tilespmem:$0x13E00] =	vst v63  }
0x69: {  	s30 =	simm.s32 $0x600;
	v37 =	vperm.xlane v17, v6;
	v18 =	vadd.s32 v3, v21  }
0x6a: {  	[tilespmem:s30], [sflag:$0x1] =	stream.indirect_vreg.gather [hbm4b:s5+s2], $0x80, v19, vm0, $0xb8;
	[tilespmem:$0x13E00] =	vst v63  }
0x6b: {  	s31 =	simm.s32 $0x680;
	v38 =	vperm.xlane v17, v7;
	v19 =	vadd.s32 v3, v37  }
0x6c: {  	[tilespmem:s31], [sflag:$0x1] =	stream.indirect_vreg.gather [hbm4b:s5+s2], $0x80, v20, vm0, $0xb8;
	[tilespmem:$0x13E00] =	vst v63  }
0x6d: {  	v40 =	vperm.xlane v17, v8;
	v39 =	vadd.s32 v3, v38;
	s30 =	simm.s32 $0x700  }
0x6e: {  	[tilespmem:s30], [sflag:$0x1] =	stream.indirect_vreg.gather [hbm4b:s5+s2], $0x80, v18, vm0, $0xb8;
	[tilespmem:$0x13E00] =	vst v63  }
0x6f: {  	v41 =	vperm.xlane v17, v1;
	s31 =	simm.s32 $0x780;
	v18 =	vadd.s32 v3, v40  }
0x70: {  	[tilespmem:s31], [sflag:$0x1] =	stream.indirect_vreg.gather [hbm4b:s5+s2], $0x80, v19, vm0, $0xb8;
	[tilespmem:$0x13E00] =	vst v63  }
0x71: {  	v42 =	vperm.xlane v17, v9;
	s30 =	simm.s32 $0x800;
	v19 =	vadd.s32 v3, v41  }
0x72: {  	[tilespmem:s30], [sflag:$0x1] =	stream.indirect_vreg.gather [hbm4b:s5+s2], $0x80, v39, vm0, $0xb8;
	[tilespmem:$0x13E00] =	vst v63  }
0x73: {  	v44 =	vperm.xlane v17, v10;
	v43 =	vadd.s32 v3, v42;
	s31 =	simm.s32 $0x880  }
0x74: {  	[tilespmem:s31], [sflag:$0x1] =	stream.indirect_vreg.gather [hbm4b:s5+s2], $0x80, v18, vm0, $0xb8;
	[tilespmem:$0x13E00] =	vst v63  }
0x75: {  	v45 =	vperm.xlane v17, v11;
	s30 =	simm.s32 $0x900;
	v18 =	vadd.s32 v3, v44  }
0x76: {  	[tilespmem:s30], [sflag:$0x1] =	stream.indirect_vreg.gather [hbm4b:s5+s2], $0x80, v19, vm0, $0xb8;
	[tilespmem:$0x13E00] =	vst v63  }
0x77: {  	v46 =	vperm.xlane v17, v12;
	s31 =	simm.s32 $0x980;
	v19 =	vadd.s32 v3, v45  }
0x78: {  	[tilespmem:s31], [sflag:$0x1] =	stream.indirect_vreg.gather [hbm4b:s5+s2], $0x80, v43, vm0, $0xb8;
	[tilespmem:$0x13E00] =	vst v63  }
0x79: {  	v48 =	vperm.xlane v17, v13;
	v47 =	vadd.s32 v3, v46;
	s30 =	simm.s32 $0xA00  }
0x7a: {  	[tilespmem:s30], [sflag:$0x1] =	stream.indirect_vreg.gather [hbm4b:s5+s2], $0x80, v18, vm0, $0xb8;
	[tilespmem:$0x13E00] =	vst v63  }
0x7b: {  	v49 =	vperm.xlane v17, v14;
	s31 =	simm.s32 $0xA80;
	v18 =	vadd.s32 v3, v48  }
0x7c: {  	[tilespmem:s31], [sflag:$0x1] =	stream.indirect_vreg.gather [hbm4b:s5+s2], $0x80, v19, vm0, $0xb8;
	[tilespmem:$0x13E00] =	vst v63  }
0x7d: {  	v50 =	vperm.xlane v17, v15;
	s30 =	simm.s32 $0xB00;
	v19 =	vadd.s32 v3, v49  }
0x7e: {  	[tilespmem:s30], [sflag:$0x1] =	stream.indirect_vreg.gather [hbm4b:s5+s2], $0x80, v47, vm0, $0xb8;
	[tilespmem:$0x13E00] =	vst v63  }
0x7f: {  	v17 =	vperm.xlane v17, v16;
	v51 =	vadd.s32 v3, v50;
	s31 =	simm.s32 $0xB80  }
0x80: {  	[tilespmem:s31], [sflag:$0x1] =	stream.indirect_vreg.gather [hbm4b:s5+s2], $0x80, v18, vm0, $0xb8;
	[tilespmem:$0x13E00] =	vst v63  }
0x81: {  	v17 =	vadd.s32 v3, v17;
	s30 =	simm.s32 $0xC00  }
0x82: {  	[tilespmem:s30], [sflag:$0x1] =	stream.indirect_vreg.gather [hbm4b:s5+s2], $0x80, v19, vm0, $0xb8;
	[tilespmem:$0x13E00] =	vst v63  }
0x83: {  	s31 =	simm.s32 $0xC80  }
0x84: {  	[tilespmem:s31], [sflag:$0x1] =	stream.indirect_vreg.gather [hbm4b:s5+s2], $0x80, v51, vm0, $0xb8;
	[tilespmem:$0x13E00] =	vst v63  }
0x85: {  	s30 =	simm.s32 $0xD00  }
0x86: {  	[tilespmem:s30], [sflag:$0x1] =	stream.indirect_vreg.gather [hbm4b:s5+s2], $0x80, v17, vm0, $0xb8;
	[tilespmem:$0x13E00] =	vst v63  }
0x87: {  	v17 =	vld [tilespmem:$0x410];
	_ =	sdelay $0x4  }
0x88: {  	v18 =	vshrl.u32 v17, $0x3  }
0x89: {  	v18 =	vmul.u32 $0x278, v18  }
0x8a: {  	v17 =	vand.u32 $0x7, v17  }
0x8b: {  	v17 =	vor.u32 v17, v18  }
0x8c: {  	v18 =	vperm.xlane v17, v2;
	_ =	sdelay $0x1  }
0x8d: {  	v19 =	vperm.xlane v17, v4;
	v18 =	vadd.s32 v3, v18;
	_ =	sdelay $0x1  }
0x8e: {  	v52 =	vperm.xlane v17, v5;
	v19 =	vadd.s32 v3, v19;
	_ =	sdelay $0x1  }
0x8f: {  	s31 =	simm.s32 $0xD80;
	v53 =	vperm.xlane v17, v0;
	v20 =	vadd.s32 v3, v52  }
0x90: {  	[tilespmem:s31], [sflag:$0x1] =	stream.indirect_vreg.gather [hbm4b:s5+s2], $0x80, v18, vm0, $0xb8;
	[tilespmem:$0x13E00] =	vst v63  }
0x91: {  	s30 =	simm.s32 $0xE00;
	v54 =	vperm.xlane v17, v6;
	v18 =	vadd.s32 v3, v53  }
0x92: {  	[tilespmem:s30], [sflag:$0x1] =	stream.indirect_vreg.gather [hbm4b:s5+s2], $0x80, v19, vm0, $0xb8;
	[tilespmem:$0x13E00] =	vst v63  }
0x93: {  	v55 =	vperm.xlane v17, v7;
	s31 =	simm.s32 $0xE80;
	v19 =	vadd.s32 v3, v54  }
0x94: {  	[tilespmem:s31], [sflag:$0x1] =	stream.indirect_vreg.gather [hbm4b:s5+s2], $0x80, v20, vm0, $0xb8;
	[tilespmem:$0x13E00] =	vst v63  }
0x95: {  	v57 =	vperm.xlane v17, v8;
	v56 =	vadd.s32 v3, v55;
	s30 =	simm.s32 $0xF00  }
0x96: {  	[tilespmem:s30], [sflag:$0x1] =	stream.indirect_vreg.gather [hbm4b:s5+s2], $0x80, v18, vm0, $0xb8;
	[tilespmem:$0x13E00] =	vst v63  }
0x97: {  	v58 =	vperm.xlane v17, v1;
	s31 =	simm.s32 $0xF80;
	v18 =	vadd.s32 v3, v57  }
0x98: {  	[tilespmem:s31], [sflag:$0x1] =	stream.indirect_vreg.gather [hbm4b:s5+s2], $0x80, v19, vm0, $0xb8;
	[tilespmem:$0x13E00] =	vst v63  }
0x99: {  	v59 =	vperm.xlane v17, v9;
	s30 =	simm.s32 $0x1000;
	v19 =	vadd.s32 v3, v58  }
0x9a: {  	[tilespmem:s30], [sflag:$0x1] =	stream.indirect_vreg.gather [hbm4b:s5+s2], $0x80, v56, vm0, $0xb8;
	[tilespmem:$0x13E00] =	vst v63  }
0x9b: {  	v61 =	vperm.xlane v17, v10;
	v60 =	vadd.s32 v3, v59;
	s31 =	simm.s32 $0x1080  }
0x9c: {  	[tilespmem:s31], [sflag:$0x1] =	stream.indirect_vreg.gather [hbm4b:s5+s2], $0x80, v18, vm0, $0xb8;
	[tilespmem:$0x13E00] =	vst v63  }
0x9d: {  	v62 =	vperm.xlane v17, v11;
	s30 =	simm.s32 $0x1100;
	v18 =	vadd.s32 v3, v61  }
0x9e: {  	[tilespmem:s30], [sflag:$0x1] =	stream.indirect_vreg.gather [hbm4b:s5+s2], $0x80, v19, vm0, $0xb8;
	[tilespmem:$0x13E00] =	vst v63  }
0x9f: {  	v63 =	vperm.xlane v17, v12;
	s31 =	simm.s32 $0x1180;
	v19 =	vadd.s32 v3, v62  }
0xa0: {  	[tilespmem:s31], [sflag:$0x1] =	stream.indirect_vreg.gather [hbm4b:s5+s2], $0x80, v60, vm0, $0xb8;
	[tilespmem:$0x13E00] =	vst v63  }
0xa1: {  	v25 =	vperm.xlane v17, v13;
	v24 =	vadd.s32 v3, v63;
	s30 =	simm.s32 $0x1200  }
0xa2: {  	[tilespmem:s30], [sflag:$0x1] =	stream.indirect_vreg.gather [hbm4b:s5+s2], $0x80, v18, vm0, $0xb8;
	[tilespmem:$0x13E00] =	vst v63  }
0xa3: {  	v26 =	vperm.xlane v17, v14;
	s31 =	simm.s32 $0x1280;
	v18 =	vadd.s32 v3, v25  }
0xa4: {  	[tilespmem:s31], [sflag:$0x1] =	stream.indirect_vreg.gather [hbm4b:s5+s2], $0x80, v19, vm0, $0xb8;
	[tilespmem:$0x13E00] =	vst v63  }
0xa5: {  	v27 =	vperm.xlane v17, v15;
	s30 =	simm.s32 $0x1300;
	v19 =	vadd.s32 v3, v26  }
0xa6: {  	[tilespmem:s30], [sflag:$0x1] =	stream.indirect_vreg.gather [hbm4b:s5+s2], $0x80, v24, vm0, $0xb8;
	[tilespmem:$0x13E00] =	vst v63  }
0xa7: {  	v17 =	vperm.xlane v17, v16;
	v28 =	vadd.s32 v3, v27;
	s31 =	simm.s32 $0x1380  }
0xa8: {  	[tilespmem:s31], [sflag:$0x1] =	stream.indirect_vreg.gather [hbm4b:s5+s2], $0x80, v18, vm0, $0xb8;
	[tilespmem:$0x13E00] =	vst v63  }
0xa9: {  	v17 =	vadd.s32 v3, v17;
	s30 =	simm.s32 $0x1400  }
0xaa: {  	[tilespmem:s30], [sflag:$0x1] =	stream.indirect_vreg.gather [hbm4b:s5+s2], $0x80, v19, vm0, $0xb8;
	[tilespmem:$0x13E00] =	vst v63  }
0xab: {  	s31 =	simm.s32 $0x1480  }
0xac: {  	[tilespmem:s31], [sflag:$0x1] =	stream.indirect_vreg.gather [hbm4b:s5+s2], $0x80, v28, vm0, $0xb8;
	[tilespmem:$0x13E00] =	vst v63  }
0xad: {  	s30 =	simm.s32 $0x1500  }
0xae: {  	[tilespmem:s30], [sflag:$0x1] =	stream.indirect_vreg.gather [hbm4b:s5+s2], $0x80, v17, vm0, $0xb8;
	[tilespmem:$0x13E00] =	vst v63  }
0xaf: {  	v17 =	vld [tilespmem:$0x420];
	_ =	sdelay $0x4  }
0xb0: {  	v18 =	vshrl.u32 v17, $0x3  }
0xb1: {  	v18 =	vmul.u32 $0x278, v18  }
0xb2: {  	v17 =	vand.u32 $0x7, v17  }
0xb3: {  	v17 =	vor.u32 v17, v18  }
0xb4: {  	v18 =	vperm.xlane v17, v2;
	_ =	sdelay $0x1  }
0xb5: {  	v19 =	vperm.xlane v17, v4;
	v18 =	vadd.s32 v3, v18;
	_ =	sdelay $0x1  }
0xb6: {  	v29 =	vperm.xlane v17, v5;
	v19 =	vadd.s32 v3, v19;
	_ =	sdelay $0x1  }
0xb7: {  	s31 =	simm.s32 $0x1580;
	v30 =	vperm.xlane v17, v0;
	v20 =	vadd.s32 v3, v29  }
0xb8: {  	[tilespmem:s31], [sflag:$0x1] =	stream.indirect_vreg.gather [hbm4b:s5+s2], $0x80, v18, vm0, $0xb8;
	[tilespmem:$0x13E00] =	vst v63  }
0xb9: {  	s30 =	simm.s32 $0x1600;
	v31 =	vperm.xlane v17, v6;
	v18 =	vadd.s32 v3, v30  }
0xba: {  	[tilespmem:s30], [sflag:$0x1] =	stream.indirect_vreg.gather [hbm4b:s5+s2], $0x80, v19, vm0, $0xb8;
	[tilespmem:$0x13E00] =	vst v63  }
0xbb: {  	v32 =	vperm.xlane v17, v7;
	s31 =	simm.s32 $0x1680;
	v19 =	vadd.s32 v3, v31  }
0xbc: {  	[tilespmem:s31], [sflag:$0x1] =	stream.indirect_vreg.gather [hbm4b:s5+s2], $0x80, v20, vm0, $0xb8;
	[tilespmem:$0x13E00] =	vst v63  }
0xbd: {  	v34 =	vperm.xlane v17, v8;
	v33 =	vadd.s32 v3, v32;
	s30 =	simm.s32 $0x1700  }
0xbe: {  	[tilespmem:s30], [sflag:$0x1] =	stream.indirect_vreg.gather [hbm4b:s5+s2], $0x80, v18, vm0, $0xb8;
	[tilespmem:$0x13E00] =	vst v63  }
0xbf: {  	v35 =	vperm.xlane v17, v1;
	s31 =	simm.s32 $0x1780;
	v18 =	vadd.s32 v3, v34  }
0xc0: {  	[tilespmem:s31], [sflag:$0x1] =	stream.indirect_vreg.gather [hbm4b:s5+s2], $0x80, v19, vm0, $0xb8;
	[tilespmem:$0x13E00] =	vst v63  }
0xc1: {  	v36 =	vperm.xlane v17, v9;
	s30 =	simm.s32 $0x1800;
	v19 =	vadd.s32 v3, v35  }
0xc2: {  	[tilespmem:s30], [sflag:$0x1] =	stream.indirect_vreg.gather [hbm4b:s5+s2], $0x80, v33, vm0, $0xb8;
	[tilespmem:$0x13E00] =	vst v63  }
0xc3: {  	v38 =	vperm.xlane v17, v10;
	v37 =	vadd.s32 v3, v36;
	s31 =	simm.s32 $0x1880  }
0xc4: {  	[tilespmem:s31], [sflag:$0x1] =	stream.indirect_vreg.gather [hbm4b:s5+s2], $0x80, v18, vm0, $0xb8;
	[tilespmem:$0x13E00] =	vst v63  }
0xc5: {  	v39 =	vperm.xlane v17, v11;
	s30 =	simm.s32 $0x1900;
	v18 =	vadd.s32 v3, v38  }
0xc6: {  	[tilespmem:s30], [sflag:$0x1] =	stream.indirect_vreg.gather [hbm4b:s5+s2], $0x80, v19, vm0, $0xb8;
	[tilespmem:$0x13E00] =	vst v63  }
0xc7: {  	v40 =	vperm.xlane v17, v12;
	s31 =	simm.s32 $0x1980;
	v19 =	vadd.s32 v3, v39  }
0xc8: {  	[tilespmem:s31], [sflag:$0x1] =	stream.indirect_vreg.gather [hbm4b:s5+s2], $0x80, v37, vm0, $0xb8;
	[tilespmem:$0x13E00] =	vst v63  }
0xc9: {  	v42 =	vperm.xlane v17, v13;
	v41 =	vadd.s32 v3, v40;
	s30 =	simm.s32 $0x1A00  }
0xca: {  	[tilespmem:s30], [sflag:$0x1] =	stream.indirect_vreg.gather [hbm4b:s5+s2], $0x80, v18, vm0, $0xb8;
	[tilespmem:$0x13E00] =	vst v63  }
0xcb: {  	v43 =	vperm.xlane v17, v14;
	s31 =	simm.s32 $0x1A80;
	v18 =	vadd.s32 v3, v42  }
0xcc: {  	[tilespmem:s31], [sflag:$0x1] =	stream.indirect_vreg.gather [hbm4b:s5+s2], $0x80, v19, vm0, $0xb8;
	[tilespmem:$0x13E00] =	vst v63  }
0xcd: {  	v44 =	vperm.xlane v17, v15;
	s30 =	simm.s32 $0x1B00;
	v19 =	vadd.s32 v3, v43  }
0xce: {  	[tilespmem:s30], [sflag:$0x1] =	stream.indirect_vreg.gather [hbm4b:s5+s2], $0x80, v41, vm0, $0xb8;
	[tilespmem:$0x13E00] =	vst v63  }
0xcf: {  	v17 =	vperm.xlane v17, v16;
	v45 =	vadd.s32 v3, v44;
	s31 =	simm.s32 $0x1B80  }
0xd0: {  	[tilespmem:s31], [sflag:$0x1] =	stream.indirect_vreg.gather [hbm4b:s5+s2], $0x80, v18, vm0, $0xb8;
	[tilespmem:$0x13E00] =	vst v63  }
0xd1: {  	v17 =	vadd.s32 v3, v17;
	s30 =	simm.s32 $0x1C00  }
0xd2: {  	[tilespmem:s30], [sflag:$0x1] =	stream.indirect_vreg.gather [hbm4b:s5+s2], $0x80, v19, vm0, $0xb8;
	[tilespmem:$0x13E00] =	vst v63  }
0xd3: {  	s31 =	simm.s32 $0x1C80  }
0xd4: {  	[tilespmem:s31], [sflag:$0x1] =	stream.indirect_vreg.gather [hbm4b:s5+s2], $0x80, v45, vm0, $0xb8;
	[tilespmem:$0x13E00] =	vst v63  }
0xd5: {  	s30 =	simm.s32 $0x1D00  }
0xd6: {  	[tilespmem:s30], [sflag:$0x1] =	stream.indirect_vreg.gather [hbm4b:s5+s2], $0x80, v17, vm0, $0xb8;
	[tilespmem:$0x13E00] =	vst v63  }
0xd7: {  	v17 =	vld [tilespmem:$0x430];
	_ =	sdelay $0x4  }
0xd8: {  	v18 =	vshrl.u32 v17, $0x3  }
0xd9: {  	v18 =	vmul.u32 $0x278, v18  }
0xda: {  	v17 =	vand.u32 $0x7, v17  }
0xdb: {  	v17 =	vor.u32 v17, v18  }
0xdc: {  	v18 =	vperm.xlane v17, v2;
	_ =	sdelay $0x1  }
0xdd: {  	v19 =	vperm.xlane v17, v4;
	v18 =	vadd.s32 v3, v18;
	_ =	sdelay $0x1  }
0xde: {  	v46 =	vperm.xlane v17, v5;
	v19 =	vadd.s32 v3, v19;
	_ =	sdelay $0x1  }
0xdf: {  	s31 =	simm.s32 $0x1D80;
	v47 =	vperm.xlane v17, v0;
	v20 =	vadd.s32 v3, v46  }
0xe0: {  	[tilespmem:s31], [sflag:$0x1] =	stream.indirect_vreg.gather [hbm4b:s5+s2], $0x80, v18, vm0, $0xb8;
	[tilespmem:$0x13E00] =	vst v63  }
0xe1: {  	s30 =	simm.s32 $0x1E00;
	v48 =	vperm.xlane v17, v6;
	v18 =	vadd.s32 v3, v47  }
0xe2: {  	[tilespmem:s30], [sflag:$0x1] =	stream.indirect_vreg.gather [hbm4b:s5+s2], $0x80, v19, vm0, $0xb8;
	[tilespmem:$0x13E00] =	vst v63  }
0xe3: {  	v49 =	vperm.xlane v17, v7;
	s31 =	simm.s32 $0x1E80;
	v19 =	vadd.s32 v3, v48  }
0xe4: {  	[tilespmem:s31], [sflag:$0x1] =	stream.indirect_vreg.gather [hbm4b:s5+s2], $0x80, v20, vm0, $0xb8;
	[tilespmem:$0x13E00] =	vst v63  }
0xe5: {  	v51 =	vperm.xlane v17, v8;
	v50 =	vadd.s32 v3, v49;
	s30 =	simm.s32 $0x1F00  }
0xe6: {  	[tilespmem:s30], [sflag:$0x1] =	stream.indirect_vreg.gather [hbm4b:s5+s2], $0x80, v18, vm0, $0xb8;
	[tilespmem:$0x13E00] =	vst v63  }
0xe7: {  	v52 =	vperm.xlane v17, v1;
	s31 =	simm.s32 $0x1F80;
	v18 =	vadd.s32 v3, v51  }
0xe8: {  	[tilespmem:s31], [sflag:$0x1] =	stream.indirect_vreg.gather [hbm4b:s5+s2], $0x80, v19, vm0, $0xb8;
	[tilespmem:$0x13E00] =	vst v63  }
0xe9: {  	v53 =	vperm.xlane v17, v9;
	s30 =	simm.s32 $0x2000;
	v19 =	vadd.s32 v3, v52  }
0xea: {  	[tilespmem:s30], [sflag:$0x1] =	stream.indirect_vreg.gather [hbm4b:s5+s2], $0x80, v50, vm0, $0xb8;
	[tilespmem:$0x13E00] =	vst v63  }
0xeb: {  	v55 =	vperm.xlane v17, v10;
	v54 =	vadd.s32 v3, v53;
	s31 =	simm.s32 $0x2080  }
0xec: {  	[tilespmem:s31], [sflag:$0x1] =	stream.indirect_vreg.gather [hbm4b:s5+s2], $0x80, v18, vm0, $0xb8;
	[tilespmem:$0x13E00] =	vst v63  }
0xed: {  	v56 =	vperm.xlane v17, v11;
	s30 =	simm.s32 $0x2100;
	v18 =	vadd.s32 v3, v55  }
0xee: {  	[tilespmem:s30], [sflag:$0x1] =	stream.indirect_vreg.gather [hbm4b:s5+s2], $0x80, v19, vm0, $0xb8;
	[tilespmem:$0x13E00] =	vst v63  }
0xef: {  	v57 =	vperm.xlane v17, v12;
	s31 =	simm.s32 $0x2180;
	v19 =	vadd.s32 v3, v56  }
0xf0: {  	[tilespmem:s31], [sflag:$0x1] =	stream.indirect_vreg.gather [hbm4b:s5+s2], $0x80, v54, vm0, $0xb8;
	[tilespmem:$0x13E00] =	vst v63  }
0xf1: {  	v59 =	vperm.xlane v17, v13;
	v58 =	vadd.s32 v3, v57;
	s30 =	simm.s32 $0x2200  }
0xf2: {  	[tilespmem:s30], [sflag:$0x1] =	stream.indirect_vreg.gather [hbm4b:s5+s2], $0x80, v18, vm0, $0xb8;
	[tilespmem:$0x13E00] =	vst v63  }
0xf3: {  	v60 =	vperm.xlane v17, v14;
	s31 =	simm.s32 $0x2280;
	v18 =	vadd.s32 v3, v59  }
0xf4: {  	[tilespmem:s31], [sflag:$0x1] =	stream.indirect_vreg.gather [hbm4b:s5+s2], $0x80, v19, vm0, $0xb8;
	[tilespmem:$0x13E00] =	vst v63  }
0xf5: {  	v61 =	vperm.xlane v17, v15;
	s30 =	simm.s32 $0x2300;
	v19 =	vadd.s32 v3, v60  }
0xf6: {  	[tilespmem:s30], [sflag:$0x1] =	stream.indirect_vreg.gather [hbm4b:s5+s2], $0x80, v58, vm0, $0xb8;
	[tilespmem:$0x13E00] =	vst v63  }
0xf7: {  	v17 =	vperm.xlane v17, v16;
	v62 =	vadd.s32 v3, v61;
	s31 =	simm.s32 $0x2380  }
0xf8: {  	[tilespmem:s31], [sflag:$0x1] =	stream.indirect_vreg.gather [hbm4b:s5+s2], $0x80, v18, vm0, $0xb8;
	[tilespmem:$0x13E00] =	vst v63  }
0xf9: {  	v17 =	vadd.s32 v3, v17;
	s30 =	simm.s32 $0x2400  }
0xfa: {  	[tilespmem:s30], [sflag:$0x1] =	stream.indirect_vreg.gather [hbm4b:s5+s2], $0x80, v19, vm0, $0xb8;
	[tilespmem:$0x13E00] =	vst v63  }
0xfb: {  	s31 =	simm.s32 $0x2480  }
0xfc: {  	[tilespmem:s31], [sflag:$0x1] =	stream.indirect_vreg.gather [hbm4b:s5+s2], $0x80, v62, vm0, $0xb8;
	[tilespmem:$0x13E00] =	vst v63  }
0xfd: {  	s30 =	simm.s32 $0x2500  }
0xfe: {  	[tilespmem:s30], [sflag:$0x1] =	stream.indirect_vreg.gather [hbm4b:s5+s2], $0x80, v17, vm0, $0xb8;
	[tilespmem:$0x13E00] =	vst v63  }
0xff: {  	v17 =	vld [tilespmem:$0x440];
	_ =	sdelay $0x4  }
0x100: {  	v18 =	vshrl.u32 v17, $0x3  }
0x101: {  	v18 =	vmul.u32 $0x278, v18  }
0x102: {  	v17 =	vand.u32 $0x7, v17  }
0x103: {  	v17 =	vor.u32 v17, v18  }
0x104: {  	v18 =	vperm.xlane v17, v2;
	_ =	sdelay $0x1  }
0x105: {  	v19 =	vperm.xlane v17, v4;
	v18 =	vadd.s32 v3, v18;
	_ =	sdelay $0x1  }
0x106: {  	v63 =	vperm.xlane v17, v5;
	v19 =	vadd.s32 v3, v19;
	_ =	sdelay $0x1  }
0x107: {  	s31 =	simm.s32 $0x2580;
	v24 =	vperm.xlane v17, v0;
	v20 =	vadd.s32 v3, v63  }
0x108: {  	[tilespmem:s31], [sflag:$0x1] =	stream.indirect_vreg.gather [hbm4b:s5+s2], $0x80, v18, vm0, $0xb8;
	[tilespmem:$0x13E00] =	vst v63  }
0x109: {  	s30 =	simm.s32 $0x2600;
	v25 =	vperm.xlane v17, v6;
	v18 =	vadd.s32 v3, v24  }
0x10a: {  	[tilespmem:s30], [sflag:$0x1] =	stream.indirect_vreg.gather [hbm4b:s5+s2], $0x80, v19, vm0, $0xb8;
	[tilespmem:$0x13E00] =	vst v63  }
0x10b: {  	v26 =	vperm.xlane v17, v7;
	s31 =	simm.s32 $0x2680;
	v19 =	vadd.s32 v3, v25  }
0x10c: {  	[tilespmem:s31], [sflag:$0x1] =	stream.indirect_vreg.gather [hbm4b:s5+s2], $0x80, v20, vm0, $0xb8;
	[tilespmem:$0x13E00] =	vst v63  }
0x10d: {  	v28 =	vperm.xlane v17, v8;
	v27 =	vadd.s32 v3, v26;
	s30 =	simm.s32 $0x2700  }
0x10e: {  	[tilespmem:s30], [sflag:$0x1] =	stream.indirect_vreg.gather [hbm4b:s5+s2], $0x80, v18, vm0, $0xb8;
	[tilespmem:$0x13E00] =	vst v63  }
0x10f: {  	v29 =	vperm.xlane v17, v1;
	s31 =	simm.s32 $0x2780;
	v18 =	vadd.s32 v3, v28  }
0x110: {  	[tilespmem:s31], [sflag:$0x1] =	stream.indirect_vreg.gather [hbm4b:s5+s2], $0x80, v19, vm0, $0xb8;
	[tilespmem:$0x13E00] =	vst v63  }
0x111: {  	v30 =	vperm.xlane v17, v9;
	s30 =	simm.s32 $0x2800;
	v19 =	vadd.s32 v3, v29  }
0x112: {  	[tilespmem:s30], [sflag:$0x1] =	stream.indirect_vreg.gather [hbm4b:s5+s2], $0x80, v27, vm0, $0xb8;
	[tilespmem:$0x13E00] =	vst v63  }
0x113: {  	v32 =	vperm.xlane v17, v10;
	v31 =	vadd.s32 v3, v30;
	s31 =	simm.s32 $0x2880  }
0x114: {  	[tilespmem:s31], [sflag:$0x1] =	stream.indirect_vreg.gather [hbm4b:s5+s2], $0x80, v18, vm0, $0xb8;
	[tilespmem:$0x13E00] =	vst v63  }
0x115: {  	v33 =	vperm.xlane v17, v11;
	s30 =	simm.s32 $0x2900;
	v18 =	vadd.s32 v3, v32  }
0x116: {  	[tilespmem:s30], [sflag:$0x1] =	stream.indirect_vreg.gather [hbm4b:s5+s2], $0x80, v19, vm0, $0xb8;
	[tilespmem:$0x13E00] =	vst v63  }
0x117: {  	v34 =	vperm.xlane v17, v12;
	s31 =	simm.s32 $0x2980;
	v19 =	vadd.s32 v3, v33  }
0x118: {  	[tilespmem:s31], [sflag:$0x1] =	stream.indirect_vreg.gather [hbm4b:s5+s2], $0x80, v31, vm0, $0xb8;
	[tilespmem:$0x13E00] =	vst v63  }
0x119: {  	v36 =	vperm.xlane v17, v13;
	v35 =	vadd.s32 v3, v34;
	s30 =	simm.s32 $0x2A00  }
0x11a: {  	[tilespmem:s30], [sflag:$0x1] =	stream.indirect_vreg.gather [hbm4b:s5+s2], $0x80, v18, vm0, $0xb8;
	[tilespmem:$0x13E00] =	vst v63  }
0x11b: {  	v37 =	vperm.xlane v17, v14;
	s31 =	simm.s32 $0x2A80;
	v18 =	vadd.s32 v3, v36  }
0x11c: {  	[tilespmem:s31], [sflag:$0x1] =	stream.indirect_vreg.gather [hbm4b:s5+s2], $0x80, v19, vm0, $0xb8;
	[tilespmem:$0x13E00] =	vst v63  }
0x11d: {  	v38 =	vperm.xlane v17, v15;
	s30 =	simm.s32 $0x2B00;
	v19 =	vadd.s32 v3, v37  }
0x11e: {  	[tilespmem:s30], [sflag:$0x1] =	stream.indirect_vreg.gather [hbm4b:s5+s2], $0x80, v35, vm0, $0xb8;
	[tilespmem:$0x13E00] =	vst v63  }
0x11f: {  	v17 =	vperm.xlane v17, v16;
	v39 =	vadd.s32 v3, v38;
	s31 =	simm.s32 $0x2B80  }
0x120: {  	[tilespmem:s31], [sflag:$0x1] =	stream.indirect_vreg.gather [hbm4b:s5+s2], $0x80, v18, vm0, $0xb8;
	[tilespmem:$0x13E00] =	vst v63  }
0x121: {  	v17 =	vadd.s32 v3, v17;
	s30 =	simm.s32 $0x2C00  }
0x122: {  	[tilespmem:s30], [sflag:$0x1] =	stream.indirect_vreg.gather [hbm4b:s5+s2], $0x80, v19, vm0, $0xb8;
	[tilespmem:$0x13E00] =	vst v63  }
0x123: {  	s31 =	simm.s32 $0x2C80  }
0x124: {  	[tilespmem:s31], [sflag:$0x1] =	stream.indirect_vreg.gather [hbm4b:s5+s2], $0x80, v39, vm0, $0xb8;
	[tilespmem:$0x13E00] =	vst v63  }
0x125: {  	s30 =	simm.s32 $0x2D00  }
0x126: {  	[tilespmem:s30], [sflag:$0x1] =	stream.indirect_vreg.gather [hbm4b:s5+s2], $0x80, v17, vm0, $0xb8;
	[tilespmem:$0x13E00] =	vst v63  }
0x127: {  	v17 =	vld [tilespmem:$0x450];
	_ =	sdelay $0x4  }
0x128: {  	v18 =	vshrl.u32 v17, $0x3  }
0x129: {  	v18 =	vmul.u32 $0x278, v18  }
0x12a: {  	v17 =	vand.u32 $0x7, v17  }
0x12b: {  	v17 =	vor.u32 v17, v18  }
0x12c: {  	v18 =	vperm.xlane v17, v2;
	_ =	sdelay $0x1  }
0x12d: {  	v19 =	vperm.xlane v17, v4;
	v18 =	vadd.s32 v3, v18;
	_ =	sdelay $0x1  }
0x12e: {  	v40 =	vperm.xlane v17, v5;
	v19 =	vadd.s32 v3, v19;
	_ =	sdelay $0x1  }
0x12f: {  	s31 =	simm.s32 $0x2D80;
	v41 =	vperm.xlane v17, v0;
	v20 =	vadd.s32 v3, v40  }
0x130: {  	[tilespmem:s31], [sflag:$0x1] =	stream.indirect_vreg.gather [hbm4b:s5+s2], $0x80, v18, vm0, $0xb8;
	[tilespmem:$0x13E00] =	vst v63  }
0x131: {  	s30 =	simm.s32 $0x2E00;
	v42 =	vperm.xlane v17, v6;
	v18 =	vadd.s32 v3, v41  }
0x132: {  	[tilespmem:s30], [sflag:$0x1] =	stream.indirect_vreg.gather [hbm4b:s5+s2], $0x80, v19, vm0, $0xb8;
	[tilespmem:$0x13E00] =	vst v63  }
0x133: {  	v43 =	vperm.xlane v17, v7;
	s31 =	simm.s32 $0x2E80;
	v19 =	vadd.s32 v3, v42  }
0x134: {  	[tilespmem:s31], [sflag:$0x1] =	stream.indirect_vreg.gather [hbm4b:s5+s2], $0x80, v20, vm0, $0xb8;
	[tilespmem:$0x13E00] =	vst v63  }
0x135: {  	v45 =	vperm.xlane v17, v8;
	v44 =	vadd.s32 v3, v43;
	s30 =	simm.s32 $0x2F00  }
0x136: {  	[tilespmem:s30], [sflag:$0x1] =	stream.indirect_vreg.gather [hbm4b:s5+s2], $0x80, v18, vm0, $0xb8;
	[tilespmem:$0x13E00] =	vst v63  }
0x137: {  	v46 =	vperm.xlane v17, v1;
	s31 =	simm.s32 $0x2F80;
	v18 =	vadd.s32 v3, v45  }
0x138: {  	[tilespmem:s31], [sflag:$0x1] =	stream.indirect_vreg.gather [hbm4b:s5+s2], $0x80, v19, vm0, $0xb8;
	[tilespmem:$0x13E00] =	vst v63  }
0x139: {  	v47 =	vperm.xlane v17, v9;
	s30 =	simm.s32 $0x3000;
	v19 =	vadd.s32 v3, v46  }
0x13a: {  	[tilespmem:s30], [sflag:$0x1] =	stream.indirect_vreg.gather [hbm4b:s5+s2], $0x80, v44, vm0, $0xb8;
	[tilespmem:$0x13E00] =	vst v63  }
0x13b: {  	v49 =	vperm.xlane v17, v10;
	v48 =	vadd.s32 v3, v47;
	s31 =	simm.s32 $0x3080  }
0x13c: {  	[tilespmem:s31], [sflag:$0x1] =	stream.indirect_vreg.gather [hbm4b:s5+s2], $0x80, v18, vm0, $0xb8;
	[tilespmem:$0x13E00] =	vst v63  }
0x13d: {  	v50 =	vperm.xlane v17, v11;
	s30 =	simm.s32 $0x3100;
	v18 =	vadd.s32 v3, v49  }
0x13e: {  	[tilespmem:s30], [sflag:$0x1] =	stream.indirect_vreg.gather [hbm4b:s5+s2], $0x80, v19, vm0, $0xb8;
	[tilespmem:$0x13E00] =	vst v63  }
0x13f: {  	v51 =	vperm.xlane v17, v12;
	s31 =	simm.s32 $0x3180;
	v19 =	vadd.s32 v3, v50  }
0x140: {  	[tilespmem:s31], [sflag:$0x1] =	stream.indirect_vreg.gather [hbm4b:s5+s2], $0x80, v48, vm0, $0xb8;
	[tilespmem:$0x13E00] =	vst v63  }
0x141: {  	v53 =	vperm.xlane v17, v13;
	v52 =	vadd.s32 v3, v51;
	s30 =	simm.s32 $0x3200  }
0x142: {  	[tilespmem:s30], [sflag:$0x1] =	stream.indirect_vreg.gather [hbm4b:s5+s2], $0x80, v18, vm0, $0xb8;
	[tilespmem:$0x13E00] =	vst v63  }
0x143: {  	v54 =	vperm.xlane v17, v14;
	s31 =	simm.s32 $0x3280;
	v18 =	vadd.s32 v3, v53  }
0x144: {  	[tilespmem:s31], [sflag:$0x1] =	stream.indirect_vreg.gather [hbm4b:s5+s2], $0x80, v19, vm0, $0xb8;
	[tilespmem:$0x13E00] =	vst v63  }
0x145: {  	v55 =	vperm.xlane v17, v15;
	s30 =	simm.s32 $0x3300;
	v19 =	vadd.s32 v3, v54  }
0x146: {  	[tilespmem:s30], [sflag:$0x1] =	stream.indirect_vreg.gather [hbm4b:s5+s2], $0x80, v52, vm0, $0xb8;
	[tilespmem:$0x13E00] =	vst v63  }
0x147: {  	v17 =	vperm.xlane v17, v16;
	v56 =	vadd.s32 v3, v55;
	s31 =	simm.s32 $0x3380  }
0x148: {  	[tilespmem:s31], [sflag:$0x1] =	stream.indirect_vreg.gather [hbm4b:s5+s2], $0x80, v18, vm0, $0xb8;
	[tilespmem:$0x13E00] =	vst v63  }
0x149: {  	v17 =	vadd.s32 v3, v17;
	s30 =	simm.s32 $0x3400  }
0x14a: {  	[tilespmem:s30], [sflag:$0x1] =	stream.indirect_vreg.gather [hbm4b:s5+s2], $0x80, v19, vm0, $0xb8;
	[tilespmem:$0x13E00] =	vst v63  }
0x14b: {  	s31 =	simm.s32 $0x3480  }
0x14c: {  	[tilespmem:s31], [sflag:$0x1] =	stream.indirect_vreg.gather [hbm4b:s5+s2], $0x80, v56, vm0, $0xb8;
	[tilespmem:$0x13E00] =	vst v63  }
0x14d: {  	s30 =	simm.s32 $0x3500  }
0x14e: {  	[tilespmem:s30], [sflag:$0x1] =	stream.indirect_vreg.gather [hbm4b:s5+s2], $0x80, v17, vm0, $0xb8;
	[tilespmem:$0x13E00] =	vst v63  }
0x14f: {  	v17 =	vld.msk [tilespmem:$0x460], $0xf;
	_ =	sdelay $0x4  }
0x150: {  	v18 =	vshrl.u32 v17, $0x3  }
0x151: {  	v18 =	vmul.u32 $0x278, v18  }
0x152: {  	v17 =	vand.u32 $0x7, v17  }
0x153: {  	v17 =	vor.u32 v17, v18  }
0x154: {  	v18 =	vperm.xlane v17, v2;
	_ =	sdelay $0x1  }
0x155: {  	v19 =	vperm.xlane v17, v4;
	v18 =	vadd.s32 v3, v18;
	_ =	sdelay $0x1  }
0x156: {  	v57 =	vperm.xlane v17, v5;
	v19 =	vadd.s32 v3, v19;
	_ =	sdelay $0x1  }
0x157: {  	s31 =	simm.s32 $0x3580;
	v17 =	vperm.xlane v17, v0;
	v20 =	vadd.s32 v3, v57  }
0x158: {  	[tilespmem:s31], [sflag:$0x1] =	stream.indirect_vreg.gather [hbm4b:s5+s2], $0x80, v18, vm0, $0xb8;
	[tilespmem:$0x13E00] =	vst v63  }
0x159: {  	s30 =	simm.s32 $0x3600;
	v17 =	vadd.s32 v3, v17  }
0x15a: {  	[tilespmem:s30], [sflag:$0x1] =	stream.indirect_vreg.gather [hbm4b:s5+s2], $0x80, v19, vm0, $0xb8;
	[tilespmem:$0x13E00] =	vst v63  }
0x15b: {  	s31 =	simm.s32 $0x3680  }
0x15c: {  	[tilespmem:s31], [sflag:$0x1] =	stream.indirect_vreg.gather [hbm4b:s5+s2], $0x80, v20, vm0, $0xb8;
	[tilespmem:$0x13E00] =	vst v63  }
0x15d: {  	s30 =	simm.s32 $0x3700  }
0x15e: {  	[tilespmem:s30], [sflag:$0x1] =	stream.indirect_vreg.gather [hbm4b:s5+s2], $0x80, v17, vm0, $0xb8;
	[tilespmem:$0x13E00] =	vst v63  }
0x15f: {  	v17 =	vld [tilespmem:$0x480];
	_ =	sdelay $0x4  }
0x160: {  	v18 =	vshrl.u32 v17, $0x3  }
0x161: {  	v18 =	vmul.u32 $0x278, v18  }
0x162: {  	v17 =	vand.u32 $0x7, v17  }
0x163: {  	v17 =	vor.u32 v17, v18  }
0x164: {  	v18 =	vperm.xlane v17, v2;
	_ =	sdelay $0x1  }
0x165: {  	v19 =	vperm.xlane v17, v4;
	v18 =	vadd.s32 v3, v18;
	_ =	sdelay $0x1  }
0x166: {  	v58 =	vperm.xlane v17, v5;
	v19 =	vadd.s32 v3, v19;
	_ =	sdelay $0x1  }
0x167: {  	s31 =	simm.s32 $0x3980;
	v59 =	vperm.xlane v17, v0;
	v20 =	vadd.s32 v3, v58  }
0x168: {  	[tilespmem:s31], [sflag:$0x1] =	stream.indirect_vreg.gather [hbm4b:s6+s2], $0x80, v18, vm0, $0xb8;
	[tilespmem:$0x13E00] =	vst v63  }
0x169: {  	s30 =	simm.s32 $0x3A00;
	v60 =	vperm.xlane v17, v6;
	v18 =	vadd.s32 v3, v59  }
0x16a: {  	[tilespmem:s30], [sflag:$0x1] =	stream.indirect_vreg.gather [hbm4b:s6+s2], $0x80, v19, vm0, $0xb8;
	[tilespmem:$0x13E00] =	vst v63  }
0x16b: {  	v61 =	vperm.xlane v17, v7;
	s31 =	simm.s32 $0x3A80;
	v19 =	vadd.s32 v3, v60  }
0x16c: {  	[tilespmem:s31], [sflag:$0x1] =	stream.indirect_vreg.gather [hbm4b:s6+s2], $0x80, v20, vm0, $0xb8;
	[tilespmem:$0x13E00] =	vst v63  }
0x16d: {  	v63 =	vperm.xlane v17, v8;
	v62 =	vadd.s32 v3, v61;
	s30 =	simm.s32 $0x3B00  }
0x16e: {  	[tilespmem:s30], [sflag:$0x1] =	stream.indirect_vreg.gather [hbm4b:s6+s2], $0x80, v18, vm0, $0xb8;
	[tilespmem:$0x13E00] =	vst v63  }
0x16f: {  	v24 =	vperm.xlane v17, v1;
	s31 =	simm.s32 $0x3B80;
	v18 =	vadd.s32 v3, v63  }
0x170: {  	[tilespmem:s31], [sflag:$0x1] =	stream.indirect_vreg.gather [hbm4b:s6+s2], $0x80, v19, vm0, $0xb8;
	[tilespmem:$0x13E00] =	vst v63  }
0x171: {  	v25 =	vperm.xlane v17, v9;
	s30 =	simm.s32 $0x3C00;
	v19 =	vadd.s32 v3, v24  }
0x172: {  	[tilespmem:s30], [sflag:$0x1] =	stream.indirect_vreg.gather [hbm4b:s6+s2], $0x80, v62, vm0, $0xb8;
	[tilespmem:$0x13E00] =	vst v63  }
0x173: {  	v27 =	vperm.xlane v17, v10;
	v26 =	vadd.s32 v3, v25;
	s31 =	simm.s32 $0x3C80  }
0x174: {  	[tilespmem:s31], [sflag:$0x1] =	stream.indirect_vreg.gather [hbm4b:s6+s2], $0x80, v18, vm0, $0xb8;
	[tilespmem:$0x13E00] =	vst v63  }
0x175: {  	v28 =	vperm.xlane v17, v11;
	s30 =	simm.s32 $0x3D00;
	v18 =	vadd.s32 v3, v27  }
0x176: {  	[tilespmem:s30], [sflag:$0x1] =	stream.indirect_vreg.gather [hbm4b:s6+s2], $0x80, v19, vm0, $0xb8;
	[tilespmem:$0x13E00] =	vst v63  }
0x177: {  	v29 =	vperm.xlane v17, v12;
	s31 =	simm.s32 $0x3D80;
	v19 =	vadd.s32 v3, v28  }
0x178: {  	[tilespmem:s31], [sflag:$0x1] =	stream.indirect_vreg.gather [hbm4b:s6+s2], $0x80, v26, vm0, $0xb8;
	[tilespmem:$0x13E00] =	vst v63  }
0x179: {  	v31 =	vperm.xlane v17, v13;
	v30 =	vadd.s32 v3, v29;
	s30 =	simm.s32 $0x3E00  }
0x17a: {  	[tilespmem:s30], [sflag:$0x1] =	stream.indirect_vreg.gather [hbm4b:s6+s2], $0x80, v18, vm0, $0xb8;
	[tilespmem:$0x13E00] =	vst v63  }
0x17b: {  	v32 =	vperm.xlane v17, v14;
	s31 =	simm.s32 $0x3E80;
	v18 =	vadd.s32 v3, v31  }
0x17c: {  	[tilespmem:s31], [sflag:$0x1] =	stream.indirect_vreg.gather [hbm4b:s6+s2], $0x80, v19, vm0, $0xb8;
	[tilespmem:$0x13E00] =	vst v63  }
0x17d: {  	v33 =	vperm.xlane v17, v15;
	s30 =	simm.s32 $0x3F00;
	v19 =	vadd.s32 v3, v32  }
0x17e: {  	[tilespmem:s30], [sflag:$0x1] =	stream.indirect_vreg.gather [hbm4b:s6+s2], $0x80, v30, vm0, $0xb8;
	[tilespmem:$0x13E00] =	vst v63  }
0x17f: {  	v17 =	vperm.xlane v17, v16;
	v34 =	vadd.s32 v3, v33;
	s31 =	simm.s32 $0x3F80  }
0x180: {  	[tilespmem:s31], [sflag:$0x1] =	stream.indirect_vreg.gather [hbm4b:s6+s2], $0x80, v18, vm0, $0xb8;
	[tilespmem:$0x13E00] =	vst v63  }
0x181: {  	v17 =	vadd.s32 v3, v17;
	s30 =	simm.s32 $0x4000  }
0x182: {  	[tilespmem:s30], [sflag:$0x1] =	stream.indirect_vreg.gather [hbm4b:s6+s2], $0x80, v19, vm0, $0xb8;
	[tilespmem:$0x13E00] =	vst v63  }
0x183: {  	s31 =	simm.s32 $0x4080  }
0x184: {  	[tilespmem:s31], [sflag:$0x1] =	stream.indirect_vreg.gather [hbm4b:s6+s2], $0x80, v34, vm0, $0xb8;
	[tilespmem:$0x13E00] =	vst v63  }
0x185: {  	s30 =	simm.s32 $0x4100  }
0x186: {  	[tilespmem:s30], [sflag:$0x1] =	stream.indirect_vreg.gather [hbm4b:s6+s2], $0x80, v17, vm0, $0xb8;
	[tilespmem:$0x13E00] =	vst v63  }
0x187: {  	v17 =	vld [tilespmem:$0x490];
	_ =	sdelay $0x4  }
0x188: {  	v18 =	vshrl.u32 v17, $0x3  }
0x189: {  	v18 =	vmul.u32 $0x278, v18  }
0x18a: {  	v17 =	vand.u32 $0x7, v17  }
0x18b: {  	v17 =	vor.u32 v17, v18  }
0x18c: {  	v18 =	vperm.xlane v17, v2;
	_ =	sdelay $0x1  }
0x18d: {  	v19 =	vperm.xlane v17, v4;
	v18 =	vadd.s32 v3, v18;
	_ =	sdelay $0x1  }
0x18e: {  	v35 =	vperm.xlane v17, v5;
	v19 =	vadd.s32 v3, v19;
	_ =	sdelay $0x1  }
0x18f: {  	s31 =	simm.s32 $0x4180;
	v36 =	vperm.xlane v17, v0;
	v20 =	vadd.s32 v3, v35  }
0x190: {  	[tilespmem:s31], [sflag:$0x1] =	stream.indirect_vreg.gather [hbm4b:s6+s2], $0x80, v18, vm0, $0xb8;
	[tilespmem:$0x13E00] =	vst v63  }
0x191: {  	s30 =	simm.s32 $0x4200;
	v37 =	vperm.xlane v17, v6;
	v18 =	vadd.s32 v3, v36  }
0x192: {  	[tilespmem:s30], [sflag:$0x1] =	stream.indirect_vreg.gather [hbm4b:s6+s2], $0x80, v19, vm0, $0xb8;
	[tilespmem:$0x13E00] =	vst v63  }
0x193: {  	v38 =	vperm.xlane v17, v7;
	s31 =	simm.s32 $0x4280;
	v19 =	vadd.s32 v3, v37  }
0x194: {  	[tilespmem:s31], [sflag:$0x1] =	stream.indirect_vreg.gather [hbm4b:s6+s2], $0x80, v20, vm0, $0xb8;
	[tilespmem:$0x13E00] =	vst v63  }
0x195: {  	v40 =	vperm.xlane v17, v8;
	v39 =	vadd.s32 v3, v38;
	s30 =	simm.s32 $0x4300  }
0x196: {  	[tilespmem:s30], [sflag:$0x1] =	stream.indirect_vreg.gather [hbm4b:s6+s2], $0x80, v18, vm0, $0xb8;
	[tilespmem:$0x13E00] =	vst v63  }
0x197: {  	v41 =	vperm.xlane v17, v1;
	s31 =	simm.s32 $0x4380;
	v18 =	vadd.s32 v3, v40  }
0x198: {  	[tilespmem:s31], [sflag:$0x1] =	stream.indirect_vreg.gather [hbm4b:s6+s2], $0x80, v19, vm0, $0xb8;
	[tilespmem:$0x13E00] =	vst v63  }
0x199: {  	v42 =	vperm.xlane v17, v9;
	s30 =	simm.s32 $0x4400;
	v19 =	vadd.s32 v3, v41  }
0x19a: {  	[tilespmem:s30], [sflag:$0x1] =	stream.indirect_vreg.gather [hbm4b:s6+s2], $0x80, v39, vm0, $0xb8;
	[tilespmem:$0x13E00] =	vst v63  }
0x19b: {  	v44 =	vperm.xlane v17, v10;
	v43 =	vadd.s32 v3, v42;
	s31 =	simm.s32 $0x4480  }
0x19c: {  	[tilespmem:s31], [sflag:$0x1] =	stream.indirect_vreg.gather [hbm4b:s6+s2], $0x80, v18, vm0, $0xb8;
	[tilespmem:$0x13E00] =	vst v63  }
0x19d: {  	v45 =	vperm.xlane v17, v11;
	s30 =	simm.s32 $0x4500;
	v18 =	vadd.s32 v3, v44  }
0x19e: {  	[tilespmem:s30], [sflag:$0x1] =	stream.indirect_vreg.gather [hbm4b:s6+s2], $0x80, v19, vm0, $0xb8;
	[tilespmem:$0x13E00] =	vst v63  }
0x19f: {  	v46 =	vperm.xlane v17, v12;
	s31 =	simm.s32 $0x4580;
	v19 =	vadd.s32 v3, v45  }
0x1a0: {  	[tilespmem:s31], [sflag:$0x1] =	stream.indirect_vreg.gather [hbm4b:s6+s2], $0x80, v43, vm0, $0xb8;
	[tilespmem:$0x13E00] =	vst v63  }
0x1a1: {  	v48 =	vperm.xlane v17, v13;
	v47 =	vadd.s32 v3, v46;
	s30 =	simm.s32 $0x4600  }
0x1a2: {  	[tilespmem:s30], [sflag:$0x1] =	stream.indirect_vreg.gather [hbm4b:s6+s2], $0x80, v18, vm0, $0xb8;
	[tilespmem:$0x13E00] =	vst v63  }
0x1a3: {  	v49 =	vperm.xlane v17, v14;
	s31 =	simm.s32 $0x4680;
	v18 =	vadd.s32 v3, v48  }
0x1a4: {  	[tilespmem:s31], [sflag:$0x1] =	stream.indirect_vreg.gather [hbm4b:s6+s2], $0x80, v19, vm0, $0xb8;
	[tilespmem:$0x13E00] =	vst v63  }
0x1a5: {  	v50 =	vperm.xlane v17, v15;
	s30 =	simm.s32 $0x4700;
	v19 =	vadd.s32 v3, v49  }
0x1a6: {  	[tilespmem:s30], [sflag:$0x1] =	stream.indirect_vreg.gather [hbm4b:s6+s2], $0x80, v47, vm0, $0xb8;
	[tilespmem:$0x13E00] =	vst v63  }
0x1a7: {  	v17 =	vperm.xlane v17, v16;
	v51 =	vadd.s32 v3, v50;
	s31 =	simm.s32 $0x4780  }
0x1a8: {  	[tilespmem:s31], [sflag:$0x1] =	stream.indirect_vreg.gather [hbm4b:s6+s2], $0x80, v18, vm0, $0xb8;
	[tilespmem:$0x13E00] =	vst v63  }
0x1a9: {  	v17 =	vadd.s32 v3, v17;
	s30 =	simm.s32 $0x4800  }
0x1aa: {  	[tilespmem:s30], [sflag:$0x1] =	stream.indirect_vreg.gather [hbm4b:s6+s2], $0x80, v19, vm0, $0xb8;
	[tilespmem:$0x13E00] =	vst v63  }
0x1ab: {  	s31 =	simm.s32 $0x4880  }
0x1ac: {  	[tilespmem:s31], [sflag:$0x1] =	stream.indirect_vreg.gather [hbm4b:s6+s2], $0x80, v51, vm0, $0xb8;
	[tilespmem:$0x13E00] =	vst v63  }
0x1ad: {  	s30 =	simm.s32 $0x4900  }
0x1ae: {  	[tilespmem:s30], [sflag:$0x1] =	stream.indirect_vreg.gather [hbm4b:s6+s2], $0x80, v17, vm0, $0xb8;
	[tilespmem:$0x13E00] =	vst v63  }
0x1af: {  	v17 =	vld [tilespmem:$0x4A0];
	_ =	sdelay $0x4  }
0x1b0: {  	v18 =	vshrl.u32 v17, $0x3  }
0x1b1: {  	v18 =	vmul.u32 $0x278, v18  }
0x1b2: {  	v17 =	vand.u32 $0x7, v17  }
0x1b3: {  	v17 =	vor.u32 v17, v18  }
0x1b4: {  	v18 =	vperm.xlane v17, v2;
	_ =	sdelay $0x1  }
0x1b5: {  	v19 =	vperm.xlane v17, v4;
	v18 =	vadd.s32 v3, v18;
	_ =	sdelay $0x1  }
0x1b6: {  	v52 =	vperm.xlane v17, v5;
	v19 =	vadd.s32 v3, v19;
	_ =	sdelay $0x1  }
0x1b7: {  	s31 =	simm.s32 $0x4980;
	v53 =	vperm.xlane v17, v0;
	v20 =	vadd.s32 v3, v52  }
0x1b8: {  	[tilespmem:s31], [sflag:$0x1] =	stream.indirect_vreg.gather [hbm4b:s6+s2], $0x80, v18, vm0, $0xb8;
	[tilespmem:$0x13E00] =	vst v63  }
0x1b9: {  	s30 =	simm.s32 $0x4A00;
	v54 =	vperm.xlane v17, v6;
	v18 =	vadd.s32 v3, v53  }
0x1ba: {  	[tilespmem:s30], [sflag:$0x1] =	stream.indirect_vreg.gather [hbm4b:s6+s2], $0x80, v19, vm0, $0xb8;
	[tilespmem:$0x13E00] =	vst v63  }
0x1bb: {  	v55 =	vperm.xlane v17, v7;
	s31 =	simm.s32 $0x4A80;
	v19 =	vadd.s32 v3, v54  }
0x1bc: {  	[tilespmem:s31], [sflag:$0x1] =	stream.indirect_vreg.gather [hbm4b:s6+s2], $0x80, v20, vm0, $0xb8;
	[tilespmem:$0x13E00] =	vst v63  }
0x1bd: {  	v57 =	vperm.xlane v17, v8;
	v56 =	vadd.s32 v3, v55;
	s30 =	simm.s32 $0x4B00  }
0x1be: {  	[tilespmem:s30], [sflag:$0x1] =	stream.indirect_vreg.gather [hbm4b:s6+s2], $0x80, v18, vm0, $0xb8;
	[tilespmem:$0x13E00] =	vst v63  }
0x1bf: {  	v58 =	vperm.xlane v17, v1;
	s31 =	simm.s32 $0x4B80;
	v18 =	vadd.s32 v3, v57  }
0x1c0: {  	[tilespmem:s31], [sflag:$0x1] =	stream.indirect_vreg.gather [hbm4b:s6+s2], $0x80, v19, vm0, $0xb8;
	[tilespmem:$0x13E00] =	vst v63  }
0x1c1: {  	v59 =	vperm.xlane v17, v9;
	s30 =	simm.s32 $0x4C00;
	v19 =	vadd.s32 v3, v58  }
0x1c2: {  	[tilespmem:s30], [sflag:$0x1] =	stream.indirect_vreg.gather [hbm4b:s6+s2], $0x80, v56, vm0, $0xb8;
	[tilespmem:$0x13E00] =	vst v63  }
0x1c3: {  	v61 =	vperm.xlane v17, v10;
	v60 =	vadd.s32 v3, v59;
	s31 =	simm.s32 $0x4C80  }
0x1c4: {  	[tilespmem:s31], [sflag:$0x1] =	stream.indirect_vreg.gather [hbm4b:s6+s2], $0x80, v18, vm0, $0xb8;
	[tilespmem:$0x13E00] =	vst v63  }
0x1c5: {  	v62 =	vperm.xlane v17, v11;
	s30 =	simm.s32 $0x4D00;
	v18 =	vadd.s32 v3, v61  }
0x1c6: {  	[tilespmem:s30], [sflag:$0x1] =	stream.indirect_vreg.gather [hbm4b:s6+s2], $0x80, v19, vm0, $0xb8;
	[tilespmem:$0x13E00] =	vst v63  }
0x1c7: {  	v63 =	vperm.xlane v17, v12;
	s31 =	simm.s32 $0x4D80;
	v19 =	vadd.s32 v3, v62  }
0x1c8: {  	[tilespmem:s31], [sflag:$0x1] =	stream.indirect_vreg.gather [hbm4b:s6+s2], $0x80, v60, vm0, $0xb8;
	[tilespmem:$0x13E00] =	vst v63  }
0x1c9: {  	v25 =	vperm.xlane v17, v13;
	v24 =	vadd.s32 v3, v63;
	s30 =	simm.s32 $0x4E00  }
0x1ca: {  	[tilespmem:s30], [sflag:$0x1] =	stream.indirect_vreg.gather [hbm4b:s6+s2], $0x80, v18, vm0, $0xb8;
	[tilespmem:$0x13E00] =	vst v63  }
0x1cb: {  	v26 =	vperm.xlane v17, v14;
	s31 =	simm.s32 $0x4E80;
	v18 =	vadd.s32 v3, v25  }
0x1cc: {  	[tilespmem:s31], [sflag:$0x1] =	stream.indirect_vreg.gather [hbm4b:s6+s2], $0x80, v19, vm0, $0xb8;
	[tilespmem:$0x13E00] =	vst v63  }
0x1cd: {  	v27 =	vperm.xlane v17, v15;
	s30 =	simm.s32 $0x4F00;
	v19 =	vadd.s32 v3, v26  }
0x1ce: {  	[tilespmem:s30], [sflag:$0x1] =	stream.indirect_vreg.gather [hbm4b:s6+s2], $0x80, v24, vm0, $0xb8;
	[tilespmem:$0x13E00] =	vst v63  }
0x1cf: {  	v17 =	vperm.xlane v17, v16;
	v28 =	vadd.s32 v3, v27;
	s31 =	simm.s32 $0x4F80  }
0x1d0: {  	[tilespmem:s31], [sflag:$0x1] =	stream.indirect_vreg.gather [hbm4b:s6+s2], $0x80, v18, vm0, $0xb8;
	[tilespmem:$0x13E00] =	vst v63  }
0x1d1: {  	v17 =	vadd.s32 v3, v17;
	s30 =	simm.s32 $0x5000  }
0x1d2: {  	[tilespmem:s30], [sflag:$0x1] =	stream.indirect_vreg.gather [hbm4b:s6+s2], $0x80, v19, vm0, $0xb8;
	[tilespmem:$0x13E00] =	vst v63  }
0x1d3: {  	s31 =	simm.s32 $0x5080  }
0x1d4: {  	[tilespmem:s31], [sflag:$0x1] =	stream.indirect_vreg.gather [hbm4b:s6+s2], $0x80, v28, vm0, $0xb8;
	[tilespmem:$0x13E00] =	vst v63  }
0x1d5: {  	s30 =	simm.s32 $0x5100  }
0x1d6: {  	[tilespmem:s30], [sflag:$0x1] =	stream.indirect_vreg.gather [hbm4b:s6+s2], $0x80, v17, vm0, $0xb8;
	[tilespmem:$0x13E00] =	vst v63  }
0x1d7: {  	v17 =	vld [tilespmem:$0x4B0];
	_ =	sdelay $0x4  }
0x1d8: {  	v18 =	vshrl.u32 v17, $0x3  }
0x1d9: {  	v18 =	vmul.u32 $0x278, v18  }
0x1da: {  	v17 =	vand.u32 $0x7, v17  }
0x1db: {  	v17 =	vor.u32 v17, v18  }
0x1dc: {  	v18 =	vperm.xlane v17, v2;
	_ =	sdelay $0x1  }
0x1dd: {  	v19 =	vperm.xlane v17, v4;
	v18 =	vadd.s32 v3, v18;
	_ =	sdelay $0x1  }
0x1de: {  	v29 =	vperm.xlane v17, v5;
	v19 =	vadd.s32 v3, v19;
	_ =	sdelay $0x1  }
0x1df: {  	s31 =	simm.s32 $0x5180;
	v30 =	vperm.xlane v17, v0;
	v20 =	vadd.s32 v3, v29  }
0x1e0: {  	[tilespmem:s31], [sflag:$0x1] =	stream.indirect_vreg.gather [hbm4b:s6+s2], $0x80, v18, vm0, $0xb8;
	[tilespmem:$0x13E00] =	vst v63  }
0x1e1: {  	s30 =	simm.s32 $0x5200;
	v31 =	vperm.xlane v17, v6;
	v18 =	vadd.s32 v3, v30  }
0x1e2: {  	[tilespmem:s30], [sflag:$0x1] =	stream.indirect_vreg.gather [hbm4b:s6+s2], $0x80, v19, vm0, $0xb8;
	[tilespmem:$0x13E00] =	vst v63  }
0x1e3: {  	v32 =	vperm.xlane v17, v7;
	s31 =	simm.s32 $0x5280;
	v19 =	vadd.s32 v3, v31  }
0x1e4: {  	[tilespmem:s31], [sflag:$0x1] =	stream.indirect_vreg.gather [hbm4b:s6+s2], $0x80, v20, vm0, $0xb8;
	[tilespmem:$0x13E00] =	vst v63  }
0x1e5: {  	v34 =	vperm.xlane v17, v8;
	v33 =	vadd.s32 v3, v32;
	s30 =	simm.s32 $0x5300  }
0x1e6: {  	[tilespmem:s30], [sflag:$0x1] =	stream.indirect_vreg.gather [hbm4b:s6+s2], $0x80, v18, vm0, $0xb8;
	[tilespmem:$0x13E00] =	vst v63  }
0x1e7: {  	v35 =	vperm.xlane v17, v1;
	s31 =	simm.s32 $0x5380;
	v18 =	vadd.s32 v3, v34  }
0x1e8: {  	[tilespmem:s31], [sflag:$0x1] =	stream.indirect_vreg.gather [hbm4b:s6+s2], $0x80, v19, vm0, $0xb8;
	[tilespmem:$0x13E00] =	vst v63  }
0x1e9: {  	v36 =	vperm.xlane v17, v9;
	s30 =	simm.s32 $0x5400;
	v19 =	vadd.s32 v3, v35  }
0x1ea: {  	[tilespmem:s30], [sflag:$0x1] =	stream.indirect_vreg.gather [hbm4b:s6+s2], $0x80, v33, vm0, $0xb8;
	[tilespmem:$0x13E00] =	vst v63  }
0x1eb: {  	v38 =	vperm.xlane v17, v10;
	v37 =	vadd.s32 v3, v36;
	s31 =	simm.s32 $0x5480  }
0x1ec: {  	[tilespmem:s31], [sflag:$0x1] =	stream.indirect_vreg.gather [hbm4b:s6+s2], $0x80, v18, vm0, $0xb8;
	[tilespmem:$0x13E00] =	vst v63  }
0x1ed: {  	v39 =	vperm.xlane v17, v11;
	s30 =	simm.s32 $0x5500;
	v18 =	vadd.s32 v3, v38  }
0x1ee: {  	[tilespmem:s30], [sflag:$0x1] =	stream.indirect_vreg.gather [hbm4b:s6+s2], $0x80, v19, vm0, $0xb8;
	[tilespmem:$0x13E00] =	vst v63  }
0x1ef: {  	v40 =	vperm.xlane v17, v12;
	s31 =	simm.s32 $0x5580;
	v19 =	vadd.s32 v3, v39  }
0x1f0: {  	[tilespmem:s31], [sflag:$0x1] =	stream.indirect_vreg.gather [hbm4b:s6+s2], $0x80, v37, vm0, $0xb8;
	[tilespmem:$0x13E00] =	vst v63  }
0x1f1: {  	v42 =	vperm.xlane v17, v13;
	v41 =	vadd.s32 v3, v40;
	s30 =	simm.s32 $0x5600  }
0x1f2: {  	[tilespmem:s30], [sflag:$0x1] =	stream.indirect_vreg.gather [hbm4b:s6+s2], $0x80, v18, vm0, $0xb8;
	[tilespmem:$0x13E00] =	vst v63  }
0x1f3: {  	v43 =	vperm.xlane v17, v14;
	s31 =	simm.s32 $0x5680;
	v18 =	vadd.s32 v3, v42  }
0x1f4: {  	[tilespmem:s31], [sflag:$0x1] =	stream.indirect_vreg.gather [hbm4b:s6+s2], $0x80, v19, vm0, $0xb8;
	[tilespmem:$0x13E00] =	vst v63  }
0x1f5: {  	v44 =	vperm.xlane v17, v15;
	s30 =	simm.s32 $0x5700;
	v19 =	vadd.s32 v3, v43  }
0x1f6: {  	[tilespmem:s30], [sflag:$0x1] =	stream.indirect_vreg.gather [hbm4b:s6+s2], $0x80, v41, vm0, $0xb8;
	[tilespmem:$0x13E00] =	vst v63  }
0x1f7: {  	v17 =	vperm.xlane v17, v16;
	v45 =	vadd.s32 v3, v44;
	s31 =	simm.s32 $0x5780  }
0x1f8: {  	[tilespmem:s31], [sflag:$0x1] =	stream.indirect_vreg.gather [hbm4b:s6+s2], $0x80, v18, vm0, $0xb8;
	[tilespmem:$0x13E00] =	vst v63  }
0x1f9: {  	v17 =	vadd.s32 v3, v17;
	s30 =	simm.s32 $0x5800  }
0x1fa: {  	[tilespmem:s30], [sflag:$0x1] =	stream.indirect_vreg.gather [hbm4b:s6+s2], $0x80, v19, vm0, $0xb8;
	[tilespmem:$0x13E00] =	vst v63  }
0x1fb: {  	s31 =	simm.s32 $0x5880  }
0x1fc: {  	[tilespmem:s31], [sflag:$0x1] =	stream.indirect_vreg.gather [hbm4b:s6+s2], $0x80, v45, vm0, $0xb8;
	[tilespmem:$0x13E00] =	vst v63  }
0x1fd: {  	s30 =	simm.s32 $0x5900  }
0x1fe: {  	[tilespmem:s30], [sflag:$0x1] =	stream.indirect_vreg.gather [hbm4b:s6+s2], $0x80, v17, vm0, $0xb8;
	[tilespmem:$0x13E00] =	vst v63  }
0x1ff: {  	v17 =	vld [tilespmem:$0x4C0];
	_ =	sdelay $0x4  }
0x200: {  	v18 =	vshrl.u32 v17, $0x3  }
0x201: {  	v18 =	vmul.u32 $0x278, v18  }
0x202: {  	v17 =	vand.u32 $0x7, v17  }
0x203: {  	v17 =	vor.u32 v17, v18  }
0x204: {  	v18 =	vperm.xlane v17, v2;
	_ =	sdelay $0x1  }
0x205: {  	v19 =	vperm.xlane v17, v4;
	v18 =	vadd.s32 v3, v18;
	_ =	sdelay $0x1  }
0x206: {  	v46 =	vperm.xlane v17, v5;
	v19 =	vadd.s32 v3, v19;
	_ =	sdelay $0x1  }
0x207: {  	s31 =	simm.s32 $0x5980;
	v47 =	vperm.xlane v17, v0;
	v20 =	vadd.s32 v3, v46  }
0x208: {  	[tilespmem:s31], [sflag:$0x1] =	stream.indirect_vreg.gather [hbm4b:s6+s2], $0x80, v18, vm0, $0xb8;
	[tilespmem:$0x13E00] =	vst v63  }
0x209: {  	s30 =	simm.s32 $0x5A00;
	v48 =	vperm.xlane v17, v6;
	v18 =	vadd.s32 v3, v47  }
0x20a: {  	[tilespmem:s30], [sflag:$0x1] =	stream.indirect_vreg.gather [hbm4b:s6+s2], $0x80, v19, vm0, $0xb8;
	[tilespmem:$0x13E00] =	vst v63  }
0x20b: {  	v49 =	vperm.xlane v17, v7;
	s31 =	simm.s32 $0x5A80;
	v19 =	vadd.s32 v3, v48  }
0x20c: {  	[tilespmem:s31], [sflag:$0x1] =	stream.indirect_vreg.gather [hbm4b:s6+s2], $0x80, v20, vm0, $0xb8;
	[tilespmem:$0x13E00] =	vst v63  }
0x20d: {  	v51 =	vperm.xlane v17, v8;
	v50 =	vadd.s32 v3, v49;
	s30 =	simm.s32 $0x5B00  }
0x20e: {  	[tilespmem:s30], [sflag:$0x1] =	stream.indirect_vreg.gather [hbm4b:s6+s2], $0x80, v18, vm0, $0xb8;
	[tilespmem:$0x13E00] =	vst v63  }
0x20f: {  	v52 =	vperm.xlane v17, v1;
	s31 =	simm.s32 $0x5B80;
	v18 =	vadd.s32 v3, v51  }
0x210: {  	[tilespmem:s31], [sflag:$0x1] =	stream.indirect_vreg.gather [hbm4b:s6+s2], $0x80, v19, vm0, $0xb8;
	[tilespmem:$0x13E00] =	vst v63  }
0x211: {  	v53 =	vperm.xlane v17, v9;
	s30 =	simm.s32 $0x5C00;
	v19 =	vadd.s32 v3, v52  }
0x212: {  	[tilespmem:s30], [sflag:$0x1] =	stream.indirect_vreg.gather [hbm4b:s6+s2], $0x80, v50, vm0, $0xb8;
	[tilespmem:$0x13E00] =	vst v63  }
0x213: {  	v55 =	vperm.xlane v17, v10;
	v54 =	vadd.s32 v3, v53;
	s31 =	simm.s32 $0x5C80  }
0x214: {  	[tilespmem:s31], [sflag:$0x1] =	stream.indirect_vreg.gather [hbm4b:s6+s2], $0x80, v18, vm0, $0xb8;
	[tilespmem:$0x13E00] =	vst v63  }
0x215: {  	v56 =	vperm.xlane v17, v11;
	s30 =	simm.s32 $0x5D00;
	v18 =	vadd.s32 v3, v55  }
0x216: {  	[tilespmem:s30], [sflag:$0x1] =	stream.indirect_vreg.gather [hbm4b:s6+s2], $0x80, v19, vm0, $0xb8;
	[tilespmem:$0x13E00] =	vst v63  }
0x217: {  	v57 =	vperm.xlane v17, v12;
	s31 =	simm.s32 $0x5D80;
	v19 =	vadd.s32 v3, v56  }
0x218: {  	[tilespmem:s31], [sflag:$0x1] =	stream.indirect_vreg.gather [hbm4b:s6+s2], $0x80, v54, vm0, $0xb8;
	[tilespmem:$0x13E00] =	vst v63  }
0x219: {  	v59 =	vperm.xlane v17, v13;
	v58 =	vadd.s32 v3, v57;
	s30 =	simm.s32 $0x5E00  }
0x21a: {  	[tilespmem:s30], [sflag:$0x1] =	stream.indirect_vreg.gather [hbm4b:s6+s2], $0x80, v18, vm0, $0xb8;
	[tilespmem:$0x13E00] =	vst v63  }
0x21b: {  	v60 =	vperm.xlane v17, v14;
	s31 =	simm.s32 $0x5E80;
	v18 =	vadd.s32 v3, v59  }
0x21c: {  	[tilespmem:s31], [sflag:$0x1] =	stream.indirect_vreg.gather [hbm4b:s6+s2], $0x80, v19, vm0, $0xb8;
	[tilespmem:$0x13E00] =	vst v63  }
0x21d: {  	v61 =	vperm.xlane v17, v15;
	s30 =	simm.s32 $0x5F00;
	v19 =	vadd.s32 v3, v60  }
0x21e: {  	[tilespmem:s30], [sflag:$0x1] =	stream.indirect_vreg.gather [hbm4b:s6+s2], $0x80, v58, vm0, $0xb8;
	[tilespmem:$0x13E00] =	vst v63  }
0x21f: {  	v17 =	vperm.xlane v17, v16;
	v62 =	vadd.s32 v3, v61;
	s31 =	simm.s32 $0x5F80  }
0x220: {  	[tilespmem:s31], [sflag:$0x1] =	stream.indirect_vreg.gather [hbm4b:s6+s2], $0x80, v18, vm0, $0xb8;
	[tilespmem:$0x13E00] =	vst v63  }
0x221: {  	v17 =	vadd.s32 v3, v17;
	s30 =	simm.s32 $0x6000  }
0x222: {  	[tilespmem:s30], [sflag:$0x1] =	stream.indirect_vreg.gather [hbm4b:s6+s2], $0x80, v19, vm0, $0xb8;
	[tilespmem:$0x13E00] =	vst v63  }
0x223: {  	s31 =	simm.s32 $0x6080  }
0x224: {  	[tilespmem:s31], [sflag:$0x1] =	stream.indirect_vreg.gather [hbm4b:s6+s2], $0x80, v62, vm0, $0xb8;
	[tilespmem:$0x13E00] =	vst v63  }
0x225: {  	s30 =	simm.s32 $0x6100  }
0x226: {  	[tilespmem:s30], [sflag:$0x1] =	stream.indirect_vreg.gather [hbm4b:s6+s2], $0x80, v17, vm0, $0xb8;
	[tilespmem:$0x13E00] =	vst v63  }
0x227: {  	v17 =	vld [tilespmem:$0x4D0];
	_ =	sdelay $0x4  }
0x228: {  	v18 =	vshrl.u32 v17, $0x3  }
0x229: {  	v18 =	vmul.u32 $0x278, v18  }
0x22a: {  	v17 =	vand.u32 $0x7, v17  }
0x22b: {  	v17 =	vor.u32 v17, v18  }
0x22c: {  	v18 =	vperm.xlane v17, v2;
	_ =	sdelay $0x1  }
0x22d: {  	v19 =	vperm.xlane v17, v4;
	v18 =	vadd.s32 v3, v18;
	_ =	sdelay $0x1  }
0x22e: {  	v63 =	vperm.xlane v17, v5;
	v19 =	vadd.s32 v3, v19;
	_ =	sdelay $0x1  }
0x22f: {  	s31 =	simm.s32 $0x6180;
	v24 =	vperm.xlane v17, v0;
	v20 =	vadd.s32 v3, v63  }
0x230: {  	[tilespmem:s31], [sflag:$0x1] =	stream.indirect_vreg.gather [hbm4b:s6+s2], $0x80, v18, vm0, $0xb8;
	[tilespmem:$0x13E00] =	vst v63  }
0x231: {  	s30 =	simm.s32 $0x6200;
	v25 =	vperm.xlane v17, v6;
	v18 =	vadd.s32 v3, v24  }
0x232: {  	[tilespmem:s30], [sflag:$0x1] =	stream.indirect_vreg.gather [hbm4b:s6+s2], $0x80, v19, vm0, $0xb8;
	[tilespmem:$0x13E00] =	vst v63  }
0x233: {  	v26 =	vperm.xlane v17, v7;
	s31 =	simm.s32 $0x6280;
	v19 =	vadd.s32 v3, v25  }
0x234: {  	[tilespmem:s31], [sflag:$0x1] =	stream.indirect_vreg.gather [hbm4b:s6+s2], $0x80, v20, vm0, $0xb8;
	[tilespmem:$0x13E00] =	vst v63  }
0x235: {  	v28 =	vperm.xlane v17, v8;
	v27 =	vadd.s32 v3, v26;
	s30 =	simm.s32 $0x6300  }
0x236: {  	[tilespmem:s30], [sflag:$0x1] =	stream.indirect_vreg.gather [hbm4b:s6+s2], $0x80, v18, vm0, $0xb8;
	[tilespmem:$0x13E00] =	vst v63  }
0x237: {  	v29 =	vperm.xlane v17, v1;
	s31 =	simm.s32 $0x6380;
	v18 =	vadd.s32 v3, v28  }
0x238: {  	[tilespmem:s31], [sflag:$0x1] =	stream.indirect_vreg.gather [hbm4b:s6+s2], $0x80, v19, vm0, $0xb8;
	[tilespmem:$0x13E00] =	vst v63  }
0x239: {  	v30 =	vperm.xlane v17, v9;
	s30 =	simm.s32 $0x6400;
	v19 =	vadd.s32 v3, v29  }
0x23a: {  	[tilespmem:s30], [sflag:$0x1] =	stream.indirect_vreg.gather [hbm4b:s6+s2], $0x80, v27, vm0, $0xb8;
	[tilespmem:$0x13E00] =	vst v63  }
0x23b: {  	v32 =	vperm.xlane v17, v10;
	v31 =	vadd.s32 v3, v30;
	s31 =	simm.s32 $0x6480  }
0x23c: {  	[tilespmem:s31], [sflag:$0x1] =	stream.indirect_vreg.gather [hbm4b:s6+s2], $0x80, v18, vm0, $0xb8;
	[tilespmem:$0x13E00] =	vst v63  }
0x23d: {  	v33 =	vperm.xlane v17, v11;
	s30 =	simm.s32 $0x6500;
	v18 =	vadd.s32 v3, v32  }
0x23e: {  	[tilespmem:s30], [sflag:$0x1] =	stream.indirect_vreg.gather [hbm4b:s6+s2], $0x80, v19, vm0, $0xb8;
	[tilespmem:$0x13E00] =	vst v63  }
0x23f: {  	v34 =	vperm.xlane v17, v12;
	s31 =	simm.s32 $0x6580;
	v19 =	vadd.s32 v3, v33  }
0x240: {  	[tilespmem:s31], [sflag:$0x1] =	stream.indirect_vreg.gather [hbm4b:s6+s2], $0x80, v31, vm0, $0xb8;
	[tilespmem:$0x13E00] =	vst v63  }
0x241: {  	v36 =	vperm.xlane v17, v13;
	v35 =	vadd.s32 v3, v34;
	s30 =	simm.s32 $0x6600  }
0x242: {  	[tilespmem:s30], [sflag:$0x1] =	stream.indirect_vreg.gather [hbm4b:s6+s2], $0x80, v18, vm0, $0xb8;
	[tilespmem:$0x13E00] =	vst v63  }
0x243: {  	v37 =	vperm.xlane v17, v14;
	s31 =	simm.s32 $0x6680;
	v18 =	vadd.s32 v3, v36  }
0x244: {  	[tilespmem:s31], [sflag:$0x1] =	stream.indirect_vreg.gather [hbm4b:s6+s2], $0x80, v19, vm0, $0xb8;
	[tilespmem:$0x13E00] =	vst v63  }
0x245: {  	v38 =	vperm.xlane v17, v15;
	s30 =	simm.s32 $0x6700;
	v19 =	vadd.s32 v3, v37  }
0x246: {  	[tilespmem:s30], [sflag:$0x1] =	stream.indirect_vreg.gather [hbm4b:s6+s2], $0x80, v35, vm0, $0xb8;
	[tilespmem:$0x13E00] =	vst v63  }
0x247: {  	v17 =	vperm.xlane v17, v16;
	v39 =	vadd.s32 v3, v38;
	s31 =	simm.s32 $0x6780  }
0x248: {  	[tilespmem:s31], [sflag:$0x1] =	stream.indirect_vreg.gather [hbm4b:s6+s2], $0x80, v18, vm0, $0xb8;
	[tilespmem:$0x13E00] =	vst v63  }
0x249: {  	v17 =	vadd.s32 v3, v17;
	s30 =	simm.s32 $0x6800  }
0x24a: {  	[tilespmem:s30], [sflag:$0x1] =	stream.indirect_vreg.gather [hbm4b:s6+s2], $0x80, v19, vm0, $0xb8;
	[tilespmem:$0x13E00] =	vst v63  }
0x24b: {  	s31 =	simm.s32 $0x6880  }
0x24c: {  	[tilespmem:s31], [sflag:$0x1] =	stream.indirect_vreg.gather [hbm4b:s6+s2], $0x80, v39, vm0, $0xb8;
	[tilespmem:$0x13E00] =	vst v63  }
0x24d: {  	s30 =	simm.s32 $0x6900  }
0x24e: {  	[tilespmem:s30], [sflag:$0x1] =	stream.indirect_vreg.gather [hbm4b:s6+s2], $0x80, v17, vm0, $0xb8;
	[tilespmem:$0x13E00] =	vst v63  }
0x24f: {  	v17 =	vld.msk [tilespmem:$0x4E0], $0xf;
	_ =	sdelay $0x4  }
0x250: {  	v18 =	vshrl.u32 v17, $0x3  }
0x251: {  	v18 =	vmul.u32 $0x278, v18  }
0x252: {  	v17 =	vand.u32 $0x7, v17  }
0x253: {  	v17 =	vor.u32 v17, v18  }
0x254: {  	v18 =	vperm.xlane v17, v2;
	_ =	sdelay $0x1  }
0x255: {  	v19 =	vperm.xlane v17, v4;
	v18 =	vadd.s32 v3, v18;
	_ =	sdelay $0x1  }
0x256: {  	v40 =	vperm.xlane v17, v5;
	v19 =	vadd.s32 v3, v19;
	_ =	sdelay $0x1  }
0x257: {  	s31 =	simm.s32 $0x6980;
	v17 =	vperm.xlane v17, v0;
	v20 =	vadd.s32 v3, v40  }
0x258: {  	[tilespmem:s31], [sflag:$0x1] =	stream.indirect_vreg.gather [hbm4b:s6+s2], $0x80, v18, vm0, $0xb8;
	[tilespmem:$0x13E00] =	vst v63  }
0x259: {  	s30 =	simm.s32 $0x6A00;
	v17 =	vadd.s32 v3, v17  }
0x25a: {  	[tilespmem:s30], [sflag:$0x1] =	stream.indirect_vreg.gather [hbm4b:s6+s2], $0x80, v19, vm0, $0xb8;
	[tilespmem:$0x13E00] =	vst v63  }
0x25b: {  	s31 =	simm.s32 $0x6A80  }
0x25c: {  	[tilespmem:s31], [sflag:$0x1] =	stream.indirect_vreg.gather [hbm4b:s6+s2], $0x80, v20, vm0, $0xb8;
	[tilespmem:$0x13E00] =	vst v63  }
0x25d: {  	s30 =	simm.s32 $0x6B00  }
0x25e: {  	[tilespmem:s30], [sflag:$0x1] =	stream.indirect_vreg.gather [hbm4b:s6+s2], $0x80, v17, vm0, $0xb8;
	[tilespmem:$0x13E00] =	vst v63  }
0x25f: {  	v17 =	vld [tilespmem:$0x500];
	_ =	sdelay $0x4  }
0x260: {  	v18 =	vshrl.u32 v17, $0x3  }
0x261: {  	v18 =	vmul.u32 $0x278, v18  }
0x262: {  	v17 =	vand.u32 $0x7, v17  }
0x263: {  	v17 =	vor.u32 v17, v18  }
0x264: {  	v18 =	vperm.xlane v17, v2;
	_ =	sdelay $0x1  }
0x265: {  	v19 =	vperm.xlane v17, v4;
	v18 =	vadd.s32 v3, v18;
	_ =	sdelay $0x1  }
0x266: {  	v41 =	vperm.xlane v17, v5;
	v19 =	vadd.s32 v3, v19;
	_ =	sdelay $0x1  }
0x267: {  	s31 =	simm.s32 $0x6D80;
	v42 =	vperm.xlane v17, v0;
	v20 =	vadd.s32 v3, v41  }
0x268: {  	[tilespmem:s31], [sflag:$0x1] =	stream.indirect_vreg.gather [hbm4b:s7+s2], $0x80, v18, vm0, $0xb8;
	[tilespmem:$0x13E00] =	vst v63  }
0x269: {  	s30 =	simm.s32 $0x6E00;
	v43 =	vperm.xlane v17, v6;
	v18 =	vadd.s32 v3, v42  }
0x26a: {  	[tilespmem:s30], [sflag:$0x1] =	stream.indirect_vreg.gather [hbm4b:s7+s2], $0x80, v19, vm0, $0xb8;
	[tilespmem:$0x13E00] =	vst v63  }
0x26b: {  	v44 =	vperm.xlane v17, v7;
	s31 =	simm.s32 $0x6E80;
	v19 =	vadd.s32 v3, v43  }
0x26c: {  	[tilespmem:s31], [sflag:$0x1] =	stream.indirect_vreg.gather [hbm4b:s7+s2], $0x80, v20, vm0, $0xb8;
	[tilespmem:$0x13E00] =	vst v63  }
0x26d: {  	v46 =	vperm.xlane v17, v8;
	v45 =	vadd.s32 v3, v44;
	s30 =	simm.s32 $0x6F00  }
0x26e: {  	[tilespmem:s30], [sflag:$0x1] =	stream.indirect_vreg.gather [hbm4b:s7+s2], $0x80, v18, vm0, $0xb8;
	[tilespmem:$0x13E00] =	vst v63  }
0x26f: {  	v47 =	vperm.xlane v17, v1;
	s31 =	simm.s32 $0x6F80;
	v18 =	vadd.s32 v3, v46  }
0x270: {  	[tilespmem:s31], [sflag:$0x1] =	stream.indirect_vreg.gather [hbm4b:s7+s2], $0x80, v19, vm0, $0xb8;
	[tilespmem:$0x13E00] =	vst v63  }
0x271: {  	v48 =	vperm.xlane v17, v9;
	s30 =	simm.s32 $0x7000;
	v19 =	vadd.s32 v3, v47  }
0x272: {  	[tilespmem:s30], [sflag:$0x1] =	stream.indirect_vreg.gather [hbm4b:s7+s2], $0x80, v45, vm0, $0xb8;
	[tilespmem:$0x13E00] =	vst v63  }
0x273: {  	v50 =	vperm.xlane v17, v10;
	v49 =	vadd.s32 v3, v48;
	s31 =	simm.s32 $0x7080  }
0x274: {  	[tilespmem:s31], [sflag:$0x1] =	stream.indirect_vreg.gather [hbm4b:s7+s2], $0x80, v18, vm0, $0xb8;
	[tilespmem:$0x13E00] =	vst v63  }
0x275: {  	v51 =	vperm.xlane v17, v11;
	s30 =	simm.s32 $0x7100;
	v18 =	vadd.s32 v3, v50  }
0x276: {  	[tilespmem:s30], [sflag:$0x1] =	stream.indirect_vreg.gather [hbm4b:s7+s2], $0x80, v19, vm0, $0xb8;
	[tilespmem:$0x13E00] =	vst v63  }
0x277: {  	v52 =	vperm.xlane v17, v12;
	s31 =	simm.s32 $0x7180;
	v19 =	vadd.s32 v3, v51  }
0x278: {  	[tilespmem:s31], [sflag:$0x1] =	stream.indirect_vreg.gather [hbm4b:s7+s2], $0x80, v49, vm0, $0xb8;
	[tilespmem:$0x13E00] =	vst v63  }
0x279: {  	v54 =	vperm.xlane v17, v13;
	v53 =	vadd.s32 v3, v52;
	s30 =	simm.s32 $0x7200  }
0x27a: {  	[tilespmem:s30], [sflag:$0x1] =	stream.indirect_vreg.gather [hbm4b:s7+s2], $0x80, v18, vm0, $0xb8;
	[tilespmem:$0x13E00] =	vst v63  }
0x27b: {  	v55 =	vperm.xlane v17, v14;
	s31 =	simm.s32 $0x7280;
	v18 =	vadd.s32 v3, v54  }
0x27c: {  	[tilespmem:s31], [sflag:$0x1] =	stream.indirect_vreg.gather [hbm4b:s7+s2], $0x80, v19, vm0, $0xb8;
	[tilespmem:$0x13E00] =	vst v63  }
0x27d: {  	v56 =	vperm.xlane v17, v15;
	s30 =	simm.s32 $0x7300;
	v19 =	vadd.s32 v3, v55  }
0x27e: {  	[tilespmem:s30], [sflag:$0x1] =	stream.indirect_vreg.gather [hbm4b:s7+s2], $0x80, v53, vm0, $0xb8;
	[tilespmem:$0x13E00] =	vst v63  }
0x27f: {  	v17 =	vperm.xlane v17, v16;
	v57 =	vadd.s32 v3, v56;
	s31 =	simm.s32 $0x7380  }
0x280: {  	[tilespmem:s31], [sflag:$0x1] =	stream.indirect_vreg.gather [hbm4b:s7+s2], $0x80, v18, vm0, $0xb8;
	[tilespmem:$0x13E00] =	vst v63  }
0x281: {  	v17 =	vadd.s32 v3, v17;
	s30 =	simm.s32 $0x7400  }
0x282: {  	[tilespmem:s30], [sflag:$0x1] =	stream.indirect_vreg.gather [hbm4b:s7+s2], $0x80, v19, vm0, $0xb8;
	[tilespmem:$0x13E00] =	vst v63  }
0x283: {  	s31 =	simm.s32 $0x7480  }
0x284: {  	[tilespmem:s31], [sflag:$0x1] =	stream.indirect_vreg.gather [hbm4b:s7+s2], $0x80, v57, vm0, $0xb8;
	[tilespmem:$0x13E00] =	vst v63  }
0x285: {  	s30 =	simm.s32 $0x7500  }
0x286: {  	[tilespmem:s30], [sflag:$0x1] =	stream.indirect_vreg.gather [hbm4b:s7+s2], $0x80, v17, vm0, $0xb8;
	[tilespmem:$0x13E00] =	vst v63  }
0x287: {  	v17 =	vld [tilespmem:$0x510];
	_ =	sdelay $0x4  }
0x288: {  	v18 =	vshrl.u32 v17, $0x3  }
0x289: {  	v18 =	vmul.u32 $0x278, v18  }
0x28a: {  	v17 =	vand.u32 $0x7, v17  }
0x28b: {  	v17 =	vor.u32 v17, v18  }
0x28c: {  	v18 =	vperm.xlane v17, v2;
	_ =	sdelay $0x1  }
0x28d: {  	v19 =	vperm.xlane v17, v4;
	v18 =	vadd.s32 v3, v18;
	_ =	sdelay $0x1  }
0x28e: {  	v58 =	vperm.xlane v17, v5;
	v19 =	vadd.s32 v3, v19;
	_ =	sdelay $0x1  }
0x28f: {  	s31 =	simm.s32 $0x7580;
	v59 =	vperm.xlane v17, v0;
	v20 =	vadd.s32 v3, v58  }
0x290: {  	[tilespmem:s31], [sflag:$0x1] =	stream.indirect_vreg.gather [hbm4b:s7+s2], $0x80, v18, vm0, $0xb8;
	[tilespmem:$0x13E00] =	vst v63  }
0x291: {  	s30 =	simm.s32 $0x7600;
	v60 =	vperm.xlane v17, v6;
	v18 =	vadd.s32 v3, v59  }
0x292: {  	[tilespmem:s30], [sflag:$0x1] =	stream.indirect_vreg.gather [hbm4b:s7+s2], $0x80, v19, vm0, $0xb8;
	[tilespmem:$0x13E00] =	vst v63  }
0x293: {  	v61 =	vperm.xlane v17, v7;
	s31 =	simm.s32 $0x7680;
	v19 =	vadd.s32 v3, v60  }
0x294: {  	[tilespmem:s31], [sflag:$0x1] =	stream.indirect_vreg.gather [hbm4b:s7+s2], $0x80, v20, vm0, $0xb8;
	[tilespmem:$0x13E00] =	vst v63  }
0x295: {  	v63 =	vperm.xlane v17, v8;
	v62 =	vadd.s32 v3, v61;
	s30 =	simm.s32 $0x7700  }
0x296: {  	[tilespmem:s30], [sflag:$0x1] =	stream.indirect_vreg.gather [hbm4b:s7+s2], $0x80, v18, vm0, $0xb8;
	[tilespmem:$0x13E00] =	vst v63  }
0x297: {  	v24 =	vperm.xlane v17, v1;
	s31 =	simm.s32 $0x7780;
	v18 =	vadd.s32 v3, v63  }
0x298: {  	[tilespmem:s31], [sflag:$0x1] =	stream.indirect_vreg.gather [hbm4b:s7+s2], $0x80, v19, vm0, $0xb8;
	[tilespmem:$0x13E00] =	vst v63  }
0x299: {  	v25 =	vperm.xlane v17, v9;
	s30 =	simm.s32 $0x7800;
	v19 =	vadd.s32 v3, v24  }
0x29a: {  	[tilespmem:s30], [sflag:$0x1] =	stream.indirect_vreg.gather [hbm4b:s7+s2], $0x80, v62, vm0, $0xb8;
	[tilespmem:$0x13E00] =	vst v63  }
0x29b: {  	v27 =	vperm.xlane v17, v10;
	v26 =	vadd.s32 v3, v25;
	s31 =	simm.s32 $0x7880  }
0x29c: {  	[tilespmem:s31], [sflag:$0x1] =	stream.indirect_vreg.gather [hbm4b:s7+s2], $0x80, v18, vm0, $0xb8;
	[tilespmem:$0x13E00] =	vst v63  }
0x29d: {  	v28 =	vperm.xlane v17, v11;
	s30 =	simm.s32 $0x7900;
	v18 =	vadd.s32 v3, v27  }
0x29e: {  	[tilespmem:s30], [sflag:$0x1] =	stream.indirect_vreg.gather [hbm4b:s7+s2], $0x80, v19, vm0, $0xb8;
	[tilespmem:$0x13E00] =	vst v63  }
0x29f: {  	v29 =	vperm.xlane v17, v12;
	s31 =	simm.s32 $0x7980;
	v19 =	vadd.s32 v3, v28  }
0x2a0: {  	[tilespmem:s31], [sflag:$0x1] =	stream.indirect_vreg.gather [hbm4b:s7+s2], $0x80, v26, vm0, $0xb8;
	[tilespmem:$0x13E00] =	vst v63  }
0x2a1: {  	v31 =	vperm.xlane v17, v13;
	v30 =	vadd.s32 v3, v29;
	s30 =	simm.s32 $0x7A00  }
0x2a2: {  	[tilespmem:s30], [sflag:$0x1] =	stream.indirect_vreg.gather [hbm4b:s7+s2], $0x80, v18, vm0, $0xb8;
	[tilespmem:$0x13E00] =	vst v63  }
0x2a3: {  	v32 =	vperm.xlane v17, v14;
	s31 =	simm.s32 $0x7A80;
	v18 =	vadd.s32 v3, v31  }
0x2a4: {  	[tilespmem:s31], [sflag:$0x1] =	stream.indirect_vreg.gather [hbm4b:s7+s2], $0x80, v19, vm0, $0xb8;
	[tilespmem:$0x13E00] =	vst v63  }
0x2a5: {  	v33 =	vperm.xlane v17, v15;
	s30 =	simm.s32 $0x7B00;
	v19 =	vadd.s32 v3, v32  }
0x2a6: {  	[tilespmem:s30], [sflag:$0x1] =	stream.indirect_vreg.gather [hbm4b:s7+s2], $0x80, v30, vm0, $0xb8;
	[tilespmem:$0x13E00] =	vst v63  }
0x2a7: {  	v17 =	vperm.xlane v17, v16;
	v34 =	vadd.s32 v3, v33;
	s31 =	simm.s32 $0x7B80  }
0x2a8: {  	[tilespmem:s31], [sflag:$0x1] =	stream.indirect_vreg.gather [hbm4b:s7+s2], $0x80, v18, vm0, $0xb8;
	[tilespmem:$0x13E00] =	vst v63  }
0x2a9: {  	v17 =	vadd.s32 v3, v17;
	s30 =	simm.s32 $0x7C00  }
0x2aa: {  	[tilespmem:s30], [sflag:$0x1] =	stream.indirect_vreg.gather [hbm4b:s7+s2], $0x80, v19, vm0, $0xb8;
	[tilespmem:$0x13E00] =	vst v63  }
0x2ab: {  	s31 =	simm.s32 $0x7C80  }
0x2ac: {  	[tilespmem:s31], [sflag:$0x1] =	stream.indirect_vreg.gather [hbm4b:s7+s2], $0x80, v34, vm0, $0xb8;
	[tilespmem:$0x13E00] =	vst v63  }
0x2ad: {  	s30 =	simm.s32 $0x7D00  }
0x2ae: {  	[tilespmem:s30], [sflag:$0x1] =	stream.indirect_vreg.gather [hbm4b:s7+s2], $0x80, v17, vm0, $0xb8;
	[tilespmem:$0x13E00] =	vst v63  }
0x2af: {  	v17 =	vld [tilespmem:$0x520];
	_ =	sdelay $0x4  }
0x2b0: {  	v18 =	vshrl.u32 v17, $0x3  }
0x2b1: {  	v18 =	vmul.u32 $0x278, v18  }
0x2b2: {  	v17 =	vand.u32 $0x7, v17  }
0x2b3: {  	v17 =	vor.u32 v17, v18  }
0x2b4: {  	v18 =	vperm.xlane v17, v2;
	_ =	sdelay $0x1  }
0x2b5: {  	v19 =	vperm.xlane v17, v4;
	v18 =	vadd.s32 v3, v18;
	_ =	sdelay $0x1  }
0x2b6: {  	v35 =	vperm.xlane v17, v5;
	v19 =	vadd.s32 v3, v19;
	_ =	sdelay $0x1  }
0x2b7: {  	s31 =	simm.s32 $0x7D80;
	v36 =	vperm.xlane v17, v0;
	v20 =	vadd.s32 v3, v35  }
0x2b8: {  	[tilespmem:s31], [sflag:$0x1] =	stream.indirect_vreg.gather [hbm4b:s7+s2], $0x80, v18, vm0, $0xb8;
	[tilespmem:$0x13E00] =	vst v63  }
0x2b9: {  	s30 =	simm.s32 $0x7E00;
	v37 =	vperm.xlane v17, v6;
	v18 =	vadd.s32 v3, v36  }
0x2ba: {  	[tilespmem:s30], [sflag:$0x1] =	stream.indirect_vreg.gather [hbm4b:s7+s2], $0x80, v19, vm0, $0xb8;
	[tilespmem:$0x13E00] =	vst v63  }
0x2bb: {  	v38 =	vperm.xlane v17, v7;
	v19 =	vadd.s32 v3, v37  }
0x2bc: {  	[tilespmem:s24], [sflag:$0x1] =	stream.indirect_vreg.gather [hbm4b:s7+s2], $0x80, v20, vm0, $0xb8;
	[tilespmem:$0x13E00] =	vst v63  }
0x2bd: {  	v40 =	vperm.xlane v17, v8;
	v39 =	vadd.s32 v3, v38  }
0x2be: {  	[tilespmem:s23], [sflag:$0x1] =	stream.indirect_vreg.gather [hbm4b:s7+s2], $0x80, v18, vm0, $0xb8;
	[tilespmem:$0x13E00] =	vst v63  }
0x2bf: {  	v41 =	vperm.xlane v17, v1;
	v18 =	vadd.s32 v3, v40  }
0x2c0: {  	[tilespmem:s22], [sflag:$0x1] =	stream.indirect_vreg.gather [hbm4b:s7+s2], $0x80, v19, vm0, $0xb8;
	[tilespmem:$0x13E00] =	vst v63  }
0x2c1: {  	v42 =	vperm.xlane v17, v9;
	v19 =	vadd.s32 v3, v41  }
0x2c2: {  	[tilespmem:s21], [sflag:$0x1] =	stream.indirect_vreg.gather [hbm4b:s7+s2], $0x80, v39, vm0, $0xb8;
	[tilespmem:$0x13E00] =	vst v63  }
0x2c3: {  	v44 =	vperm.xlane v17, v10;
	v43 =	vadd.s32 v3, v42  }
0x2c4: {  	[tilespmem:s20], [sflag:$0x1] =	stream.indirect_vreg.gather [hbm4b:s7+s2], $0x80, v18, vm0, $0xb8;
	[tilespmem:$0x13E00] =	vst v63  }
0x2c5: {  	v45 =	vperm.xlane v17, v11;
	v18 =	vadd.s32 v3, v44  }
0x2c6: {  	[tilespmem:s19], [sflag:$0x1] =	stream.indirect_vreg.gather [hbm4b:s7+s2], $0x80, v19, vm0, $0xb8;
	[tilespmem:$0x13E00] =	vst v63  }
0x2c7: {  	v46 =	vperm.xlane v17, v12;
	v19 =	vadd.s32 v3, v45  }
0x2c8: {  	[tilespmem:s0], [sflag:$0x1] =	stream.indirect_vreg.gather [hbm4b:s7+s2], $0x80, v43, vm0, $0xb8;
	[tilespmem:$0x13E00] =	vst v63  }
0x2c9: {  	v48 =	vperm.xlane v17, v13;
	v47 =	vadd.s32 v3, v46;
	s31 =	simm.s32 $0x8200  }
0x2ca: {  	[tilespmem:s31], [sflag:$0x1] =	stream.indirect_vreg.gather [hbm4b:s7+s2], $0x80, v18, vm0, $0xb8;
	[tilespmem:$0x13E00] =	vst v63  }
0x2cb: {  	v49 =	vperm.xlane v17, v14;
	s30 =	simm.s32 $0x8280;
	v18 =	vadd.s32 v3, v48  }
0x2cc: {  	[tilespmem:s30], [sflag:$0x1] =	stream.indirect_vreg.gather [hbm4b:s7+s2], $0x80, v19, vm0, $0xb8;
	[tilespmem:$0x13E00] =	vst v63  }
0x2cd: {  	v50 =	vperm.xlane v17, v15;
	s31 =	simm.s32 $0x8300;
	v19 =	vadd.s32 v3, v49  }
0x2ce: {  	[tilespmem:s31], [sflag:$0x1] =	stream.indirect_vreg.gather [hbm4b:s7+s2], $0x80, v47, vm0, $0xb8;
	[tilespmem:$0x13E00] =	vst v63  }
0x2cf: {  	v17 =	vperm.xlane v17, v16;
	v51 =	vadd.s32 v3, v50;
	s30 =	simm.s32 $0x8380  }
0x2d0: {  	[tilespmem:s30], [sflag:$0x1] =	stream.indirect_vreg.gather [hbm4b:s7+s2], $0x80, v18, vm0, $0xb8;
	[tilespmem:$0x13E00] =	vst v63  }
0x2d1: {  	v17 =	vadd.s32 v3, v17;
	s31 =	simm.s32 $0x8400  }
0x2d2: {  	[tilespmem:s31], [sflag:$0x1] =	stream.indirect_vreg.gather [hbm4b:s7+s2], $0x80, v19, vm0, $0xb8;
	[tilespmem:$0x13E00] =	vst v63  }
0x2d3: {  	s30 =	simm.s32 $0x8480  }
0x2d4: {  	[tilespmem:s30], [sflag:$0x1] =	stream.indirect_vreg.gather [hbm4b:s7+s2], $0x80, v51, vm0, $0xb8;
	[tilespmem:$0x13E00] =	vst v63  }
0x2d5: {  	s31 =	simm.s32 $0x8500  }
0x2d6: {  	[tilespmem:s31], [sflag:$0x1] =	stream.indirect_vreg.gather [hbm4b:s7+s2], $0x80, v17, vm0, $0xb8;
	[tilespmem:$0x13E00] =	vst v63  }
0x2d7: {  	v17 =	vld [tilespmem:$0x530];
	_ =	sdelay $0x4  }
0x2d8: {  	v18 =	vshrl.u32 v17, $0x3  }
0x2d9: {  	v18 =	vmul.u32 $0x278, v18  }
0x2da: {  	v17 =	vand.u32 $0x7, v17  }
0x2db: {  	v17 =	vor.u32 v17, v18  }
0x2dc: {  	v18 =	vperm.xlane v17, v2;
	_ =	sdelay $0x1  }
0x2dd: {  	v19 =	vperm.xlane v17, v4;
	v18 =	vadd.s32 v3, v18;
	_ =	sdelay $0x1  }
0x2de: {  	v52 =	vperm.xlane v17, v5;
	v19 =	vadd.s32 v3, v19;
	_ =	sdelay $0x1  }
0x2df: {  	s30 =	simm.s32 $0x8580;
	v53 =	vperm.xlane v17, v0;
	v20 =	vadd.s32 v3, v52  }
0x2e0: {  	[tilespmem:s30], [sflag:$0x1] =	stream.indirect_vreg.gather [hbm4b:s7+s2], $0x80, v18, vm0, $0xb8;
	[tilespmem:$0x13E00] =	vst v63  }
0x2e1: {  	s31 =	simm.s32 $0x8600;
	v54 =	vperm.xlane v17, v6;
	v18 =	vadd.s32 v3, v53  }
0x2e2: {  	[tilespmem:s31], [sflag:$0x1] =	stream.indirect_vreg.gather [hbm4b:s7+s2], $0x80, v19, vm0, $0xb8;
	[tilespmem:$0x13E00] =	vst v63  }
0x2e3: {  	v55 =	vperm.xlane v17, v7;
	s30 =	simm.s32 $0x8680;
	v19 =	vadd.s32 v3, v54  }
0x2e4: {  	[tilespmem:s30], [sflag:$0x1] =	stream.indirect_vreg.gather [hbm4b:s7+s2], $0x80, v20, vm0, $0xb8;
	[tilespmem:$0x13E00] =	vst v63  }
0x2e5: {  	v57 =	vperm.xlane v17, v8;
	v56 =	vadd.s32 v3, v55;
	s31 =	simm.s32 $0x8700  }
0x2e6: {  	[tilespmem:s31], [sflag:$0x1] =	stream.indirect_vreg.gather [hbm4b:s7+s2], $0x80, v18, vm0, $0xb8;
	[tilespmem:$0x13E00] =	vst v63  }
0x2e7: {  	v58 =	vperm.xlane v17, v1;
	s30 =	simm.s32 $0x8780;
	v18 =	vadd.s32 v3, v57  }
0x2e8: {  	[tilespmem:s30], [sflag:$0x1] =	stream.indirect_vreg.gather [hbm4b:s7+s2], $0x80, v19, vm0, $0xb8;
	[tilespmem:$0x13E00] =	vst v63  }
0x2e9: {  	v59 =	vperm.xlane v17, v9;
	s31 =	simm.s32 $0x8800;
	v19 =	vadd.s32 v3, v58  }
0x2ea: {  	[tilespmem:s31], [sflag:$0x1] =	stream.indirect_vreg.gather [hbm4b:s7+s2], $0x80, v56, vm0, $0xb8;
	[tilespmem:$0x13E00] =	vst v63  }
0x2eb: {  	v61 =	vperm.xlane v17, v10;
	v60 =	vadd.s32 v3, v59;
	s30 =	simm.s32 $0x8880  }
0x2ec: {  	[tilespmem:s30], [sflag:$0x1] =	stream.indirect_vreg.gather [hbm4b:s7+s2], $0x80, v18, vm0, $0xb8;
	[tilespmem:$0x13E00] =	vst v63  }
0x2ed: {  	v62 =	vperm.xlane v17, v11;
	s31 =	simm.s32 $0x8900;
	v18 =	vadd.s32 v3, v61  }
0x2ee: {  	[tilespmem:s31], [sflag:$0x1] =	stream.indirect_vreg.gather [hbm4b:s7+s2], $0x80, v19, vm0, $0xb8;
	[tilespmem:$0x13E00] =	vst v63  }
0x2ef: {  	v63 =	vperm.xlane v17, v12;
	s30 =	simm.s32 $0x8980;
	v19 =	vadd.s32 v3, v62  }
0x2f0: {  	[tilespmem:s30], [sflag:$0x1] =	stream.indirect_vreg.gather [hbm4b:s7+s2], $0x80, v60, vm0, $0xb8;
	[tilespmem:$0x13E00] =	vst v63  }
0x2f1: {  	v25 =	vperm.xlane v17, v13;
	v24 =	vadd.s32 v3, v63;
	s31 =	simm.s32 $0x8A00  }
0x2f2: {  	[tilespmem:s31], [sflag:$0x1] =	stream.indirect_vreg.gather [hbm4b:s7+s2], $0x80, v18, vm0, $0xb8;
	[tilespmem:$0x13E00] =	vst v63  }
0x2f3: {  	v26 =	vperm.xlane v17, v14;
	s30 =	simm.s32 $0x8A80;
	v18 =	vadd.s32 v3, v25  }
0x2f4: {  	[tilespmem:s30], [sflag:$0x1] =	stream.indirect_vreg.gather [hbm4b:s7+s2], $0x80, v19, vm0, $0xb8;
	[tilespmem:$0x13E00] =	vst v63  }
0x2f5: {  	v27 =	vperm.xlane v17, v15;
	s31 =	simm.s32 $0x8B00;
	v19 =	vadd.s32 v3, v26  }
0x2f6: {  	[tilespmem:s31], [sflag:$0x1] =	stream.indirect_vreg.gather [hbm4b:s7+s2], $0x80, v24, vm0, $0xb8;
	[tilespmem:$0x13E00] =	vst v63  }
0x2f7: {  	v17 =	vperm.xlane v17, v16;
	v28 =	vadd.s32 v3, v27;
	s30 =	simm.s32 $0x8B80  }
0x2f8: {  	[tilespmem:s30], [sflag:$0x1] =	stream.indirect_vreg.gather [hbm4b:s7+s2], $0x80, v18, vm0, $0xb8;
	[tilespmem:$0x13E00] =	vst v63  }
0x2f9: {  	v17 =	vadd.s32 v3, v17;
	s31 =	simm.s32 $0x8C00  }
0x2fa: {  	[tilespmem:s31], [sflag:$0x1] =	stream.indirect_vreg.gather [hbm4b:s7+s2], $0x80, v19, vm0, $0xb8;
	[tilespmem:$0x13E00] =	vst v63  }
0x2fb: {  	s30 =	simm.s32 $0x8C80  }
0x2fc: {  	[tilespmem:s30], [sflag:$0x1] =	stream.indirect_vreg.gather [hbm4b:s7+s2], $0x80, v28, vm0, $0xb8;
	[tilespmem:$0x13E00] =	vst v63  }
0x2fd: {  	s31 =	simm.s32 $0x8D00  }
0x2fe: {  	[tilespmem:s31], [sflag:$0x1] =	stream.indirect_vreg.gather [hbm4b:s7+s2], $0x80, v17, vm0, $0xb8;
	[tilespmem:$0x13E00] =	vst v63  }
0x2ff: {  	v17 =	vld [tilespmem:$0x540];
	_ =	sdelay $0x4  }
0x300: {  	v18 =	vshrl.u32 v17, $0x3  }
0x301: {  	v18 =	vmul.u32 $0x278, v18  }
0x302: {  	v17 =	vand.u32 $0x7, v17  }
0x303: {  	v17 =	vor.u32 v17, v18  }
0x304: {  	v18 =	vperm.xlane v17, v2;
	_ =	sdelay $0x1  }
0x305: {  	v19 =	vperm.xlane v17, v4;
	v18 =	vadd.s32 v3, v18;
	_ =	sdelay $0x1  }
0x306: {  	v29 =	vperm.xlane v17, v5;
	v19 =	vadd.s32 v3, v19;
	_ =	sdelay $0x1  }
0x307: {  	s30 =	simm.s32 $0x8D80;
	v30 =	vperm.xlane v17, v0;
	v20 =	vadd.s32 v3, v29  }
0x308: {  	[tilespmem:s30], [sflag:$0x1] =	stream.indirect_vreg.gather [hbm4b:s7+s2], $0x80, v18, vm0, $0xb8;
	[tilespmem:$0x13E00] =	vst v63  }
0x309: {  	s31 =	simm.s32 $0x8E00;
	v31 =	vperm.xlane v17, v6;
	v18 =	vadd.s32 v3, v30  }
0x30a: {  	[tilespmem:s31], [sflag:$0x1] =	stream.indirect_vreg.gather [hbm4b:s7+s2], $0x80, v19, vm0, $0xb8;
	[tilespmem:$0x13E00] =	vst v63  }
0x30b: {  	v32 =	vperm.xlane v17, v7;
	s30 =	simm.s32 $0x8E80;
	v19 =	vadd.s32 v3, v31  }
0x30c: {  	[tilespmem:s30], [sflag:$0x1] =	stream.indirect_vreg.gather [hbm4b:s7+s2], $0x80, v20, vm0, $0xb8;
	[tilespmem:$0x13E00] =	vst v63  }
0x30d: {  	v34 =	vperm.xlane v17, v8;
	v33 =	vadd.s32 v3, v32;
	s31 =	simm.s32 $0x8F00  }
0x30e: {  	[tilespmem:s31], [sflag:$0x1] =	stream.indirect_vreg.gather [hbm4b:s7+s2], $0x80, v18, vm0, $0xb8;
	[tilespmem:$0x13E00] =	vst v63  }
0x30f: {  	v35 =	vperm.xlane v17, v1;
	s30 =	simm.s32 $0x8F80;
	v18 =	vadd.s32 v3, v34  }
0x310: {  	[tilespmem:s30], [sflag:$0x1] =	stream.indirect_vreg.gather [hbm4b:s7+s2], $0x80, v19, vm0, $0xb8;
	[tilespmem:$0x13E00] =	vst v63  }
0x311: {  	v36 =	vperm.xlane v17, v9;
	s31 =	simm.s32 $0x9000;
	v19 =	vadd.s32 v3, v35  }
0x312: {  	[tilespmem:s31], [sflag:$0x1] =	stream.indirect_vreg.gather [hbm4b:s7+s2], $0x80, v33, vm0, $0xb8;
	[tilespmem:$0x13E00] =	vst v63  }
0x313: {  	v38 =	vperm.xlane v17, v10;
	v37 =	vadd.s32 v3, v36;
	s30 =	simm.s32 $0x9080  }
0x314: {  	[tilespmem:s30], [sflag:$0x1] =	stream.indirect_vreg.gather [hbm4b:s7+s2], $0x80, v18, vm0, $0xb8;
	[tilespmem:$0x13E00] =	vst v63  }
0x315: {  	v39 =	vperm.xlane v17, v11;
	s31 =	simm.s32 $0x9100;
	v18 =	vadd.s32 v3, v38  }
0x316: {  	[tilespmem:s31], [sflag:$0x1] =	stream.indirect_vreg.gather [hbm4b:s7+s2], $0x80, v19, vm0, $0xb8;
	[tilespmem:$0x13E00] =	vst v63  }
0x317: {  	v40 =	vperm.xlane v17, v12;
	s30 =	simm.s32 $0x9180;
	v19 =	vadd.s32 v3, v39  }
0x318: {  	[tilespmem:s30], [sflag:$0x1] =	stream.indirect_vreg.gather [hbm4b:s7+s2], $0x80, v37, vm0, $0xb8;
	[tilespmem:$0x13E00] =	vst v63  }
0x319: {  	v42 =	vperm.xlane v17, v13;
	v41 =	vadd.s32 v3, v40;
	s31 =	simm.s32 $0x9200  }
0x31a: {  	[tilespmem:s31], [sflag:$0x1] =	stream.indirect_vreg.gather [hbm4b:s7+s2], $0x80, v18, vm0, $0xb8;
	[tilespmem:$0x13E00] =	vst v63  }
0x31b: {  	v43 =	vperm.xlane v17, v14;
	s30 =	simm.s32 $0x9280;
	v18 =	vadd.s32 v3, v42  }
0x31c: {  	[tilespmem:s30], [sflag:$0x1] =	stream.indirect_vreg.gather [hbm4b:s7+s2], $0x80, v19, vm0, $0xb8;
	[tilespmem:$0x13E00] =	vst v63  }
0x31d: {  	v44 =	vperm.xlane v17, v15;
	s31 =	simm.s32 $0x9300;
	v19 =	vadd.s32 v3, v43  }
0x31e: {  	[tilespmem:s31], [sflag:$0x1] =	stream.indirect_vreg.gather [hbm4b:s7+s2], $0x80, v41, vm0, $0xb8;
	[tilespmem:$0x13E00] =	vst v63  }
0x31f: {  	v17 =	vperm.xlane v17, v16;
	v45 =	vadd.s32 v3, v44;
	s30 =	simm.s32 $0x9380  }
0x320: {  	[tilespmem:s30], [sflag:$0x1] =	stream.indirect_vreg.gather [hbm4b:s7+s2], $0x80, v18, vm0, $0xb8;
	[tilespmem:$0x13E00] =	vst v63  }
0x321: {  	v17 =	vadd.s32 v3, v17;
	s31 =	simm.s32 $0x9400  }
0x322: {  	[tilespmem:s31], [sflag:$0x1] =	stream.indirect_vreg.gather [hbm4b:s7+s2], $0x80, v19, vm0, $0xb8;
	[tilespmem:$0x13E00] =	vst v63  }
0x323: {  	s30 =	simm.s32 $0x9480  }
0x324: {  	[tilespmem:s30], [sflag:$0x1] =	stream.indirect_vreg.gather [hbm4b:s7+s2], $0x80, v45, vm0, $0xb8;
	[tilespmem:$0x13E00] =	vst v63  }
0x325: {  	s31 =	simm.s32 $0x9500  }
0x326: {  	[tilespmem:s31], [sflag:$0x1] =	stream.indirect_vreg.gather [hbm4b:s7+s2], $0x80, v17, vm0, $0xb8;
	[tilespmem:$0x13E00] =	vst v63  }
0x327: {  	v17 =	vld [tilespmem:$0x550];
	_ =	sdelay $0x4  }
0x328: {  	v18 =	vshrl.u32 v17, $0x3  }
0x329: {  	v18 =	vmul.u32 $0x278, v18  }
0x32a: {  	v17 =	vand.u32 $0x7, v17  }
0x32b: {  	v17 =	vor.u32 v17, v18  }
0x32c: {  	v18 =	vperm.xlane v17, v2;
	_ =	sdelay $0x1  }
0x32d: {  	v19 =	vperm.xlane v17, v4;
	v18 =	vadd.s32 v3, v18;
	_ =	sdelay $0x1  }
0x32e: {  	v46 =	vperm.xlane v17, v5;
	v19 =	vadd.s32 v3, v19;
	_ =	sdelay $0x1  }
0x32f: {  	s30 =	simm.s32 $0x9580;
	v47 =	vperm.xlane v17, v0;
	v20 =	vadd.s32 v3, v46  }
0x330: {  	[tilespmem:s30], [sflag:$0x1] =	stream.indirect_vreg.gather [hbm4b:s7+s2], $0x80, v18, vm0, $0xb8;
	[tilespmem:$0x13E00] =	vst v63  }
0x331: {  	s31 =	simm.s32 $0x9600;
	v48 =	vperm.xlane v17, v6;
	v18 =	vadd.s32 v3, v47  }
0x332: {  	[tilespmem:s31], [sflag:$0x1] =	stream.indirect_vreg.gather [hbm4b:s7+s2], $0x80, v19, vm0, $0xb8;
	[tilespmem:$0x13E00] =	vst v63  }
0x333: {  	v49 =	vperm.xlane v17, v7;
	s30 =	simm.s32 $0x9680;
	v19 =	vadd.s32 v3, v48  }
0x334: {  	[tilespmem:s30], [sflag:$0x1] =	stream.indirect_vreg.gather [hbm4b:s7+s2], $0x80, v20, vm0, $0xb8;
	[tilespmem:$0x13E00] =	vst v63  }
0x335: {  	v51 =	vperm.xlane v17, v8;
	v50 =	vadd.s32 v3, v49;
	s31 =	simm.s32 $0x9700  }
0x336: {  	[tilespmem:s31], [sflag:$0x1] =	stream.indirect_vreg.gather [hbm4b:s7+s2], $0x80, v18, vm0, $0xb8;
	[tilespmem:$0x13E00] =	vst v63  }
0x337: {  	v52 =	vperm.xlane v17, v1;
	s30 =	simm.s32 $0x9780;
	v18 =	vadd.s32 v3, v51  }
0x338: {  	[tilespmem:s30], [sflag:$0x1] =	stream.indirect_vreg.gather [hbm4b:s7+s2], $0x80, v19, vm0, $0xb8;
	[tilespmem:$0x13E00] =	vst v63  }
0x339: {  	v53 =	vperm.xlane v17, v9;
	s31 =	simm.s32 $0x9800;
	v19 =	vadd.s32 v3, v52  }
0x33a: {  	[tilespmem:s31], [sflag:$0x1] =	stream.indirect_vreg.gather [hbm4b:s7+s2], $0x80, v50, vm0, $0xb8;
	[tilespmem:$0x13E00] =	vst v63  }
0x33b: {  	v55 =	vperm.xlane v17, v10;
	v54 =	vadd.s32 v3, v53;
	s30 =	simm.s32 $0x9880  }
0x33c: {  	[tilespmem:s30], [sflag:$0x1] =	stream.indirect_vreg.gather [hbm4b:s7+s2], $0x80, v18, vm0, $0xb8;
	[tilespmem:$0x13E00] =	vst v63  }
0x33d: {  	v56 =	vperm.xlane v17, v11;
	s31 =	simm.s32 $0x9900;
	v18 =	vadd.s32 v3, v55  }
0x33e: {  	[tilespmem:s31], [sflag:$0x1] =	stream.indirect_vreg.gather [hbm4b:s7+s2], $0x80, v19, vm0, $0xb8;
	[tilespmem:$0x13E00] =	vst v63  }
0x33f: {  	v57 =	vperm.xlane v17, v12;
	s30 =	simm.s32 $0x9980;
	v19 =	vadd.s32 v3, v56  }
0x340: {  	[tilespmem:s30], [sflag:$0x1] =	stream.indirect_vreg.gather [hbm4b:s7+s2], $0x80, v54, vm0, $0xb8;
	[tilespmem:$0x13E00] =	vst v63  }
0x341: {  	v59 =	vperm.xlane v17, v13;
	v58 =	vadd.s32 v3, v57;
	s31 =	simm.s32 $0x9A00  }
0x342: {  	[tilespmem:s31], [sflag:$0x1] =	stream.indirect_vreg.gather [hbm4b:s7+s2], $0x80, v18, vm0, $0xb8;
	[tilespmem:$0x13E00] =	vst v63  }
0x343: {  	v60 =	vperm.xlane v17, v14;
	s30 =	simm.s32 $0x9A80;
	v18 =	vadd.s32 v3, v59  }
0x344: {  	[tilespmem:s30], [sflag:$0x1] =	stream.indirect_vreg.gather [hbm4b:s7+s2], $0x80, v19, vm0, $0xb8;
	[tilespmem:$0x13E00] =	vst v63  }
0x345: {  	v61 =	vperm.xlane v17, v15;
	s31 =	simm.s32 $0x9B00;
	v19 =	vadd.s32 v3, v60  }
0x346: {  	[tilespmem:s31], [sflag:$0x1] =	stream.indirect_vreg.gather [hbm4b:s7+s2], $0x80, v58, vm0, $0xb8;
	[tilespmem:$0x13E00] =	vst v63  }
0x347: {  	v17 =	vperm.xlane v17, v16;
	v62 =	vadd.s32 v3, v61;
	s30 =	simm.s32 $0x9B80  }
0x348: {  	[tilespmem:s30], [sflag:$0x1] =	stream.indirect_vreg.gather [hbm4b:s7+s2], $0x80, v18, vm0, $0xb8;
	[tilespmem:$0x13E00] =	vst v63  }
0x349: {  	v17 =	vadd.s32 v3, v17;
	s31 =	simm.s32 $0x9C00  }
0x34a: {  	[tilespmem:s31], [sflag:$0x1] =	stream.indirect_vreg.gather [hbm4b:s7+s2], $0x80, v19, vm0, $0xb8;
	[tilespmem:$0x13E00] =	vst v63  }
0x34b: {  	s30 =	simm.s32 $0x9C80  }
0x34c: {  	[tilespmem:s30], [sflag:$0x1] =	stream.indirect_vreg.gather [hbm4b:s7+s2], $0x80, v62, vm0, $0xb8;
	[tilespmem:$0x13E00] =	vst v63  }
0x34d: {  	s31 =	simm.s32 $0x9D00  }
0x34e: {  	[tilespmem:s31], [sflag:$0x1] =	stream.indirect_vreg.gather [hbm4b:s7+s2], $0x80, v17, vm0, $0xb8;
	[tilespmem:$0x13E00] =	vst v63  }
0x34f: {  	v17 =	vld.msk [tilespmem:$0x560], $0xf;
	_ =	sdelay $0x4  }
0x350: {  	v18 =	vshrl.u32 v17, $0x3  }
0x351: {  	v18 =	vmul.u32 $0x278, v18  }
0x352: {  	v17 =	vand.u32 $0x7, v17  }
0x353: {  	v17 =	vor.u32 v17, v18  }
0x354: {  	v18 =	vperm.xlane v17, v2;
	_ =	sdelay $0x1  }
0x355: {  	v19 =	vperm.xlane v17, v4;
	v18 =	vadd.s32 v3, v18;
	_ =	sdelay $0x1  }
0x356: {  	v63 =	vperm.xlane v17, v5;
	v19 =	vadd.s32 v3, v19;
	_ =	sdelay $0x1  }
0x357: {  	s30 =	simm.s32 $0x9D80;
	v17 =	vperm.xlane v17, v0;
	v20 =	vadd.s32 v3, v63  }
0x358: {  	[tilespmem:s30], [sflag:$0x1] =	stream.indirect_vreg.gather [hbm4b:s7+s2], $0x80, v18, vm0, $0xb8;
	[tilespmem:$0x13E00] =	vst v63  }
0x359: {  	s31 =	simm.s32 $0x9E00;
	v17 =	vadd.s32 v3, v17  }
0x35a: {  	[tilespmem:s31], [sflag:$0x1] =	stream.indirect_vreg.gather [hbm4b:s7+s2], $0x80, v19, vm0, $0xb8;
	[tilespmem:$0x13E00] =	vst v63  }
0x35b: {  	s30 =	simm.s32 $0x9E80  }
0x35c: {  	[tilespmem:s30], [sflag:$0x1] =	stream.indirect_vreg.gather [hbm4b:s7+s2], $0x80, v20, vm0, $0xb8;
	[tilespmem:$0x13E00] =	vst v63  }
0x35d: {  	s31 =	simm.s32 $0x9F00  }
0x35e: {  	[tilespmem:s31], [sflag:$0x1] =	stream.indirect_vreg.gather [hbm4b:s7+s2], $0x80, v17, vm0, $0xb8;
	[tilespmem:$0x13E00] =	vst v63  }
.LBB2_3:
.Ltmp3:
0x35f: {  	(pc) =	sbr.rel @p1 .LBB2_5-.Ltmp3, $1  }
0x360: {  	_ =	sdelay $0x3  }
0x361: {  	v17 =	vld [tilespmem:$0x400];
	_ =	sdelay $0x4  }
0x362: {  	v18 =	vshrl.u32 v17, $0x3  }
0x363: {  	v18 =	vmul.u32 $0x278, v18  }
0x364: {  	v17 =	vand.u32 $0x7, v17  }
0x365: {  	v17 =	vor.u32 v17, v18  }
0x366: {  	v18 =	vperm.xlane v17, v2;
	_ =	sdelay $0x1  }
0x367: {  	v19 =	vperm.xlane v17, v4;
	v18 =	vadd.s32 v3, v18;
	_ =	sdelay $0x1  }
0x368: {  	v20 =	vperm.xlane v17, v5;
	v19 =	vadd.s32 v3, v19;
	_ =	sdelay $0x1  }
0x369: {  	s1 =	simm.s32 $0xA180;
	v21 =	vperm.xlane v17, v0;
	v20 =	vadd.s32 v3, v20  }
0x36a: {  	[tilespmem:s1], [sflag:$0x2] =	stream.indirect_vreg.gather [hbm4b:s8+s2], $0x80, v18, vm0, $0xb8;
	[tilespmem:$0x13E00] =	vst v63  }
0x36b: {  	s31 =	simm.s32 $0xA200;
	v37 =	vperm.xlane v17, v6;
	v18 =	vadd.s32 v3, v21  }
0x36c: {  	[tilespmem:s31], [sflag:$0x2] =	stream.indirect_vreg.gather [hbm4b:s8+s2], $0x80, v19, vm0, $0xb8;
	[tilespmem:$0x13E00] =	vst v63  }
0x36d: {  	s30 =	simm.s32 $0xA280;
	v38 =	vperm.xlane v17, v7;
	v19 =	vadd.s32 v3, v37  }
0x36e: {  	[tilespmem:s30], [sflag:$0x2] =	stream.indirect_vreg.gather [hbm4b:s8+s2], $0x80, v20, vm0, $0xb8;
	[tilespmem:$0x13E00] =	vst v63  }
0x36f: {  	v40 =	vperm.xlane v17, v8;
	v39 =	vadd.s32 v3, v38;
	s31 =	simm.s32 $0xA300  }
0x370: {  	[tilespmem:s31], [sflag:$0x2] =	stream.indirect_vreg.gather [hbm4b:s8+s2], $0x80, v18, vm0, $0xb8;
	[tilespmem:$0x13E00] =	vst v63  }
0x371: {  	v41 =	vperm.xlane v17, v1;
	s30 =	simm.s32 $0xA380;
	v18 =	vadd.s32 v3, v40  }
0x372: {  	[tilespmem:s30], [sflag:$0x2] =	stream.indirect_vreg.gather [hbm4b:s8+s2], $0x80, v19, vm0, $0xb8;
	[tilespmem:$0x13E00] =	vst v63  }
0x373: {  	v42 =	vperm.xlane v17, v9;
	s31 =	simm.s32 $0xA400;
	v19 =	vadd.s32 v3, v41  }
0x374: {  	[tilespmem:s31], [sflag:$0x2] =	stream.indirect_vreg.gather [hbm4b:s8+s2], $0x80, v39, vm0, $0xb8;
	[tilespmem:$0x13E00] =	vst v63  }
0x375: {  	v44 =	vperm.xlane v17, v10;
	v43 =	vadd.s32 v3, v42;
	s30 =	simm.s32 $0xA480  }
0x376: {  	[tilespmem:s30], [sflag:$0x2] =	stream.indirect_vreg.gather [hbm4b:s8+s2], $0x80, v18, vm0, $0xb8;
	[tilespmem:$0x13E00] =	vst v63  }
0x377: {  	v45 =	vperm.xlane v17, v11;
	s31 =	simm.s32 $0xA500;
	v18 =	vadd.s32 v3, v44  }
0x378: {  	[tilespmem:s31], [sflag:$0x2] =	stream.indirect_vreg.gather [hbm4b:s8+s2], $0x80, v19, vm0, $0xb8;
	[tilespmem:$0x13E00] =	vst v63  }
0x379: {  	v46 =	vperm.xlane v17, v12;
	s30 =	simm.s32 $0xA580;
	v19 =	vadd.s32 v3, v45  }
0x37a: {  	[tilespmem:s30], [sflag:$0x2] =	stream.indirect_vreg.gather [hbm4b:s8+s2], $0x80, v43, vm0, $0xb8;
	[tilespmem:$0x13E00] =	vst v63  }
0x37b: {  	v48 =	vperm.xlane v17, v13;
	v47 =	vadd.s32 v3, v46;
	s31 =	simm.s32 $0xA600  }
0x37c: {  	[tilespmem:s31], [sflag:$0x2] =	stream.indirect_vreg.gather [hbm4b:s8+s2], $0x80, v18, vm0, $0xb8;
	[tilespmem:$0x13E00] =	vst v63  }
0x37d: {  	v49 =	vperm.xlane v17, v14;
	s30 =	simm.s32 $0xA680;
	v18 =	vadd.s32 v3, v48  }
0x37e: {  	[tilespmem:s30], [sflag:$0x2] =	stream.indirect_vreg.gather [hbm4b:s8+s2], $0x80, v19, vm0, $0xb8;
	[tilespmem:$0x13E00] =	vst v63  }
0x37f: {  	v50 =	vperm.xlane v17, v15;
	s31 =	simm.s32 $0xA700;
	v19 =	vadd.s32 v3, v49  }
0x380: {  	[tilespmem:s31], [sflag:$0x2] =	stream.indirect_vreg.gather [hbm4b:s8+s2], $0x80, v47, vm0, $0xb8;
	[tilespmem:$0x13E00] =	vst v63  }
0x381: {  	v17 =	vperm.xlane v17, v16;
	v51 =	vadd.s32 v3, v50;
	s30 =	simm.s32 $0xA780  }
0x382: {  	[tilespmem:s30], [sflag:$0x2] =	stream.indirect_vreg.gather [hbm4b:s8+s2], $0x80, v18, vm0, $0xb8;
	[tilespmem:$0x13E00] =	vst v63  }
0x383: {  	v17 =	vadd.s32 v3, v17;
	s31 =	simm.s32 $0xA800  }
0x384: {  	[tilespmem:s31], [sflag:$0x2] =	stream.indirect_vreg.gather [hbm4b:s8+s2], $0x80, v19, vm0, $0xb8;
	[tilespmem:$0x13E00] =	vst v63  }
0x385: {  	s30 =	simm.s32 $0xA880  }
0x386: {  	[tilespmem:s30], [sflag:$0x2] =	stream.indirect_vreg.gather [hbm4b:s8+s2], $0x80, v51, vm0, $0xb8;
	[tilespmem:$0x13E00] =	vst v63  }
0x387: {  	s31 =	simm.s32 $0xA900  }
0x388: {  	[tilespmem:s31], [sflag:$0x2] =	stream.indirect_vreg.gather [hbm4b:s8+s2], $0x80, v17, vm0, $0xb8;
	[tilespmem:$0x13E00] =	vst v63  }
0x389: {  	v17 =	vld [tilespmem:$0x410];
	_ =	sdelay $0x4  }
0x38a: {  	v18 =	vshrl.u32 v17, $0x3  }
0x38b: {  	v18 =	vmul.u32 $0x278, v18  }
0x38c: {  	v17 =	vand.u32 $0x7, v17  }
0x38d: {  	v17 =	vor.u32 v17, v18  }
0x38e: {  	v18 =	vperm.xlane v17, v2;
	_ =	sdelay $0x1  }
0x38f: {  	v19 =	vperm.xlane v17, v4;
	v18 =	vadd.s32 v3, v18;
	_ =	sdelay $0x1  }
0x390: {  	v52 =	vperm.xlane v17, v5;
	v19 =	vadd.s32 v3, v19;
	_ =	sdelay $0x1  }
0x391: {  	s30 =	simm.s32 $0xA980;
	v53 =	vperm.xlane v17, v0;
	v20 =	vadd.s32 v3, v52  }
0x392: {  	[tilespmem:s30], [sflag:$0x2] =	stream.indirect_vreg.gather [hbm4b:s8+s2], $0x80, v18, vm0, $0xb8;
	[tilespmem:$0x13E00] =	vst v63  }
0x393: {  	s31 =	simm.s32 $0xAA00;
	v54 =	vperm.xlane v17, v6;
	v18 =	vadd.s32 v3, v53  }
0x394: {  	[tilespmem:s31], [sflag:$0x2] =	stream.indirect_vreg.gather [hbm4b:s8+s2], $0x80, v19, vm0, $0xb8;
	[tilespmem:$0x13E00] =	vst v63  }
0x395: {  	v55 =	vperm.xlane v17, v7;
	s30 =	simm.s32 $0xAA80;
	v19 =	vadd.s32 v3, v54  }
0x396: {  	[tilespmem:s30], [sflag:$0x2] =	stream.indirect_vreg.gather [hbm4b:s8+s2], $0x80, v20, vm0, $0xb8;
	[tilespmem:$0x13E00] =	vst v63  }
0x397: {  	v57 =	vperm.xlane v17, v8;
	v56 =	vadd.s32 v3, v55;
	s31 =	simm.s32 $0xAB00  }
0x398: {  	[tilespmem:s31], [sflag:$0x2] =	stream.indirect_vreg.gather [hbm4b:s8+s2], $0x80, v18, vm0, $0xb8;
	[tilespmem:$0x13E00] =	vst v63  }
0x399: {  	v58 =	vperm.xlane v17, v1;
	s30 =	simm.s32 $0xAB80;
	v18 =	vadd.s32 v3, v57  }
0x39a: {  	[tilespmem:s30], [sflag:$0x2] =	stream.indirect_vreg.gather [hbm4b:s8+s2], $0x80, v19, vm0, $0xb8;
	[tilespmem:$0x13E00] =	vst v63  }
0x39b: {  	v59 =	vperm.xlane v17, v9;
	s31 =	simm.s32 $0xAC00;
	v19 =	vadd.s32 v3, v58  }
0x39c: {  	[tilespmem:s31], [sflag:$0x2] =	stream.indirect_vreg.gather [hbm4b:s8+s2], $0x80, v56, vm0, $0xb8;
	[tilespmem:$0x13E00] =	vst v63  }
0x39d: {  	v61 =	vperm.xlane v17, v10;
	v60 =	vadd.s32 v3, v59;
	s30 =	simm.s32 $0xAC80  }
0x39e: {  	[tilespmem:s30], [sflag:$0x2] =	stream.indirect_vreg.gather [hbm4b:s8+s2], $0x80, v18, vm0, $0xb8;
	[tilespmem:$0x13E00] =	vst v63  }
0x39f: {  	v62 =	vperm.xlane v17, v11;
	s31 =	simm.s32 $0xAD00;
	v18 =	vadd.s32 v3, v61  }
0x3a0: {  	[tilespmem:s31], [sflag:$0x2] =	stream.indirect_vreg.gather [hbm4b:s8+s2], $0x80, v19, vm0, $0xb8;
	[tilespmem:$0x13E00] =	vst v63  }
0x3a1: {  	v63 =	vperm.xlane v17, v12;
	s30 =	simm.s32 $0xAD80;
	v19 =	vadd.s32 v3, v62  }
0x3a2: {  	[tilespmem:s30], [sflag:$0x2] =	stream.indirect_vreg.gather [hbm4b:s8+s2], $0x80, v60, vm0, $0xb8;
	[tilespmem:$0x13E00] =	vst v63  }
0x3a3: {  	v25 =	vperm.xlane v17, v13;
	v24 =	vadd.s32 v3, v63;
	s31 =	simm.s32 $0xAE00  }
0x3a4: {  	[tilespmem:s31], [sflag:$0x2] =	stream.indirect_vreg.gather [hbm4b:s8+s2], $0x80, v18, vm0, $0xb8;
	[tilespmem:$0x13E00] =	vst v63  }
0x3a5: {  	v26 =	vperm.xlane v17, v14;
	s30 =	simm.s32 $0xAE80;
	v18 =	vadd.s32 v3, v25  }
0x3a6: {  	[tilespmem:s30], [sflag:$0x2] =	stream.indirect_vreg.gather [hbm4b:s8+s2], $0x80, v19, vm0, $0xb8;
	[tilespmem:$0x13E00] =	vst v63  }
0x3a7: {  	v27 =	vperm.xlane v17, v15;
	s31 =	simm.s32 $0xAF00;
	v19 =	vadd.s32 v3, v26  }
0x3a8: {  	[tilespmem:s31], [sflag:$0x2] =	stream.indirect_vreg.gather [hbm4b:s8+s2], $0x80, v24, vm0, $0xb8;
	[tilespmem:$0x13E00] =	vst v63  }
0x3a9: {  	v17 =	vperm.xlane v17, v16;
	v28 =	vadd.s32 v3, v27;
	s30 =	simm.s32 $0xAF80  }
0x3aa: {  	[tilespmem:s30], [sflag:$0x2] =	stream.indirect_vreg.gather [hbm4b:s8+s2], $0x80, v18, vm0, $0xb8;
	[tilespmem:$0x13E00] =	vst v63  }
0x3ab: {  	v17 =	vadd.s32 v3, v17;
	s31 =	simm.s32 $0xB000  }
0x3ac: {  	[tilespmem:s31], [sflag:$0x2] =	stream.indirect_vreg.gather [hbm4b:s8+s2], $0x80, v19, vm0, $0xb8;
	[tilespmem:$0x13E00] =	vst v63  }
0x3ad: {  	s30 =	simm.s32 $0xB080  }
0x3ae: {  	[tilespmem:s30], [sflag:$0x2] =	stream.indirect_vreg.gather [hbm4b:s8+s2], $0x80, v28, vm0, $0xb8;
	[tilespmem:$0x13E00] =	vst v63  }
0x3af: {  	s31 =	simm.s32 $0xB100  }
0x3b0: {  	[tilespmem:s31], [sflag:$0x2] =	stream.indirect_vreg.gather [hbm4b:s8+s2], $0x80, v17, vm0, $0xb8;
	[tilespmem:$0x13E00] =	vst v63  }
0x3b1: {  	v17 =	vld [tilespmem:$0x420];
	_ =	sdelay $0x4  }
0x3b2: {  	v18 =	vshrl.u32 v17, $0x3  }
0x3b3: {  	v18 =	vmul.u32 $0x278, v18  }
0x3b4: {  	v17 =	vand.u32 $0x7, v17  }
0x3b5: {  	v17 =	vor.u32 v17, v18  }
0x3b6: {  	v18 =	vperm.xlane v17, v2;
	_ =	sdelay $0x1  }
0x3b7: {  	v19 =	vperm.xlane v17, v4;
	v18 =	vadd.s32 v3, v18;
	_ =	sdelay $0x1  }
0x3b8: {  	v29 =	vperm.xlane v17, v5;
	v19 =	vadd.s32 v3, v19;
	_ =	sdelay $0x1  }
0x3b9: {  	s30 =	simm.s32 $0xB180;
	v30 =	vperm.xlane v17, v0;
	v20 =	vadd.s32 v3, v29  }
0x3ba: {  	[tilespmem:s30], [sflag:$0x2] =	stream.indirect_vreg.gather [hbm4b:s8+s2], $0x80, v18, vm0, $0xb8;
	[tilespmem:$0x13E00] =	vst v63  }
0x3bb: {  	s31 =	simm.s32 $0xB200;
	v31 =	vperm.xlane v17, v6;
	v18 =	vadd.s32 v3, v30  }
0x3bc: {  	[tilespmem:s31], [sflag:$0x2] =	stream.indirect_vreg.gather [hbm4b:s8+s2], $0x80, v19, vm0, $0xb8;
	[tilespmem:$0x13E00] =	vst v63  }
0x3bd: {  	v32 =	vperm.xlane v17, v7;
	s30 =	simm.s32 $0xB280;
	v19 =	vadd.s32 v3, v31  }
0x3be: {  	[tilespmem:s30], [sflag:$0x2] =	stream.indirect_vreg.gather [hbm4b:s8+s2], $0x80, v20, vm0, $0xb8;
	[tilespmem:$0x13E00] =	vst v63  }
0x3bf: {  	v34 =	vperm.xlane v17, v8;
	v33 =	vadd.s32 v3, v32;
	s31 =	simm.s32 $0xB300  }
0x3c0: {  	[tilespmem:s31], [sflag:$0x2] =	stream.indirect_vreg.gather [hbm4b:s8+s2], $0x80, v18, vm0, $0xb8;
	[tilespmem:$0x13E00] =	vst v63  }
0x3c1: {  	v35 =	vperm.xlane v17, v1;
	s30 =	simm.s32 $0xB380;
	v18 =	vadd.s32 v3, v34  }
0x3c2: {  	[tilespmem:s30], [sflag:$0x2] =	stream.indirect_vreg.gather [hbm4b:s8+s2], $0x80, v19, vm0, $0xb8;
	[tilespmem:$0x13E00] =	vst v63  }
0x3c3: {  	v36 =	vperm.xlane v17, v9;
	s31 =	simm.s32 $0xB400;
	v19 =	vadd.s32 v3, v35  }
0x3c4: {  	[tilespmem:s31], [sflag:$0x2] =	stream.indirect_vreg.gather [hbm4b:s8+s2], $0x80, v33, vm0, $0xb8;
	[tilespmem:$0x13E00] =	vst v63  }
0x3c5: {  	v38 =	vperm.xlane v17, v10;
	v37 =	vadd.s32 v3, v36;
	s30 =	simm.s32 $0xB480  }
0x3c6: {  	[tilespmem:s30], [sflag:$0x2] =	stream.indirect_vreg.gather [hbm4b:s8+s2], $0x80, v18, vm0, $0xb8;
	[tilespmem:$0x13E00] =	vst v63  }
0x3c7: {  	v39 =	vperm.xlane v17, v11;
	s31 =	simm.s32 $0xB500;
	v18 =	vadd.s32 v3, v38  }
0x3c8: {  	[tilespmem:s31], [sflag:$0x2] =	stream.indirect_vreg.gather [hbm4b:s8+s2], $0x80, v19, vm0, $0xb8;
	[tilespmem:$0x13E00] =	vst v63  }
0x3c9: {  	v40 =	vperm.xlane v17, v12;
	s30 =	simm.s32 $0xB580;
	v19 =	vadd.s32 v3, v39  }
0x3ca: {  	[tilespmem:s30], [sflag:$0x2] =	stream.indirect_vreg.gather [hbm4b:s8+s2], $0x80, v37, vm0, $0xb8;
	[tilespmem:$0x13E00] =	vst v63  }
0x3cb: {  	v42 =	vperm.xlane v17, v13;
	v41 =	vadd.s32 v3, v40;
	s31 =	simm.s32 $0xB600  }
0x3cc: {  	[tilespmem:s31], [sflag:$0x2] =	stream.indirect_vreg.gather [hbm4b:s8+s2], $0x80, v18, vm0, $0xb8;
	[tilespmem:$0x13E00] =	vst v63  }
0x3cd: {  	v43 =	vperm.xlane v17, v14;
	s30 =	simm.s32 $0xB680;
	v18 =	vadd.s32 v3, v42  }
0x3ce: {  	[tilespmem:s30], [sflag:$0x2] =	stream.indirect_vreg.gather [hbm4b:s8+s2], $0x80, v19, vm0, $0xb8;
	[tilespmem:$0x13E00] =	vst v63  }
0x3cf: {  	v44 =	vperm.xlane v17, v15;
	s31 =	simm.s32 $0xB700;
	v19 =	vadd.s32 v3, v43  }
0x3d0: {  	[tilespmem:s31], [sflag:$0x2] =	stream.indirect_vreg.gather [hbm4b:s8+s2], $0x80, v41, vm0, $0xb8;
	[tilespmem:$0x13E00] =	vst v63  }
0x3d1: {  	v17 =	vperm.xlane v17, v16;
	v45 =	vadd.s32 v3, v44;
	s30 =	simm.s32 $0xB780  }
0x3d2: {  	[tilespmem:s30], [sflag:$0x2] =	stream.indirect_vreg.gather [hbm4b:s8+s2], $0x80, v18, vm0, $0xb8;
	[tilespmem:$0x13E00] =	vst v63  }
0x3d3: {  	v17 =	vadd.s32 v3, v17;
	s31 =	simm.s32 $0xB800  }
0x3d4: {  	[tilespmem:s31], [sflag:$0x2] =	stream.indirect_vreg.gather [hbm4b:s8+s2], $0x80, v19, vm0, $0xb8;
	[tilespmem:$0x13E00] =	vst v63  }
0x3d5: {  	s30 =	simm.s32 $0xB880  }
0x3d6: {  	[tilespmem:s30], [sflag:$0x2] =	stream.indirect_vreg.gather [hbm4b:s8+s2], $0x80, v45, vm0, $0xb8;
	[tilespmem:$0x13E00] =	vst v63  }
0x3d7: {  	s31 =	simm.s32 $0xB900  }
0x3d8: {  	[tilespmem:s31], [sflag:$0x2] =	stream.indirect_vreg.gather [hbm4b:s8+s2], $0x80, v17, vm0, $0xb8;
	[tilespmem:$0x13E00] =	vst v63  }
0x3d9: {  	v17 =	vld [tilespmem:$0x430];
	_ =	sdelay $0x4  }
0x3da: {  	v18 =	vshrl.u32 v17, $0x3  }
0x3db: {  	v18 =	vmul.u32 $0x278, v18  }
0x3dc: {  	v17 =	vand.u32 $0x7, v17  }
0x3dd: {  	v17 =	vor.u32 v17, v18  }
0x3de: {  	v18 =	vperm.xlane v17, v2;
	_ =	sdelay $0x1  }
0x3df: {  	v19 =	vperm.xlane v17, v4;
	v18 =	vadd.s32 v3, v18;
	_ =	sdelay $0x1  }
0x3e0: {  	v46 =	vperm.xlane v17, v5;
	v19 =	vadd.s32 v3, v19;
	_ =	sdelay $0x1  }
0x3e1: {  	s30 =	simm.s32 $0xB980;
	v47 =	vperm.xlane v17, v0;
	v20 =	vadd.s32 v3, v46  }
0x3e2: {  	[tilespmem:s30], [sflag:$0x2] =	stream.indirect_vreg.gather [hbm4b:s8+s2], $0x80, v18, vm0, $0xb8;
	[tilespmem:$0x13E00] =	vst v63  }
0x3e3: {  	s31 =	simm.s32 $0xBA00;
	v48 =	vperm.xlane v17, v6;
	v18 =	vadd.s32 v3, v47  }
0x3e4: {  	[tilespmem:s31], [sflag:$0x2] =	stream.indirect_vreg.gather [hbm4b:s8+s2], $0x80, v19, vm0, $0xb8;
	[tilespmem:$0x13E00] =	vst v63  }
0x3e5: {  	v49 =	vperm.xlane v17, v7;
	s30 =	simm.s32 $0xBA80;
	v19 =	vadd.s32 v3, v48  }
0x3e6: {  	[tilespmem:s30], [sflag:$0x2] =	stream.indirect_vreg.gather [hbm4b:s8+s2], $0x80, v20, vm0, $0xb8;
	[tilespmem:$0x13E00] =	vst v63  }
0x3e7: {  	v51 =	vperm.xlane v17, v8;
	v50 =	vadd.s32 v3, v49;
	s31 =	simm.s32 $0xBB00  }
0x3e8: {  	[tilespmem:s31], [sflag:$0x2] =	stream.indirect_vreg.gather [hbm4b:s8+s2], $0x80, v18, vm0, $0xb8;
	[tilespmem:$0x13E00] =	vst v63  }
0x3e9: {  	v52 =	vperm.xlane v17, v1;
	s30 =	simm.s32 $0xBB80;
	v18 =	vadd.s32 v3, v51  }
0x3ea: {  	[tilespmem:s30], [sflag:$0x2] =	stream.indirect_vreg.gather [hbm4b:s8+s2], $0x80, v19, vm0, $0xb8;
	[tilespmem:$0x13E00] =	vst v63  }
0x3eb: {  	v53 =	vperm.xlane v17, v9;
	s31 =	simm.s32 $0xBC00;
	v19 =	vadd.s32 v3, v52  }
0x3ec: {  	[tilespmem:s31], [sflag:$0x2] =	stream.indirect_vreg.gather [hbm4b:s8+s2], $0x80, v50, vm0, $0xb8;
	[tilespmem:$0x13E00] =	vst v63  }
0x3ed: {  	v55 =	vperm.xlane v17, v10;
	v54 =	vadd.s32 v3, v53;
	s30 =	simm.s32 $0xBC80  }
0x3ee: {  	[tilespmem:s30], [sflag:$0x2] =	stream.indirect_vreg.gather [hbm4b:s8+s2], $0x80, v18, vm0, $0xb8;
	[tilespmem:$0x13E00] =	vst v63  }
0x3ef: {  	v56 =	vperm.xlane v17, v11;
	s31 =	simm.s32 $0xBD00;
	v18 =	vadd.s32 v3, v55  }
0x3f0: {  	[tilespmem:s31], [sflag:$0x2] =	stream.indirect_vreg.gather [hbm4b:s8+s2], $0x80, v19, vm0, $0xb8;
	[tilespmem:$0x13E00] =	vst v63  }
0x3f1: {  	v57 =	vperm.xlane v17, v12;
	s30 =	simm.s32 $0xBD80;
	v19 =	vadd.s32 v3, v56  }
0x3f2: {  	[tilespmem:s30], [sflag:$0x2] =	stream.indirect_vreg.gather [hbm4b:s8+s2], $0x80, v54, vm0, $0xb8;
	[tilespmem:$0x13E00] =	vst v63  }
0x3f3: {  	v59 =	vperm.xlane v17, v13;
	v58 =	vadd.s32 v3, v57;
	s31 =	simm.s32 $0xBE00  }
0x3f4: {  	[tilespmem:s31], [sflag:$0x2] =	stream.indirect_vreg.gather [hbm4b:s8+s2], $0x80, v18, vm0, $0xb8;
	[tilespmem:$0x13E00] =	vst v63  }
0x3f5: {  	v60 =	vperm.xlane v17, v14;
	s30 =	simm.s32 $0xBE80;
	v18 =	vadd.s32 v3, v59  }
0x3f6: {  	[tilespmem:s30], [sflag:$0x2] =	stream.indirect_vreg.gather [hbm4b:s8+s2], $0x80, v19, vm0, $0xb8;
	[tilespmem:$0x13E00] =	vst v63  }
0x3f7: {  	v61 =	vperm.xlane v17, v15;
	s31 =	simm.s32 $0xBF00;
	v19 =	vadd.s32 v3, v60  }
0x3f8: {  	[tilespmem:s31], [sflag:$0x2] =	stream.indirect_vreg.gather [hbm4b:s8+s2], $0x80, v58, vm0, $0xb8;
	[tilespmem:$0x13E00] =	vst v63  }
0x3f9: {  	v17 =	vperm.xlane v17, v16;
	v62 =	vadd.s32 v3, v61;
	s30 =	simm.s32 $0xBF80  }
0x3fa: {  	[tilespmem:s30], [sflag:$0x2] =	stream.indirect_vreg.gather [hbm4b:s8+s2], $0x80, v18, vm0, $0xb8;
	[tilespmem:$0x13E00] =	vst v63  }
0x3fb: {  	v17 =	vadd.s32 v3, v17;
	s31 =	simm.s32 $0xC000  }
0x3fc: {  	[tilespmem:s31], [sflag:$0x2] =	stream.indirect_vreg.gather [hbm4b:s8+s2], $0x80, v19, vm0, $0xb8;
	[tilespmem:$0x13E00] =	vst v63  }
0x3fd: {  	s30 =	simm.s32 $0xC080  }
0x3fe: {  	[tilespmem:s30], [sflag:$0x2] =	stream.indirect_vreg.gather [hbm4b:s8+s2], $0x80, v62, vm0, $0xb8;
	[tilespmem:$0x13E00] =	vst v63  }
0x3ff: {  	s31 =	simm.s32 $0xC100  }
0x400: {  	[tilespmem:s31], [sflag:$0x2] =	stream.indirect_vreg.gather [hbm4b:s8+s2], $0x80, v17, vm0, $0xb8;
	[tilespmem:$0x13E00] =	vst v63  }
0x401: {  	v17 =	vld [tilespmem:$0x440];
	_ =	sdelay $0x4  }
0x402: {  	v18 =	vshrl.u32 v17, $0x3  }
0x403: {  	v18 =	vmul.u32 $0x278, v18  }
0x404: {  	v17 =	vand.u32 $0x7, v17  }
0x405: {  	v17 =	vor.u32 v17, v18  }
0x406: {  	v18 =	vperm.xlane v17, v2;
	_ =	sdelay $0x1  }
0x407: {  	v19 =	vperm.xlane v17, v4;
	v18 =	vadd.s32 v3, v18;
	_ =	sdelay $0x1  }
0x408: {  	v63 =	vperm.xlane v17, v5;
	v19 =	vadd.s32 v3, v19;
	_ =	sdelay $0x1  }
0x409: {  	s30 =	simm.s32 $0xC180;
	v24 =	vperm.xlane v17, v0;
	v20 =	vadd.s32 v3, v63  }
0x40a: {  	[tilespmem:s30], [sflag:$0x2] =	stream.indirect_vreg.gather [hbm4b:s8+s2], $0x80, v18, vm0, $0xb8;
	[tilespmem:$0x13E00] =	vst v63  }
0x40b: {  	s31 =	simm.s32 $0xC200;
	v25 =	vperm.xlane v17, v6;
	v18 =	vadd.s32 v3, v24  }
0x40c: {  	[tilespmem:s31], [sflag:$0x2] =	stream.indirect_vreg.gather [hbm4b:s8+s2], $0x80, v19, vm0, $0xb8;
	[tilespmem:$0x13E00] =	vst v63  }
0x40d: {  	v26 =	vperm.xlane v17, v7;
	s30 =	simm.s32 $0xC280;
	v19 =	vadd.s32 v3, v25  }
0x40e: {  	[tilespmem:s30], [sflag:$0x2] =	stream.indirect_vreg.gather [hbm4b:s8+s2], $0x80, v20, vm0, $0xb8;
	[tilespmem:$0x13E00] =	vst v63  }
0x40f: {  	v28 =	vperm.xlane v17, v8;
	v27 =	vadd.s32 v3, v26;
	s31 =	simm.s32 $0xC300  }
0x410: {  	[tilespmem:s31], [sflag:$0x2] =	stream.indirect_vreg.gather [hbm4b:s8+s2], $0x80, v18, vm0, $0xb8;
	[tilespmem:$0x13E00] =	vst v63  }
0x411: {  	v29 =	vperm.xlane v17, v1;
	s30 =	simm.s32 $0xC380;
	v18 =	vadd.s32 v3, v28  }
0x412: {  	[tilespmem:s30], [sflag:$0x2] =	stream.indirect_vreg.gather [hbm4b:s8+s2], $0x80, v19, vm0, $0xb8;
	[tilespmem:$0x13E00] =	vst v63  }
0x413: {  	v30 =	vperm.xlane v17, v9;
	s31 =	simm.s32 $0xC400;
	v19 =	vadd.s32 v3, v29  }
0x414: {  	[tilespmem:s31], [sflag:$0x2] =	stream.indirect_vreg.gather [hbm4b:s8+s2], $0x80, v27, vm0, $0xb8;
	[tilespmem:$0x13E00] =	vst v63  }
0x415: {  	v32 =	vperm.xlane v17, v10;
	v31 =	vadd.s32 v3, v30;
	s30 =	simm.s32 $0xC480  }
0x416: {  	[tilespmem:s30], [sflag:$0x2] =	stream.indirect_vreg.gather [hbm4b:s8+s2], $0x80, v18, vm0, $0xb8;
	[tilespmem:$0x13E00] =	vst v63  }
0x417: {  	v33 =	vperm.xlane v17, v11;
	s31 =	simm.s32 $0xC500;
	v18 =	vadd.s32 v3, v32  }
0x418: {  	[tilespmem:s31], [sflag:$0x2] =	stream.indirect_vreg.gather [hbm4b:s8+s2], $0x80, v19, vm0, $0xb8;
	[tilespmem:$0x13E00] =	vst v63  }
0x419: {  	v34 =	vperm.xlane v17, v12;
	s30 =	simm.s32 $0xC580;
	v19 =	vadd.s32 v3, v33  }
0x41a: {  	[tilespmem:s30], [sflag:$0x2] =	stream.indirect_vreg.gather [hbm4b:s8+s2], $0x80, v31, vm0, $0xb8;
	[tilespmem:$0x13E00] =	vst v63  }
0x41b: {  	v36 =	vperm.xlane v17, v13;
	v35 =	vadd.s32 v3, v34;
	s31 =	simm.s32 $0xC600  }
0x41c: {  	[tilespmem:s31], [sflag:$0x2] =	stream.indirect_vreg.gather [hbm4b:s8+s2], $0x80, v18, vm0, $0xb8;
	[tilespmem:$0x13E00] =	vst v63  }
0x41d: {  	v37 =	vperm.xlane v17, v14;
	s30 =	simm.s32 $0xC680;
	v18 =	vadd.s32 v3, v36  }
0x41e: {  	[tilespmem:s30], [sflag:$0x2] =	stream.indirect_vreg.gather [hbm4b:s8+s2], $0x80, v19, vm0, $0xb8;
	[tilespmem:$0x13E00] =	vst v63  }
0x41f: {  	v38 =	vperm.xlane v17, v15;
	s31 =	simm.s32 $0xC700;
	v19 =	vadd.s32 v3, v37  }
0x420: {  	[tilespmem:s31], [sflag:$0x2] =	stream.indirect_vreg.gather [hbm4b:s8+s2], $0x80, v35, vm0, $0xb8;
	[tilespmem:$0x13E00] =	vst v63  }
0x421: {  	v17 =	vperm.xlane v17, v16;
	v39 =	vadd.s32 v3, v38;
	s30 =	simm.s32 $0xC780  }
0x422: {  	[tilespmem:s30], [sflag:$0x2] =	stream.indirect_vreg.gather [hbm4b:s8+s2], $0x80, v18, vm0, $0xb8;
	[tilespmem:$0x13E00] =	vst v63  }
0x423: {  	v17 =	vadd.s32 v3, v17;
	s31 =	simm.s32 $0xC800  }
0x424: {  	[tilespmem:s31], [sflag:$0x2] =	stream.indirect_vreg.gather [hbm4b:s8+s2], $0x80, v19, vm0, $0xb8;
	[tilespmem:$0x13E00] =	vst v63  }
0x425: {  	s30 =	simm.s32 $0xC880  }
0x426: {  	[tilespmem:s30], [sflag:$0x2] =	stream.indirect_vreg.gather [hbm4b:s8+s2], $0x80, v39, vm0, $0xb8;
	[tilespmem:$0x13E00] =	vst v63  }
0x427: {  	s31 =	simm.s32 $0xC900  }
0x428: {  	[tilespmem:s31], [sflag:$0x2] =	stream.indirect_vreg.gather [hbm4b:s8+s2], $0x80, v17, vm0, $0xb8;
	[tilespmem:$0x13E00] =	vst v63  }
0x429: {  	v17 =	vld [tilespmem:$0x450];
	_ =	sdelay $0x4  }
0x42a: {  	v18 =	vshrl.u32 v17, $0x3  }
0x42b: {  	v18 =	vmul.u32 $0x278, v18  }
0x42c: {  	v17 =	vand.u32 $0x7, v17  }
0x42d: {  	v17 =	vor.u32 v17, v18  }
0x42e: {  	v18 =	vperm.xlane v17, v2;
	_ =	sdelay $0x1  }
0x42f: {  	v19 =	vperm.xlane v17, v4;
	v18 =	vadd.s32 v3, v18;
	_ =	sdelay $0x1  }
0x430: {  	v40 =	vperm.xlane v17, v5;
	v19 =	vadd.s32 v3, v19;
	_ =	sdelay $0x1  }
0x431: {  	s30 =	simm.s32 $0xC980;
	v41 =	vperm.xlane v17, v0;
	v20 =	vadd.s32 v3, v40  }
0x432: {  	[tilespmem:s30], [sflag:$0x2] =	stream.indirect_vreg.gather [hbm4b:s8+s2], $0x80, v18, vm0, $0xb8;
	[tilespmem:$0x13E00] =	vst v63  }
0x433: {  	s31 =	simm.s32 $0xCA00;
	v42 =	vperm.xlane v17, v6;
	v18 =	vadd.s32 v3, v41  }
0x434: {  	[tilespmem:s31], [sflag:$0x2] =	stream.indirect_vreg.gather [hbm4b:s8+s2], $0x80, v19, vm0, $0xb8;
	[tilespmem:$0x13E00] =	vst v63  }
0x435: {  	v43 =	vperm.xlane v17, v7;
	s30 =	simm.s32 $0xCA80;
	v19 =	vadd.s32 v3, v42  }
0x436: {  	[tilespmem:s30], [sflag:$0x2] =	stream.indirect_vreg.gather [hbm4b:s8+s2], $0x80, v20, vm0, $0xb8;
	[tilespmem:$0x13E00] =	vst v63  }
0x437: {  	v45 =	vperm.xlane v17, v8;
	v44 =	vadd.s32 v3, v43;
	s31 =	simm.s32 $0xCB00  }
0x438: {  	[tilespmem:s31], [sflag:$0x2] =	stream.indirect_vreg.gather [hbm4b:s8+s2], $0x80, v18, vm0, $0xb8;
	[tilespmem:$0x13E00] =	vst v63  }
0x439: {  	v46 =	vperm.xlane v17, v1;
	s30 =	simm.s32 $0xCB80;
	v18 =	vadd.s32 v3, v45  }
0x43a: {  	[tilespmem:s30], [sflag:$0x2] =	stream.indirect_vreg.gather [hbm4b:s8+s2], $0x80, v19, vm0, $0xb8;
	[tilespmem:$0x13E00] =	vst v63  }
0x43b: {  	v47 =	vperm.xlane v17, v9;
	s31 =	simm.s32 $0xCC00;
	v19 =	vadd.s32 v3, v46  }
0x43c: {  	[tilespmem:s31], [sflag:$0x2] =	stream.indirect_vreg.gather [hbm4b:s8+s2], $0x80, v44, vm0, $0xb8;
	[tilespmem:$0x13E00] =	vst v63  }
0x43d: {  	v49 =	vperm.xlane v17, v10;
	v48 =	vadd.s32 v3, v47;
	s30 =	simm.s32 $0xCC80  }
0x43e: {  	[tilespmem:s30], [sflag:$0x2] =	stream.indirect_vreg.gather [hbm4b:s8+s2], $0x80, v18, vm0, $0xb8;
	[tilespmem:$0x13E00] =	vst v63  }
0x43f: {  	v50 =	vperm.xlane v17, v11;
	s31 =	simm.s32 $0xCD00;
	v18 =	vadd.s32 v3, v49  }
0x440: {  	[tilespmem:s31], [sflag:$0x2] =	stream.indirect_vreg.gather [hbm4b:s8+s2], $0x80, v19, vm0, $0xb8;
	[tilespmem:$0x13E00] =	vst v63  }
0x441: {  	v51 =	vperm.xlane v17, v12;
	s30 =	simm.s32 $0xCD80;
	v19 =	vadd.s32 v3, v50  }
0x442: {  	[tilespmem:s30], [sflag:$0x2] =	stream.indirect_vreg.gather [hbm4b:s8+s2], $0x80, v48, vm0, $0xb8;
	[tilespmem:$0x13E00] =	vst v63  }
0x443: {  	v53 =	vperm.xlane v17, v13;
	v52 =	vadd.s32 v3, v51;
	s31 =	simm.s32 $0xCE00  }
0x444: {  	[tilespmem:s31], [sflag:$0x2] =	stream.indirect_vreg.gather [hbm4b:s8+s2], $0x80, v18, vm0, $0xb8;
	[tilespmem:$0x13E00] =	vst v63  }
0x445: {  	v54 =	vperm.xlane v17, v14;
	s30 =	simm.s32 $0xCE80;
	v18 =	vadd.s32 v3, v53  }
0x446: {  	[tilespmem:s30], [sflag:$0x2] =	stream.indirect_vreg.gather [hbm4b:s8+s2], $0x80, v19, vm0, $0xb8;
	[tilespmem:$0x13E00] =	vst v63  }
0x447: {  	v55 =	vperm.xlane v17, v15;
	s31 =	simm.s32 $0xCF00;
	v19 =	vadd.s32 v3, v54  }
0x448: {  	[tilespmem:s31], [sflag:$0x2] =	stream.indirect_vreg.gather [hbm4b:s8+s2], $0x80, v52, vm0, $0xb8;
	[tilespmem:$0x13E00] =	vst v63  }
0x449: {  	v17 =	vperm.xlane v17, v16;
	v56 =	vadd.s32 v3, v55;
	s30 =	simm.s32 $0xCF80  }
0x44a: {  	[tilespmem:s30], [sflag:$0x2] =	stream.indirect_vreg.gather [hbm4b:s8+s2], $0x80, v18, vm0, $0xb8;
	[tilespmem:$0x13E00] =	vst v63  }
0x44b: {  	v17 =	vadd.s32 v3, v17;
	s31 =	simm.s32 $0xD000  }
0x44c: {  	[tilespmem:s31], [sflag:$0x2] =	stream.indirect_vreg.gather [hbm4b:s8+s2], $0x80, v19, vm0, $0xb8;
	[tilespmem:$0x13E00] =	vst v63  }
0x44d: {  	s30 =	simm.s32 $0xD080  }
0x44e: {  	[tilespmem:s30], [sflag:$0x2] =	stream.indirect_vreg.gather [hbm4b:s8+s2], $0x80, v56, vm0, $0xb8;
	[tilespmem:$0x13E00] =	vst v63  }
0x44f: {  	s31 =	simm.s32 $0xD100  }
0x450: {  	[tilespmem:s31], [sflag:$0x2] =	stream.indirect_vreg.gather [hbm4b:s8+s2], $0x80, v17, vm0, $0xb8;
	[tilespmem:$0x13E00] =	vst v63  }
0x451: {  	v17 =	vld.msk [tilespmem:$0x460], $0xf;
	_ =	sdelay $0x4  }
0x452: {  	v18 =	vshrl.u32 v17, $0x3  }
0x453: {  	v18 =	vmul.u32 $0x278, v18  }
0x454: {  	v17 =	vand.u32 $0x7, v17  }
0x455: {  	v17 =	vor.u32 v17, v18  }
0x456: {  	v18 =	vperm.xlane v17, v2;
	_ =	sdelay $0x1  }
0x457: {  	v19 =	vperm.xlane v17, v4;
	v18 =	vadd.s32 v3, v18;
	_ =	sdelay $0x1  }
0x458: {  	v57 =	vperm.xlane v17, v5;
	v19 =	vadd.s32 v3, v19;
	_ =	sdelay $0x1  }
0x459: {  	s30 =	simm.s32 $0xD180;
	v17 =	vperm.xlane v17, v0;
	v20 =	vadd.s32 v3, v57  }
0x45a: {  	[tilespmem:s30], [sflag:$0x2] =	stream.indirect_vreg.gather [hbm4b:s8+s2], $0x80, v18, vm0, $0xb8;
	[tilespmem:$0x13E00] =	vst v63  }
0x45b: {  	s31 =	simm.s32 $0xD200;
	v17 =	vadd.s32 v3, v17  }
0x45c: {  	[tilespmem:s31], [sflag:$0x2] =	stream.indirect_vreg.gather [hbm4b:s8+s2], $0x80, v19, vm0, $0xb8;
	[tilespmem:$0x13E00] =	vst v63  }
0x45d: {  	s30 =	simm.s32 $0xD280  }
0x45e: {  	[tilespmem:s30], [sflag:$0x2] =	stream.indirect_vreg.gather [hbm4b:s8+s2], $0x80, v20, vm0, $0xb8;
	[tilespmem:$0x13E00] =	vst v63  }
0x45f: {  	s31 =	simm.s32 $0xD300  }
0x460: {  	[tilespmem:s31], [sflag:$0x2] =	stream.indirect_vreg.gather [hbm4b:s8+s2], $0x80, v17, vm0, $0xb8;
	[tilespmem:$0x13E00] =	vst v63  }
0x461: {  	v17 =	vld [tilespmem:$0x480];
	_ =	sdelay $0x4  }
0x462: {  	v18 =	vshrl.u32 v17, $0x3  }
0x463: {  	v18 =	vmul.u32 $0x278, v18  }
0x464: {  	v17 =	vand.u32 $0x7, v17  }
0x465: {  	v17 =	vor.u32 v17, v18  }
0x466: {  	v18 =	vperm.xlane v17, v2;
	_ =	sdelay $0x1  }
0x467: {  	v19 =	vperm.xlane v17, v4;
	v18 =	vadd.s32 v3, v18;
	_ =	sdelay $0x1  }
0x468: {  	v58 =	vperm.xlane v17, v5;
	v19 =	vadd.s32 v3, v19;
	_ =	sdelay $0x1  }
0x469: {  	s30 =	simm.s32 $0xD580;
	v59 =	vperm.xlane v17, v0;
	v20 =	vadd.s32 v3, v58  }
0x46a: {  	[tilespmem:s30], [sflag:$0x2] =	stream.indirect_vreg.gather [hbm4b:s9+s2], $0x80, v18, vm0, $0xb8;
	[tilespmem:$0x13E00] =	vst v63  }
0x46b: {  	s31 =	simm.s32 $0xD600;
	v60 =	vperm.xlane v17, v6;
	v18 =	vadd.s32 v3, v59  }
0x46c: {  	[tilespmem:s31], [sflag:$0x2] =	stream.indirect_vreg.gather [hbm4b:s9+s2], $0x80, v19, vm0, $0xb8;
	[tilespmem:$0x13E00] =	vst v63  }
0x46d: {  	v61 =	vperm.xlane v17, v7;
	s30 =	simm.s32 $0xD680;
	v19 =	vadd.s32 v3, v60  }
0x46e: {  	[tilespmem:s30], [sflag:$0x2] =	stream.indirect_vreg.gather [hbm4b:s9+s2], $0x80, v20, vm0, $0xb8;
	[tilespmem:$0x13E00] =	vst v63  }
0x46f: {  	v63 =	vperm.xlane v17, v8;
	v62 =	vadd.s32 v3, v61;
	s31 =	simm.s32 $0xD700  }
0x470: {  	[tilespmem:s31], [sflag:$0x2] =	stream.indirect_vreg.gather [hbm4b:s9+s2], $0x80, v18, vm0, $0xb8;
	[tilespmem:$0x13E00] =	vst v63  }
0x471: {  	v24 =	vperm.xlane v17, v1;
	s30 =	simm.s32 $0xD780;
	v18 =	vadd.s32 v3, v63  }
0x472: {  	[tilespmem:s30], [sflag:$0x2] =	stream.indirect_vreg.gather [hbm4b:s9+s2], $0x80, v19, vm0, $0xb8;
	[tilespmem:$0x13E00] =	vst v63  }
0x473: {  	v25 =	vperm.xlane v17, v9;
	s31 =	simm.s32 $0xD800;
	v19 =	vadd.s32 v3, v24  }
0x474: {  	[tilespmem:s31], [sflag:$0x2] =	stream.indirect_vreg.gather [hbm4b:s9+s2], $0x80, v62, vm0, $0xb8;
	[tilespmem:$0x13E00] =	vst v63  }
0x475: {  	v27 =	vperm.xlane v17, v10;
	v26 =	vadd.s32 v3, v25;
	s30 =	simm.s32 $0xD880  }
0x476: {  	[tilespmem:s30], [sflag:$0x2] =	stream.indirect_vreg.gather [hbm4b:s9+s2], $0x80, v18, vm0, $0xb8;
	[tilespmem:$0x13E00] =	vst v63  }
0x477: {  	v28 =	vperm.xlane v17, v11;
	s31 =	simm.s32 $0xD900;
	v18 =	vadd.s32 v3, v27  }
0x478: {  	[tilespmem:s31], [sflag:$0x2] =	stream.indirect_vreg.gather [hbm4b:s9+s2], $0x80, v19, vm0, $0xb8;
	[tilespmem:$0x13E00] =	vst v63  }
0x479: {  	v29 =	vperm.xlane v17, v12;
	s30 =	simm.s32 $0xD980;
	v19 =	vadd.s32 v3, v28  }
0x47a: {  	[tilespmem:s30], [sflag:$0x2] =	stream.indirect_vreg.gather [hbm4b:s9+s2], $0x80, v26, vm0, $0xb8;
	[tilespmem:$0x13E00] =	vst v63  }
0x47b: {  	v31 =	vperm.xlane v17, v13;
	v30 =	vadd.s32 v3, v29;
	s31 =	simm.s32 $0xDA00  }
0x47c: {  	[tilespmem:s31], [sflag:$0x2] =	stream.indirect_vreg.gather [hbm4b:s9+s2], $0x80, v18, vm0, $0xb8;
	[tilespmem:$0x13E00] =	vst v63  }
0x47d: {  	v32 =	vperm.xlane v17, v14;
	s30 =	simm.s32 $0xDA80;
	v18 =	vadd.s32 v3, v31  }
0x47e: {  	[tilespmem:s30], [sflag:$0x2] =	stream.indirect_vreg.gather [hbm4b:s9+s2], $0x80, v19, vm0, $0xb8;
	[tilespmem:$0x13E00] =	vst v63  }
0x47f: {  	v33 =	vperm.xlane v17, v15;
	s31 =	simm.s32 $0xDB00;
	v19 =	vadd.s32 v3, v32  }
0x480: {  	[tilespmem:s31], [sflag:$0x2] =	stream.indirect_vreg.gather [hbm4b:s9+s2], $0x80, v30, vm0, $0xb8;
	[tilespmem:$0x13E00] =	vst v63  }
0x481: {  	v17 =	vperm.xlane v17, v16;
	v34 =	vadd.s32 v3, v33;
	s30 =	simm.s32 $0xDB80  }
0x482: {  	[tilespmem:s30], [sflag:$0x2] =	stream.indirect_vreg.gather [hbm4b:s9+s2], $0x80, v18, vm0, $0xb8;
	[tilespmem:$0x13E00] =	vst v63  }
0x483: {  	v17 =	vadd.s32 v3, v17;
	s31 =	simm.s32 $0xDC00  }
0x484: {  	[tilespmem:s31], [sflag:$0x2] =	stream.indirect_vreg.gather [hbm4b:s9+s2], $0x80, v19, vm0, $0xb8;
	[tilespmem:$0x13E00] =	vst v63  }
0x485: {  	s30 =	simm.s32 $0xDC80  }
0x486: {  	[tilespmem:s30], [sflag:$0x2] =	stream.indirect_vreg.gather [hbm4b:s9+s2], $0x80, v34, vm0, $0xb8;
	[tilespmem:$0x13E00] =	vst v63  }
0x487: {  	s31 =	simm.s32 $0xDD00  }
0x488: {  	[tilespmem:s31], [sflag:$0x2] =	stream.indirect_vreg.gather [hbm4b:s9+s2], $0x80, v17, vm0, $0xb8;
	[tilespmem:$0x13E00] =	vst v63  }
0x489: {  	v17 =	vld [tilespmem:$0x490];
	_ =	sdelay $0x4  }
0x48a: {  	v18 =	vshrl.u32 v17, $0x3  }
0x48b: {  	v18 =	vmul.u32 $0x278, v18  }
0x48c: {  	v17 =	vand.u32 $0x7, v17  }
0x48d: {  	v17 =	vor.u32 v17, v18  }
0x48e: {  	v18 =	vperm.xlane v17, v2;
	_ =	sdelay $0x1  }
0x48f: {  	v19 =	vperm.xlane v17, v4;
	v18 =	vadd.s32 v3, v18;
	_ =	sdelay $0x1  }
0x490: {  	v35 =	vperm.xlane v17, v5;
	v19 =	vadd.s32 v3, v19;
	_ =	sdelay $0x1  }
0x491: {  	s30 =	simm.s32 $0xDD80;
	v36 =	vperm.xlane v17, v0;
	v20 =	vadd.s32 v3, v35  }
0x492: {  	[tilespmem:s30], [sflag:$0x2] =	stream.indirect_vreg.gather [hbm4b:s9+s2], $0x80, v18, vm0, $0xb8;
	[tilespmem:$0x13E00] =	vst v63  }
0x493: {  	s31 =	simm.s32 $0xDE00;
	v37 =	vperm.xlane v17, v6;
	v18 =	vadd.s32 v3, v36  }
0x494: {  	[tilespmem:s31], [sflag:$0x2] =	stream.indirect_vreg.gather [hbm4b:s9+s2], $0x80, v19, vm0, $0xb8;
	[tilespmem:$0x13E00] =	vst v63  }
0x495: {  	v38 =	vperm.xlane v17, v7;
	s30 =	simm.s32 $0xDE80;
	v19 =	vadd.s32 v3, v37  }
0x496: {  	[tilespmem:s30], [sflag:$0x2] =	stream.indirect_vreg.gather [hbm4b:s9+s2], $0x80, v20, vm0, $0xb8;
	[tilespmem:$0x13E00] =	vst v63  }
0x497: {  	v40 =	vperm.xlane v17, v8;
	v39 =	vadd.s32 v3, v38;
	s31 =	simm.s32 $0xDF00  }
0x498: {  	[tilespmem:s31], [sflag:$0x2] =	stream.indirect_vreg.gather [hbm4b:s9+s2], $0x80, v18, vm0, $0xb8;
	[tilespmem:$0x13E00] =	vst v63  }
0x499: {  	v41 =	vperm.xlane v17, v1;
	s30 =	simm.s32 $0xDF80;
	v18 =	vadd.s32 v3, v40  }
0x49a: {  	[tilespmem:s30], [sflag:$0x2] =	stream.indirect_vreg.gather [hbm4b:s9+s2], $0x80, v19, vm0, $0xb8;
	[tilespmem:$0x13E00] =	vst v63  }
0x49b: {  	v42 =	vperm.xlane v17, v9;
	s31 =	simm.s32 $0xE000;
	v19 =	vadd.s32 v3, v41  }
0x49c: {  	[tilespmem:s31], [sflag:$0x2] =	stream.indirect_vreg.gather [hbm4b:s9+s2], $0x80, v39, vm0, $0xb8;
	[tilespmem:$0x13E00] =	vst v63  }
0x49d: {  	v44 =	vperm.xlane v17, v10;
	v43 =	vadd.s32 v3, v42;
	s30 =	simm.s32 $0xE080  }
0x49e: {  	[tilespmem:s30], [sflag:$0x2] =	stream.indirect_vreg.gather [hbm4b:s9+s2], $0x80, v18, vm0, $0xb8;
	[tilespmem:$0x13E00] =	vst v63  }
0x49f: {  	v45 =	vperm.xlane v17, v11;
	s31 =	simm.s32 $0xE100;
	v18 =	vadd.s32 v3, v44  }
0x4a0: {  	[tilespmem:s31], [sflag:$0x2] =	stream.indirect_vreg.gather [hbm4b:s9+s2], $0x80, v19, vm0, $0xb8;
	[tilespmem:$0x13E00] =	vst v63  }
0x4a1: {  	v46 =	vperm.xlane v17, v12;
	s30 =	simm.s32 $0xE180;
	v19 =	vadd.s32 v3, v45  }
0x4a2: {  	[tilespmem:s30], [sflag:$0x2] =	stream.indirect_vreg.gather [hbm4b:s9+s2], $0x80, v43, vm0, $0xb8;
	[tilespmem:$0x13E00] =	vst v63  }
0x4a3: {  	v48 =	vperm.xlane v17, v13;
	v47 =	vadd.s32 v3, v46;
	s31 =	simm.s32 $0xE200  }
0x4a4: {  	[tilespmem:s31], [sflag:$0x2] =	stream.indirect_vreg.gather [hbm4b:s9+s2], $0x80, v18, vm0, $0xb8;
	[tilespmem:$0x13E00] =	vst v63  }
0x4a5: {  	v49 =	vperm.xlane v17, v14;
	s30 =	simm.s32 $0xE280;
	v18 =	vadd.s32 v3, v48  }
0x4a6: {  	[tilespmem:s30], [sflag:$0x2] =	stream.indirect_vreg.gather [hbm4b:s9+s2], $0x80, v19, vm0, $0xb8;
	[tilespmem:$0x13E00] =	vst v63  }
0x4a7: {  	v50 =	vperm.xlane v17, v15;
	s31 =	simm.s32 $0xE300;
	v19 =	vadd.s32 v3, v49  }
0x4a8: {  	[tilespmem:s31], [sflag:$0x2] =	stream.indirect_vreg.gather [hbm4b:s9+s2], $0x80, v47, vm0, $0xb8;
	[tilespmem:$0x13E00] =	vst v63  }
0x4a9: {  	v17 =	vperm.xlane v17, v16;
	v51 =	vadd.s32 v3, v50;
	s30 =	simm.s32 $0xE380  }
0x4aa: {  	[tilespmem:s30], [sflag:$0x2] =	stream.indirect_vreg.gather [hbm4b:s9+s2], $0x80, v18, vm0, $0xb8;
	[tilespmem:$0x13E00] =	vst v63  }
0x4ab: {  	v17 =	vadd.s32 v3, v17;
	s31 =	simm.s32 $0xE400  }
0x4ac: {  	[tilespmem:s31], [sflag:$0x2] =	stream.indirect_vreg.gather [hbm4b:s9+s2], $0x80, v19, vm0, $0xb8;
	[tilespmem:$0x13E00] =	vst v63  }
0x4ad: {  	s30 =	simm.s32 $0xE480  }
0x4ae: {  	[tilespmem:s30], [sflag:$0x2] =	stream.indirect_vreg.gather [hbm4b:s9+s2], $0x80, v51, vm0, $0xb8;
	[tilespmem:$0x13E00] =	vst v63  }
0x4af: {  	s31 =	simm.s32 $0xE500  }
0x4b0: {  	[tilespmem:s31], [sflag:$0x2] =	stream.indirect_vreg.gather [hbm4b:s9+s2], $0x80, v17, vm0, $0xb8;
	[tilespmem:$0x13E00] =	vst v63  }
0x4b1: {  	v17 =	vld [tilespmem:$0x4A0];
	_ =	sdelay $0x4  }
0x4b2: {  	v18 =	vshrl.u32 v17, $0x3  }
0x4b3: {  	v18 =	vmul.u32 $0x278, v18  }
0x4b4: {  	v17 =	vand.u32 $0x7, v17  }
0x4b5: {  	v17 =	vor.u32 v17, v18  }
0x4b6: {  	v18 =	vperm.xlane v17, v2;
	_ =	sdelay $0x1  }
0x4b7: {  	v19 =	vperm.xlane v17, v4;
	v18 =	vadd.s32 v3, v18;
	_ =	sdelay $0x1  }
0x4b8: {  	v52 =	vperm.xlane v17, v5;
	v19 =	vadd.s32 v3, v19;
	_ =	sdelay $0x1  }
0x4b9: {  	s30 =	simm.s32 $0xE580;
	v53 =	vperm.xlane v17, v0;
	v20 =	vadd.s32 v3, v52  }
0x4ba: {  	[tilespmem:s30], [sflag:$0x2] =	stream.indirect_vreg.gather [hbm4b:s9+s2], $0x80, v18, vm0, $0xb8;
	[tilespmem:$0x13E00] =	vst v63  }
0x4bb: {  	s31 =	simm.s32 $0xE600;
	v54 =	vperm.xlane v17, v6;
	v18 =	vadd.s32 v3, v53  }
0x4bc: {  	[tilespmem:s31], [sflag:$0x2] =	stream.indirect_vreg.gather [hbm4b:s9+s2], $0x80, v19, vm0, $0xb8;
	[tilespmem:$0x13E00] =	vst v63  }
0x4bd: {  	v55 =	vperm.xlane v17, v7;
	s30 =	simm.s32 $0xE680;
	v19 =	vadd.s32 v3, v54  }
0x4be: {  	[tilespmem:s30], [sflag:$0x2] =	stream.indirect_vreg.gather [hbm4b:s9+s2], $0x80, v20, vm0, $0xb8;
	[tilespmem:$0x13E00] =	vst v63  }
0x4bf: {  	v57 =	vperm.xlane v17, v8;
	v56 =	vadd.s32 v3, v55;
	s31 =	simm.s32 $0xE700  }
0x4c0: {  	[tilespmem:s31], [sflag:$0x2] =	stream.indirect_vreg.gather [hbm4b:s9+s2], $0x80, v18, vm0, $0xb8;
	[tilespmem:$0x13E00] =	vst v63  }
0x4c1: {  	v58 =	vperm.xlane v17, v1;
	s30 =	simm.s32 $0xE780;
	v18 =	vadd.s32 v3, v57  }
0x4c2: {  	[tilespmem:s30], [sflag:$0x2] =	stream.indirect_vreg.gather [hbm4b:s9+s2], $0x80, v19, vm0, $0xb8;
	[tilespmem:$0x13E00] =	vst v63  }
0x4c3: {  	v59 =	vperm.xlane v17, v9;
	s31 =	simm.s32 $0xE800;
	v19 =	vadd.s32 v3, v58  }
0x4c4: {  	[tilespmem:s31], [sflag:$0x2] =	stream.indirect_vreg.gather [hbm4b:s9+s2], $0x80, v56, vm0, $0xb8;
	[tilespmem:$0x13E00] =	vst v63  }
0x4c5: {  	v61 =	vperm.xlane v17, v10;
	v60 =	vadd.s32 v3, v59;
	s30 =	simm.s32 $0xE880  }
0x4c6: {  	[tilespmem:s30], [sflag:$0x2] =	stream.indirect_vreg.gather [hbm4b:s9+s2], $0x80, v18, vm0, $0xb8;
	[tilespmem:$0x13E00] =	vst v63  }
0x4c7: {  	v62 =	vperm.xlane v17, v11;
	s31 =	simm.s32 $0xE900;
	v18 =	vadd.s32 v3, v61  }
0x4c8: {  	[tilespmem:s31], [sflag:$0x2] =	stream.indirect_vreg.gather [hbm4b:s9+s2], $0x80, v19, vm0, $0xb8;
	[tilespmem:$0x13E00] =	vst v63  }
0x4c9: {  	v63 =	vperm.xlane v17, v12;
	s30 =	simm.s32 $0xE980;
	v19 =	vadd.s32 v3, v62  }
0x4ca: {  	[tilespmem:s30], [sflag:$0x2] =	stream.indirect_vreg.gather [hbm4b:s9+s2], $0x80, v60, vm0, $0xb8;
	[tilespmem:$0x13E00] =	vst v63  }
0x4cb: {  	v25 =	vperm.xlane v17, v13;
	v24 =	vadd.s32 v3, v63;
	s31 =	simm.s32 $0xEA00  }
0x4cc: {  	[tilespmem:s31], [sflag:$0x2] =	stream.indirect_vreg.gather [hbm4b:s9+s2], $0x80, v18, vm0, $0xb8;
	[tilespmem:$0x13E00] =	vst v63  }
0x4cd: {  	v26 =	vperm.xlane v17, v14;
	s30 =	simm.s32 $0xEA80;
	v18 =	vadd.s32 v3, v25  }
0x4ce: {  	[tilespmem:s30], [sflag:$0x2] =	stream.indirect_vreg.gather [hbm4b:s9+s2], $0x80, v19, vm0, $0xb8;
	[tilespmem:$0x13E00] =	vst v63  }
0x4cf: {  	v27 =	vperm.xlane v17, v15;
	s31 =	simm.s32 $0xEB00;
	v19 =	vadd.s32 v3, v26  }
0x4d0: {  	[tilespmem:s31], [sflag:$0x2] =	stream.indirect_vreg.gather [hbm4b:s9+s2], $0x80, v24, vm0, $0xb8;
	[tilespmem:$0x13E00] =	vst v63  }
0x4d1: {  	v17 =	vperm.xlane v17, v16;
	v28 =	vadd.s32 v3, v27;
	s30 =	simm.s32 $0xEB80  }
0x4d2: {  	[tilespmem:s30], [sflag:$0x2] =	stream.indirect_vreg.gather [hbm4b:s9+s2], $0x80, v18, vm0, $0xb8;
	[tilespmem:$0x13E00] =	vst v63  }
0x4d3: {  	v17 =	vadd.s32 v3, v17;
	s31 =	simm.s32 $0xEC00  }
0x4d4: {  	[tilespmem:s31], [sflag:$0x2] =	stream.indirect_vreg.gather [hbm4b:s9+s2], $0x80, v19, vm0, $0xb8;
	[tilespmem:$0x13E00] =	vst v63  }
0x4d5: {  	s30 =	simm.s32 $0xEC80  }
0x4d6: {  	[tilespmem:s30], [sflag:$0x2] =	stream.indirect_vreg.gather [hbm4b:s9+s2], $0x80, v28, vm0, $0xb8;
	[tilespmem:$0x13E00] =	vst v63  }
0x4d7: {  	s31 =	simm.s32 $0xED00  }
0x4d8: {  	[tilespmem:s31], [sflag:$0x2] =	stream.indirect_vreg.gather [hbm4b:s9+s2], $0x80, v17, vm0, $0xb8;
	[tilespmem:$0x13E00] =	vst v63  }
0x4d9: {  	v17 =	vld [tilespmem:$0x4B0];
	_ =	sdelay $0x4  }
0x4da: {  	v18 =	vshrl.u32 v17, $0x3  }
0x4db: {  	v18 =	vmul.u32 $0x278, v18  }
0x4dc: {  	v17 =	vand.u32 $0x7, v17  }
0x4dd: {  	v17 =	vor.u32 v17, v18  }
0x4de: {  	v18 =	vperm.xlane v17, v2;
	_ =	sdelay $0x1  }
0x4df: {  	v19 =	vperm.xlane v17, v4;
	v18 =	vadd.s32 v3, v18;
	_ =	sdelay $0x1  }
0x4e0: {  	v29 =	vperm.xlane v17, v5;
	v19 =	vadd.s32 v3, v19;
	_ =	sdelay $0x1  }
0x4e1: {  	s30 =	simm.s32 $0xED80;
	v30 =	vperm.xlane v17, v0;
	v20 =	vadd.s32 v3, v29  }
0x4e2: {  	[tilespmem:s30], [sflag:$0x2] =	stream.indirect_vreg.gather [hbm4b:s9+s2], $0x80, v18, vm0, $0xb8;
	[tilespmem:$0x13E00] =	vst v63  }
0x4e3: {  	s31 =	simm.s32 $0xEE00;
	v31 =	vperm.xlane v17, v6;
	v18 =	vadd.s32 v3, v30  }
0x4e4: {  	[tilespmem:s31], [sflag:$0x2] =	stream.indirect_vreg.gather [hbm4b:s9+s2], $0x80, v19, vm0, $0xb8;
	[tilespmem:$0x13E00] =	vst v63  }
0x4e5: {  	v32 =	vperm.xlane v17, v7;
	s30 =	simm.s32 $0xEE80;
	v19 =	vadd.s32 v3, v31  }
0x4e6: {  	[tilespmem:s30], [sflag:$0x2] =	stream.indirect_vreg.gather [hbm4b:s9+s2], $0x80, v20, vm0, $0xb8;
	[tilespmem:$0x13E00] =	vst v63  }
0x4e7: {  	v34 =	vperm.xlane v17, v8;
	v33 =	vadd.s32 v3, v32;
	s31 =	simm.s32 $0xEF00  }
0x4e8: {  	[tilespmem:s31], [sflag:$0x2] =	stream.indirect_vreg.gather [hbm4b:s9+s2], $0x80, v18, vm0, $0xb8;
	[tilespmem:$0x13E00] =	vst v63  }
0x4e9: {  	v35 =	vperm.xlane v17, v1;
	s30 =	simm.s32 $0xEF80;
	v18 =	vadd.s32 v3, v34  }
0x4ea: {  	[tilespmem:s30], [sflag:$0x2] =	stream.indirect_vreg.gather [hbm4b:s9+s2], $0x80, v19, vm0, $0xb8;
	[tilespmem:$0x13E00] =	vst v63  }
0x4eb: {  	v36 =	vperm.xlane v17, v9;
	s31 =	simm.s32 $0xF000;
	v19 =	vadd.s32 v3, v35  }
0x4ec: {  	[tilespmem:s31], [sflag:$0x2] =	stream.indirect_vreg.gather [hbm4b:s9+s2], $0x80, v33, vm0, $0xb8;
	[tilespmem:$0x13E00] =	vst v63  }
0x4ed: {  	v38 =	vperm.xlane v17, v10;
	v37 =	vadd.s32 v3, v36;
	s30 =	simm.s32 $0xF080  }
0x4ee: {  	[tilespmem:s30], [sflag:$0x2] =	stream.indirect_vreg.gather [hbm4b:s9+s2], $0x80, v18, vm0, $0xb8;
	[tilespmem:$0x13E00] =	vst v63  }
0x4ef: {  	v39 =	vperm.xlane v17, v11;
	s31 =	simm.s32 $0xF100;
	v18 =	vadd.s32 v3, v38  }
0x4f0: {  	[tilespmem:s31], [sflag:$0x2] =	stream.indirect_vreg.gather [hbm4b:s9+s2], $0x80, v19, vm0, $0xb8;
	[tilespmem:$0x13E00] =	vst v63  }
0x4f1: {  	v40 =	vperm.xlane v17, v12;
	s30 =	simm.s32 $0xF180;
	v19 =	vadd.s32 v3, v39  }
0x4f2: {  	[tilespmem:s30], [sflag:$0x2] =	stream.indirect_vreg.gather [hbm4b:s9+s2], $0x80, v37, vm0, $0xb8;
	[tilespmem:$0x13E00] =	vst v63  }
0x4f3: {  	v42 =	vperm.xlane v17, v13;
	v41 =	vadd.s32 v3, v40;
	s31 =	simm.s32 $0xF200  }
0x4f4: {  	[tilespmem:s31], [sflag:$0x2] =	stream.indirect_vreg.gather [hbm4b:s9+s2], $0x80, v18, vm0, $0xb8;
	[tilespmem:$0x13E00] =	vst v63  }
0x4f5: {  	v43 =	vperm.xlane v17, v14;
	s30 =	simm.s32 $0xF280;
	v18 =	vadd.s32 v3, v42  }
0x4f6: {  	[tilespmem:s30], [sflag:$0x2] =	stream.indirect_vreg.gather [hbm4b:s9+s2], $0x80, v19, vm0, $0xb8;
	[tilespmem:$0x13E00] =	vst v63  }
0x4f7: {  	v44 =	vperm.xlane v17, v15;
	s31 =	simm.s32 $0xF300;
	v19 =	vadd.s32 v3, v43  }
0x4f8: {  	[tilespmem:s31], [sflag:$0x2] =	stream.indirect_vreg.gather [hbm4b:s9+s2], $0x80, v41, vm0, $0xb8;
	[tilespmem:$0x13E00] =	vst v63  }
0x4f9: {  	v17 =	vperm.xlane v17, v16;
	v45 =	vadd.s32 v3, v44;
	s30 =	simm.s32 $0xF380  }
0x4fa: {  	[tilespmem:s30], [sflag:$0x2] =	stream.indirect_vreg.gather [hbm4b:s9+s2], $0x80, v18, vm0, $0xb8;
	[tilespmem:$0x13E00] =	vst v63  }
0x4fb: {  	v17 =	vadd.s32 v3, v17;
	s31 =	simm.s32 $0xF400  }
0x4fc: {  	[tilespmem:s31], [sflag:$0x2] =	stream.indirect_vreg.gather [hbm4b:s9+s2], $0x80, v19, vm0, $0xb8;
	[tilespmem:$0x13E00] =	vst v63  }
0x4fd: {  	s30 =	simm.s32 $0xF480  }
0x4fe: {  	[tilespmem:s30], [sflag:$0x2] =	stream.indirect_vreg.gather [hbm4b:s9+s2], $0x80, v45, vm0, $0xb8;
	[tilespmem:$0x13E00] =	vst v63  }
0x4ff: {  	s31 =	simm.s32 $0xF500  }
0x500: {  	[tilespmem:s31], [sflag:$0x2] =	stream.indirect_vreg.gather [hbm4b:s9+s2], $0x80, v17, vm0, $0xb8;
	[tilespmem:$0x13E00] =	vst v63  }
0x501: {  	v17 =	vld [tilespmem:$0x4C0];
	_ =	sdelay $0x4  }
0x502: {  	v18 =	vshrl.u32 v17, $0x3  }
0x503: {  	v18 =	vmul.u32 $0x278, v18  }
0x504: {  	v17 =	vand.u32 $0x7, v17  }
0x505: {  	v17 =	vor.u32 v17, v18  }
0x506: {  	v18 =	vperm.xlane v17, v2;
	_ =	sdelay $0x1  }
0x507: {  	v19 =	vperm.xlane v17, v4;
	v18 =	vadd.s32 v3, v18;
	_ =	sdelay $0x1  }
0x508: {  	v46 =	vperm.xlane v17, v5;
	v19 =	vadd.s32 v3, v19;
	_ =	sdelay $0x1  }
0x509: {  	s30 =	simm.s32 $0xF580;
	v47 =	vperm.xlane v17, v0;
	v20 =	vadd.s32 v3, v46  }
0x50a: {  	[tilespmem:s30], [sflag:$0x2] =	stream.indirect_vreg.gather [hbm4b:s9+s2], $0x80, v18, vm0, $0xb8;
	[tilespmem:$0x13E00] =	vst v63  }
0x50b: {  	s31 =	simm.s32 $0xF600;
	v48 =	vperm.xlane v17, v6;
	v18 =	vadd.s32 v3, v47  }
0x50c: {  	[tilespmem:s31], [sflag:$0x2] =	stream.indirect_vreg.gather [hbm4b:s9+s2], $0x80, v19, vm0, $0xb8;
	[tilespmem:$0x13E00] =	vst v63  }
0x50d: {  	v49 =	vperm.xlane v17, v7;
	s30 =	simm.s32 $0xF680;
	v19 =	vadd.s32 v3, v48  }
0x50e: {  	[tilespmem:s30], [sflag:$0x2] =	stream.indirect_vreg.gather [hbm4b:s9+s2], $0x80, v20, vm0, $0xb8;
	[tilespmem:$0x13E00] =	vst v63  }
0x50f: {  	v51 =	vperm.xlane v17, v8;
	v50 =	vadd.s32 v3, v49;
	s31 =	simm.s32 $0xF700  }
0x510: {  	[tilespmem:s31], [sflag:$0x2] =	stream.indirect_vreg.gather [hbm4b:s9+s2], $0x80, v18, vm0, $0xb8;
	[tilespmem:$0x13E00] =	vst v63  }
0x511: {  	v52 =	vperm.xlane v17, v1;
	s30 =	simm.s32 $0xF780;
	v18 =	vadd.s32 v3, v51  }
0x512: {  	[tilespmem:s30], [sflag:$0x2] =	stream.indirect_vreg.gather [hbm4b:s9+s2], $0x80, v19, vm0, $0xb8;
	[tilespmem:$0x13E00] =	vst v63  }
0x513: {  	v53 =	vperm.xlane v17, v9;
	s31 =	simm.s32 $0xF800;
	v19 =	vadd.s32 v3, v52  }
0x514: {  	[tilespmem:s31], [sflag:$0x2] =	stream.indirect_vreg.gather [hbm4b:s9+s2], $0x80, v50, vm0, $0xb8;
	[tilespmem:$0x13E00] =	vst v63  }
0x515: {  	v55 =	vperm.xlane v17, v10;
	v54 =	vadd.s32 v3, v53;
	s30 =	simm.s32 $0xF880  }
0x516: {  	[tilespmem:s30], [sflag:$0x2] =	stream.indirect_vreg.gather [hbm4b:s9+s2], $0x80, v18, vm0, $0xb8;
	[tilespmem:$0x13E00] =	vst v63  }
0x517: {  	v56 =	vperm.xlane v17, v11;
	s31 =	simm.s32 $0xF900;
	v18 =	vadd.s32 v3, v55  }
0x518: {  	[tilespmem:s31], [sflag:$0x2] =	stream.indirect_vreg.gather [hbm4b:s9+s2], $0x80, v19, vm0, $0xb8;
	[tilespmem:$0x13E00] =	vst v63  }
0x519: {  	v57 =	vperm.xlane v17, v12;
	s30 =	simm.s32 $0xF980;
	v19 =	vadd.s32 v3, v56  }
0x51a: {  	[tilespmem:s30], [sflag:$0x2] =	stream.indirect_vreg.gather [hbm4b:s9+s2], $0x80, v54, vm0, $0xb8;
	[tilespmem:$0x13E00] =	vst v63  }
0x51b: {  	v59 =	vperm.xlane v17, v13;
	v58 =	vadd.s32 v3, v57;
	s31 =	simm.s32 $0xFA00  }
0x51c: {  	[tilespmem:s31], [sflag:$0x2] =	stream.indirect_vreg.gather [hbm4b:s9+s2], $0x80, v18, vm0, $0xb8;
	[tilespmem:$0x13E00] =	vst v63  }
0x51d: {  	v60 =	vperm.xlane v17, v14;
	s30 =	simm.s32 $0xFA80;
	v18 =	vadd.s32 v3, v59  }
0x51e: {  	[tilespmem:s30], [sflag:$0x2] =	stream.indirect_vreg.gather [hbm4b:s9+s2], $0x80, v19, vm0, $0xb8;
	[tilespmem:$0x13E00] =	vst v63  }
0x51f: {  	v61 =	vperm.xlane v17, v15;
	s31 =	simm.s32 $0xFB00;
	v19 =	vadd.s32 v3, v60  }
0x520: {  	[tilespmem:s31], [sflag:$0x2] =	stream.indirect_vreg.gather [hbm4b:s9+s2], $0x80, v58, vm0, $0xb8;
	[tilespmem:$0x13E00] =	vst v63  }
0x521: {  	v17 =	vperm.xlane v17, v16;
	v62 =	vadd.s32 v3, v61;
	s30 =	simm.s32 $0xFB80  }
0x522: {  	[tilespmem:s30], [sflag:$0x2] =	stream.indirect_vreg.gather [hbm4b:s9+s2], $0x80, v18, vm0, $0xb8;
	[tilespmem:$0x13E00] =	vst v63  }
0x523: {  	v17 =	vadd.s32 v3, v17;
	s31 =	simm.s32 $0xFC00  }
0x524: {  	[tilespmem:s31], [sflag:$0x2] =	stream.indirect_vreg.gather [hbm4b:s9+s2], $0x80, v19, vm0, $0xb8;
	[tilespmem:$0x13E00] =	vst v63  }
0x525: {  	s30 =	simm.s32 $0xFC80  }
0x526: {  	[tilespmem:s30], [sflag:$0x2] =	stream.indirect_vreg.gather [hbm4b:s9+s2], $0x80, v62, vm0, $0xb8;
	[tilespmem:$0x13E00] =	vst v63  }
0x527: {  	s31 =	simm.s32 $0xFD00  }
0x528: {  	[tilespmem:s31], [sflag:$0x2] =	stream.indirect_vreg.gather [hbm4b:s9+s2], $0x80, v17, vm0, $0xb8;
	[tilespmem:$0x13E00] =	vst v63  }
0x529: {  	v17 =	vld [tilespmem:$0x4D0];
	_ =	sdelay $0x4  }
0x52a: {  	v18 =	vshrl.u32 v17, $0x3  }
0x52b: {  	v18 =	vmul.u32 $0x278, v18  }
0x52c: {  	v17 =	vand.u32 $0x7, v17  }
0x52d: {  	v17 =	vor.u32 v17, v18  }
0x52e: {  	v18 =	vperm.xlane v17, v2;
	_ =	sdelay $0x1  }
0x52f: {  	v19 =	vperm.xlane v17, v4;
	v18 =	vadd.s32 v3, v18;
	_ =	sdelay $0x1  }
0x530: {  	v63 =	vperm.xlane v17, v5;
	v19 =	vadd.s32 v3, v19;
	_ =	sdelay $0x1  }
0x531: {  	s30 =	simm.s32 $0xFD80;
	v24 =	vperm.xlane v17, v0;
	v20 =	vadd.s32 v3, v63  }
0x532: {  	[tilespmem:s30], [sflag:$0x2] =	stream.indirect_vreg.gather [hbm4b:s9+s2], $0x80, v18, vm0, $0xb8;
	[tilespmem:$0x13E00] =	vst v63  }
0x533: {  	s31 =	simm.s32 $0xFE00;
	v25 =	vperm.xlane v17, v6;
	v18 =	vadd.s32 v3, v24  }
0x534: {  	[tilespmem:s31], [sflag:$0x2] =	stream.indirect_vreg.gather [hbm4b:s9+s2], $0x80, v19, vm0, $0xb8;
	[tilespmem:$0x13E00] =	vst v63  }
0x535: {  	v26 =	vperm.xlane v17, v7;
	s30 =	simm.s32 $0xFE80;
	v19 =	vadd.s32 v3, v25  }
0x536: {  	[tilespmem:s30], [sflag:$0x2] =	stream.indirect_vreg.gather [hbm4b:s9+s2], $0x80, v20, vm0, $0xb8;
	[tilespmem:$0x13E00] =	vst v63  }
0x537: {  	v28 =	vperm.xlane v17, v8;
	v27 =	vadd.s32 v3, v26;
	s31 =	simm.s32 $0xFF00  }
0x538: {  	[tilespmem:s31], [sflag:$0x2] =	stream.indirect_vreg.gather [hbm4b:s9+s2], $0x80, v18, vm0, $0xb8;
	[tilespmem:$0x13E00] =	vst v63  }
0x539: {  	v29 =	vperm.xlane v17, v1;
	s30 =	simm.s32 $0xFF80;
	v18 =	vadd.s32 v3, v28  }
0x53a: {  	[tilespmem:s30], [sflag:$0x2] =	stream.indirect_vreg.gather [hbm4b:s9+s2], $0x80, v19, vm0, $0xb8;
	[tilespmem:$0x13E00] =	vst v63  }
0x53b: {  	v30 =	vperm.xlane v17, v9;
	s31 =	simm.s32 $0x10000;
	v19 =	vadd.s32 v3, v29  }
0x53c: {  	[tilespmem:s31], [sflag:$0x2] =	stream.indirect_vreg.gather [hbm4b:s9+s2], $0x80, v27, vm0, $0xb8;
	[tilespmem:$0x13E00] =	vst v63  }
0x53d: {  	v32 =	vperm.xlane v17, v10;
	v31 =	vadd.s32 v3, v30;
	s30 =	simm.s32 $0x10080  }
0x53e: {  	[tilespmem:s30], [sflag:$0x2] =	stream.indirect_vreg.gather [hbm4b:s9+s2], $0x80, v18, vm0, $0xb8;
	[tilespmem:$0x13E00] =	vst v63  }
0x53f: {  	v33 =	vperm.xlane v17, v11;
	s31 =	simm.s32 $0x10100;
	v18 =	vadd.s32 v3, v32  }
0x540: {  	[tilespmem:s31], [sflag:$0x2] =	stream.indirect_vreg.gather [hbm4b:s9+s2], $0x80, v19, vm0, $0xb8;
	[tilespmem:$0x13E00] =	vst v63  }
0x541: {  	v34 =	vperm.xlane v17, v12;
	s30 =	simm.s32 $0x10180;
	v19 =	vadd.s32 v3, v33  }
0x542: {  	[tilespmem:s30], [sflag:$0x2] =	stream.indirect_vreg.gather [hbm4b:s9+s2], $0x80, v31, vm0, $0xb8;
	[tilespmem:$0x13E00] =	vst v63  }
0x543: {  	v36 =	vperm.xlane v17, v13;
	v35 =	vadd.s32 v3, v34;
	s31 =	simm.s32 $0x10200  }
0x544: {  	[tilespmem:s31], [sflag:$0x2] =	stream.indirect_vreg.gather [hbm4b:s9+s2], $0x80, v18, vm0, $0xb8;
	[tilespmem:$0x13E00] =	vst v63  }
0x545: {  	v37 =	vperm.xlane v17, v14;
	s30 =	simm.s32 $0x10280;
	v18 =	vadd.s32 v3, v36  }
0x546: {  	[tilespmem:s30], [sflag:$0x2] =	stream.indirect_vreg.gather [hbm4b:s9+s2], $0x80, v19, vm0, $0xb8;
	[tilespmem:$0x13E00] =	vst v63  }
0x547: {  	v38 =	vperm.xlane v17, v15;
	s31 =	simm.s32 $0x10300;
	v19 =	vadd.s32 v3, v37  }
0x548: {  	[tilespmem:s31], [sflag:$0x2] =	stream.indirect_vreg.gather [hbm4b:s9+s2], $0x80, v35, vm0, $0xb8;
	[tilespmem:$0x13E00] =	vst v63  }
0x549: {  	v17 =	vperm.xlane v17, v16;
	v39 =	vadd.s32 v3, v38;
	s30 =	simm.s32 $0x10380  }
0x54a: {  	[tilespmem:s30], [sflag:$0x2] =	stream.indirect_vreg.gather [hbm4b:s9+s2], $0x80, v18, vm0, $0xb8;
	[tilespmem:$0x13E00] =	vst v63  }
0x54b: {  	v17 =	vadd.s32 v3, v17;
	s31 =	simm.s32 $0x10400  }
0x54c: {  	[tilespmem:s31], [sflag:$0x2] =	stream.indirect_vreg.gather [hbm4b:s9+s2], $0x80, v19, vm0, $0xb8;
	[tilespmem:$0x13E00] =	vst v63  }
0x54d: {  	s30 =	simm.s32 $0x10480  }
0x54e: {  	[tilespmem:s30], [sflag:$0x2] =	stream.indirect_vreg.gather [hbm4b:s9+s2], $0x80, v39, vm0, $0xb8;
	[tilespmem:$0x13E00] =	vst v63  }
0x54f: {  	s31 =	simm.s32 $0x10500  }
0x550: {  	[tilespmem:s31], [sflag:$0x2] =	stream.indirect_vreg.gather [hbm4b:s9+s2], $0x80, v17, vm0, $0xb8;
	[tilespmem:$0x13E00] =	vst v63  }
0x551: {  	v17 =	vld.msk [tilespmem:$0x4E0], $0xf;
	_ =	sdelay $0x4  }
0x552: {  	v18 =	vshrl.u32 v17, $0x3  }
0x553: {  	v18 =	vmul.u32 $0x278, v18  }
0x554: {  	v17 =	vand.u32 $0x7, v17  }
0x555: {  	v17 =	vor.u32 v17, v18  }
0x556: {  	v18 =	vperm.xlane v17, v2;
	_ =	sdelay $0x1  }
0x557: {  	v19 =	vperm.xlane v17, v4;
	v18 =	vadd.s32 v3, v18;
	_ =	sdelay $0x1  }
0x558: {  	v40 =	vperm.xlane v17, v5;
	v19 =	vadd.s32 v3, v19;
	_ =	sdelay $0x1  }
0x559: {  	s30 =	simm.s32 $0x10580;
	v17 =	vperm.xlane v17, v0;
	v20 =	vadd.s32 v3, v40  }
0x55a: {  	[tilespmem:s30], [sflag:$0x2] =	stream.indirect_vreg.gather [hbm4b:s9+s2], $0x80, v18, vm0, $0xb8;
	[tilespmem:$0x13E00] =	vst v63  }
0x55b: {  	s31 =	simm.s32 $0x10600;
	v17 =	vadd.s32 v3, v17  }
0x55c: {  	[tilespmem:s31], [sflag:$0x2] =	stream.indirect_vreg.gather [hbm4b:s9+s2], $0x80, v19, vm0, $0xb8;
	[tilespmem:$0x13E00] =	vst v63  }
0x55d: {  	s30 =	simm.s32 $0x10680  }
0x55e: {  	[tilespmem:s30], [sflag:$0x2] =	stream.indirect_vreg.gather [hbm4b:s9+s2], $0x80, v20, vm0, $0xb8;
	[tilespmem:$0x13E00] =	vst v63  }
0x55f: {  	s31 =	simm.s32 $0x10700  }
0x560: {  	[tilespmem:s31], [sflag:$0x2] =	stream.indirect_vreg.gather [hbm4b:s9+s2], $0x80, v17, vm0, $0xb8;
	[tilespmem:$0x13E00] =	vst v63  }
0x561: {  	v17 =	vld [tilespmem:$0x500];
	_ =	sdelay $0x4  }
0x562: {  	v18 =	vshrl.u32 v17, $0x3  }
0x563: {  	v18 =	vmul.u32 $0x278, v18  }
0x564: {  	v17 =	vand.u32 $0x7, v17  }
0x565: {  	v17 =	vor.u32 v17, v18  }
0x566: {  	v18 =	vperm.xlane v17, v2;
	_ =	sdelay $0x1  }
0x567: {  	v19 =	vperm.xlane v17, v4;
	v18 =	vadd.s32 v3, v18;
	_ =	sdelay $0x1  }
0x568: {  	v41 =	vperm.xlane v17, v5;
	v19 =	vadd.s32 v3, v19;
	_ =	sdelay $0x1  }
0x569: {  	s30 =	simm.s32 $0x10980;
	v42 =	vperm.xlane v17, v0;
	v20 =	vadd.s32 v3, v41  }
0x56a: {  	[tilespmem:s30], [sflag:$0x2] =	stream.indirect_vreg.gather [hbm4b:s10+s2], $0x80, v18, vm0, $0xb8;
	[tilespmem:$0x13E00] =	vst v63  }
0x56b: {  	s31 =	simm.s32 $0x10A00;
	v43 =	vperm.xlane v17, v6;
	v18 =	vadd.s32 v3, v42  }
0x56c: {  	[tilespmem:s31], [sflag:$0x2] =	stream.indirect_vreg.gather [hbm4b:s10+s2], $0x80, v19, vm0, $0xb8;
	[tilespmem:$0x13E00] =	vst v63  }
0x56d: {  	v44 =	vperm.xlane v17, v7;
	s30 =	simm.s32 $0x10A80;
	v19 =	vadd.s32 v3, v43  }
0x56e: {  	[tilespmem:s30], [sflag:$0x2] =	stream.indirect_vreg.gather [hbm4b:s10+s2], $0x80, v20, vm0, $0xb8;
	[tilespmem:$0x13E00] =	vst v63  }
0x56f: {  	v46 =	vperm.xlane v17, v8;
	v45 =	vadd.s32 v3, v44;
	s31 =	simm.s32 $0x10B00  }
0x570: {  	[tilespmem:s31], [sflag:$0x2] =	stream.indirect_vreg.gather [hbm4b:s10+s2], $0x80, v18, vm0, $0xb8;
	[tilespmem:$0x13E00] =	vst v63  }
0x571: {  	v47 =	vperm.xlane v17, v1;
	s30 =	simm.s32 $0x10B80;
	v18 =	vadd.s32 v3, v46  }
0x572: {  	[tilespmem:s30], [sflag:$0x2] =	stream.indirect_vreg.gather [hbm4b:s10+s2], $0x80, v19, vm0, $0xb8;
	[tilespmem:$0x13E00] =	vst v63  }
0x573: {  	v48 =	vperm.xlane v17, v9;
	s31 =	simm.s32 $0x10C00;
	v19 =	vadd.s32 v3, v47  }
0x574: {  	[tilespmem:s31], [sflag:$0x2] =	stream.indirect_vreg.gather [hbm4b:s10+s2], $0x80, v45, vm0, $0xb8;
	[tilespmem:$0x13E00] =	vst v63  }
0x575: {  	v50 =	vperm.xlane v17, v10;
	v49 =	vadd.s32 v3, v48;
	s30 =	simm.s32 $0x10C80  }
0x576: {  	[tilespmem:s30], [sflag:$0x2] =	stream.indirect_vreg.gather [hbm4b:s10+s2], $0x80, v18, vm0, $0xb8;
	[tilespmem:$0x13E00] =	vst v63  }
0x577: {  	v51 =	vperm.xlane v17, v11;
	s31 =	simm.s32 $0x10D00;
	v18 =	vadd.s32 v3, v50  }
0x578: {  	[tilespmem:s31], [sflag:$0x2] =	stream.indirect_vreg.gather [hbm4b:s10+s2], $0x80, v19, vm0, $0xb8;
	[tilespmem:$0x13E00] =	vst v63  }
0x579: {  	v52 =	vperm.xlane v17, v12;
	s30 =	simm.s32 $0x10D80;
	v19 =	vadd.s32 v3, v51  }
0x57a: {  	[tilespmem:s30], [sflag:$0x2] =	stream.indirect_vreg.gather [hbm4b:s10+s2], $0x80, v49, vm0, $0xb8;
	[tilespmem:$0x13E00] =	vst v63  }
0x57b: {  	v54 =	vperm.xlane v17, v13;
	v53 =	vadd.s32 v3, v52;
	s31 =	simm.s32 $0x10E00  }
0x57c: {  	[tilespmem:s31], [sflag:$0x2] =	stream.indirect_vreg.gather [hbm4b:s10+s2], $0x80, v18, vm0, $0xb8;
	[tilespmem:$0x13E00] =	vst v63  }
0x57d: {  	v55 =	vperm.xlane v17, v14;
	s30 =	simm.s32 $0x10E80;
	v18 =	vadd.s32 v3, v54  }
0x57e: {  	[tilespmem:s30], [sflag:$0x2] =	stream.indirect_vreg.gather [hbm4b:s10+s2], $0x80, v19, vm0, $0xb8;
	[tilespmem:$0x13E00] =	vst v63  }
0x57f: {  	v56 =	vperm.xlane v17, v15;
	s31 =	simm.s32 $0x10F00;
	v19 =	vadd.s32 v3, v55  }
0x580: {  	[tilespmem:s31], [sflag:$0x2] =	stream.indirect_vreg.gather [hbm4b:s10+s2], $0x80, v53, vm0, $0xb8;
	[tilespmem:$0x13E00] =	vst v63  }
0x581: {  	v17 =	vperm.xlane v17, v16;
	v57 =	vadd.s32 v3, v56;
	s30 =	simm.s32 $0x10F80  }
0x582: {  	[tilespmem:s30], [sflag:$0x2] =	stream.indirect_vreg.gather [hbm4b:s10+s2], $0x80, v18, vm0, $0xb8;
	[tilespmem:$0x13E00] =	vst v63  }
0x583: {  	v17 =	vadd.s32 v3, v17;
	s31 =	simm.s32 $0x11000  }
0x584: {  	[tilespmem:s31], [sflag:$0x2] =	stream.indirect_vreg.gather [hbm4b:s10+s2], $0x80, v19, vm0, $0xb8;
	[tilespmem:$0x13E00] =	vst v63  }
0x585: {  	s30 =	simm.s32 $0x11080  }
0x586: {  	[tilespmem:s30], [sflag:$0x2] =	stream.indirect_vreg.gather [hbm4b:s10+s2], $0x80, v57, vm0, $0xb8;
	[tilespmem:$0x13E00] =	vst v63  }
0x587: {  	s31 =	simm.s32 $0x11100  }
0x588: {  	[tilespmem:s31], [sflag:$0x2] =	stream.indirect_vreg.gather [hbm4b:s10+s2], $0x80, v17, vm0, $0xb8;
	[tilespmem:$0x13E00] =	vst v63  }
0x589: {  	v17 =	vld [tilespmem:$0x510];
	_ =	sdelay $0x4  }
0x58a: {  	v18 =	vshrl.u32 v17, $0x3  }
0x58b: {  	v18 =	vmul.u32 $0x278, v18  }
0x58c: {  	v17 =	vand.u32 $0x7, v17  }
0x58d: {  	v17 =	vor.u32 v17, v18  }
0x58e: {  	v18 =	vperm.xlane v17, v2;
	_ =	sdelay $0x1  }
0x58f: {  	v19 =	vperm.xlane v17, v4;
	v18 =	vadd.s32 v3, v18;
	_ =	sdelay $0x1  }
0x590: {  	v58 =	vperm.xlane v17, v5;
	v19 =	vadd.s32 v3, v19;
	_ =	sdelay $0x1  }
0x591: {  	s30 =	simm.s32 $0x11180;
	v59 =	vperm.xlane v17, v0;
	v20 =	vadd.s32 v3, v58  }
0x592: {  	[tilespmem:s30], [sflag:$0x2] =	stream.indirect_vreg.gather [hbm4b:s10+s2], $0x80, v18, vm0, $0xb8;
	[tilespmem:$0x13E00] =	vst v63  }
0x593: {  	s31 =	simm.s32 $0x11200;
	v60 =	vperm.xlane v17, v6;
	v18 =	vadd.s32 v3, v59  }
0x594: {  	[tilespmem:s31], [sflag:$0x2] =	stream.indirect_vreg.gather [hbm4b:s10+s2], $0x80, v19, vm0, $0xb8;
	[tilespmem:$0x13E00] =	vst v63  }
0x595: {  	v61 =	vperm.xlane v17, v7;
	s30 =	simm.s32 $0x11280;
	v19 =	vadd.s32 v3, v60  }
0x596: {  	[tilespmem:s30], [sflag:$0x2] =	stream.indirect_vreg.gather [hbm4b:s10+s2], $0x80, v20, vm0, $0xb8;
	[tilespmem:$0x13E00] =	vst v63  }
0x597: {  	v63 =	vperm.xlane v17, v8;
	v62 =	vadd.s32 v3, v61;
	s31 =	simm.s32 $0x11300  }
0x598: {  	[tilespmem:s31], [sflag:$0x2] =	stream.indirect_vreg.gather [hbm4b:s10+s2], $0x80, v18, vm0, $0xb8;
	[tilespmem:$0x13E00] =	vst v63  }
0x599: {  	v24 =	vperm.xlane v17, v1;
	s30 =	simm.s32 $0x11380;
	v18 =	vadd.s32 v3, v63  }
0x59a: {  	[tilespmem:s30], [sflag:$0x2] =	stream.indirect_vreg.gather [hbm4b:s10+s2], $0x80, v19, vm0, $0xb8;
	[tilespmem:$0x13E00] =	vst v63  }
0x59b: {  	v25 =	vperm.xlane v17, v9;
	s31 =	simm.s32 $0x11400;
	v19 =	vadd.s32 v3, v24  }
0x59c: {  	[tilespmem:s31], [sflag:$0x2] =	stream.indirect_vreg.gather [hbm4b:s10+s2], $0x80, v62, vm0, $0xb8;
	[tilespmem:$0x13E00] =	vst v63  }
0x59d: {  	v27 =	vperm.xlane v17, v10;
	v26 =	vadd.s32 v3, v25;
	s30 =	simm.s32 $0x11480  }
0x59e: {  	[tilespmem:s30], [sflag:$0x2] =	stream.indirect_vreg.gather [hbm4b:s10+s2], $0x80, v18, vm0, $0xb8;
	[tilespmem:$0x13E00] =	vst v63  }
0x59f: {  	v28 =	vperm.xlane v17, v11;
	s31 =	simm.s32 $0x11500;
	v18 =	vadd.s32 v3, v27  }
0x5a0: {  	[tilespmem:s31], [sflag:$0x2] =	stream.indirect_vreg.gather [hbm4b:s10+s2], $0x80, v19, vm0, $0xb8;
	[tilespmem:$0x13E00] =	vst v63  }
0x5a1: {  	v29 =	vperm.xlane v17, v12;
	s30 =	simm.s32 $0x11580;
	v19 =	vadd.s32 v3, v28  }
0x5a2: {  	[tilespmem:s30], [sflag:$0x2] =	stream.indirect_vreg.gather [hbm4b:s10+s2], $0x80, v26, vm0, $0xb8;
	[tilespmem:$0x13E00] =	vst v63  }
0x5a3: {  	v31 =	vperm.xlane v17, v13;
	v30 =	vadd.s32 v3, v29;
	s31 =	simm.s32 $0x11600  }
0x5a4: {  	[tilespmem:s31], [sflag:$0x2] =	stream.indirect_vreg.gather [hbm4b:s10+s2], $0x80, v18, vm0, $0xb8;
	[tilespmem:$0x13E00] =	vst v63  }
0x5a5: {  	v32 =	vperm.xlane v17, v14;
	s30 =	simm.s32 $0x11680;
	v18 =	vadd.s32 v3, v31  }
0x5a6: {  	[tilespmem:s30], [sflag:$0x2] =	stream.indirect_vreg.gather [hbm4b:s10+s2], $0x80, v19, vm0, $0xb8;
	[tilespmem:$0x13E00] =	vst v63  }
0x5a7: {  	v33 =	vperm.xlane v17, v15;
	s31 =	simm.s32 $0x11700;
	v19 =	vadd.s32 v3, v32  }
0x5a8: {  	[tilespmem:s31], [sflag:$0x2] =	stream.indirect_vreg.gather [hbm4b:s10+s2], $0x80, v30, vm0, $0xb8;
	[tilespmem:$0x13E00] =	vst v63  }
0x5a9: {  	v17 =	vperm.xlane v17, v16;
	v34 =	vadd.s32 v3, v33;
	s30 =	simm.s32 $0x11780  }
0x5aa: {  	[tilespmem:s30], [sflag:$0x2] =	stream.indirect_vreg.gather [hbm4b:s10+s2], $0x80, v18, vm0, $0xb8;
	[tilespmem:$0x13E00] =	vst v63  }
0x5ab: {  	v17 =	vadd.s32 v3, v17;
	s31 =	simm.s32 $0x11800  }
0x5ac: {  	[tilespmem:s31], [sflag:$0x2] =	stream.indirect_vreg.gather [hbm4b:s10+s2], $0x80, v19, vm0, $0xb8;
	[tilespmem:$0x13E00] =	vst v63  }
0x5ad: {  	s30 =	simm.s32 $0x11880  }
0x5ae: {  	[tilespmem:s30], [sflag:$0x2] =	stream.indirect_vreg.gather [hbm4b:s10+s2], $0x80, v34, vm0, $0xb8;
	[tilespmem:$0x13E00] =	vst v63  }
0x5af: {  	s31 =	simm.s32 $0x11900  }
0x5b0: {  	[tilespmem:s31], [sflag:$0x2] =	stream.indirect_vreg.gather [hbm4b:s10+s2], $0x80, v17, vm0, $0xb8;
	[tilespmem:$0x13E00] =	vst v63  }
0x5b1: {  	v17 =	vld [tilespmem:$0x520];
	_ =	sdelay $0x4  }
0x5b2: {  	v18 =	vshrl.u32 v17, $0x3  }
0x5b3: {  	v18 =	vmul.u32 $0x278, v18  }
0x5b4: {  	v17 =	vand.u32 $0x7, v17  }
0x5b5: {  	v17 =	vor.u32 v17, v18  }
0x5b6: {  	v18 =	vperm.xlane v17, v2;
	_ =	sdelay $0x1  }
0x5b7: {  	v19 =	vperm.xlane v17, v4;
	v18 =	vadd.s32 v3, v18;
	_ =	sdelay $0x1  }
0x5b8: {  	v35 =	vperm.xlane v17, v5;
	v19 =	vadd.s32 v3, v19;
	_ =	sdelay $0x1  }
0x5b9: {  	s30 =	simm.s32 $0x11980;
	v36 =	vperm.xlane v17, v0;
	v20 =	vadd.s32 v3, v35  }
0x5ba: {  	[tilespmem:s30], [sflag:$0x2] =	stream.indirect_vreg.gather [hbm4b:s10+s2], $0x80, v18, vm0, $0xb8;
	[tilespmem:$0x13E00] =	vst v63  }
0x5bb: {  	s31 =	simm.s32 $0x11A00;
	v37 =	vperm.xlane v17, v6;
	v18 =	vadd.s32 v3, v36  }
0x5bc: {  	[tilespmem:s31], [sflag:$0x2] =	stream.indirect_vreg.gather [hbm4b:s10+s2], $0x80, v19, vm0, $0xb8;
	[tilespmem:$0x13E00] =	vst v63  }
0x5bd: {  	v38 =	vperm.xlane v17, v7;
	s30 =	simm.s32 $0x11A80;
	v19 =	vadd.s32 v3, v37  }
0x5be: {  	[tilespmem:s30], [sflag:$0x2] =	stream.indirect_vreg.gather [hbm4b:s10+s2], $0x80, v20, vm0, $0xb8;
	[tilespmem:$0x13E00] =	vst v63  }
0x5bf: {  	v40 =	vperm.xlane v17, v8;
	v39 =	vadd.s32 v3, v38;
	s31 =	simm.s32 $0x11B00  }
0x5c0: {  	[tilespmem:s31], [sflag:$0x2] =	stream.indirect_vreg.gather [hbm4b:s10+s2], $0x80, v18, vm0, $0xb8;
	[tilespmem:$0x13E00] =	vst v63  }
0x5c1: {  	v41 =	vperm.xlane v17, v1;
	s30 =	simm.s32 $0x11B80;
	v18 =	vadd.s32 v3, v40  }
0x5c2: {  	[tilespmem:s30], [sflag:$0x2] =	stream.indirect_vreg.gather [hbm4b:s10+s2], $0x80, v19, vm0, $0xb8;
	[tilespmem:$0x13E00] =	vst v63  }
0x5c3: {  	v42 =	vperm.xlane v17, v9;
	s31 =	simm.s32 $0x11C00;
	v19 =	vadd.s32 v3, v41  }
0x5c4: {  	[tilespmem:s31], [sflag:$0x2] =	stream.indirect_vreg.gather [hbm4b:s10+s2], $0x80, v39, vm0, $0xb8;
	[tilespmem:$0x13E00] =	vst v63  }
0x5c5: {  	v44 =	vperm.xlane v17, v10;
	v43 =	vadd.s32 v3, v42;
	s30 =	simm.s32 $0x11C80  }
0x5c6: {  	[tilespmem:s30], [sflag:$0x2] =	stream.indirect_vreg.gather [hbm4b:s10+s2], $0x80, v18, vm0, $0xb8;
	[tilespmem:$0x13E00] =	vst v63  }
0x5c7: {  	v45 =	vperm.xlane v17, v11;
	s31 =	simm.s32 $0x11D00;
	v18 =	vadd.s32 v3, v44  }
0x5c8: {  	[tilespmem:s31], [sflag:$0x2] =	stream.indirect_vreg.gather [hbm4b:s10+s2], $0x80, v19, vm0, $0xb8;
	[tilespmem:$0x13E00] =	vst v63  }
0x5c9: {  	v46 =	vperm.xlane v17, v12;
	s30 =	simm.s32 $0x11D80;
	v19 =	vadd.s32 v3, v45  }
0x5ca: {  	[tilespmem:s30], [sflag:$0x2] =	stream.indirect_vreg.gather [hbm4b:s10+s2], $0x80, v43, vm0, $0xb8;
	[tilespmem:$0x13E00] =	vst v63  }
0x5cb: {  	v48 =	vperm.xlane v17, v13;
	v47 =	vadd.s32 v3, v46;
	s31 =	simm.s32 $0x11E00  }
0x5cc: {  	[tilespmem:s31], [sflag:$0x2] =	stream.indirect_vreg.gather [hbm4b:s10+s2], $0x80, v18, vm0, $0xb8;
	[tilespmem:$0x13E00] =	vst v63  }
0x5cd: {  	v49 =	vperm.xlane v17, v14;
	s30 =	simm.s32 $0x11E80;
	v18 =	vadd.s32 v3, v48  }
0x5ce: {  	[tilespmem:s30], [sflag:$0x2] =	stream.indirect_vreg.gather [hbm4b:s10+s2], $0x80, v19, vm0, $0xb8;
	[tilespmem:$0x13E00] =	vst v63  }
0x5cf: {  	v50 =	vperm.xlane v17, v15;
	s31 =	simm.s32 $0x11F00;
	v19 =	vadd.s32 v3, v49  }
0x5d0: {  	[tilespmem:s31], [sflag:$0x2] =	stream.indirect_vreg.gather [hbm4b:s10+s2], $0x80, v47, vm0, $0xb8;
	[tilespmem:$0x13E00] =	vst v63  }
0x5d1: {  	v17 =	vperm.xlane v17, v16;
	v51 =	vadd.s32 v3, v50;
	s30 =	simm.s32 $0x11F80  }
0x5d2: {  	[tilespmem:s30], [sflag:$0x2] =	stream.indirect_vreg.gather [hbm4b:s10+s2], $0x80, v18, vm0, $0xb8;
	[tilespmem:$0x13E00] =	vst v63  }
0x5d3: {  	v17 =	vadd.s32 v3, v17;
	s31 =	simm.s32 $0x12000  }
0x5d4: {  	[tilespmem:s31], [sflag:$0x2] =	stream.indirect_vreg.gather [hbm4b:s10+s2], $0x80, v19, vm0, $0xb8;
	[tilespmem:$0x13E00] =	vst v63  }
0x5d5: {  	s30 =	simm.s32 $0x12080  }
0x5d6: {  	[tilespmem:s30], [sflag:$0x2] =	stream.indirect_vreg.gather [hbm4b:s10+s2], $0x80, v51, vm0, $0xb8;
	[tilespmem:$0x13E00] =	vst v63  }
0x5d7: {  	s31 =	simm.s32 $0x12100  }
0x5d8: {  	[tilespmem:s31], [sflag:$0x2] =	stream.indirect_vreg.gather [hbm4b:s10+s2], $0x80, v17, vm0, $0xb8;
	[tilespmem:$0x13E00] =	vst v63  }
0x5d9: {  	v17 =	vld [tilespmem:$0x530];
	_ =	sdelay $0x4  }
0x5da: {  	v18 =	vshrl.u32 v17, $0x3  }
0x5db: {  	v18 =	vmul.u32 $0x278, v18  }
0x5dc: {  	v17 =	vand.u32 $0x7, v17  }
0x5dd: {  	v17 =	vor.u32 v17, v18  }
0x5de: {  	v18 =	vperm.xlane v17, v2;
	_ =	sdelay $0x1  }
0x5df: {  	v19 =	vperm.xlane v17, v4;
	v18 =	vadd.s32 v3, v18;
	_ =	sdelay $0x1  }
0x5e0: {  	v52 =	vperm.xlane v17, v5;
	v19 =	vadd.s32 v3, v19;
	_ =	sdelay $0x1  }
0x5e1: {  	s30 =	simm.s32 $0x12180;
	v53 =	vperm.xlane v17, v0;
	v20 =	vadd.s32 v3, v52  }
0x5e2: {  	[tilespmem:s30], [sflag:$0x2] =	stream.indirect_vreg.gather [hbm4b:s10+s2], $0x80, v18, vm0, $0xb8;
	[tilespmem:$0x13E00] =	vst v63  }
0x5e3: {  	s31 =	simm.s32 $0x12200;
	v54 =	vperm.xlane v17, v6;
	v18 =	vadd.s32 v3, v53  }
0x5e4: {  	[tilespmem:s31], [sflag:$0x2] =	stream.indirect_vreg.gather [hbm4b:s10+s2], $0x80, v19, vm0, $0xb8;
	[tilespmem:$0x13E00] =	vst v63  }
0x5e5: {  	v55 =	vperm.xlane v17, v7;
	s30 =	simm.s32 $0x12280;
	v19 =	vadd.s32 v3, v54  }
0x5e6: {  	[tilespmem:s30], [sflag:$0x2] =	stream.indirect_vreg.gather [hbm4b:s10+s2], $0x80, v20, vm0, $0xb8;
	[tilespmem:$0x13E00] =	vst v63  }
0x5e7: {  	v57 =	vperm.xlane v17, v8;
	v56 =	vadd.s32 v3, v55;
	s31 =	simm.s32 $0x12300  }
0x5e8: {  	[tilespmem:s31], [sflag:$0x2] =	stream.indirect_vreg.gather [hbm4b:s10+s2], $0x80, v18, vm0, $0xb8;
	[tilespmem:$0x13E00] =	vst v63  }
0x5e9: {  	v58 =	vperm.xlane v17, v1;
	s30 =	simm.s32 $0x12380;
	v18 =	vadd.s32 v3, v57  }
0x5ea: {  	[tilespmem:s30], [sflag:$0x2] =	stream.indirect_vreg.gather [hbm4b:s10+s2], $0x80, v19, vm0, $0xb8;
	[tilespmem:$0x13E00] =	vst v63  }
0x5eb: {  	v59 =	vperm.xlane v17, v9;
	s31 =	simm.s32 $0x12400;
	v19 =	vadd.s32 v3, v58  }
0x5ec: {  	[tilespmem:s31], [sflag:$0x2] =	stream.indirect_vreg.gather [hbm4b:s10+s2], $0x80, v56, vm0, $0xb8;
	[tilespmem:$0x13E00] =	vst v63  }
0x5ed: {  	v61 =	vperm.xlane v17, v10;
	v60 =	vadd.s32 v3, v59;
	s30 =	simm.s32 $0x12480  }
0x5ee: {  	[tilespmem:s30], [sflag:$0x2] =	stream.indirect_vreg.gather [hbm4b:s10+s2], $0x80, v18, vm0, $0xb8;
	[tilespmem:$0x13E00] =	vst v63  }
0x5ef: {  	v62 =	vperm.xlane v17, v11;
	s31 =	simm.s32 $0x12500;
	v18 =	vadd.s32 v3, v61  }
0x5f0: {  	[tilespmem:s31], [sflag:$0x2] =	stream.indirect_vreg.gather [hbm4b:s10+s2], $0x80, v19, vm0, $0xb8;
	[tilespmem:$0x13E00] =	vst v63  }
0x5f1: {  	v63 =	vperm.xlane v17, v12;
	s30 =	simm.s32 $0x12580;
	v19 =	vadd.s32 v3, v62  }
0x5f2: {  	[tilespmem:s30], [sflag:$0x2] =	stream.indirect_vreg.gather [hbm4b:s10+s2], $0x80, v60, vm0, $0xb8;
	[tilespmem:$0x13E00] =	vst v63  }
0x5f3: {  	v25 =	vperm.xlane v17, v13;
	v24 =	vadd.s32 v3, v63;
	s31 =	simm.s32 $0x12600  }
0x5f4: {  	[tilespmem:s31], [sflag:$0x2] =	stream.indirect_vreg.gather [hbm4b:s10+s2], $0x80, v18, vm0, $0xb8;
	[tilespmem:$0x13E00] =	vst v63  }
0x5f5: {  	v26 =	vperm.xlane v17, v14;
	s30 =	simm.s32 $0x12680;
	v18 =	vadd.s32 v3, v25  }
0x5f6: {  	[tilespmem:s30], [sflag:$0x2] =	stream.indirect_vreg.gather [hbm4b:s10+s2], $0x80, v19, vm0, $0xb8;
	[tilespmem:$0x13E00] =	vst v63  }
0x5f7: {  	v27 =	vperm.xlane v17, v15;
	s31 =	simm.s32 $0x12700;
	v19 =	vadd.s32 v3, v26  }
0x5f8: {  	[tilespmem:s31], [sflag:$0x2] =	stream.indirect_vreg.gather [hbm4b:s10+s2], $0x80, v24, vm0, $0xb8;
	[tilespmem:$0x13E00] =	vst v63  }
0x5f9: {  	v17 =	vperm.xlane v17, v16;
	v28 =	vadd.s32 v3, v27;
	s30 =	simm.s32 $0x12780  }
0x5fa: {  	[tilespmem:s30], [sflag:$0x2] =	stream.indirect_vreg.gather [hbm4b:s10+s2], $0x80, v18, vm0, $0xb8;
	[tilespmem:$0x13E00] =	vst v63  }
0x5fb: {  	v17 =	vadd.s32 v3, v17;
	s31 =	simm.s32 $0x12800  }
0x5fc: {  	[tilespmem:s31], [sflag:$0x2] =	stream.indirect_vreg.gather [hbm4b:s10+s2], $0x80, v19, vm0, $0xb8;
	[tilespmem:$0x13E00] =	vst v63  }
0x5fd: {  	s30 =	simm.s32 $0x12880  }
0x5fe: {  	[tilespmem:s30], [sflag:$0x2] =	stream.indirect_vreg.gather [hbm4b:s10+s2], $0x80, v28, vm0, $0xb8;
	[tilespmem:$0x13E00] =	vst v63  }
0x5ff: {  	s31 =	simm.s32 $0x12900  }
0x600: {  	[tilespmem:s31], [sflag:$0x2] =	stream.indirect_vreg.gather [hbm4b:s10+s2], $0x80, v17, vm0, $0xb8;
	[tilespmem:$0x13E00] =	vst v63  }
0x601: {  	v17 =	vld [tilespmem:$0x540];
	_ =	sdelay $0x4  }
0x602: {  	v18 =	vshrl.u32 v17, $0x3  }
0x603: {  	v18 =	vmul.u32 $0x278, v18  }
0x604: {  	v17 =	vand.u32 $0x7, v17  }
0x605: {  	v17 =	vor.u32 v17, v18  }
0x606: {  	v18 =	vperm.xlane v17, v2;
	_ =	sdelay $0x1  }
0x607: {  	v19 =	vperm.xlane v17, v4;
	v18 =	vadd.s32 v3, v18;
	_ =	sdelay $0x1  }
0x608: {  	v29 =	vperm.xlane v17, v5;
	v19 =	vadd.s32 v3, v19;
	_ =	sdelay $0x1  }
0x609: {  	s30 =	simm.s32 $0x12980;
	v30 =	vperm.xlane v17, v0;
	v20 =	vadd.s32 v3, v29  }
0x60a: {  	[tilespmem:s30], [sflag:$0x2] =	stream.indirect_vreg.gather [hbm4b:s10+s2], $0x80, v18, vm0, $0xb8;
	[tilespmem:$0x13E00] =	vst v63  }
0x60b: {  	s31 =	simm.s32 $0x12A00;
	v31 =	vperm.xlane v17, v6;
	v18 =	vadd.s32 v3, v30  }
0x60c: {  	[tilespmem:s31], [sflag:$0x2] =	stream.indirect_vreg.gather [hbm4b:s10+s2], $0x80, v19, vm0, $0xb8;
	[tilespmem:$0x13E00] =	vst v63  }
0x60d: {  	v32 =	vperm.xlane v17, v7;
	s30 =	simm.s32 $0x12A80;
	v19 =	vadd.s32 v3, v31  }
0x60e: {  	[tilespmem:s30], [sflag:$0x2] =	stream.indirect_vreg.gather [hbm4b:s10+s2], $0x80, v20, vm0, $0xb8;
	[tilespmem:$0x13E00] =	vst v63  }
0x60f: {  	v34 =	vperm.xlane v17, v8;
	v33 =	vadd.s32 v3, v32;
	s31 =	simm.s32 $0x12B00  }
0x610: {  	[tilespmem:s31], [sflag:$0x2] =	stream.indirect_vreg.gather [hbm4b:s10+s2], $0x80, v18, vm0, $0xb8;
	[tilespmem:$0x13E00] =	vst v63  }
0x611: {  	v35 =	vperm.xlane v17, v1;
	s30 =	simm.s32 $0x12B80;
	v18 =	vadd.s32 v3, v34  }
0x612: {  	[tilespmem:s30], [sflag:$0x2] =	stream.indirect_vreg.gather [hbm4b:s10+s2], $0x80, v19, vm0, $0xb8;
	[tilespmem:$0x13E00] =	vst v63  }
0x613: {  	v36 =	vperm.xlane v17, v9;
	s31 =	simm.s32 $0x12C00;
	v19 =	vadd.s32 v3, v35  }
0x614: {  	[tilespmem:s31], [sflag:$0x2] =	stream.indirect_vreg.gather [hbm4b:s10+s2], $0x80, v33, vm0, $0xb8;
	[tilespmem:$0x13E00] =	vst v63  }
0x615: {  	v38 =	vperm.xlane v17, v10;
	v37 =	vadd.s32 v3, v36;
	s30 =	simm.s32 $0x12C80  }
0x616: {  	[tilespmem:s30], [sflag:$0x2] =	stream.indirect_vreg.gather [hbm4b:s10+s2], $0x80, v18, vm0, $0xb8;
	[tilespmem:$0x13E00] =	vst v63  }
0x617: {  	v39 =	vperm.xlane v17, v11;
	s31 =	simm.s32 $0x12D00;
	v18 =	vadd.s32 v3, v38  }
0x618: {  	[tilespmem:s31], [sflag:$0x2] =	stream.indirect_vreg.gather [hbm4b:s10+s2], $0x80, v19, vm0, $0xb8;
	[tilespmem:$0x13E00] =	vst v63  }
0x619: {  	v40 =	vperm.xlane v17, v12;
	s30 =	simm.s32 $0x12D80;
	v19 =	vadd.s32 v3, v39  }
0x61a: {  	[tilespmem:s30], [sflag:$0x2] =	stream.indirect_vreg.gather [hbm4b:s10+s2], $0x80, v37, vm0, $0xb8;
	[tilespmem:$0x13E00] =	vst v63  }
0x61b: {  	v42 =	vperm.xlane v17, v13;
	v41 =	vadd.s32 v3, v40;
	s31 =	simm.s32 $0x12E00  }
0x61c: {  	[tilespmem:s31], [sflag:$0x2] =	stream.indirect_vreg.gather [hbm4b:s10+s2], $0x80, v18, vm0, $0xb8;
	[tilespmem:$0x13E00] =	vst v63  }
0x61d: {  	v43 =	vperm.xlane v17, v14;
	s30 =	simm.s32 $0x12E80;
	v18 =	vadd.s32 v3, v42  }
0x61e: {  	[tilespmem:s30], [sflag:$0x2] =	stream.indirect_vreg.gather [hbm4b:s10+s2], $0x80, v19, vm0, $0xb8;
	[tilespmem:$0x13E00] =	vst v63  }
0x61f: {  	v44 =	vperm.xlane v17, v15;
	s31 =	simm.s32 $0x12F00;
	v19 =	vadd.s32 v3, v43  }
0x620: {  	[tilespmem:s31], [sflag:$0x2] =	stream.indirect_vreg.gather [hbm4b:s10+s2], $0x80, v41, vm0, $0xb8;
	[tilespmem:$0x13E00] =	vst v63  }
0x621: {  	v17 =	vperm.xlane v17, v16;
	v45 =	vadd.s32 v3, v44;
	s30 =	simm.s32 $0x12F80  }
0x622: {  	[tilespmem:s30], [sflag:$0x2] =	stream.indirect_vreg.gather [hbm4b:s10+s2], $0x80, v18, vm0, $0xb8;
	[tilespmem:$0x13E00] =	vst v63  }
0x623: {  	v17 =	vadd.s32 v3, v17;
	s31 =	simm.s32 $0x13000  }
0x624: {  	[tilespmem:s31], [sflag:$0x2] =	stream.indirect_vreg.gather [hbm4b:s10+s2], $0x80, v19, vm0, $0xb8;
	[tilespmem:$0x13E00] =	vst v63  }
0x625: {  	s30 =	simm.s32 $0x13080  }
0x626: {  	[tilespmem:s30], [sflag:$0x2] =	stream.indirect_vreg.gather [hbm4b:s10+s2], $0x80, v45, vm0, $0xb8;
	[tilespmem:$0x13E00] =	vst v63  }
0x627: {  	s31 =	simm.s32 $0x13100  }
0x628: {  	[tilespmem:s31], [sflag:$0x2] =	stream.indirect_vreg.gather [hbm4b:s10+s2], $0x80, v17, vm0, $0xb8;
	[tilespmem:$0x13E00] =	vst v63  }
0x629: {  	v17 =	vld [tilespmem:$0x550];
	_ =	sdelay $0x4  }
0x62a: {  	v18 =	vshrl.u32 v17, $0x3  }
0x62b: {  	v18 =	vmul.u32 $0x278, v18  }
0x62c: {  	v17 =	vand.u32 $0x7, v17  }
0x62d: {  	v17 =	vor.u32 v17, v18  }
0x62e: {  	v18 =	vperm.xlane v17, v2;
	_ =	sdelay $0x1  }
0x62f: {  	v19 =	vperm.xlane v17, v4;
	v18 =	vadd.s32 v3, v18;
	_ =	sdelay $0x1  }
0x630: {  	v46 =	vperm.xlane v17, v5;
	v19 =	vadd.s32 v3, v19;
	_ =	sdelay $0x1  }
0x631: {  	s30 =	simm.s32 $0x13180;
	v47 =	vperm.xlane v17, v0;
	v20 =	vadd.s32 v3, v46  }
0x632: {  	[tilespmem:s30], [sflag:$0x2] =	stream.indirect_vreg.gather [hbm4b:s10+s2], $0x80, v18, vm0, $0xb8;
	[tilespmem:$0x13E00] =	vst v63  }
0x633: {  	s31 =	simm.s32 $0x13200;
	v48 =	vperm.xlane v17, v6;
	v18 =	vadd.s32 v3, v47  }
0x634: {  	[tilespmem:s31], [sflag:$0x2] =	stream.indirect_vreg.gather [hbm4b:s10+s2], $0x80, v19, vm0, $0xb8;
	[tilespmem:$0x13E00] =	vst v63  }
0x635: {  	v49 =	vperm.xlane v17, v7;
	s30 =	simm.s32 $0x13280;
	v19 =	vadd.s32 v3, v48  }
0x636: {  	[tilespmem:s30], [sflag:$0x2] =	stream.indirect_vreg.gather [hbm4b:s10+s2], $0x80, v20, vm0, $0xb8;
	[tilespmem:$0x13E00] =	vst v63  }
0x637: {  	v51 =	vperm.xlane v17, v8;
	v50 =	vadd.s32 v3, v49;
	s31 =	simm.s32 $0x13300  }
0x638: {  	[tilespmem:s31], [sflag:$0x2] =	stream.indirect_vreg.gather [hbm4b:s10+s2], $0x80, v18, vm0, $0xb8;
	[tilespmem:$0x13E00] =	vst v63  }
0x639: {  	v52 =	vperm.xlane v17, v1;
	s30 =	simm.s32 $0x13380;
	v18 =	vadd.s32 v3, v51  }
0x63a: {  	[tilespmem:s30], [sflag:$0x2] =	stream.indirect_vreg.gather [hbm4b:s10+s2], $0x80, v19, vm0, $0xb8;
	[tilespmem:$0x13E00] =	vst v63  }
0x63b: {  	v53 =	vperm.xlane v17, v9;
	s31 =	simm.s32 $0x13400;
	v19 =	vadd.s32 v3, v52  }
0x63c: {  	[tilespmem:s31], [sflag:$0x2] =	stream.indirect_vreg.gather [hbm4b:s10+s2], $0x80, v50, vm0, $0xb8;
	[tilespmem:$0x13E00] =	vst v63  }
0x63d: {  	v55 =	vperm.xlane v17, v10;
	v54 =	vadd.s32 v3, v53;
	s30 =	simm.s32 $0x13480  }
0x63e: {  	[tilespmem:s30], [sflag:$0x2] =	stream.indirect_vreg.gather [hbm4b:s10+s2], $0x80, v18, vm0, $0xb8;
	[tilespmem:$0x13E00] =	vst v63  }
0x63f: {  	v56 =	vperm.xlane v17, v11;
	s31 =	simm.s32 $0x13500;
	v18 =	vadd.s32 v3, v55  }
0x640: {  	[tilespmem:s31], [sflag:$0x2] =	stream.indirect_vreg.gather [hbm4b:s10+s2], $0x80, v19, vm0, $0xb8;
	[tilespmem:$0x13E00] =	vst v63  }
0x641: {  	v57 =	vperm.xlane v17, v12;
	s30 =	simm.s32 $0x13580;
	v19 =	vadd.s32 v3, v56  }
0x642: {  	[tilespmem:s30], [sflag:$0x2] =	stream.indirect_vreg.gather [hbm4b:s10+s2], $0x80, v54, vm0, $0xb8;
	[tilespmem:$0x13E00] =	vst v63  }
0x643: {  	v59 =	vperm.xlane v17, v13;
	v58 =	vadd.s32 v3, v57;
	s31 =	simm.s32 $0x13600  }
0x644: {  	[tilespmem:s31], [sflag:$0x2] =	stream.indirect_vreg.gather [hbm4b:s10+s2], $0x80, v18, vm0, $0xb8;
	[tilespmem:$0x13E00] =	vst v63  }
0x645: {  	v60 =	vperm.xlane v17, v14;
	s30 =	simm.s32 $0x13680;
	v18 =	vadd.s32 v3, v59  }
0x646: {  	[tilespmem:s30], [sflag:$0x2] =	stream.indirect_vreg.gather [hbm4b:s10+s2], $0x80, v19, vm0, $0xb8;
	[tilespmem:$0x13E00] =	vst v63  }
0x647: {  	v61 =	vperm.xlane v17, v15;
	s31 =	simm.s32 $0x13700;
	v19 =	vadd.s32 v3, v60  }
0x648: {  	[tilespmem:s31], [sflag:$0x2] =	stream.indirect_vreg.gather [hbm4b:s10+s2], $0x80, v58, vm0, $0xb8;
	[tilespmem:$0x13E00] =	vst v63  }
0x649: {  	v17 =	vperm.xlane v17, v16;
	v62 =	vadd.s32 v3, v61;
	s30 =	simm.s32 $0x13780  }
0x64a: {  	[tilespmem:s30], [sflag:$0x2] =	stream.indirect_vreg.gather [hbm4b:s10+s2], $0x80, v18, vm0, $0xb8;
	[tilespmem:$0x13E00] =	vst v63  }
0x64b: {  	v17 =	vadd.s32 v3, v17;
	s31 =	simm.s32 $0x13800  }
0x64c: {  	[tilespmem:s31], [sflag:$0x2] =	stream.indirect_vreg.gather [hbm4b:s10+s2], $0x80, v19, vm0, $0xb8;
	[tilespmem:$0x13E00] =	vst v63  }
0x64d: {  	s30 =	simm.s32 $0x13880  }
0x64e: {  	[tilespmem:s30], [sflag:$0x2] =	stream.indirect_vreg.gather [hbm4b:s10+s2], $0x80, v62, vm0, $0xb8;
	[tilespmem:$0x13E00] =	vst v63  }
0x64f: {  	s31 =	simm.s32 $0x13900  }
0x650: {  	[tilespmem:s31], [sflag:$0x2] =	stream.indirect_vreg.gather [hbm4b:s10+s2], $0x80, v17, vm0, $0xb8;
	[tilespmem:$0x13E00] =	vst v63  }
0x651: {  	v17 =	vld.msk [tilespmem:$0x560], $0xf;
	_ =	sdelay $0x4  }
0x652: {  	v18 =	vshrl.u32 v17, $0x3  }
0x653: {  	v18 =	vmul.u32 $0x278, v18  }
0x654: {  	v17 =	vand.u32 $0x7, v17  }
0x655: {  	v17 =	vor.u32 v17, v18  }
0x656: {  	v18 =	vperm.xlane v17, v2;
	_ =	sdelay $0x1  }
0x657: {  	v19 =	vperm.xlane v17, v4;
	v18 =	vadd.s32 v3, v18;
	_ =	sdelay $0x1  }
0x658: {  	v63 =	vperm.xlane v17, v5;
	v19 =	vadd.s32 v3, v19;
	_ =	sdelay $0x1  }
0x659: {  	s30 =	simm.s32 $0x13980;
	v17 =	vperm.xlane v17, v0;
	v20 =	vadd.s32 v3, v63  }
0x65a: {  	[tilespmem:s30], [sflag:$0x2] =	stream.indirect_vreg.gather [hbm4b:s10+s2], $0x80, v18, vm0, $0xb8;
	[tilespmem:$0x13E00] =	vst v63  }
0x65b: {  	s31 =	simm.s32 $0x13A00;
	v17 =	vadd.s32 v3, v17  }
0x65c: {  	[tilespmem:s31], [sflag:$0x2] =	stream.indirect_vreg.gather [hbm4b:s10+s2], $0x80, v19, vm0, $0xb8;
	[tilespmem:$0x13E00] =	vst v63  }
0x65d: {  	s30 =	simm.s32 $0x13A80  }
0x65e: {  	[tilespmem:s30], [sflag:$0x2] =	stream.indirect_vreg.gather [hbm4b:s10+s2], $0x80, v20, vm0, $0xb8;
	[tilespmem:$0x13E00] =	vst v63  }
0x65f: {  	s31 =	simm.s32 $0x13B00  }
0x660: {  	[tilespmem:s31], [sflag:$0x2] =	stream.indirect_vreg.gather [hbm4b:s10+s2], $0x80, v17, vm0, $0xb8;
	[tilespmem:$0x13E00] =	vst v63  }
.LBB2_5:
.Ltmp4:
0x661: {  	(pc) =	sbr.rel @p0 .LBB2_9-.Ltmp4, $1  }
0x662: {  	_ =	sdelay $0x3  }
0x663: {  	_ =	swait.ge [sflag:s25], $0x3200  }
0x664: {  	[sflag:s25] =	ssyncset.done $0x0  }
0x665: {  	[sflag:s25] =	ssyncadd.s32 $0xFFFFCE00  }
0x666: {  	_ =	swait.ge [sflag:s25], $0x3200  }
0x667: {  	[sflag:s25] =	ssyncset.done $0x0  }
0x668: {  	[sflag:s25] =	ssyncadd.s32 $0xFFFFCE00  }
0x669: {  	_ =	swait.ge [sflag:s25], $0x3200  }
0x66a: {  	[sflag:s25] =	ssyncset.done $0x0  }
0x66b: {  	s31 =	simm.s32 $0x0;
	[sflag:s25] =	ssyncadd.s32 $0xFFFFCE00  }
0x66c: {  	v17 =	vld [tilespmem:s31+$0x5F0]  }
0x66d: {  	v18 =	vld [tilespmem:s31+$0x39F0]  }
0x66e: {  	v19 =	vld [tilespmem:s31+$0x580]  }
0x66f: {  	v20 =	vld [tilespmem:s31+$0x6DF0]  }
0x670: {  	v21 =	vld [tilespmem:s31+$0x3980]  }
0x671: {  	v22 =	vld [tilespmem:s31+$0x590]  }
0x672: {  	v23 =	vld [tilespmem:s31+$0x3990]  }
0x673: {  	v24 =	vld [tilespmem:s31+$0x5A0]  }
0x674: {  	v25 =	vld [tilespmem:s31+$0x39A0]  }
0x675: {  	v26 =	vld [tilespmem:s31+$0x5B0]  }
0x676: {  	v27 =	vld [tilespmem:s31+$0x39B0]  }
0x677: {  	v28 =	vld [tilespmem:s31+$0x5C0]  }
0x678: {  	v29 =	vld [tilespmem:s31+$0x39C0]  }
0x679: {  	v31 =	vld [tilespmem:s31+$0x5D0]  }
0x67a: {  	v32 =	vld [tilespmem:s31+$0x39D0]  }
0x67b: {  	v34 =	vld [tilespmem:s31+$0x5E0]  }
0x67c: {  	v33 =	vld [tilespmem:s31+$0x6D80]  }
0x67d: {  	v35 =	vld [tilespmem:s31+$0x6D90]  }
0x67e: {  	v17 =	vadd.f32 v18, v17;
	v18 =	vld [tilespmem:s31+$0x39E0];
	v19 =	vadd.f32 v21, v19  }
0x67f: {  	v21 =	vld [tilespmem:s31+$0x6DA0];
	v22 =	vadd.f32 v23, v22;
	v23 =	vadd.f32 v25, v24  }
0x680: {  	v26 =	vadd.f32 v27, v26;
	v29 =	vadd.f32 v29, v28  }
0x681: {  	v30 =	vld [tilespmem:s31+$0x6DB0];
	v17 =	vadd.f32 v20, v17;
	v19 =	vadd.f32 v33, v19  }
0x682: {  	v28 =	vadd.f32 v32, v31;
	v24 =	vimm.f32 $1.000000000e+00;
	v20 =	vimm.f32 $1.000000000e+00;
	v33 =	vld [tilespmem:s31+$0x6DC0]  }
0x683: {  	v32 =	vld [tilespmem:s31+$0x6DD0];
	v17 =	vmul.f32 v17, v20;
	v19 =	vmul.f32 v19, v20;
	v27 =	vadd.f32 v18, v34  }
0x684: {  	s30 =	simm.s32 $0x80;
	v31 =	vld [tilespmem:s31+$0x6DE0];
	v34 =	vadd.f32 v35, v22;
	v35 =	vadd.f32 v21, v23;
	v23 =	vimm.f32 $1.000000000e+00  }
0x685: {  	v25 =	vld [tilespmem:s30+$0x5F0];
	s31 =	simm.s32 $0x400;
	v22 =	vimm.f32 $1.000000000e+00;
	v21 =	vimm.f32 $1.000000000e+00;
	v18 =	vimm.f32 $1.000000000e+00  }
.LBB2_7:
0x686: {  	p5 =	sne.s32 s31, $0xC600;
	v36 =	vld [tilespmem:s30+$0x39F0];
	v20 =	vmul.f32 v34, v20;
	v26 =	vadd.f32 v30, v26  }
0x687: {  	v30 =	vld [tilespmem:s30+$0x580];
	v24 =	vmul.f32 v35, v24;
	v29 =	vadd.f32 v33, v29  }
0x688: {  	v33 =	vld [tilespmem:s30+$0x6DF0];
	v23 =	vmul.f32 v26, v23;
	v26 =	vadd.f32 v32, v28  }
0x689: {  	v28 =	vld [tilespmem:s30+$0x3980];
	v22 =	vmul.f32 v29, v22;
	v27 =	vadd.f32 v31, v27  }
0x68a: {  	v29 =	vld [tilespmem:s30+$0x590];
	v21 =	vmul.f32 v26, v21  }
0x68b: {  	v26 =	vld [tilespmem:s30+$0x3990];
	v25 =	vadd.f32 v36, v25;
	v18 =	vmul.f32 v27, v18  }
0x68c: {  	v27 =	vld [tilespmem:s30+$0x5A0]  }
0x68d: {  	v31 =	vld [tilespmem:s30+$0x39A0];
	v25 =	vadd.f32 v33, v25  }
0x68e: {  	v32 =	vadd.f32 v28, v30;
	v28 =	vld [tilespmem:s30+$0x5B0]  }
0x68f: {  	v30 =	vld [tilespmem:s30+$0x39B0];
	v17 =	vmul.f32 v25, v17  }
0x690: {  	v25 =	vadd.f32 v26, v29;
	v29 =	vld [tilespmem:s30+$0x5C0]  }
0x691: {  	v33 =	vld [tilespmem:s30+$0x39C0]  }
0x692: {  	v35 =	vadd.f32 v31, v27;
	v27 =	vld [tilespmem:s30+$0x5D0]  }
0x693: {  	v31 =	vld [tilespmem:s30+$0x39D0]  }
0x694: {  	v26 =	vadd.f32 v30, v28;
	v34 =	vld [tilespmem:s30+$0x5E0]  }
0x695: {  	v36 =	vld [tilespmem:s30+$0x39E0]  }
0x696: {  	v37 =	vld [tilespmem:s30+$0x6D80];
	v29 =	vadd.f32 v33, v29  }
0x697: {  	v38 =	vld [tilespmem:s30+$0x6D90]  }
0x698: {  	v39 =	vld [tilespmem:s30+$0x6DA0];
	v28 =	vadd.f32 v31, v27  }
.Ltmp5:
0x699: {  	v30 =	vld [tilespmem:s30+$0x6DB0];
	(pc) =	sbr.rel @p5 .LBB2_7-.Ltmp5, $4  }
0x69a: {  	v33 =	vld [tilespmem:s30+$0x6DC0];
	v27 =	vadd.f32 v36, v34  }
0x69b: {  	v36 =	vadd.f32 v37, v32;
	v32 =	vld [tilespmem:s30+$0x6DD0]  }
0x69c: {  	v34 =	vadd.f32 v38, v25;
	v31 =	vld [tilespmem:s30+$0x6DE0];
	s30 =	sshra.s32 s31, $0x2  }
0x69d: {  	s31 =	sadd.s32 $0x200, s31;
	v25 =	vld [tilespmem:s30+$0x5F0];
	v19 =	vmul.f32 v36, v19;
	v35 =	vadd.f32 v39, v35  }
0x69e: {  	v36 =	vld [tilespmem:s30+$0x39F0]  }
0x69f: {  	v37 =	vld [tilespmem:s30+$0x580]  }
0x6a0: {  	v38 =	vld [tilespmem:s30+$0x3980]  }
0x6a1: {  	v39 =	vld [tilespmem:s30+$0x590]  }
0x6a2: {  	v40 =	vld [tilespmem:s30+$0x3990]  }
0x6a3: {  	v41 =	vld [tilespmem:s30+$0x5A0]  }
0x6a4: {  	v42 =	vld [tilespmem:s30+$0x39A0]  }
0x6a5: {  	v43 =	vld [tilespmem:s30+$0x5B0]  }
0x6a6: {  	v44 =	vld [tilespmem:s30+$0x39B0]  }
0x6a7: {  	v45 =	vld [tilespmem:s30+$0x5C0]  }
0x6a8: {  	v46 =	vld [tilespmem:s30+$0x39C0]  }
0x6a9: {  	v47 =	vld [tilespmem:s30+$0x5D0]  }
0x6aa: {  	v48 =	vld [tilespmem:s30+$0x39D0]  }
0x6ab: {  	v49 =	vld [tilespmem:s30+$0x5E0]  }
0x6ac: {  	v50 =	vld [tilespmem:s30+$0x39E0]  }
0x6ad: {  	v51 =	vld [tilespmem:s30+$0x6D80]  }
0x6ae: {  	v52 =	vld [tilespmem:s30+$0x6D90];
	v26 =	vadd.f32 v30, v26  }
0x6af: {  	v60 =	vld [tilespmem:s30+$0x6DA0];
	v29 =	vadd.f32 v33, v29;
	v28 =	vadd.f32 v32, v28  }
0x6b0: {  	v20 =	vmul.f32 v34, v20;
	v62 =	vld [tilespmem:s30+$0x6DB0];
	v63 =	vadd.f32 v31, v27;
	v61 =	vadd.f32 v38, v37  }
0x6b1: {  	v54 =	vld [tilespmem:s30+$0x6DE0];
	v24 =	vmul.f32 v35, v24;
	v39 =	vadd.f32 v40, v39;
	v42 =	vadd.f32 v42, v41  }
0x6b2: {  	v23 =	vmul.f32 v26, v23;
	v40 =	vld [tilespmem:s30+$0x6DC0];
	v53 =	vadd.f32 v44, v43;
	v32 =	vadd.f32 v51, v61  }
0x6b3: {  	v22 =	vmul.f32 v29, v22;
	v55 =	vadd.f32 v46, v45;
	v51 =	vld [tilespmem:s30+$0x6DD0];
	v27 =	vadd.f32 v52, v39  }
0x6b4: {  	v56 =	vld [tilespmem:s30+$0x6DF0];
	v59 =	vadd.f32 v50, v49;
	v29 =	vadd.f32 v60, v42;
	v19 =	vmul.f32 v32, v19  }
0x6b5: {  	v57 =	vadd.f32 v48, v47;
	v58 =	vadd.f32 v62, v53;
	v20 =	vmul.f32 v27, v20  }
0x6b6: {  	v18 =	vmul.f32 v63, v18;
	v63 =	vadd.f32 v54, v59;
	v24 =	vmul.f32 v29, v24;
	[tilespmem:$0x13D80] =	vst v19  }
0x6b7: {  	v23 =	vmul.f32 v58, v23;
	v60 =	vadd.f32 v40, v55;
	v19 =	vadd.f32 v36, v25;
	[tilespmem:$0x13D90] =	vst v20  }
0x6b8: {  	v21 =	vmul.f32 v28, v21;
	v18 =	vmul.f32 v63, v18;
	[tilespmem:$0x13DA0] =	vst v24;
	v61 =	vadd.f32 v51, v57  }
0x6b9: {  	[tilespmem:$0x13DB0] =	vst v23;
	v62 =	vmul.f32 v60, v22;
	v19 =	vadd.f32 v56, v19  }
0x6ba: {  	[tilespmem:$0x13DE0] =	vst v18;
	v21 =	vmul.f32 v61, v21  }
0x6bb: {  	[tilespmem:$0x13DC0] =	vst v62;
	v17 =	vmul.f32 v19, v17  }
0x6bc: {  	[tilespmem:$0x13DD0] =	vst v21  }
0x6bd: {  	[tilespmem:$0x13DF0] =	vst v17  }
0x6be: {  	[hbm4b:s11+s2] =	stream.linear.scatter [tilespmem:s26], [sflag:$0x3], $0x80, $0x38;
	[tilespmem:$0x13E00] =	vst v63  }
0x6bf: {  	_ =	swait.ge [sflag:s18], $0x80  }
0x6c0: {  	[sflag:s18] =	ssyncset.done $0x0  }
0x6c1: {  	[sflag:s18] =	ssyncadd.s32 $0xFFFFFF80  }
.LBB2_9:
.Ltmp6:
0x6c2: {  	(pc) =	sbr.rel @p2 .LBB2_13-.Ltmp6, $1  }
0x6c3: {  	_ =	sdelay $0x3  }
.Ltmp7:
0x6c4: {  	(pc) =	sbr.rel @p3 .LBB2_12-.Ltmp7, $1  }
0x6c5: {  	_ =	sdelay $0x3  }
0x6c6: {  	v17 =	vld [tilespmem:$0x400];
	_ =	sdelay $0x4  }
0x6c7: {  	v18 =	vshrl.u32 v17, $0x3  }
0x6c8: {  	v18 =	vmul.u32 $0x278, v18  }
0x6c9: {  	v17 =	vand.u32 $0x7, v17  }
0x6ca: {  	v17 =	vor.u32 v17, v18  }
0x6cb: {  	v18 =	vperm.xlane v17, v2;
	_ =	sdelay $0x1  }
0x6cc: {  	v19 =	vperm.xlane v17, v4;
	v18 =	vadd.s32 v3, v18;
	_ =	sdelay $0x1  }
0x6cd: {  	v20 =	vperm.xlane v17, v5;
	v19 =	vadd.s32 v3, v19;
	_ =	sdelay $0x1  }
0x6ce: {  	s1 =	simm.s32 $0x580;
	v21 =	vperm.xlane v17, v0;
	v20 =	vadd.s32 v3, v20  }
0x6cf: {  	[tilespmem:s1], [sflag:$0x1] =	stream.indirect_vreg.gather [hbm4b:s12+s2], $0x80, v18, vm0, $0xb8;
	[tilespmem:$0x13E00] =	vst v63  }
0x6d0: {  	s30 =	simm.s32 $0x600;
	v37 =	vperm.xlane v17, v6;
	v18 =	vadd.s32 v3, v21  }
0x6d1: {  	[tilespmem:s30], [sflag:$0x1] =	stream.indirect_vreg.gather [hbm4b:s12+s2], $0x80, v19, vm0, $0xb8;
	[tilespmem:$0x13E00] =	vst v63  }
0x6d2: {  	s31 =	simm.s32 $0x680;
	v38 =	vperm.xlane v17, v7;
	v19 =	vadd.s32 v3, v37  }
0x6d3: {  	[tilespmem:s31], [sflag:$0x1] =	stream.indirect_vreg.gather [hbm4b:s12+s2], $0x80, v20, vm0, $0xb8;
	[tilespmem:$0x13E00] =	vst v63  }
0x6d4: {  	v40 =	vperm.xlane v17, v8;
	v39 =	vadd.s32 v3, v38;
	s30 =	simm.s32 $0x700  }
0x6d5: {  	[tilespmem:s30], [sflag:$0x1] =	stream.indirect_vreg.gather [hbm4b:s12+s2], $0x80, v18, vm0, $0xb8;
	[tilespmem:$0x13E00] =	vst v63  }
0x6d6: {  	v41 =	vperm.xlane v17, v1;
	s31 =	simm.s32 $0x780;
	v18 =	vadd.s32 v3, v40  }
0x6d7: {  	[tilespmem:s31], [sflag:$0x1] =	stream.indirect_vreg.gather [hbm4b:s12+s2], $0x80, v19, vm0, $0xb8;
	[tilespmem:$0x13E00] =	vst v63  }
0x6d8: {  	v42 =	vperm.xlane v17, v9;
	s30 =	simm.s32 $0x800;
	v19 =	vadd.s32 v3, v41  }
0x6d9: {  	[tilespmem:s30], [sflag:$0x1] =	stream.indirect_vreg.gather [hbm4b:s12+s2], $0x80, v39, vm0, $0xb8;
	[tilespmem:$0x13E00] =	vst v63  }
0x6da: {  	v44 =	vperm.xlane v17, v10;
	v43 =	vadd.s32 v3, v42;
	s31 =	simm.s32 $0x880  }
0x6db: {  	[tilespmem:s31], [sflag:$0x1] =	stream.indirect_vreg.gather [hbm4b:s12+s2], $0x80, v18, vm0, $0xb8;
	[tilespmem:$0x13E00] =	vst v63  }
0x6dc: {  	v45 =	vperm.xlane v17, v11;
	s30 =	simm.s32 $0x900;
	v18 =	vadd.s32 v3, v44  }
0x6dd: {  	[tilespmem:s30], [sflag:$0x1] =	stream.indirect_vreg.gather [hbm4b:s12+s2], $0x80, v19, vm0, $0xb8;
	[tilespmem:$0x13E00] =	vst v63  }
0x6de: {  	v46 =	vperm.xlane v17, v12;
	s31 =	simm.s32 $0x980;
	v19 =	vadd.s32 v3, v45  }
0x6df: {  	[tilespmem:s31], [sflag:$0x1] =	stream.indirect_vreg.gather [hbm4b:s12+s2], $0x80, v43, vm0, $0xb8;
	[tilespmem:$0x13E00] =	vst v63  }
0x6e0: {  	v48 =	vperm.xlane v17, v13;
	v47 =	vadd.s32 v3, v46;
	s30 =	simm.s32 $0xA00  }
0x6e1: {  	[tilespmem:s30], [sflag:$0x1] =	stream.indirect_vreg.gather [hbm4b:s12+s2], $0x80, v18, vm0, $0xb8;
	[tilespmem:$0x13E00] =	vst v63  }
0x6e2: {  	v49 =	vperm.xlane v17, v14;
	s31 =	simm.s32 $0xA80;
	v18 =	vadd.s32 v3, v48  }
0x6e3: {  	[tilespmem:s31], [sflag:$0x1] =	stream.indirect_vreg.gather [hbm4b:s12+s2], $0x80, v19, vm0, $0xb8;
	[tilespmem:$0x13E00] =	vst v63  }
0x6e4: {  	v50 =	vperm.xlane v17, v15;
	s30 =	simm.s32 $0xB00;
	v19 =	vadd.s32 v3, v49  }
0x6e5: {  	[tilespmem:s30], [sflag:$0x1] =	stream.indirect_vreg.gather [hbm4b:s12+s2], $0x80, v47, vm0, $0xb8;
	[tilespmem:$0x13E00] =	vst v63  }
0x6e6: {  	v17 =	vperm.xlane v17, v16;
	v51 =	vadd.s32 v3, v50;
	s31 =	simm.s32 $0xB80  }
0x6e7: {  	[tilespmem:s31], [sflag:$0x1] =	stream.indirect_vreg.gather [hbm4b:s12+s2], $0x80, v18, vm0, $0xb8;
	[tilespmem:$0x13E00] =	vst v63  }
0x6e8: {  	v17 =	vadd.s32 v3, v17;
	s30 =	simm.s32 $0xC00  }
0x6e9: {  	[tilespmem:s30], [sflag:$0x1] =	stream.indirect_vreg.gather [hbm4b:s12+s2], $0x80, v19, vm0, $0xb8;
	[tilespmem:$0x13E00] =	vst v63  }
0x6ea: {  	s31 =	simm.s32 $0xC80  }
0x6eb: {  	[tilespmem:s31], [sflag:$0x1] =	stream.indirect_vreg.gather [hbm4b:s12+s2], $0x80, v51, vm0, $0xb8;
	[tilespmem:$0x13E00] =	vst v63  }
0x6ec: {  	s30 =	simm.s32 $0xD00  }
0x6ed: {  	[tilespmem:s30], [sflag:$0x1] =	stream.indirect_vreg.gather [hbm4b:s12+s2], $0x80, v17, vm0, $0xb8;
	[tilespmem:$0x13E00] =	vst v63  }
0x6ee: {  	v17 =	vld [tilespmem:$0x410];
	_ =	sdelay $0x4  }
0x6ef: {  	v18 =	vshrl.u32 v17, $0x3  }
0x6f0: {  	v18 =	vmul.u32 $0x278, v18  }
0x6f1: {  	v17 =	vand.u32 $0x7, v17  }
0x6f2: {  	v17 =	vor.u32 v17, v18  }
0x6f3: {  	v18 =	vperm.xlane v17, v2;
	_ =	sdelay $0x1  }
0x6f4: {  	v19 =	vperm.xlane v17, v4;
	v18 =	vadd.s32 v3, v18;
	_ =	sdelay $0x1  }
0x6f5: {  	v52 =	vperm.xlane v17, v5;
	v19 =	vadd.s32 v3, v19;
	_ =	sdelay $0x1  }
0x6f6: {  	s31 =	simm.s32 $0xD80;
	v53 =	vperm.xlane v17, v0;
	v20 =	vadd.s32 v3, v52  }
0x6f7: {  	[tilespmem:s31], [sflag:$0x1] =	stream.indirect_vreg.gather [hbm4b:s12+s2], $0x80, v18, vm0, $0xb8;
	[tilespmem:$0x13E00] =	vst v63  }
0x6f8: {  	s30 =	simm.s32 $0xE00;
	v54 =	vperm.xlane v17, v6;
	v18 =	vadd.s32 v3, v53  }
0x6f9: {  	[tilespmem:s30], [sflag:$0x1] =	stream.indirect_vreg.gather [hbm4b:s12+s2], $0x80, v19, vm0, $0xb8;
	[tilespmem:$0x13E00] =	vst v63  }
0x6fa: {  	v55 =	vperm.xlane v17, v7;
	s31 =	simm.s32 $0xE80;
	v19 =	vadd.s32 v3, v54  }
0x6fb: {  	[tilespmem:s31], [sflag:$0x1] =	stream.indirect_vreg.gather [hbm4b:s12+s2], $0x80, v20, vm0, $0xb8;
	[tilespmem:$0x13E00] =	vst v63  }
0x6fc: {  	v57 =	vperm.xlane v17, v8;
	v56 =	vadd.s32 v3, v55;
	s30 =	simm.s32 $0xF00  }
0x6fd: {  	[tilespmem:s30], [sflag:$0x1] =	stream.indirect_vreg.gather [hbm4b:s12+s2], $0x80, v18, vm0, $0xb8;
	[tilespmem:$0x13E00] =	vst v63  }
0x6fe: {  	v58 =	vperm.xlane v17, v1;
	s31 =	simm.s32 $0xF80;
	v18 =	vadd.s32 v3, v57  }
0x6ff: {  	[tilespmem:s31], [sflag:$0x1] =	stream.indirect_vreg.gather [hbm4b:s12+s2], $0x80, v19, vm0, $0xb8;
	[tilespmem:$0x13E00] =	vst v63  }
0x700: {  	v59 =	vperm.xlane v17, v9;
	s30 =	simm.s32 $0x1000;
	v19 =	vadd.s32 v3, v58  }
0x701: {  	[tilespmem:s30], [sflag:$0x1] =	stream.indirect_vreg.gather [hbm4b:s12+s2], $0x80, v56, vm0, $0xb8;
	[tilespmem:$0x13E00] =	vst v63  }
0x702: {  	v61 =	vperm.xlane v17, v10;
	v60 =	vadd.s32 v3, v59;
	s31 =	simm.s32 $0x1080  }
0x703: {  	[tilespmem:s31], [sflag:$0x1] =	stream.indirect_vreg.gather [hbm4b:s12+s2], $0x80, v18, vm0, $0xb8;
	[tilespmem:$0x13E00] =	vst v63  }
0x704: {  	v62 =	vperm.xlane v17, v11;
	s30 =	simm.s32 $0x1100;
	v18 =	vadd.s32 v3, v61  }
0x705: {  	[tilespmem:s30], [sflag:$0x1] =	stream.indirect_vreg.gather [hbm4b:s12+s2], $0x80, v19, vm0, $0xb8;
	[tilespmem:$0x13E00] =	vst v63  }
0x706: {  	v63 =	vperm.xlane v17, v12;
	s31 =	simm.s32 $0x1180;
	v19 =	vadd.s32 v3, v62  }
0x707: {  	[tilespmem:s31], [sflag:$0x1] =	stream.indirect_vreg.gather [hbm4b:s12+s2], $0x80, v60, vm0, $0xb8;
	[tilespmem:$0x13E00] =	vst v63  }
0x708: {  	v25 =	vperm.xlane v17, v13;
	v24 =	vadd.s32 v3, v63;
	s30 =	simm.s32 $0x1200  }
0x709: {  	[tilespmem:s30], [sflag:$0x1] =	stream.indirect_vreg.gather [hbm4b:s12+s2], $0x80, v18, vm0, $0xb8;
	[tilespmem:$0x13E00] =	vst v63  }
0x70a: {  	v26 =	vperm.xlane v17, v14;
	s31 =	simm.s32 $0x1280;
	v18 =	vadd.s32 v3, v25  }
0x70b: {  	[tilespmem:s31], [sflag:$0x1] =	stream.indirect_vreg.gather [hbm4b:s12+s2], $0x80, v19, vm0, $0xb8;
	[tilespmem:$0x13E00] =	vst v63  }
0x70c: {  	v27 =	vperm.xlane v17, v15;
	s30 =	simm.s32 $0x1300;
	v19 =	vadd.s32 v3, v26  }
0x70d: {  	[tilespmem:s30], [sflag:$0x1] =	stream.indirect_vreg.gather [hbm4b:s12+s2], $0x80, v24, vm0, $0xb8;
	[tilespmem:$0x13E00] =	vst v63  }
0x70e: {  	v17 =	vperm.xlane v17, v16;
	v28 =	vadd.s32 v3, v27;
	s31 =	simm.s32 $0x1380  }
0x70f: {  	[tilespmem:s31], [sflag:$0x1] =	stream.indirect_vreg.gather [hbm4b:s12+s2], $0x80, v18, vm0, $0xb8;
	[tilespmem:$0x13E00] =	vst v63  }
0x710: {  	v17 =	vadd.s32 v3, v17;
	s30 =	simm.s32 $0x1400  }
0x711: {  	[tilespmem:s30], [sflag:$0x1] =	stream.indirect_vreg.gather [hbm4b:s12+s2], $0x80, v19, vm0, $0xb8;
	[tilespmem:$0x13E00] =	vst v63  }
0x712: {  	s31 =	simm.s32 $0x1480  }
0x713: {  	[tilespmem:s31], [sflag:$0x1] =	stream.indirect_vreg.gather [hbm4b:s12+s2], $0x80, v28, vm0, $0xb8;
	[tilespmem:$0x13E00] =	vst v63  }
0x714: {  	s30 =	simm.s32 $0x1500  }
0x715: {  	[tilespmem:s30], [sflag:$0x1] =	stream.indirect_vreg.gather [hbm4b:s12+s2], $0x80, v17, vm0, $0xb8;
	[tilespmem:$0x13E00] =	vst v63  }
0x716: {  	v17 =	vld [tilespmem:$0x420];
	_ =	sdelay $0x4  }
0x717: {  	v18 =	vshrl.u32 v17, $0x3  }
0x718: {  	v18 =	vmul.u32 $0x278, v18  }
0x719: {  	v17 =	vand.u32 $0x7, v17  }
0x71a: {  	v17 =	vor.u32 v17, v18  }
0x71b: {  	v18 =	vperm.xlane v17, v2;
	_ =	sdelay $0x1  }
0x71c: {  	v19 =	vperm.xlane v17, v4;
	v18 =	vadd.s32 v3, v18;
	_ =	sdelay $0x1  }
0x71d: {  	v29 =	vperm.xlane v17, v5;
	v19 =	vadd.s32 v3, v19;
	_ =	sdelay $0x1  }
0x71e: {  	s31 =	simm.s32 $0x1580;
	v30 =	vperm.xlane v17, v0;
	v20 =	vadd.s32 v3, v29  }
0x71f: {  	[tilespmem:s31], [sflag:$0x1] =	stream.indirect_vreg.gather [hbm4b:s12+s2], $0x80, v18, vm0, $0xb8;
	[tilespmem:$0x13E00] =	vst v63  }
0x720: {  	s30 =	simm.s32 $0x1600;
	v31 =	vperm.xlane v17, v6;
	v18 =	vadd.s32 v3, v30  }
0x721: {  	[tilespmem:s30], [sflag:$0x1] =	stream.indirect_vreg.gather [hbm4b:s12+s2], $0x80, v19, vm0, $0xb8;
	[tilespmem:$0x13E00] =	vst v63  }
0x722: {  	v32 =	vperm.xlane v17, v7;
	s31 =	simm.s32 $0x1680;
	v19 =	vadd.s32 v3, v31  }
0x723: {  	[tilespmem:s31], [sflag:$0x1] =	stream.indirect_vreg.gather [hbm4b:s12+s2], $0x80, v20, vm0, $0xb8;
	[tilespmem:$0x13E00] =	vst v63  }
0x724: {  	v34 =	vperm.xlane v17, v8;
	v33 =	vadd.s32 v3, v32;
	s30 =	simm.s32 $0x1700  }
0x725: {  	[tilespmem:s30], [sflag:$0x1] =	stream.indirect_vreg.gather [hbm4b:s12+s2], $0x80, v18, vm0, $0xb8;
	[tilespmem:$0x13E00] =	vst v63  }
0x726: {  	v35 =	vperm.xlane v17, v1;
	s31 =	simm.s32 $0x1780;
	v18 =	vadd.s32 v3, v34  }
0x727: {  	[tilespmem:s31], [sflag:$0x1] =	stream.indirect_vreg.gather [hbm4b:s12+s2], $0x80, v19, vm0, $0xb8;
	[tilespmem:$0x13E00] =	vst v63  }
0x728: {  	v36 =	vperm.xlane v17, v9;
	s30 =	simm.s32 $0x1800;
	v19 =	vadd.s32 v3, v35  }
0x729: {  	[tilespmem:s30], [sflag:$0x1] =	stream.indirect_vreg.gather [hbm4b:s12+s2], $0x80, v33, vm0, $0xb8;
	[tilespmem:$0x13E00] =	vst v63  }
0x72a: {  	v38 =	vperm.xlane v17, v10;
	v37 =	vadd.s32 v3, v36;
	s31 =	simm.s32 $0x1880  }
0x72b: {  	[tilespmem:s31], [sflag:$0x1] =	stream.indirect_vreg.gather [hbm4b:s12+s2], $0x80, v18, vm0, $0xb8;
	[tilespmem:$0x13E00] =	vst v63  }
0x72c: {  	v39 =	vperm.xlane v17, v11;
	s30 =	simm.s32 $0x1900;
	v18 =	vadd.s32 v3, v38  }
0x72d: {  	[tilespmem:s30], [sflag:$0x1] =	stream.indirect_vreg.gather [hbm4b:s12+s2], $0x80, v19, vm0, $0xb8;
	[tilespmem:$0x13E00] =	vst v63  }
0x72e: {  	v40 =	vperm.xlane v17, v12;
	s31 =	simm.s32 $0x1980;
	v19 =	vadd.s32 v3, v39  }
0x72f: {  	[tilespmem:s31], [sflag:$0x1] =	stream.indirect_vreg.gather [hbm4b:s12+s2], $0x80, v37, vm0, $0xb8;
	[tilespmem:$0x13E00] =	vst v63  }
0x730: {  	v42 =	vperm.xlane v17, v13;
	v41 =	vadd.s32 v3, v40;
	s30 =	simm.s32 $0x1A00  }
0x731: {  	[tilespmem:s30], [sflag:$0x1] =	stream.indirect_vreg.gather [hbm4b:s12+s2], $0x80, v18, vm0, $0xb8;
	[tilespmem:$0x13E00] =	vst v63  }
0x732: {  	v43 =	vperm.xlane v17, v14;
	s31 =	simm.s32 $0x1A80;
	v18 =	vadd.s32 v3, v42  }
0x733: {  	[tilespmem:s31], [sflag:$0x1] =	stream.indirect_vreg.gather [hbm4b:s12+s2], $0x80, v19, vm0, $0xb8;
	[tilespmem:$0x13E00] =	vst v63  }
0x734: {  	v44 =	vperm.xlane v17, v15;
	s30 =	simm.s32 $0x1B00;
	v19 =	vadd.s32 v3, v43  }
0x735: {  	[tilespmem:s30], [sflag:$0x1] =	stream.indirect_vreg.gather [hbm4b:s12+s2], $0x80, v41, vm0, $0xb8;
	[tilespmem:$0x13E00] =	vst v63  }
0x736: {  	v17 =	vperm.xlane v17, v16;
	v45 =	vadd.s32 v3, v44;
	s31 =	simm.s32 $0x1B80  }
0x737: {  	[tilespmem:s31], [sflag:$0x1] =	stream.indirect_vreg.gather [hbm4b:s12+s2], $0x80, v18, vm0, $0xb8;
	[tilespmem:$0x13E00] =	vst v63  }
0x738: {  	v17 =	vadd.s32 v3, v17;
	s30 =	simm.s32 $0x1C00  }
0x739: {  	[tilespmem:s30], [sflag:$0x1] =	stream.indirect_vreg.gather [hbm4b:s12+s2], $0x80, v19, vm0, $0xb8;
	[tilespmem:$0x13E00] =	vst v63  }
0x73a: {  	s31 =	simm.s32 $0x1C80  }
0x73b: {  	[tilespmem:s31], [sflag:$0x1] =	stream.indirect_vreg.gather [hbm4b:s12+s2], $0x80, v45, vm0, $0xb8;
	[tilespmem:$0x13E00] =	vst v63  }
0x73c: {  	s30 =	simm.s32 $0x1D00  }
0x73d: {  	[tilespmem:s30], [sflag:$0x1] =	stream.indirect_vreg.gather [hbm4b:s12+s2], $0x80, v17, vm0, $0xb8;
	[tilespmem:$0x13E00] =	vst v63  }
0x73e: {  	v17 =	vld [tilespmem:$0x430];
	_ =	sdelay $0x4  }
0x73f: {  	v18 =	vshrl.u32 v17, $0x3  }
0x740: {  	v18 =	vmul.u32 $0x278, v18  }
0x741: {  	v17 =	vand.u32 $0x7, v17  }
0x742: {  	v17 =	vor.u32 v17, v18  }
0x743: {  	v18 =	vperm.xlane v17, v2;
	_ =	sdelay $0x1  }
0x744: {  	v19 =	vperm.xlane v17, v4;
	v18 =	vadd.s32 v3, v18;
	_ =	sdelay $0x1  }
0x745: {  	v46 =	vperm.xlane v17, v5;
	v19 =	vadd.s32 v3, v19;
	_ =	sdelay $0x1  }
0x746: {  	s31 =	simm.s32 $0x1D80;
	v47 =	vperm.xlane v17, v0;
	v20 =	vadd.s32 v3, v46  }
0x747: {  	[tilespmem:s31], [sflag:$0x1] =	stream.indirect_vreg.gather [hbm4b:s12+s2], $0x80, v18, vm0, $0xb8;
	[tilespmem:$0x13E00] =	vst v63  }
0x748: {  	s30 =	simm.s32 $0x1E00;
	v48 =	vperm.xlane v17, v6;
	v18 =	vadd.s32 v3, v47  }
0x749: {  	[tilespmem:s30], [sflag:$0x1] =	stream.indirect_vreg.gather [hbm4b:s12+s2], $0x80, v19, vm0, $0xb8;
	[tilespmem:$0x13E00] =	vst v63  }
0x74a: {  	v49 =	vperm.xlane v17, v7;
	s31 =	simm.s32 $0x1E80;
	v19 =	vadd.s32 v3, v48  }
0x74b: {  	[tilespmem:s31], [sflag:$0x1] =	stream.indirect_vreg.gather [hbm4b:s12+s2], $0x80, v20, vm0, $0xb8;
	[tilespmem:$0x13E00] =	vst v63  }
0x74c: {  	v51 =	vperm.xlane v17, v8;
	v50 =	vadd.s32 v3, v49;
	s30 =	simm.s32 $0x1F00  }
0x74d: {  	[tilespmem:s30], [sflag:$0x1] =	stream.indirect_vreg.gather [hbm4b:s12+s2], $0x80, v18, vm0, $0xb8;
	[tilespmem:$0x13E00] =	vst v63  }
0x74e: {  	v52 =	vperm.xlane v17, v1;
	s31 =	simm.s32 $0x1F80;
	v18 =	vadd.s32 v3, v51  }
0x74f: {  	[tilespmem:s31], [sflag:$0x1] =	stream.indirect_vreg.gather [hbm4b:s12+s2], $0x80, v19, vm0, $0xb8;
	[tilespmem:$0x13E00] =	vst v63  }
0x750: {  	v53 =	vperm.xlane v17, v9;
	s30 =	simm.s32 $0x2000;
	v19 =	vadd.s32 v3, v52  }
0x751: {  	[tilespmem:s30], [sflag:$0x1] =	stream.indirect_vreg.gather [hbm4b:s12+s2], $0x80, v50, vm0, $0xb8;
	[tilespmem:$0x13E00] =	vst v63  }
0x752: {  	v55 =	vperm.xlane v17, v10;
	v54 =	vadd.s32 v3, v53;
	s31 =	simm.s32 $0x2080  }
0x753: {  	[tilespmem:s31], [sflag:$0x1] =	stream.indirect_vreg.gather [hbm4b:s12+s2], $0x80, v18, vm0, $0xb8;
	[tilespmem:$0x13E00] =	vst v63  }
0x754: {  	v56 =	vperm.xlane v17, v11;
	s30 =	simm.s32 $0x2100;
	v18 =	vadd.s32 v3, v55  }
0x755: {  	[tilespmem:s30], [sflag:$0x1] =	stream.indirect_vreg.gather [hbm4b:s12+s2], $0x80, v19, vm0, $0xb8;
	[tilespmem:$0x13E00] =	vst v63  }
0x756: {  	v57 =	vperm.xlane v17, v12;
	s31 =	simm.s32 $0x2180;
	v19 =	vadd.s32 v3, v56  }
0x757: {  	[tilespmem:s31], [sflag:$0x1] =	stream.indirect_vreg.gather [hbm4b:s12+s2], $0x80, v54, vm0, $0xb8;
	[tilespmem:$0x13E00] =	vst v63  }
0x758: {  	v59 =	vperm.xlane v17, v13;
	v58 =	vadd.s32 v3, v57;
	s30 =	simm.s32 $0x2200  }
0x759: {  	[tilespmem:s30], [sflag:$0x1] =	stream.indirect_vreg.gather [hbm4b:s12+s2], $0x80, v18, vm0, $0xb8;
	[tilespmem:$0x13E00] =	vst v63  }
0x75a: {  	v60 =	vperm.xlane v17, v14;
	s31 =	simm.s32 $0x2280;
	v18 =	vadd.s32 v3, v59  }
0x75b: {  	[tilespmem:s31], [sflag:$0x1] =	stream.indirect_vreg.gather [hbm4b:s12+s2], $0x80, v19, vm0, $0xb8;
	[tilespmem:$0x13E00] =	vst v63  }
0x75c: {  	v61 =	vperm.xlane v17, v15;
	s30 =	simm.s32 $0x2300;
	v19 =	vadd.s32 v3, v60  }
0x75d: {  	[tilespmem:s30], [sflag:$0x1] =	stream.indirect_vreg.gather [hbm4b:s12+s2], $0x80, v58, vm0, $0xb8;
	[tilespmem:$0x13E00] =	vst v63  }
0x75e: {  	v17 =	vperm.xlane v17, v16;
	v62 =	vadd.s32 v3, v61;
	s31 =	simm.s32 $0x2380  }
0x75f: {  	[tilespmem:s31], [sflag:$0x1] =	stream.indirect_vreg.gather [hbm4b:s12+s2], $0x80, v18, vm0, $0xb8;
	[tilespmem:$0x13E00] =	vst v63  }
0x760: {  	v17 =	vadd.s32 v3, v17;
	s30 =	simm.s32 $0x2400  }
0x761: {  	[tilespmem:s30], [sflag:$0x1] =	stream.indirect_vreg.gather [hbm4b:s12+s2], $0x80, v19, vm0, $0xb8;
	[tilespmem:$0x13E00] =	vst v63  }
0x762: {  	s31 =	simm.s32 $0x2480  }
0x763: {  	[tilespmem:s31], [sflag:$0x1] =	stream.indirect_vreg.gather [hbm4b:s12+s2], $0x80, v62, vm0, $0xb8;
	[tilespmem:$0x13E00] =	vst v63  }
0x764: {  	s30 =	simm.s32 $0x2500  }
0x765: {  	[tilespmem:s30], [sflag:$0x1] =	stream.indirect_vreg.gather [hbm4b:s12+s2], $0x80, v17, vm0, $0xb8;
	[tilespmem:$0x13E00] =	vst v63  }
0x766: {  	v17 =	vld [tilespmem:$0x440];
	_ =	sdelay $0x4  }
0x767: {  	v18 =	vshrl.u32 v17, $0x3  }
0x768: {  	v18 =	vmul.u32 $0x278, v18  }
0x769: {  	v17 =	vand.u32 $0x7, v17  }
0x76a: {  	v17 =	vor.u32 v17, v18  }
0x76b: {  	v18 =	vperm.xlane v17, v2;
	_ =	sdelay $0x1  }
0x76c: {  	v19 =	vperm.xlane v17, v4;
	v18 =	vadd.s32 v3, v18;
	_ =	sdelay $0x1  }
0x76d: {  	v63 =	vperm.xlane v17, v5;
	v19 =	vadd.s32 v3, v19;
	_ =	sdelay $0x1  }
0x76e: {  	s31 =	simm.s32 $0x2580;
	v24 =	vperm.xlane v17, v0;
	v20 =	vadd.s32 v3, v63  }
0x76f: {  	[tilespmem:s31], [sflag:$0x1] =	stream.indirect_vreg.gather [hbm4b:s12+s2], $0x80, v18, vm0, $0xb8;
	[tilespmem:$0x13E00] =	vst v63  }
0x770: {  	s30 =	simm.s32 $0x2600;
	v25 =	vperm.xlane v17, v6;
	v18 =	vadd.s32 v3, v24  }
0x771: {  	[tilespmem:s30], [sflag:$0x1] =	stream.indirect_vreg.gather [hbm4b:s12+s2], $0x80, v19, vm0, $0xb8;
	[tilespmem:$0x13E00] =	vst v63  }
0x772: {  	v26 =	vperm.xlane v17, v7;
	s31 =	simm.s32 $0x2680;
	v19 =	vadd.s32 v3, v25  }
0x773: {  	[tilespmem:s31], [sflag:$0x1] =	stream.indirect_vreg.gather [hbm4b:s12+s2], $0x80, v20, vm0, $0xb8;
	[tilespmem:$0x13E00] =	vst v63  }
0x774: {  	v28 =	vperm.xlane v17, v8;
	v27 =	vadd.s32 v3, v26;
	s30 =	simm.s32 $0x2700  }
0x775: {  	[tilespmem:s30], [sflag:$0x1] =	stream.indirect_vreg.gather [hbm4b:s12+s2], $0x80, v18, vm0, $0xb8;
	[tilespmem:$0x13E00] =	vst v63  }
0x776: {  	v29 =	vperm.xlane v17, v1;
	s31 =	simm.s32 $0x2780;
	v18 =	vadd.s32 v3, v28  }
0x777: {  	[tilespmem:s31], [sflag:$0x1] =	stream.indirect_vreg.gather [hbm4b:s12+s2], $0x80, v19, vm0, $0xb8;
	[tilespmem:$0x13E00] =	vst v63  }
0x778: {  	v30 =	vperm.xlane v17, v9;
	s30 =	simm.s32 $0x2800;
	v19 =	vadd.s32 v3, v29  }
0x779: {  	[tilespmem:s30], [sflag:$0x1] =	stream.indirect_vreg.gather [hbm4b:s12+s2], $0x80, v27, vm0, $0xb8;
	[tilespmem:$0x13E00] =	vst v63  }
0x77a: {  	v32 =	vperm.xlane v17, v10;
	v31 =	vadd.s32 v3, v30;
	s31 =	simm.s32 $0x2880  }
0x77b: {  	[tilespmem:s31], [sflag:$0x1] =	stream.indirect_vreg.gather [hbm4b:s12+s2], $0x80, v18, vm0, $0xb8;
	[tilespmem:$0x13E00] =	vst v63  }
0x77c: {  	v33 =	vperm.xlane v17, v11;
	s30 =	simm.s32 $0x2900;
	v18 =	vadd.s32 v3, v32  }
0x77d: {  	[tilespmem:s30], [sflag:$0x1] =	stream.indirect_vreg.gather [hbm4b:s12+s2], $0x80, v19, vm0, $0xb8;
	[tilespmem:$0x13E00] =	vst v63  }
0x77e: {  	v34 =	vperm.xlane v17, v12;
	s31 =	simm.s32 $0x2980;
	v19 =	vadd.s32 v3, v33  }
0x77f: {  	[tilespmem:s31], [sflag:$0x1] =	stream.indirect_vreg.gather [hbm4b:s12+s2], $0x80, v31, vm0, $0xb8;
	[tilespmem:$0x13E00] =	vst v63  }
0x780: {  	v36 =	vperm.xlane v17, v13;
	v35 =	vadd.s32 v3, v34;
	s30 =	simm.s32 $0x2A00  }
0x781: {  	[tilespmem:s30], [sflag:$0x1] =	stream.indirect_vreg.gather [hbm4b:s12+s2], $0x80, v18, vm0, $0xb8;
	[tilespmem:$0x13E00] =	vst v63  }
0x782: {  	v37 =	vperm.xlane v17, v14;
	s31 =	simm.s32 $0x2A80;
	v18 =	vadd.s32 v3, v36  }
0x783: {  	[tilespmem:s31], [sflag:$0x1] =	stream.indirect_vreg.gather [hbm4b:s12+s2], $0x80, v19, vm0, $0xb8;
	[tilespmem:$0x13E00] =	vst v63  }
0x784: {  	v38 =	vperm.xlane v17, v15;
	s30 =	simm.s32 $0x2B00;
	v19 =	vadd.s32 v3, v37  }
0x785: {  	[tilespmem:s30], [sflag:$0x1] =	stream.indirect_vreg.gather [hbm4b:s12+s2], $0x80, v35, vm0, $0xb8;
	[tilespmem:$0x13E00] =	vst v63  }
0x786: {  	v17 =	vperm.xlane v17, v16;
	v39 =	vadd.s32 v3, v38;
	s31 =	simm.s32 $0x2B80  }
0x787: {  	[tilespmem:s31], [sflag:$0x1] =	stream.indirect_vreg.gather [hbm4b:s12+s2], $0x80, v18, vm0, $0xb8;
	[tilespmem:$0x13E00] =	vst v63  }
0x788: {  	v17 =	vadd.s32 v3, v17;
	s30 =	simm.s32 $0x2C00  }
0x789: {  	[tilespmem:s30], [sflag:$0x1] =	stream.indirect_vreg.gather [hbm4b:s12+s2], $0x80, v19, vm0, $0xb8;
	[tilespmem:$0x13E00] =	vst v63  }
0x78a: {  	s31 =	simm.s32 $0x2C80  }
0x78b: {  	[tilespmem:s31], [sflag:$0x1] =	stream.indirect_vreg.gather [hbm4b:s12+s2], $0x80, v39, vm0, $0xb8;
	[tilespmem:$0x13E00] =	vst v63  }
0x78c: {  	s30 =	simm.s32 $0x2D00  }
0x78d: {  	[tilespmem:s30], [sflag:$0x1] =	stream.indirect_vreg.gather [hbm4b:s12+s2], $0x80, v17, vm0, $0xb8;
	[tilespmem:$0x13E00] =	vst v63  }
0x78e: {  	v17 =	vld [tilespmem:$0x450];
	_ =	sdelay $0x4  }
0x78f: {  	v18 =	vshrl.u32 v17, $0x3  }
0x790: {  	v18 =	vmul.u32 $0x278, v18  }
0x791: {  	v17 =	vand.u32 $0x7, v17  }
0x792: {  	v17 =	vor.u32 v17, v18  }
0x793: {  	v18 =	vperm.xlane v17, v2;
	_ =	sdelay $0x1  }
0x794: {  	v19 =	vperm.xlane v17, v4;
	v18 =	vadd.s32 v3, v18;
	_ =	sdelay $0x1  }
0x795: {  	v40 =	vperm.xlane v17, v5;
	v19 =	vadd.s32 v3, v19;
	_ =	sdelay $0x1  }
0x796: {  	s31 =	simm.s32 $0x2D80;
	v41 =	vperm.xlane v17, v0;
	v20 =	vadd.s32 v3, v40  }
0x797: {  	[tilespmem:s31], [sflag:$0x1] =	stream.indirect_vreg.gather [hbm4b:s12+s2], $0x80, v18, vm0, $0xb8;
	[tilespmem:$0x13E00] =	vst v63  }
0x798: {  	s30 =	simm.s32 $0x2E00;
	v42 =	vperm.xlane v17, v6;
	v18 =	vadd.s32 v3, v41  }
0x799: {  	[tilespmem:s30], [sflag:$0x1] =	stream.indirect_vreg.gather [hbm4b:s12+s2], $0x80, v19, vm0, $0xb8;
	[tilespmem:$0x13E00] =	vst v63  }
0x79a: {  	v43 =	vperm.xlane v17, v7;
	s31 =	simm.s32 $0x2E80;
	v19 =	vadd.s32 v3, v42  }
0x79b: {  	[tilespmem:s31], [sflag:$0x1] =	stream.indirect_vreg.gather [hbm4b:s12+s2], $0x80, v20, vm0, $0xb8;
	[tilespmem:$0x13E00] =	vst v63  }
0x79c: {  	v45 =	vperm.xlane v17, v8;
	v44 =	vadd.s32 v3, v43;
	s30 =	simm.s32 $0x2F00  }
0x79d: {  	[tilespmem:s30], [sflag:$0x1] =	stream.indirect_vreg.gather [hbm4b:s12+s2], $0x80, v18, vm0, $0xb8;
	[tilespmem:$0x13E00] =	vst v63  }
0x79e: {  	v46 =	vperm.xlane v17, v1;
	s31 =	simm.s32 $0x2F80;
	v18 =	vadd.s32 v3, v45  }
0x79f: {  	[tilespmem:s31], [sflag:$0x1] =	stream.indirect_vreg.gather [hbm4b:s12+s2], $0x80, v19, vm0, $0xb8;
	[tilespmem:$0x13E00] =	vst v63  }
0x7a0: {  	v47 =	vperm.xlane v17, v9;
	s30 =	simm.s32 $0x3000;
	v19 =	vadd.s32 v3, v46  }
0x7a1: {  	[tilespmem:s30], [sflag:$0x1] =	stream.indirect_vreg.gather [hbm4b:s12+s2], $0x80, v44, vm0, $0xb8;
	[tilespmem:$0x13E00] =	vst v63  }
0x7a2: {  	v49 =	vperm.xlane v17, v10;
	v48 =	vadd.s32 v3, v47;
	s31 =	simm.s32 $0x3080  }
0x7a3: {  	[tilespmem:s31], [sflag:$0x1] =	stream.indirect_vreg.gather [hbm4b:s12+s2], $0x80, v18, vm0, $0xb8;
	[tilespmem:$0x13E00] =	vst v63  }
0x7a4: {  	v50 =	vperm.xlane v17, v11;
	s30 =	simm.s32 $0x3100;
	v18 =	vadd.s32 v3, v49  }
0x7a5: {  	[tilespmem:s30], [sflag:$0x1] =	stream.indirect_vreg.gather [hbm4b:s12+s2], $0x80, v19, vm0, $0xb8;
	[tilespmem:$0x13E00] =	vst v63  }
0x7a6: {  	v51 =	vperm.xlane v17, v12;
	s31 =	simm.s32 $0x3180;
	v19 =	vadd.s32 v3, v50  }
0x7a7: {  	[tilespmem:s31], [sflag:$0x1] =	stream.indirect_vreg.gather [hbm4b:s12+s2], $0x80, v48, vm0, $0xb8;
	[tilespmem:$0x13E00] =	vst v63  }
0x7a8: {  	v53 =	vperm.xlane v17, v13;
	v52 =	vadd.s32 v3, v51;
	s30 =	simm.s32 $0x3200  }
0x7a9: {  	[tilespmem:s30], [sflag:$0x1] =	stream.indirect_vreg.gather [hbm4b:s12+s2], $0x80, v18, vm0, $0xb8;
	[tilespmem:$0x13E00] =	vst v63  }
0x7aa: {  	v54 =	vperm.xlane v17, v14;
	s31 =	simm.s32 $0x3280;
	v18 =	vadd.s32 v3, v53  }
0x7ab: {  	[tilespmem:s31], [sflag:$0x1] =	stream.indirect_vreg.gather [hbm4b:s12+s2], $0x80, v19, vm0, $0xb8;
	[tilespmem:$0x13E00] =	vst v63  }
0x7ac: {  	v55 =	vperm.xlane v17, v15;
	s30 =	simm.s32 $0x3300;
	v19 =	vadd.s32 v3, v54  }
0x7ad: {  	[tilespmem:s30], [sflag:$0x1] =	stream.indirect_vreg.gather [hbm4b:s12+s2], $0x80, v52, vm0, $0xb8;
	[tilespmem:$0x13E00] =	vst v63  }
0x7ae: {  	v17 =	vperm.xlane v17, v16;
	v56 =	vadd.s32 v3, v55;
	s31 =	simm.s32 $0x3380  }
0x7af: {  	[tilespmem:s31], [sflag:$0x1] =	stream.indirect_vreg.gather [hbm4b:s12+s2], $0x80, v18, vm0, $0xb8;
	[tilespmem:$0x13E00] =	vst v63  }
0x7b0: {  	v17 =	vadd.s32 v3, v17;
	s30 =	simm.s32 $0x3400  }
0x7b1: {  	[tilespmem:s30], [sflag:$0x1] =	stream.indirect_vreg.gather [hbm4b:s12+s2], $0x80, v19, vm0, $0xb8;
	[tilespmem:$0x13E00] =	vst v63  }
0x7b2: {  	s31 =	simm.s32 $0x3480  }
0x7b3: {  	[tilespmem:s31], [sflag:$0x1] =	stream.indirect_vreg.gather [hbm4b:s12+s2], $0x80, v56, vm0, $0xb8;
	[tilespmem:$0x13E00] =	vst v63  }
0x7b4: {  	s30 =	simm.s32 $0x3500  }
0x7b5: {  	[tilespmem:s30], [sflag:$0x1] =	stream.indirect_vreg.gather [hbm4b:s12+s2], $0x80, v17, vm0, $0xb8;
	[tilespmem:$0x13E00] =	vst v63  }
0x7b6: {  	v17 =	vld.msk [tilespmem:$0x460], $0xf;
	_ =	sdelay $0x4  }
0x7b7: {  	v18 =	vshrl.u32 v17, $0x3  }
0x7b8: {  	v18 =	vmul.u32 $0x278, v18  }
0x7b9: {  	v17 =	vand.u32 $0x7, v17  }
0x7ba: {  	v17 =	vor.u32 v17, v18  }
0x7bb: {  	v18 =	vperm.xlane v17, v2;
	_ =	sdelay $0x1  }
0x7bc: {  	v19 =	vperm.xlane v17, v4;
	v18 =	vadd.s32 v3, v18;
	_ =	sdelay $0x1  }
0x7bd: {  	v57 =	vperm.xlane v17, v5;
	v19 =	vadd.s32 v3, v19;
	_ =	sdelay $0x1  }
0x7be: {  	s31 =	simm.s32 $0x3580;
	v17 =	vperm.xlane v17, v0;
	v20 =	vadd.s32 v3, v57  }
0x7bf: {  	[tilespmem:s31], [sflag:$0x1] =	stream.indirect_vreg.gather [hbm4b:s12+s2], $0x80, v18, vm0, $0xb8;
	[tilespmem:$0x13E00] =	vst v63  }
0x7c0: {  	s30 =	simm.s32 $0x3600;
	v17 =	vadd.s32 v3, v17  }
0x7c1: {  	[tilespmem:s30], [sflag:$0x1] =	stream.indirect_vreg.gather [hbm4b:s12+s2], $0x80, v19, vm0, $0xb8;
	[tilespmem:$0x13E00] =	vst v63  }
0x7c2: {  	s31 =	simm.s32 $0x3680  }
0x7c3: {  	[tilespmem:s31], [sflag:$0x1] =	stream.indirect_vreg.gather [hbm4b:s12+s2], $0x80, v20, vm0, $0xb8;
	[tilespmem:$0x13E00] =	vst v63  }
0x7c4: {  	s30 =	simm.s32 $0x3700  }
0x7c5: {  	[tilespmem:s30], [sflag:$0x1] =	stream.indirect_vreg.gather [hbm4b:s12+s2], $0x80, v17, vm0, $0xb8;
	[tilespmem:$0x13E00] =	vst v63  }
0x7c6: {  	v17 =	vld [tilespmem:$0x480];
	_ =	sdelay $0x4  }
0x7c7: {  	v18 =	vshrl.u32 v17, $0x3  }
0x7c8: {  	v18 =	vmul.u32 $0x278, v18  }
0x7c9: {  	v17 =	vand.u32 $0x7, v17  }
0x7ca: {  	v17 =	vor.u32 v17, v18  }
0x7cb: {  	v18 =	vperm.xlane v17, v2;
	_ =	sdelay $0x1  }
0x7cc: {  	v19 =	vperm.xlane v17, v4;
	v18 =	vadd.s32 v3, v18;
	_ =	sdelay $0x1  }
0x7cd: {  	v58 =	vperm.xlane v17, v5;
	v19 =	vadd.s32 v3, v19;
	_ =	sdelay $0x1  }
0x7ce: {  	s31 =	simm.s32 $0x3980;
	v59 =	vperm.xlane v17, v0;
	v20 =	vadd.s32 v3, v58  }
0x7cf: {  	[tilespmem:s31], [sflag:$0x1] =	stream.indirect_vreg.gather [hbm4b:s13+s2], $0x80, v18, vm0, $0xb8;
	[tilespmem:$0x13E00] =	vst v63  }
0x7d0: {  	s30 =	simm.s32 $0x3A00;
	v60 =	vperm.xlane v17, v6;
	v18 =	vadd.s32 v3, v59  }
0x7d1: {  	[tilespmem:s30], [sflag:$0x1] =	stream.indirect_vreg.gather [hbm4b:s13+s2], $0x80, v19, vm0, $0xb8;
	[tilespmem:$0x13E00] =	vst v63  }
0x7d2: {  	v61 =	vperm.xlane v17, v7;
	s31 =	simm.s32 $0x3A80;
	v19 =	vadd.s32 v3, v60  }
0x7d3: {  	[tilespmem:s31], [sflag:$0x1] =	stream.indirect_vreg.gather [hbm4b:s13+s2], $0x80, v20, vm0, $0xb8;
	[tilespmem:$0x13E00] =	vst v63  }
0x7d4: {  	v63 =	vperm.xlane v17, v8;
	v62 =	vadd.s32 v3, v61;
	s30 =	simm.s32 $0x3B00  }
0x7d5: {  	[tilespmem:s30], [sflag:$0x1] =	stream.indirect_vreg.gather [hbm4b:s13+s2], $0x80, v18, vm0, $0xb8;
	[tilespmem:$0x13E00] =	vst v63  }
0x7d6: {  	v24 =	vperm.xlane v17, v1;
	s31 =	simm.s32 $0x3B80;
	v18 =	vadd.s32 v3, v63  }
0x7d7: {  	[tilespmem:s31], [sflag:$0x1] =	stream.indirect_vreg.gather [hbm4b:s13+s2], $0x80, v19, vm0, $0xb8;
	[tilespmem:$0x13E00] =	vst v63  }
0x7d8: {  	v25 =	vperm.xlane v17, v9;
	s30 =	simm.s32 $0x3C00;
	v19 =	vadd.s32 v3, v24  }
0x7d9: {  	[tilespmem:s30], [sflag:$0x1] =	stream.indirect_vreg.gather [hbm4b:s13+s2], $0x80, v62, vm0, $0xb8;
	[tilespmem:$0x13E00] =	vst v63  }
0x7da: {  	v27 =	vperm.xlane v17, v10;
	v26 =	vadd.s32 v3, v25;
	s31 =	simm.s32 $0x3C80  }
0x7db: {  	[tilespmem:s31], [sflag:$0x1] =	stream.indirect_vreg.gather [hbm4b:s13+s2], $0x80, v18, vm0, $0xb8;
	[tilespmem:$0x13E00] =	vst v63  }
0x7dc: {  	v28 =	vperm.xlane v17, v11;
	s30 =	simm.s32 $0x3D00;
	v18 =	vadd.s32 v3, v27  }
0x7dd: {  	[tilespmem:s30], [sflag:$0x1] =	stream.indirect_vreg.gather [hbm4b:s13+s2], $0x80, v19, vm0, $0xb8;
	[tilespmem:$0x13E00] =	vst v63  }
0x7de: {  	v29 =	vperm.xlane v17, v12;
	s31 =	simm.s32 $0x3D80;
	v19 =	vadd.s32 v3, v28  }
0x7df: {  	[tilespmem:s31], [sflag:$0x1] =	stream.indirect_vreg.gather [hbm4b:s13+s2], $0x80, v26, vm0, $0xb8;
	[tilespmem:$0x13E00] =	vst v63  }
0x7e0: {  	v31 =	vperm.xlane v17, v13;
	v30 =	vadd.s32 v3, v29;
	s30 =	simm.s32 $0x3E00  }
0x7e1: {  	[tilespmem:s30], [sflag:$0x1] =	stream.indirect_vreg.gather [hbm4b:s13+s2], $0x80, v18, vm0, $0xb8;
	[tilespmem:$0x13E00] =	vst v63  }
0x7e2: {  	v32 =	vperm.xlane v17, v14;
	s31 =	simm.s32 $0x3E80;
	v18 =	vadd.s32 v3, v31  }
0x7e3: {  	[tilespmem:s31], [sflag:$0x1] =	stream.indirect_vreg.gather [hbm4b:s13+s2], $0x80, v19, vm0, $0xb8;
	[tilespmem:$0x13E00] =	vst v63  }
0x7e4: {  	v33 =	vperm.xlane v17, v15;
	s30 =	simm.s32 $0x3F00;
	v19 =	vadd.s32 v3, v32  }
0x7e5: {  	[tilespmem:s30], [sflag:$0x1] =	stream.indirect_vreg.gather [hbm4b:s13+s2], $0x80, v30, vm0, $0xb8;
	[tilespmem:$0x13E00] =	vst v63  }
0x7e6: {  	v17 =	vperm.xlane v17, v16;
	v34 =	vadd.s32 v3, v33;
	s31 =	simm.s32 $0x3F80  }
0x7e7: {  	[tilespmem:s31], [sflag:$0x1] =	stream.indirect_vreg.gather [hbm4b:s13+s2], $0x80, v18, vm0, $0xb8;
	[tilespmem:$0x13E00] =	vst v63  }
0x7e8: {  	v17 =	vadd.s32 v3, v17;
	s30 =	simm.s32 $0x4000  }
0x7e9: {  	[tilespmem:s30], [sflag:$0x1] =	stream.indirect_vreg.gather [hbm4b:s13+s2], $0x80, v19, vm0, $0xb8;
	[tilespmem:$0x13E00] =	vst v63  }
0x7ea: {  	s31 =	simm.s32 $0x4080  }
0x7eb: {  	[tilespmem:s31], [sflag:$0x1] =	stream.indirect_vreg.gather [hbm4b:s13+s2], $0x80, v34, vm0, $0xb8;
	[tilespmem:$0x13E00] =	vst v63  }
0x7ec: {  	s30 =	simm.s32 $0x4100  }
0x7ed: {  	[tilespmem:s30], [sflag:$0x1] =	stream.indirect_vreg.gather [hbm4b:s13+s2], $0x80, v17, vm0, $0xb8;
	[tilespmem:$0x13E00] =	vst v63  }
0x7ee: {  	v17 =	vld [tilespmem:$0x490];
	_ =	sdelay $0x4  }
0x7ef: {  	v18 =	vshrl.u32 v17, $0x3  }
0x7f0: {  	v18 =	vmul.u32 $0x278, v18  }
0x7f1: {  	v17 =	vand.u32 $0x7, v17  }
0x7f2: {  	v17 =	vor.u32 v17, v18  }
0x7f3: {  	v18 =	vperm.xlane v17, v2;
	_ =	sdelay $0x1  }
0x7f4: {  	v19 =	vperm.xlane v17, v4;
	v18 =	vadd.s32 v3, v18;
	_ =	sdelay $0x1  }
0x7f5: {  	v35 =	vperm.xlane v17, v5;
	v19 =	vadd.s32 v3, v19;
	_ =	sdelay $0x1  }
0x7f6: {  	s31 =	simm.s32 $0x4180;
	v36 =	vperm.xlane v17, v0;
	v20 =	vadd.s32 v3, v35  }
0x7f7: {  	[tilespmem:s31], [sflag:$0x1] =	stream.indirect_vreg.gather [hbm4b:s13+s2], $0x80, v18, vm0, $0xb8;
	[tilespmem:$0x13E00] =	vst v63  }
0x7f8: {  	s30 =	simm.s32 $0x4200;
	v37 =	vperm.xlane v17, v6;
	v18 =	vadd.s32 v3, v36  }
0x7f9: {  	[tilespmem:s30], [sflag:$0x1] =	stream.indirect_vreg.gather [hbm4b:s13+s2], $0x80, v19, vm0, $0xb8;
	[tilespmem:$0x13E00] =	vst v63  }
0x7fa: {  	v38 =	vperm.xlane v17, v7;
	s31 =	simm.s32 $0x4280;
	v19 =	vadd.s32 v3, v37  }
0x7fb: {  	[tilespmem:s31], [sflag:$0x1] =	stream.indirect_vreg.gather [hbm4b:s13+s2], $0x80, v20, vm0, $0xb8;
	[tilespmem:$0x13E00] =	vst v63  }
0x7fc: {  	v40 =	vperm.xlane v17, v8;
	v39 =	vadd.s32 v3, v38;
	s30 =	simm.s32 $0x4300  }
0x7fd: {  	[tilespmem:s30], [sflag:$0x1] =	stream.indirect_vreg.gather [hbm4b:s13+s2], $0x80, v18, vm0, $0xb8;
	[tilespmem:$0x13E00] =	vst v63  }
0x7fe: {  	v41 =	vperm.xlane v17, v1;
	s31 =	simm.s32 $0x4380;
	v18 =	vadd.s32 v3, v40  }
0x7ff: {  	[tilespmem:s31], [sflag:$0x1] =	stream.indirect_vreg.gather [hbm4b:s13+s2], $0x80, v19, vm0, $0xb8;
	[tilespmem:$0x13E00] =	vst v63  }
0x800: {  	v42 =	vperm.xlane v17, v9;
	s30 =	simm.s32 $0x4400;
	v19 =	vadd.s32 v3, v41  }
0x801: {  	[tilespmem:s30], [sflag:$0x1] =	stream.indirect_vreg.gather [hbm4b:s13+s2], $0x80, v39, vm0, $0xb8;
	[tilespmem:$0x13E00] =	vst v63  }
0x802: {  	v44 =	vperm.xlane v17, v10;
	v43 =	vadd.s32 v3, v42;
	s31 =	simm.s32 $0x4480  }
0x803: {  	[tilespmem:s31], [sflag:$0x1] =	stream.indirect_vreg.gather [hbm4b:s13+s2], $0x80, v18, vm0, $0xb8;
	[tilespmem:$0x13E00] =	vst v63  }
0x804: {  	v45 =	vperm.xlane v17, v11;
	s30 =	simm.s32 $0x4500;
	v18 =	vadd.s32 v3, v44  }
0x805: {  	[tilespmem:s30], [sflag:$0x1] =	stream.indirect_vreg.gather [hbm4b:s13+s2], $0x80, v19, vm0, $0xb8;
	[tilespmem:$0x13E00] =	vst v63  }
0x806: {  	v46 =	vperm.xlane v17, v12;
	s31 =	simm.s32 $0x4580;
	v19 =	vadd.s32 v3, v45  }
0x807: {  	[tilespmem:s31], [sflag:$0x1] =	stream.indirect_vreg.gather [hbm4b:s13+s2], $0x80, v43, vm0, $0xb8;
	[tilespmem:$0x13E00] =	vst v63  }
0x808: {  	v48 =	vperm.xlane v17, v13;
	v47 =	vadd.s32 v3, v46;
	s30 =	simm.s32 $0x4600  }
0x809: {  	[tilespmem:s30], [sflag:$0x1] =	stream.indirect_vreg.gather [hbm4b:s13+s2], $0x80, v18, vm0, $0xb8;
	[tilespmem:$0x13E00] =	vst v63  }
0x80a: {  	v49 =	vperm.xlane v17, v14;
	s31 =	simm.s32 $0x4680;
	v18 =	vadd.s32 v3, v48  }
0x80b: {  	[tilespmem:s31], [sflag:$0x1] =	stream.indirect_vreg.gather [hbm4b:s13+s2], $0x80, v19, vm0, $0xb8;
	[tilespmem:$0x13E00] =	vst v63  }
0x80c: {  	v50 =	vperm.xlane v17, v15;
	s30 =	simm.s32 $0x4700;
	v19 =	vadd.s32 v3, v49  }
0x80d: {  	[tilespmem:s30], [sflag:$0x1] =	stream.indirect_vreg.gather [hbm4b:s13+s2], $0x80, v47, vm0, $0xb8;
	[tilespmem:$0x13E00] =	vst v63  }
0x80e: {  	v17 =	vperm.xlane v17, v16;
	v51 =	vadd.s32 v3, v50;
	s31 =	simm.s32 $0x4780  }
0x80f: {  	[tilespmem:s31], [sflag:$0x1] =	stream.indirect_vreg.gather [hbm4b:s13+s2], $0x80, v18, vm0, $0xb8;
	[tilespmem:$0x13E00] =	vst v63  }
0x810: {  	v17 =	vadd.s32 v3, v17;
	s30 =	simm.s32 $0x4800  }
0x811: {  	[tilespmem:s30], [sflag:$0x1] =	stream.indirect_vreg.gather [hbm4b:s13+s2], $0x80, v19, vm0, $0xb8;
	[tilespmem:$0x13E00] =	vst v63  }
0x812: {  	s31 =	simm.s32 $0x4880  }
0x813: {  	[tilespmem:s31], [sflag:$0x1] =	stream.indirect_vreg.gather [hbm4b:s13+s2], $0x80, v51, vm0, $0xb8;
	[tilespmem:$0x13E00] =	vst v63  }
0x814: {  	s30 =	simm.s32 $0x4900  }
0x815: {  	[tilespmem:s30], [sflag:$0x1] =	stream.indirect_vreg.gather [hbm4b:s13+s2], $0x80, v17, vm0, $0xb8;
	[tilespmem:$0x13E00] =	vst v63  }
0x816: {  	v17 =	vld [tilespmem:$0x4A0];
	_ =	sdelay $0x4  }
0x817: {  	v18 =	vshrl.u32 v17, $0x3  }
0x818: {  	v18 =	vmul.u32 $0x278, v18  }
0x819: {  	v17 =	vand.u32 $0x7, v17  }
0x81a: {  	v17 =	vor.u32 v17, v18  }
0x81b: {  	v18 =	vperm.xlane v17, v2;
	_ =	sdelay $0x1  }
0x81c: {  	v19 =	vperm.xlane v17, v4;
	v18 =	vadd.s32 v3, v18;
	_ =	sdelay $0x1  }
0x81d: {  	v52 =	vperm.xlane v17, v5;
	v19 =	vadd.s32 v3, v19;
	_ =	sdelay $0x1  }
0x81e: {  	s31 =	simm.s32 $0x4980;
	v53 =	vperm.xlane v17, v0;
	v20 =	vadd.s32 v3, v52  }
0x81f: {  	[tilespmem:s31], [sflag:$0x1] =	stream.indirect_vreg.gather [hbm4b:s13+s2], $0x80, v18, vm0, $0xb8;
	[tilespmem:$0x13E00] =	vst v63  }
0x820: {  	s30 =	simm.s32 $0x4A00;
	v54 =	vperm.xlane v17, v6;
	v18 =	vadd.s32 v3, v53  }
0x821: {  	[tilespmem:s30], [sflag:$0x1] =	stream.indirect_vreg.gather [hbm4b:s13+s2], $0x80, v19, vm0, $0xb8;
	[tilespmem:$0x13E00] =	vst v63  }
0x822: {  	v55 =	vperm.xlane v17, v7;
	s31 =	simm.s32 $0x4A80;
	v19 =	vadd.s32 v3, v54  }
0x823: {  	[tilespmem:s31], [sflag:$0x1] =	stream.indirect_vreg.gather [hbm4b:s13+s2], $0x80, v20, vm0, $0xb8;
	[tilespmem:$0x13E00] =	vst v63  }
0x824: {  	v57 =	vperm.xlane v17, v8;
	v56 =	vadd.s32 v3, v55;
	s30 =	simm.s32 $0x4B00  }
0x825: {  	[tilespmem:s30], [sflag:$0x1] =	stream.indirect_vreg.gather [hbm4b:s13+s2], $0x80, v18, vm0, $0xb8;
	[tilespmem:$0x13E00] =	vst v63  }
0x826: {  	v58 =	vperm.xlane v17, v1;
	s31 =	simm.s32 $0x4B80;
	v18 =	vadd.s32 v3, v57  }
0x827: {  	[tilespmem:s31], [sflag:$0x1] =	stream.indirect_vreg.gather [hbm4b:s13+s2], $0x80, v19, vm0, $0xb8;
	[tilespmem:$0x13E00] =	vst v63  }
0x828: {  	v59 =	vperm.xlane v17, v9;
	s30 =	simm.s32 $0x4C00;
	v19 =	vadd.s32 v3, v58  }
0x829: {  	[tilespmem:s30], [sflag:$0x1] =	stream.indirect_vreg.gather [hbm4b:s13+s2], $0x80, v56, vm0, $0xb8;
	[tilespmem:$0x13E00] =	vst v63  }
0x82a: {  	v61 =	vperm.xlane v17, v10;
	v60 =	vadd.s32 v3, v59;
	s31 =	simm.s32 $0x4C80  }
0x82b: {  	[tilespmem:s31], [sflag:$0x1] =	stream.indirect_vreg.gather [hbm4b:s13+s2], $0x80, v18, vm0, $0xb8;
	[tilespmem:$0x13E00] =	vst v63  }
0x82c: {  	v62 =	vperm.xlane v17, v11;
	s30 =	simm.s32 $0x4D00;
	v18 =	vadd.s32 v3, v61  }
0x82d: {  	[tilespmem:s30], [sflag:$0x1] =	stream.indirect_vreg.gather [hbm4b:s13+s2], $0x80, v19, vm0, $0xb8;
	[tilespmem:$0x13E00] =	vst v63  }
0x82e: {  	v63 =	vperm.xlane v17, v12;
	s31 =	simm.s32 $0x4D80;
	v19 =	vadd.s32 v3, v62  }
0x82f: {  	[tilespmem:s31], [sflag:$0x1] =	stream.indirect_vreg.gather [hbm4b:s13+s2], $0x80, v60, vm0, $0xb8;
	[tilespmem:$0x13E00] =	vst v63  }
0x830: {  	v25 =	vperm.xlane v17, v13;
	v24 =	vadd.s32 v3, v63;
	s30 =	simm.s32 $0x4E00  }
0x831: {  	[tilespmem:s30], [sflag:$0x1] =	stream.indirect_vreg.gather [hbm4b:s13+s2], $0x80, v18, vm0, $0xb8;
	[tilespmem:$0x13E00] =	vst v63  }
0x832: {  	v26 =	vperm.xlane v17, v14;
	s31 =	simm.s32 $0x4E80;
	v18 =	vadd.s32 v3, v25  }
0x833: {  	[tilespmem:s31], [sflag:$0x1] =	stream.indirect_vreg.gather [hbm4b:s13+s2], $0x80, v19, vm0, $0xb8;
	[tilespmem:$0x13E00] =	vst v63  }
0x834: {  	v27 =	vperm.xlane v17, v15;
	s30 =	simm.s32 $0x4F00;
	v19 =	vadd.s32 v3, v26  }
0x835: {  	[tilespmem:s30], [sflag:$0x1] =	stream.indirect_vreg.gather [hbm4b:s13+s2], $0x80, v24, vm0, $0xb8;
	[tilespmem:$0x13E00] =	vst v63  }
0x836: {  	v17 =	vperm.xlane v17, v16;
	v28 =	vadd.s32 v3, v27;
	s31 =	simm.s32 $0x4F80  }
0x837: {  	[tilespmem:s31], [sflag:$0x1] =	stream.indirect_vreg.gather [hbm4b:s13+s2], $0x80, v18, vm0, $0xb8;
	[tilespmem:$0x13E00] =	vst v63  }
0x838: {  	v17 =	vadd.s32 v3, v17;
	s30 =	simm.s32 $0x5000  }
0x839: {  	[tilespmem:s30], [sflag:$0x1] =	stream.indirect_vreg.gather [hbm4b:s13+s2], $0x80, v19, vm0, $0xb8;
	[tilespmem:$0x13E00] =	vst v63  }
0x83a: {  	s31 =	simm.s32 $0x5080  }
0x83b: {  	[tilespmem:s31], [sflag:$0x1] =	stream.indirect_vreg.gather [hbm4b:s13+s2], $0x80, v28, vm0, $0xb8;
	[tilespmem:$0x13E00] =	vst v63  }
0x83c: {  	s30 =	simm.s32 $0x5100  }
0x83d: {  	[tilespmem:s30], [sflag:$0x1] =	stream.indirect_vreg.gather [hbm4b:s13+s2], $0x80, v17, vm0, $0xb8;
	[tilespmem:$0x13E00] =	vst v63  }
0x83e: {  	v17 =	vld [tilespmem:$0x4B0];
	_ =	sdelay $0x4  }
0x83f: {  	v18 =	vshrl.u32 v17, $0x3  }
0x840: {  	v18 =	vmul.u32 $0x278, v18  }
0x841: {  	v17 =	vand.u32 $0x7, v17  }
0x842: {  	v17 =	vor.u32 v17, v18  }
0x843: {  	v18 =	vperm.xlane v17, v2;
	_ =	sdelay $0x1  }
0x844: {  	v19 =	vperm.xlane v17, v4;
	v18 =	vadd.s32 v3, v18;
	_ =	sdelay $0x1  }
0x845: {  	v29 =	vperm.xlane v17, v5;
	v19 =	vadd.s32 v3, v19;
	_ =	sdelay $0x1  }
0x846: {  	s31 =	simm.s32 $0x5180;
	v30 =	vperm.xlane v17, v0;
	v20 =	vadd.s32 v3, v29  }
0x847: {  	[tilespmem:s31], [sflag:$0x1] =	stream.indirect_vreg.gather [hbm4b:s13+s2], $0x80, v18, vm0, $0xb8;
	[tilespmem:$0x13E00] =	vst v63  }
0x848: {  	s30 =	simm.s32 $0x5200;
	v31 =	vperm.xlane v17, v6;
	v18 =	vadd.s32 v3, v30  }
0x849: {  	[tilespmem:s30], [sflag:$0x1] =	stream.indirect_vreg.gather [hbm4b:s13+s2], $0x80, v19, vm0, $0xb8;
	[tilespmem:$0x13E00] =	vst v63  }
0x84a: {  	v32 =	vperm.xlane v17, v7;
	s31 =	simm.s32 $0x5280;
	v19 =	vadd.s32 v3, v31  }
0x84b: {  	[tilespmem:s31], [sflag:$0x1] =	stream.indirect_vreg.gather [hbm4b:s13+s2], $0x80, v20, vm0, $0xb8;
	[tilespmem:$0x13E00] =	vst v63  }
0x84c: {  	v34 =	vperm.xlane v17, v8;
	v33 =	vadd.s32 v3, v32;
	s30 =	simm.s32 $0x5300  }
0x84d: {  	[tilespmem:s30], [sflag:$0x1] =	stream.indirect_vreg.gather [hbm4b:s13+s2], $0x80, v18, vm0, $0xb8;
	[tilespmem:$0x13E00] =	vst v63  }
0x84e: {  	v35 =	vperm.xlane v17, v1;
	s31 =	simm.s32 $0x5380;
	v18 =	vadd.s32 v3, v34  }
0x84f: {  	[tilespmem:s31], [sflag:$0x1] =	stream.indirect_vreg.gather [hbm4b:s13+s2], $0x80, v19, vm0, $0xb8;
	[tilespmem:$0x13E00] =	vst v63  }
0x850: {  	v36 =	vperm.xlane v17, v9;
	s30 =	simm.s32 $0x5400;
	v19 =	vadd.s32 v3, v35  }
0x851: {  	[tilespmem:s30], [sflag:$0x1] =	stream.indirect_vreg.gather [hbm4b:s13+s2], $0x80, v33, vm0, $0xb8;
	[tilespmem:$0x13E00] =	vst v63  }
0x852: {  	v38 =	vperm.xlane v17, v10;
	v37 =	vadd.s32 v3, v36;
	s31 =	simm.s32 $0x5480  }
0x853: {  	[tilespmem:s31], [sflag:$0x1] =	stream.indirect_vreg.gather [hbm4b:s13+s2], $0x80, v18, vm0, $0xb8;
	[tilespmem:$0x13E00] =	vst v63  }
0x854: {  	v39 =	vperm.xlane v17, v11;
	s30 =	simm.s32 $0x5500;
	v18 =	vadd.s32 v3, v38  }
0x855: {  	[tilespmem:s30], [sflag:$0x1] =	stream.indirect_vreg.gather [hbm4b:s13+s2], $0x80, v19, vm0, $0xb8;
	[tilespmem:$0x13E00] =	vst v63  }
0x856: {  	v40 =	vperm.xlane v17, v12;
	s31 =	simm.s32 $0x5580;
	v19 =	vadd.s32 v3, v39  }
0x857: {  	[tilespmem:s31], [sflag:$0x1] =	stream.indirect_vreg.gather [hbm4b:s13+s2], $0x80, v37, vm0, $0xb8;
	[tilespmem:$0x13E00] =	vst v63  }
0x858: {  	v42 =	vperm.xlane v17, v13;
	v41 =	vadd.s32 v3, v40;
	s30 =	simm.s32 $0x5600  }
0x859: {  	[tilespmem:s30], [sflag:$0x1] =	stream.indirect_vreg.gather [hbm4b:s13+s2], $0x80, v18, vm0, $0xb8;
	[tilespmem:$0x13E00] =	vst v63  }
0x85a: {  	v43 =	vperm.xlane v17, v14;
	s31 =	simm.s32 $0x5680;
	v18 =	vadd.s32 v3, v42  }
0x85b: {  	[tilespmem:s31], [sflag:$0x1] =	stream.indirect_vreg.gather [hbm4b:s13+s2], $0x80, v19, vm0, $0xb8;
	[tilespmem:$0x13E00] =	vst v63  }
0x85c: {  	v44 =	vperm.xlane v17, v15;
	s30 =	simm.s32 $0x5700;
	v19 =	vadd.s32 v3, v43  }
0x85d: {  	[tilespmem:s30], [sflag:$0x1] =	stream.indirect_vreg.gather [hbm4b:s13+s2], $0x80, v41, vm0, $0xb8;
	[tilespmem:$0x13E00] =	vst v63  }
0x85e: {  	v17 =	vperm.xlane v17, v16;
	v45 =	vadd.s32 v3, v44;
	s31 =	simm.s32 $0x5780  }
0x85f: {  	[tilespmem:s31], [sflag:$0x1] =	stream.indirect_vreg.gather [hbm4b:s13+s2], $0x80, v18, vm0, $0xb8;
	[tilespmem:$0x13E00] =	vst v63  }
0x860: {  	v17 =	vadd.s32 v3, v17;
	s30 =	simm.s32 $0x5800  }
0x861: {  	[tilespmem:s30], [sflag:$0x1] =	stream.indirect_vreg.gather [hbm4b:s13+s2], $0x80, v19, vm0, $0xb8;
	[tilespmem:$0x13E00] =	vst v63  }
0x862: {  	s31 =	simm.s32 $0x5880  }
0x863: {  	[tilespmem:s31], [sflag:$0x1] =	stream.indirect_vreg.gather [hbm4b:s13+s2], $0x80, v45, vm0, $0xb8;
	[tilespmem:$0x13E00] =	vst v63  }
0x864: {  	s30 =	simm.s32 $0x5900  }
0x865: {  	[tilespmem:s30], [sflag:$0x1] =	stream.indirect_vreg.gather [hbm4b:s13+s2], $0x80, v17, vm0, $0xb8;
	[tilespmem:$0x13E00] =	vst v63  }
0x866: {  	v17 =	vld [tilespmem:$0x4C0];
	_ =	sdelay $0x4  }
0x867: {  	v18 =	vshrl.u32 v17, $0x3  }
0x868: {  	v18 =	vmul.u32 $0x278, v18  }
0x869: {  	v17 =	vand.u32 $0x7, v17  }
0x86a: {  	v17 =	vor.u32 v17, v18  }
0x86b: {  	v18 =	vperm.xlane v17, v2;
	_ =	sdelay $0x1  }
0x86c: {  	v19 =	vperm.xlane v17, v4;
	v18 =	vadd.s32 v3, v18;
	_ =	sdelay $0x1  }
0x86d: {  	v46 =	vperm.xlane v17, v5;
	v19 =	vadd.s32 v3, v19;
	_ =	sdelay $0x1  }
0x86e: {  	s31 =	simm.s32 $0x5980;
	v47 =	vperm.xlane v17, v0;
	v20 =	vadd.s32 v3, v46  }
0x86f: {  	[tilespmem:s31], [sflag:$0x1] =	stream.indirect_vreg.gather [hbm4b:s13+s2], $0x80, v18, vm0, $0xb8;
	[tilespmem:$0x13E00] =	vst v63  }
0x870: {  	s30 =	simm.s32 $0x5A00;
	v48 =	vperm.xlane v17, v6;
	v18 =	vadd.s32 v3, v47  }
0x871: {  	[tilespmem:s30], [sflag:$0x1] =	stream.indirect_vreg.gather [hbm4b:s13+s2], $0x80, v19, vm0, $0xb8;
	[tilespmem:$0x13E00] =	vst v63  }
0x872: {  	v49 =	vperm.xlane v17, v7;
	s31 =	simm.s32 $0x5A80;
	v19 =	vadd.s32 v3, v48  }
0x873: {  	[tilespmem:s31], [sflag:$0x1] =	stream.indirect_vreg.gather [hbm4b:s13+s2], $0x80, v20, vm0, $0xb8;
	[tilespmem:$0x13E00] =	vst v63  }
0x874: {  	v51 =	vperm.xlane v17, v8;
	v50 =	vadd.s32 v3, v49;
	s30 =	simm.s32 $0x5B00  }
0x875: {  	[tilespmem:s30], [sflag:$0x1] =	stream.indirect_vreg.gather [hbm4b:s13+s2], $0x80, v18, vm0, $0xb8;
	[tilespmem:$0x13E00] =	vst v63  }
0x876: {  	v52 =	vperm.xlane v17, v1;
	s31 =	simm.s32 $0x5B80;
	v18 =	vadd.s32 v3, v51  }
0x877: {  	[tilespmem:s31], [sflag:$0x1] =	stream.indirect_vreg.gather [hbm4b:s13+s2], $0x80, v19, vm0, $0xb8;
	[tilespmem:$0x13E00] =	vst v63  }
0x878: {  	v53 =	vperm.xlane v17, v9;
	s30 =	simm.s32 $0x5C00;
	v19 =	vadd.s32 v3, v52  }
0x879: {  	[tilespmem:s30], [sflag:$0x1] =	stream.indirect_vreg.gather [hbm4b:s13+s2], $0x80, v50, vm0, $0xb8;
	[tilespmem:$0x13E00] =	vst v63  }
0x87a: {  	v55 =	vperm.xlane v17, v10;
	v54 =	vadd.s32 v3, v53;
	s31 =	simm.s32 $0x5C80  }
0x87b: {  	[tilespmem:s31], [sflag:$0x1] =	stream.indirect_vreg.gather [hbm4b:s13+s2], $0x80, v18, vm0, $0xb8;
	[tilespmem:$0x13E00] =	vst v63  }
0x87c: {  	v56 =	vperm.xlane v17, v11;
	s30 =	simm.s32 $0x5D00;
	v18 =	vadd.s32 v3, v55  }
0x87d: {  	[tilespmem:s30], [sflag:$0x1] =	stream.indirect_vreg.gather [hbm4b:s13+s2], $0x80, v19, vm0, $0xb8;
	[tilespmem:$0x13E00] =	vst v63  }
0x87e: {  	v57 =	vperm.xlane v17, v12;
	s31 =	simm.s32 $0x5D80;
	v19 =	vadd.s32 v3, v56  }
0x87f: {  	[tilespmem:s31], [sflag:$0x1] =	stream.indirect_vreg.gather [hbm4b:s13+s2], $0x80, v54, vm0, $0xb8;
	[tilespmem:$0x13E00] =	vst v63  }
0x880: {  	v59 =	vperm.xlane v17, v13;
	v58 =	vadd.s32 v3, v57;
	s30 =	simm.s32 $0x5E00  }
0x881: {  	[tilespmem:s30], [sflag:$0x1] =	stream.indirect_vreg.gather [hbm4b:s13+s2], $0x80, v18, vm0, $0xb8;
	[tilespmem:$0x13E00] =	vst v63  }
0x882: {  	v60 =	vperm.xlane v17, v14;
	s31 =	simm.s32 $0x5E80;
	v18 =	vadd.s32 v3, v59  }
0x883: {  	[tilespmem:s31], [sflag:$0x1] =	stream.indirect_vreg.gather [hbm4b:s13+s2], $0x80, v19, vm0, $0xb8;
	[tilespmem:$0x13E00] =	vst v63  }
0x884: {  	v61 =	vperm.xlane v17, v15;
	s30 =	simm.s32 $0x5F00;
	v19 =	vadd.s32 v3, v60  }
0x885: {  	[tilespmem:s30], [sflag:$0x1] =	stream.indirect_vreg.gather [hbm4b:s13+s2], $0x80, v58, vm0, $0xb8;
	[tilespmem:$0x13E00] =	vst v63  }
0x886: {  	v17 =	vperm.xlane v17, v16;
	v62 =	vadd.s32 v3, v61;
	s31 =	simm.s32 $0x5F80  }
0x887: {  	[tilespmem:s31], [sflag:$0x1] =	stream.indirect_vreg.gather [hbm4b:s13+s2], $0x80, v18, vm0, $0xb8;
	[tilespmem:$0x13E00] =	vst v63  }
0x888: {  	v17 =	vadd.s32 v3, v17;
	s30 =	simm.s32 $0x6000  }
0x889: {  	[tilespmem:s30], [sflag:$0x1] =	stream.indirect_vreg.gather [hbm4b:s13+s2], $0x80, v19, vm0, $0xb8;
	[tilespmem:$0x13E00] =	vst v63  }
0x88a: {  	s31 =	simm.s32 $0x6080  }
0x88b: {  	[tilespmem:s31], [sflag:$0x1] =	stream.indirect_vreg.gather [hbm4b:s13+s2], $0x80, v62, vm0, $0xb8;
	[tilespmem:$0x13E00] =	vst v63  }
0x88c: {  	s30 =	simm.s32 $0x6100  }
0x88d: {  	[tilespmem:s30], [sflag:$0x1] =	stream.indirect_vreg.gather [hbm4b:s13+s2], $0x80, v17, vm0, $0xb8;
	[tilespmem:$0x13E00] =	vst v63  }
0x88e: {  	v17 =	vld [tilespmem:$0x4D0];
	_ =	sdelay $0x4  }
0x88f: {  	v18 =	vshrl.u32 v17, $0x3  }
0x890: {  	v18 =	vmul.u32 $0x278, v18  }
0x891: {  	v17 =	vand.u32 $0x7, v17  }
0x892: {  	v17 =	vor.u32 v17, v18  }
0x893: {  	v18 =	vperm.xlane v17, v2;
	_ =	sdelay $0x1  }
0x894: {  	v19 =	vperm.xlane v17, v4;
	v18 =	vadd.s32 v3, v18;
	_ =	sdelay $0x1  }
0x895: {  	v63 =	vperm.xlane v17, v5;
	v19 =	vadd.s32 v3, v19;
	_ =	sdelay $0x1  }
0x896: {  	s31 =	simm.s32 $0x6180;
	v24 =	vperm.xlane v17, v0;
	v20 =	vadd.s32 v3, v63  }
0x897: {  	[tilespmem:s31], [sflag:$0x1] =	stream.indirect_vreg.gather [hbm4b:s13+s2], $0x80, v18, vm0, $0xb8;
	[tilespmem:$0x13E00] =	vst v63  }
0x898: {  	s30 =	simm.s32 $0x6200;
	v25 =	vperm.xlane v17, v6;
	v18 =	vadd.s32 v3, v24  }
0x899: {  	[tilespmem:s30], [sflag:$0x1] =	stream.indirect_vreg.gather [hbm4b:s13+s2], $0x80, v19, vm0, $0xb8;
	[tilespmem:$0x13E00] =	vst v63  }
0x89a: {  	v26 =	vperm.xlane v17, v7;
	s31 =	simm.s32 $0x6280;
	v19 =	vadd.s32 v3, v25  }
0x89b: {  	[tilespmem:s31], [sflag:$0x1] =	stream.indirect_vreg.gather [hbm4b:s13+s2], $0x80, v20, vm0, $0xb8;
	[tilespmem:$0x13E00] =	vst v63  }
0x89c: {  	v28 =	vperm.xlane v17, v8;
	v27 =	vadd.s32 v3, v26;
	s30 =	simm.s32 $0x6300  }
0x89d: {  	[tilespmem:s30], [sflag:$0x1] =	stream.indirect_vreg.gather [hbm4b:s13+s2], $0x80, v18, vm0, $0xb8;
	[tilespmem:$0x13E00] =	vst v63  }
0x89e: {  	v29 =	vperm.xlane v17, v1;
	s31 =	simm.s32 $0x6380;
	v18 =	vadd.s32 v3, v28  }
0x89f: {  	[tilespmem:s31], [sflag:$0x1] =	stream.indirect_vreg.gather [hbm4b:s13+s2], $0x80, v19, vm0, $0xb8;
	[tilespmem:$0x13E00] =	vst v63  }
0x8a0: {  	v30 =	vperm.xlane v17, v9;
	s30 =	simm.s32 $0x6400;
	v19 =	vadd.s32 v3, v29  }
0x8a1: {  	[tilespmem:s30], [sflag:$0x1] =	stream.indirect_vreg.gather [hbm4b:s13+s2], $0x80, v27, vm0, $0xb8;
	[tilespmem:$0x13E00] =	vst v63  }
0x8a2: {  	v32 =	vperm.xlane v17, v10;
	v31 =	vadd.s32 v3, v30;
	s31 =	simm.s32 $0x6480  }
0x8a3: {  	[tilespmem:s31], [sflag:$0x1] =	stream.indirect_vreg.gather [hbm4b:s13+s2], $0x80, v18, vm0, $0xb8;
	[tilespmem:$0x13E00] =	vst v63  }
0x8a4: {  	v33 =	vperm.xlane v17, v11;
	s30 =	simm.s32 $0x6500;
	v18 =	vadd.s32 v3, v32  }
0x8a5: {  	[tilespmem:s30], [sflag:$0x1] =	stream.indirect_vreg.gather [hbm4b:s13+s2], $0x80, v19, vm0, $0xb8;
	[tilespmem:$0x13E00] =	vst v63  }
0x8a6: {  	v34 =	vperm.xlane v17, v12;
	s31 =	simm.s32 $0x6580;
	v19 =	vadd.s32 v3, v33  }
0x8a7: {  	[tilespmem:s31], [sflag:$0x1] =	stream.indirect_vreg.gather [hbm4b:s13+s2], $0x80, v31, vm0, $0xb8;
	[tilespmem:$0x13E00] =	vst v63  }
0x8a8: {  	v36 =	vperm.xlane v17, v13;
	v35 =	vadd.s32 v3, v34;
	s30 =	simm.s32 $0x6600  }
0x8a9: {  	[tilespmem:s30], [sflag:$0x1] =	stream.indirect_vreg.gather [hbm4b:s13+s2], $0x80, v18, vm0, $0xb8;
	[tilespmem:$0x13E00] =	vst v63  }
0x8aa: {  	v37 =	vperm.xlane v17, v14;
	s31 =	simm.s32 $0x6680;
	v18 =	vadd.s32 v3, v36  }
0x8ab: {  	[tilespmem:s31], [sflag:$0x1] =	stream.indirect_vreg.gather [hbm4b:s13+s2], $0x80, v19, vm0, $0xb8;
	[tilespmem:$0x13E00] =	vst v63  }
0x8ac: {  	v38 =	vperm.xlane v17, v15;
	s30 =	simm.s32 $0x6700;
	v19 =	vadd.s32 v3, v37  }
0x8ad: {  	[tilespmem:s30], [sflag:$0x1] =	stream.indirect_vreg.gather [hbm4b:s13+s2], $0x80, v35, vm0, $0xb8;
	[tilespmem:$0x13E00] =	vst v63  }
0x8ae: {  	v17 =	vperm.xlane v17, v16;
	v39 =	vadd.s32 v3, v38;
	s31 =	simm.s32 $0x6780  }
0x8af: {  	[tilespmem:s31], [sflag:$0x1] =	stream.indirect_vreg.gather [hbm4b:s13+s2], $0x80, v18, vm0, $0xb8;
	[tilespmem:$0x13E00] =	vst v63  }
0x8b0: {  	v17 =	vadd.s32 v3, v17;
	s30 =	simm.s32 $0x6800  }
0x8b1: {  	[tilespmem:s30], [sflag:$0x1] =	stream.indirect_vreg.gather [hbm4b:s13+s2], $0x80, v19, vm0, $0xb8;
	[tilespmem:$0x13E00] =	vst v63  }
0x8b2: {  	s31 =	simm.s32 $0x6880  }
0x8b3: {  	[tilespmem:s31], [sflag:$0x1] =	stream.indirect_vreg.gather [hbm4b:s13+s2], $0x80, v39, vm0, $0xb8;
	[tilespmem:$0x13E00] =	vst v63  }
0x8b4: {  	s30 =	simm.s32 $0x6900  }
0x8b5: {  	[tilespmem:s30], [sflag:$0x1] =	stream.indirect_vreg.gather [hbm4b:s13+s2], $0x80, v17, vm0, $0xb8;
	[tilespmem:$0x13E00] =	vst v63  }
0x8b6: {  	v17 =	vld.msk [tilespmem:$0x4E0], $0xf;
	_ =	sdelay $0x4  }
0x8b7: {  	v18 =	vshrl.u32 v17, $0x3  }
0x8b8: {  	v18 =	vmul.u32 $0x278, v18  }
0x8b9: {  	v17 =	vand.u32 $0x7, v17  }
0x8ba: {  	v17 =	vor.u32 v17, v18  }
0x8bb: {  	v18 =	vperm.xlane v17, v2;
	_ =	sdelay $0x1  }
0x8bc: {  	v19 =	vperm.xlane v17, v4;
	v18 =	vadd.s32 v3, v18;
	_ =	sdelay $0x1  }
0x8bd: {  	v40 =	vperm.xlane v17, v5;
	v19 =	vadd.s32 v3, v19;
	_ =	sdelay $0x1  }
0x8be: {  	s31 =	simm.s32 $0x6980;
	v17 =	vperm.xlane v17, v0;
	v20 =	vadd.s32 v3, v40  }
0x8bf: {  	[tilespmem:s31], [sflag:$0x1] =	stream.indirect_vreg.gather [hbm4b:s13+s2], $0x80, v18, vm0, $0xb8;
	[tilespmem:$0x13E00] =	vst v63  }
0x8c0: {  	s30 =	simm.s32 $0x6A00;
	v17 =	vadd.s32 v3, v17  }
0x8c1: {  	[tilespmem:s30], [sflag:$0x1] =	stream.indirect_vreg.gather [hbm4b:s13+s2], $0x80, v19, vm0, $0xb8;
	[tilespmem:$0x13E00] =	vst v63  }
0x8c2: {  	s31 =	simm.s32 $0x6A80  }
0x8c3: {  	[tilespmem:s31], [sflag:$0x1] =	stream.indirect_vreg.gather [hbm4b:s13+s2], $0x80, v20, vm0, $0xb8;
	[tilespmem:$0x13E00] =	vst v63  }
0x8c4: {  	s30 =	simm.s32 $0x6B00  }
0x8c5: {  	[tilespmem:s30], [sflag:$0x1] =	stream.indirect_vreg.gather [hbm4b:s13+s2], $0x80, v17, vm0, $0xb8;
	[tilespmem:$0x13E00] =	vst v63  }
0x8c6: {  	v17 =	vld [tilespmem:$0x500];
	_ =	sdelay $0x4  }
0x8c7: {  	v18 =	vshrl.u32 v17, $0x3  }
0x8c8: {  	v18 =	vmul.u32 $0x278, v18  }
0x8c9: {  	v17 =	vand.u32 $0x7, v17  }
0x8ca: {  	v17 =	vor.u32 v17, v18  }
0x8cb: {  	v18 =	vperm.xlane v17, v2;
	_ =	sdelay $0x1  }
0x8cc: {  	v19 =	vperm.xlane v17, v4;
	v18 =	vadd.s32 v3, v18;
	_ =	sdelay $0x1  }
0x8cd: {  	v41 =	vperm.xlane v17, v5;
	v19 =	vadd.s32 v3, v19;
	_ =	sdelay $0x1  }
0x8ce: {  	s31 =	simm.s32 $0x6D80;
	v42 =	vperm.xlane v17, v0;
	v20 =	vadd.s32 v3, v41  }
0x8cf: {  	[tilespmem:s31], [sflag:$0x1] =	stream.indirect_vreg.gather [hbm4b:s14+s2], $0x80, v18, vm0, $0xb8;
	[tilespmem:$0x13E00] =	vst v63  }
0x8d0: {  	s30 =	simm.s32 $0x6E00;
	v43 =	vperm.xlane v17, v6;
	v18 =	vadd.s32 v3, v42  }
0x8d1: {  	[tilespmem:s30], [sflag:$0x1] =	stream.indirect_vreg.gather [hbm4b:s14+s2], $0x80, v19, vm0, $0xb8;
	[tilespmem:$0x13E00] =	vst v63  }
0x8d2: {  	v44 =	vperm.xlane v17, v7;
	s31 =	simm.s32 $0x6E80;
	v19 =	vadd.s32 v3, v43  }
0x8d3: {  	[tilespmem:s31], [sflag:$0x1] =	stream.indirect_vreg.gather [hbm4b:s14+s2], $0x80, v20, vm0, $0xb8;
	[tilespmem:$0x13E00] =	vst v63  }
0x8d4: {  	v46 =	vperm.xlane v17, v8;
	v45 =	vadd.s32 v3, v44;
	s30 =	simm.s32 $0x6F00  }
0x8d5: {  	[tilespmem:s30], [sflag:$0x1] =	stream.indirect_vreg.gather [hbm4b:s14+s2], $0x80, v18, vm0, $0xb8;
	[tilespmem:$0x13E00] =	vst v63  }
0x8d6: {  	v47 =	vperm.xlane v17, v1;
	s31 =	simm.s32 $0x6F80;
	v18 =	vadd.s32 v3, v46  }
0x8d7: {  	[tilespmem:s31], [sflag:$0x1] =	stream.indirect_vreg.gather [hbm4b:s14+s2], $0x80, v19, vm0, $0xb8;
	[tilespmem:$0x13E00] =	vst v63  }
0x8d8: {  	v48 =	vperm.xlane v17, v9;
	s30 =	simm.s32 $0x7000;
	v19 =	vadd.s32 v3, v47  }
0x8d9: {  	[tilespmem:s30], [sflag:$0x1] =	stream.indirect_vreg.gather [hbm4b:s14+s2], $0x80, v45, vm0, $0xb8;
	[tilespmem:$0x13E00] =	vst v63  }
0x8da: {  	v50 =	vperm.xlane v17, v10;
	v49 =	vadd.s32 v3, v48;
	s31 =	simm.s32 $0x7080  }
0x8db: {  	[tilespmem:s31], [sflag:$0x1] =	stream.indirect_vreg.gather [hbm4b:s14+s2], $0x80, v18, vm0, $0xb8;
	[tilespmem:$0x13E00] =	vst v63  }
0x8dc: {  	v51 =	vperm.xlane v17, v11;
	s30 =	simm.s32 $0x7100;
	v18 =	vadd.s32 v3, v50  }
0x8dd: {  	[tilespmem:s30], [sflag:$0x1] =	stream.indirect_vreg.gather [hbm4b:s14+s2], $0x80, v19, vm0, $0xb8;
	[tilespmem:$0x13E00] =	vst v63  }
0x8de: {  	v52 =	vperm.xlane v17, v12;
	s31 =	simm.s32 $0x7180;
	v19 =	vadd.s32 v3, v51  }
0x8df: {  	[tilespmem:s31], [sflag:$0x1] =	stream.indirect_vreg.gather [hbm4b:s14+s2], $0x80, v49, vm0, $0xb8;
	[tilespmem:$0x13E00] =	vst v63  }
0x8e0: {  	v54 =	vperm.xlane v17, v13;
	v53 =	vadd.s32 v3, v52;
	s30 =	simm.s32 $0x7200  }
0x8e1: {  	[tilespmem:s30], [sflag:$0x1] =	stream.indirect_vreg.gather [hbm4b:s14+s2], $0x80, v18, vm0, $0xb8;
	[tilespmem:$0x13E00] =	vst v63  }
0x8e2: {  	v55 =	vperm.xlane v17, v14;
	s31 =	simm.s32 $0x7280;
	v18 =	vadd.s32 v3, v54  }
0x8e3: {  	[tilespmem:s31], [sflag:$0x1] =	stream.indirect_vreg.gather [hbm4b:s14+s2], $0x80, v19, vm0, $0xb8;
	[tilespmem:$0x13E00] =	vst v63  }
0x8e4: {  	v56 =	vperm.xlane v17, v15;
	s30 =	simm.s32 $0x7300;
	v19 =	vadd.s32 v3, v55  }
0x8e5: {  	[tilespmem:s30], [sflag:$0x1] =	stream.indirect_vreg.gather [hbm4b:s14+s2], $0x80, v53, vm0, $0xb8;
	[tilespmem:$0x13E00] =	vst v63  }
0x8e6: {  	v17 =	vperm.xlane v17, v16;
	v57 =	vadd.s32 v3, v56;
	s31 =	simm.s32 $0x7380  }
0x8e7: {  	[tilespmem:s31], [sflag:$0x1] =	stream.indirect_vreg.gather [hbm4b:s14+s2], $0x80, v18, vm0, $0xb8;
	[tilespmem:$0x13E00] =	vst v63  }
0x8e8: {  	v17 =	vadd.s32 v3, v17;
	s30 =	simm.s32 $0x7400  }
0x8e9: {  	[tilespmem:s30], [sflag:$0x1] =	stream.indirect_vreg.gather [hbm4b:s14+s2], $0x80, v19, vm0, $0xb8;
	[tilespmem:$0x13E00] =	vst v63  }
0x8ea: {  	s31 =	simm.s32 $0x7480  }
0x8eb: {  	[tilespmem:s31], [sflag:$0x1] =	stream.indirect_vreg.gather [hbm4b:s14+s2], $0x80, v57, vm0, $0xb8;
	[tilespmem:$0x13E00] =	vst v63  }
0x8ec: {  	s30 =	simm.s32 $0x7500  }
0x8ed: {  	[tilespmem:s30], [sflag:$0x1] =	stream.indirect_vreg.gather [hbm4b:s14+s2], $0x80, v17, vm0, $0xb8;
	[tilespmem:$0x13E00] =	vst v63  }
0x8ee: {  	v17 =	vld [tilespmem:$0x510];
	_ =	sdelay $0x4  }
0x8ef: {  	v18 =	vshrl.u32 v17, $0x3  }
0x8f0: {  	v18 =	vmul.u32 $0x278, v18  }
0x8f1: {  	v17 =	vand.u32 $0x7, v17  }
0x8f2: {  	v17 =	vor.u32 v17, v18  }
0x8f3: {  	v18 =	vperm.xlane v17, v2;
	_ =	sdelay $0x1  }
0x8f4: {  	v19 =	vperm.xlane v17, v4;
	v18 =	vadd.s32 v3, v18;
	_ =	sdelay $0x1  }
0x8f5: {  	v58 =	vperm.xlane v17, v5;
	v19 =	vadd.s32 v3, v19;
	_ =	sdelay $0x1  }
0x8f6: {  	s31 =	simm.s32 $0x7580;
	v59 =	vperm.xlane v17, v0;
	v20 =	vadd.s32 v3, v58  }
0x8f7: {  	[tilespmem:s31], [sflag:$0x1] =	stream.indirect_vreg.gather [hbm4b:s14+s2], $0x80, v18, vm0, $0xb8;
	[tilespmem:$0x13E00] =	vst v63  }
0x8f8: {  	s30 =	simm.s32 $0x7600;
	v60 =	vperm.xlane v17, v6;
	v18 =	vadd.s32 v3, v59  }
0x8f9: {  	[tilespmem:s30], [sflag:$0x1] =	stream.indirect_vreg.gather [hbm4b:s14+s2], $0x80, v19, vm0, $0xb8;
	[tilespmem:$0x13E00] =	vst v63  }
0x8fa: {  	v61 =	vperm.xlane v17, v7;
	s31 =	simm.s32 $0x7680;
	v19 =	vadd.s32 v3, v60  }
0x8fb: {  	[tilespmem:s31], [sflag:$0x1] =	stream.indirect_vreg.gather [hbm4b:s14+s2], $0x80, v20, vm0, $0xb8;
	[tilespmem:$0x13E00] =	vst v63  }
0x8fc: {  	v63 =	vperm.xlane v17, v8;
	v62 =	vadd.s32 v3, v61;
	s30 =	simm.s32 $0x7700  }
0x8fd: {  	[tilespmem:s30], [sflag:$0x1] =	stream.indirect_vreg.gather [hbm4b:s14+s2], $0x80, v18, vm0, $0xb8;
	[tilespmem:$0x13E00] =	vst v63  }
0x8fe: {  	v24 =	vperm.xlane v17, v1;
	s31 =	simm.s32 $0x7780;
	v18 =	vadd.s32 v3, v63  }
0x8ff: {  	[tilespmem:s31], [sflag:$0x1] =	stream.indirect_vreg.gather [hbm4b:s14+s2], $0x80, v19, vm0, $0xb8;
	[tilespmem:$0x13E00] =	vst v63  }
0x900: {  	v25 =	vperm.xlane v17, v9;
	s30 =	simm.s32 $0x7800;
	v19 =	vadd.s32 v3, v24  }
0x901: {  	[tilespmem:s30], [sflag:$0x1] =	stream.indirect_vreg.gather [hbm4b:s14+s2], $0x80, v62, vm0, $0xb8;
	[tilespmem:$0x13E00] =	vst v63  }
0x902: {  	v27 =	vperm.xlane v17, v10;
	v26 =	vadd.s32 v3, v25;
	s31 =	simm.s32 $0x7880  }
0x903: {  	[tilespmem:s31], [sflag:$0x1] =	stream.indirect_vreg.gather [hbm4b:s14+s2], $0x80, v18, vm0, $0xb8;
	[tilespmem:$0x13E00] =	vst v63  }
0x904: {  	v28 =	vperm.xlane v17, v11;
	s30 =	simm.s32 $0x7900;
	v18 =	vadd.s32 v3, v27  }
0x905: {  	[tilespmem:s30], [sflag:$0x1] =	stream.indirect_vreg.gather [hbm4b:s14+s2], $0x80, v19, vm0, $0xb8;
	[tilespmem:$0x13E00] =	vst v63  }
0x906: {  	v29 =	vperm.xlane v17, v12;
	s31 =	simm.s32 $0x7980;
	v19 =	vadd.s32 v3, v28  }
0x907: {  	[tilespmem:s31], [sflag:$0x1] =	stream.indirect_vreg.gather [hbm4b:s14+s2], $0x80, v26, vm0, $0xb8;
	[tilespmem:$0x13E00] =	vst v63  }
0x908: {  	v31 =	vperm.xlane v17, v13;
	v30 =	vadd.s32 v3, v29;
	s30 =	simm.s32 $0x7A00  }
0x909: {  	[tilespmem:s30], [sflag:$0x1] =	stream.indirect_vreg.gather [hbm4b:s14+s2], $0x80, v18, vm0, $0xb8;
	[tilespmem:$0x13E00] =	vst v63  }
0x90a: {  	v32 =	vperm.xlane v17, v14;
	s31 =	simm.s32 $0x7A80;
	v18 =	vadd.s32 v3, v31  }
0x90b: {  	[tilespmem:s31], [sflag:$0x1] =	stream.indirect_vreg.gather [hbm4b:s14+s2], $0x80, v19, vm0, $0xb8;
	[tilespmem:$0x13E00] =	vst v63  }
0x90c: {  	v33 =	vperm.xlane v17, v15;
	s30 =	simm.s32 $0x7B00;
	v19 =	vadd.s32 v3, v32  }
0x90d: {  	[tilespmem:s30], [sflag:$0x1] =	stream.indirect_vreg.gather [hbm4b:s14+s2], $0x80, v30, vm0, $0xb8;
	[tilespmem:$0x13E00] =	vst v63  }
0x90e: {  	v17 =	vperm.xlane v17, v16;
	v34 =	vadd.s32 v3, v33;
	s31 =	simm.s32 $0x7B80  }
0x90f: {  	[tilespmem:s31], [sflag:$0x1] =	stream.indirect_vreg.gather [hbm4b:s14+s2], $0x80, v18, vm0, $0xb8;
	[tilespmem:$0x13E00] =	vst v63  }
0x910: {  	v17 =	vadd.s32 v3, v17;
	s30 =	simm.s32 $0x7C00  }
0x911: {  	[tilespmem:s30], [sflag:$0x1] =	stream.indirect_vreg.gather [hbm4b:s14+s2], $0x80, v19, vm0, $0xb8;
	[tilespmem:$0x13E00] =	vst v63  }
0x912: {  	s31 =	simm.s32 $0x7C80  }
0x913: {  	[tilespmem:s31], [sflag:$0x1] =	stream.indirect_vreg.gather [hbm4b:s14+s2], $0x80, v34, vm0, $0xb8;
	[tilespmem:$0x13E00] =	vst v63  }
0x914: {  	s30 =	simm.s32 $0x7D00  }
0x915: {  	[tilespmem:s30], [sflag:$0x1] =	stream.indirect_vreg.gather [hbm4b:s14+s2], $0x80, v17, vm0, $0xb8;
	[tilespmem:$0x13E00] =	vst v63  }
0x916: {  	v17 =	vld [tilespmem:$0x520];
	_ =	sdelay $0x4  }
0x917: {  	v18 =	vshrl.u32 v17, $0x3  }
0x918: {  	v18 =	vmul.u32 $0x278, v18  }
0x919: {  	v17 =	vand.u32 $0x7, v17  }
0x91a: {  	v17 =	vor.u32 v17, v18  }
0x91b: {  	v18 =	vperm.xlane v17, v2;
	_ =	sdelay $0x1  }
0x91c: {  	v19 =	vperm.xlane v17, v4;
	v18 =	vadd.s32 v3, v18;
	_ =	sdelay $0x1  }
0x91d: {  	v35 =	vperm.xlane v17, v5;
	v19 =	vadd.s32 v3, v19;
	_ =	sdelay $0x1  }
0x91e: {  	s31 =	simm.s32 $0x7D80;
	v36 =	vperm.xlane v17, v0;
	v20 =	vadd.s32 v3, v35  }
0x91f: {  	[tilespmem:s31], [sflag:$0x1] =	stream.indirect_vreg.gather [hbm4b:s14+s2], $0x80, v18, vm0, $0xb8;
	[tilespmem:$0x13E00] =	vst v63  }
0x920: {  	s30 =	simm.s32 $0x7E00;
	v37 =	vperm.xlane v17, v6;
	v18 =	vadd.s32 v3, v36  }
0x921: {  	[tilespmem:s30], [sflag:$0x1] =	stream.indirect_vreg.gather [hbm4b:s14+s2], $0x80, v19, vm0, $0xb8;
	[tilespmem:$0x13E00] =	vst v63  }
0x922: {  	v38 =	vperm.xlane v17, v7;
	v19 =	vadd.s32 v3, v37  }
0x923: {  	[tilespmem:s24], [sflag:$0x1] =	stream.indirect_vreg.gather [hbm4b:s14+s2], $0x80, v20, vm0, $0xb8;
	[tilespmem:$0x13E00] =	vst v63  }
0x924: {  	v40 =	vperm.xlane v17, v8;
	v39 =	vadd.s32 v3, v38  }
0x925: {  	[tilespmem:s23], [sflag:$0x1] =	stream.indirect_vreg.gather [hbm4b:s14+s2], $0x80, v18, vm0, $0xb8;
	[tilespmem:$0x13E00] =	vst v63  }
0x926: {  	v41 =	vperm.xlane v17, v1;
	v18 =	vadd.s32 v3, v40  }
0x927: {  	[tilespmem:s22], [sflag:$0x1] =	stream.indirect_vreg.gather [hbm4b:s14+s2], $0x80, v19, vm0, $0xb8;
	[tilespmem:$0x13E00] =	vst v63  }
0x928: {  	v42 =	vperm.xlane v17, v9;
	v19 =	vadd.s32 v3, v41  }
0x929: {  	[tilespmem:s21], [sflag:$0x1] =	stream.indirect_vreg.gather [hbm4b:s14+s2], $0x80, v39, vm0, $0xb8;
	[tilespmem:$0x13E00] =	vst v63  }
0x92a: {  	v44 =	vperm.xlane v17, v10;
	v43 =	vadd.s32 v3, v42  }
0x92b: {  	[tilespmem:s20], [sflag:$0x1] =	stream.indirect_vreg.gather [hbm4b:s14+s2], $0x80, v18, vm0, $0xb8;
	[tilespmem:$0x13E00] =	vst v63  }
0x92c: {  	v45 =	vperm.xlane v17, v11;
	v18 =	vadd.s32 v3, v44  }
0x92d: {  	[tilespmem:s19], [sflag:$0x1] =	stream.indirect_vreg.gather [hbm4b:s14+s2], $0x80, v19, vm0, $0xb8;
	[tilespmem:$0x13E00] =	vst v63  }
0x92e: {  	v46 =	vperm.xlane v17, v12;
	v19 =	vadd.s32 v3, v45  }
0x92f: {  	[tilespmem:s0], [sflag:$0x1] =	stream.indirect_vreg.gather [hbm4b:s14+s2], $0x80, v43, vm0, $0xb8;
	[tilespmem:$0x13E00] =	vst v63  }
0x930: {  	v48 =	vperm.xlane v17, v13;
	v47 =	vadd.s32 v3, v46;
	s31 =	simm.s32 $0x8200  }
0x931: {  	[tilespmem:s31], [sflag:$0x1] =	stream.indirect_vreg.gather [hbm4b:s14+s2], $0x80, v18, vm0, $0xb8;
	[tilespmem:$0x13E00] =	vst v63  }
0x932: {  	v49 =	vperm.xlane v17, v14;
	s30 =	simm.s32 $0x8280;
	v18 =	vadd.s32 v3, v48  }
0x933: {  	[tilespmem:s30], [sflag:$0x1] =	stream.indirect_vreg.gather [hbm4b:s14+s2], $0x80, v19, vm0, $0xb8;
	[tilespmem:$0x13E00] =	vst v63  }
0x934: {  	v50 =	vperm.xlane v17, v15;
	s31 =	simm.s32 $0x8300;
	v19 =	vadd.s32 v3, v49  }
0x935: {  	[tilespmem:s31], [sflag:$0x1] =	stream.indirect_vreg.gather [hbm4b:s14+s2], $0x80, v47, vm0, $0xb8;
	[tilespmem:$0x13E00] =	vst v63  }
0x936: {  	v17 =	vperm.xlane v17, v16;
	v51 =	vadd.s32 v3, v50;
	s30 =	simm.s32 $0x8380  }
0x937: {  	[tilespmem:s30], [sflag:$0x1] =	stream.indirect_vreg.gather [hbm4b:s14+s2], $0x80, v18, vm0, $0xb8;
	[tilespmem:$0x13E00] =	vst v63  }
0x938: {  	v17 =	vadd.s32 v3, v17;
	s31 =	simm.s32 $0x8400  }
0x939: {  	[tilespmem:s31], [sflag:$0x1] =	stream.indirect_vreg.gather [hbm4b:s14+s2], $0x80, v19, vm0, $0xb8;
	[tilespmem:$0x13E00] =	vst v63  }
0x93a: {  	s30 =	simm.s32 $0x8480  }
0x93b: {  	[tilespmem:s30], [sflag:$0x1] =	stream.indirect_vreg.gather [hbm4b:s14+s2], $0x80, v51, vm0, $0xb8;
	[tilespmem:$0x13E00] =	vst v63  }
0x93c: {  	s31 =	simm.s32 $0x8500  }
0x93d: {  	[tilespmem:s31], [sflag:$0x1] =	stream.indirect_vreg.gather [hbm4b:s14+s2], $0x80, v17, vm0, $0xb8;
	[tilespmem:$0x13E00] =	vst v63  }
0x93e: {  	v17 =	vld [tilespmem:$0x530];
	_ =	sdelay $0x4  }
0x93f: {  	v18 =	vshrl.u32 v17, $0x3  }
0x940: {  	v18 =	vmul.u32 $0x278, v18  }
0x941: {  	v17 =	vand.u32 $0x7, v17  }
0x942: {  	v17 =	vor.u32 v17, v18  }
0x943: {  	v18 =	vperm.xlane v17, v2;
	_ =	sdelay $0x1  }
0x944: {  	v19 =	vperm.xlane v17, v4;
	v18 =	vadd.s32 v3, v18;
	_ =	sdelay $0x1  }
0x945: {  	v52 =	vperm.xlane v17, v5;
	v19 =	vadd.s32 v3, v19;
	_ =	sdelay $0x1  }
0x946: {  	s30 =	simm.s32 $0x8580;
	v53 =	vperm.xlane v17, v0;
	v20 =	vadd.s32 v3, v52  }
0x947: {  	[tilespmem:s30], [sflag:$0x1] =	stream.indirect_vreg.gather [hbm4b:s14+s2], $0x80, v18, vm0, $0xb8;
	[tilespmem:$0x13E00] =	vst v63  }
0x948: {  	s31 =	simm.s32 $0x8600;
	v54 =	vperm.xlane v17, v6;
	v18 =	vadd.s32 v3, v53  }
0x949: {  	[tilespmem:s31], [sflag:$0x1] =	stream.indirect_vreg.gather [hbm4b:s14+s2], $0x80, v19, vm0, $0xb8;
	[tilespmem:$0x13E00] =	vst v63  }
0x94a: {  	v55 =	vperm.xlane v17, v7;
	s30 =	simm.s32 $0x8680;
	v19 =	vadd.s32 v3, v54  }
0x94b: {  	[tilespmem:s30], [sflag:$0x1] =	stream.indirect_vreg.gather [hbm4b:s14+s2], $0x80, v20, vm0, $0xb8;
	[tilespmem:$0x13E00] =	vst v63  }
0x94c: {  	v57 =	vperm.xlane v17, v8;
	v56 =	vadd.s32 v3, v55;
	s31 =	simm.s32 $0x8700  }
0x94d: {  	[tilespmem:s31], [sflag:$0x1] =	stream.indirect_vreg.gather [hbm4b:s14+s2], $0x80, v18, vm0, $0xb8;
	[tilespmem:$0x13E00] =	vst v63  }
0x94e: {  	v58 =	vperm.xlane v17, v1;
	s30 =	simm.s32 $0x8780;
	v18 =	vadd.s32 v3, v57  }
0x94f: {  	[tilespmem:s30], [sflag:$0x1] =	stream.indirect_vreg.gather [hbm4b:s14+s2], $0x80, v19, vm0, $0xb8;
	[tilespmem:$0x13E00] =	vst v63  }
0x950: {  	v59 =	vperm.xlane v17, v9;
	s31 =	simm.s32 $0x8800;
	v19 =	vadd.s32 v3, v58  }
0x951: {  	[tilespmem:s31], [sflag:$0x1] =	stream.indirect_vreg.gather [hbm4b:s14+s2], $0x80, v56, vm0, $0xb8;
	[tilespmem:$0x13E00] =	vst v63  }
0x952: {  	v61 =	vperm.xlane v17, v10;
	v60 =	vadd.s32 v3, v59;
	s30 =	simm.s32 $0x8880  }
0x953: {  	[tilespmem:s30], [sflag:$0x1] =	stream.indirect_vreg.gather [hbm4b:s14+s2], $0x80, v18, vm0, $0xb8;
	[tilespmem:$0x13E00] =	vst v63  }
0x954: {  	v62 =	vperm.xlane v17, v11;
	s31 =	simm.s32 $0x8900;
	v18 =	vadd.s32 v3, v61  }
0x955: {  	[tilespmem:s31], [sflag:$0x1] =	stream.indirect_vreg.gather [hbm4b:s14+s2], $0x80, v19, vm0, $0xb8;
	[tilespmem:$0x13E00] =	vst v63  }
0x956: {  	v63 =	vperm.xlane v17, v12;
	s30 =	simm.s32 $0x8980;
	v19 =	vadd.s32 v3, v62  }
0x957: {  	[tilespmem:s30], [sflag:$0x1] =	stream.indirect_vreg.gather [hbm4b:s14+s2], $0x80, v60, vm0, $0xb8;
	[tilespmem:$0x13E00] =	vst v63  }
0x958: {  	v25 =	vperm.xlane v17, v13;
	v24 =	vadd.s32 v3, v63;
	s31 =	simm.s32 $0x8A00  }
0x959: {  	[tilespmem:s31], [sflag:$0x1] =	stream.indirect_vreg.gather [hbm4b:s14+s2], $0x80, v18, vm0, $0xb8;
	[tilespmem:$0x13E00] =	vst v63  }
0x95a: {  	v26 =	vperm.xlane v17, v14;
	s30 =	simm.s32 $0x8A80;
	v18 =	vadd.s32 v3, v25  }
0x95b: {  	[tilespmem:s30], [sflag:$0x1] =	stream.indirect_vreg.gather [hbm4b:s14+s2], $0x80, v19, vm0, $0xb8;
	[tilespmem:$0x13E00] =	vst v63  }
0x95c: {  	v27 =	vperm.xlane v17, v15;
	s31 =	simm.s32 $0x8B00;
	v19 =	vadd.s32 v3, v26  }
0x95d: {  	[tilespmem:s31], [sflag:$0x1] =	stream.indirect_vreg.gather [hbm4b:s14+s2], $0x80, v24, vm0, $0xb8;
	[tilespmem:$0x13E00] =	vst v63  }
0x95e: {  	v17 =	vperm.xlane v17, v16;
	v28 =	vadd.s32 v3, v27;
	s30 =	simm.s32 $0x8B80  }
0x95f: {  	[tilespmem:s30], [sflag:$0x1] =	stream.indirect_vreg.gather [hbm4b:s14+s2], $0x80, v18, vm0, $0xb8;
	[tilespmem:$0x13E00] =	vst v63  }
0x960: {  	v17 =	vadd.s32 v3, v17;
	s31 =	simm.s32 $0x8C00  }
0x961: {  	[tilespmem:s31], [sflag:$0x1] =	stream.indirect_vreg.gather [hbm4b:s14+s2], $0x80, v19, vm0, $0xb8;
	[tilespmem:$0x13E00] =	vst v63  }
0x962: {  	s30 =	simm.s32 $0x8C80  }
0x963: {  	[tilespmem:s30], [sflag:$0x1] =	stream.indirect_vreg.gather [hbm4b:s14+s2], $0x80, v28, vm0, $0xb8;
	[tilespmem:$0x13E00] =	vst v63  }
0x964: {  	s31 =	simm.s32 $0x8D00  }
0x965: {  	[tilespmem:s31], [sflag:$0x1] =	stream.indirect_vreg.gather [hbm4b:s14+s2], $0x80, v17, vm0, $0xb8;
	[tilespmem:$0x13E00] =	vst v63  }
0x966: {  	v17 =	vld [tilespmem:$0x540];
	_ =	sdelay $0x4  }
0x967: {  	v18 =	vshrl.u32 v17, $0x3  }
0x968: {  	v18 =	vmul.u32 $0x278, v18  }
0x969: {  	v17 =	vand.u32 $0x7, v17  }
0x96a: {  	v17 =	vor.u32 v17, v18  }
0x96b: {  	v18 =	vperm.xlane v17, v2;
	_ =	sdelay $0x1  }
0x96c: {  	v19 =	vperm.xlane v17, v4;
	v18 =	vadd.s32 v3, v18;
	_ =	sdelay $0x1  }
0x96d: {  	v29 =	vperm.xlane v17, v5;
	v19 =	vadd.s32 v3, v19;
	_ =	sdelay $0x1  }
0x96e: {  	s30 =	simm.s32 $0x8D80;
	v30 =	vperm.xlane v17, v0;
	v20 =	vadd.s32 v3, v29  }
0x96f: {  	[tilespmem:s30], [sflag:$0x1] =	stream.indirect_vreg.gather [hbm4b:s14+s2], $0x80, v18, vm0, $0xb8;
	[tilespmem:$0x13E00] =	vst v63  }
0x970: {  	s31 =	simm.s32 $0x8E00;
	v31 =	vperm.xlane v17, v6;
	v18 =	vadd.s32 v3, v30  }
0x971: {  	[tilespmem:s31], [sflag:$0x1] =	stream.indirect_vreg.gather [hbm4b:s14+s2], $0x80, v19, vm0, $0xb8;
	[tilespmem:$0x13E00] =	vst v63  }
0x972: {  	v32 =	vperm.xlane v17, v7;
	s30 =	simm.s32 $0x8E80;
	v19 =	vadd.s32 v3, v31  }
0x973: {  	[tilespmem:s30], [sflag:$0x1] =	stream.indirect_vreg.gather [hbm4b:s14+s2], $0x80, v20, vm0, $0xb8;
	[tilespmem:$0x13E00] =	vst v63  }
0x974: {  	v34 =	vperm.xlane v17, v8;
	v33 =	vadd.s32 v3, v32;
	s31 =	simm.s32 $0x8F00  }
0x975: {  	[tilespmem:s31], [sflag:$0x1] =	stream.indirect_vreg.gather [hbm4b:s14+s2], $0x80, v18, vm0, $0xb8;
	[tilespmem:$0x13E00] =	vst v63  }
0x976: {  	v35 =	vperm.xlane v17, v1;
	s30 =	simm.s32 $0x8F80;
	v18 =	vadd.s32 v3, v34  }
0x977: {  	[tilespmem:s30], [sflag:$0x1] =	stream.indirect_vreg.gather [hbm4b:s14+s2], $0x80, v19, vm0, $0xb8;
	[tilespmem:$0x13E00] =	vst v63  }
0x978: {  	v36 =	vperm.xlane v17, v9;
	s31 =	simm.s32 $0x9000;
	v19 =	vadd.s32 v3, v35  }
0x979: {  	[tilespmem:s31], [sflag:$0x1] =	stream.indirect_vreg.gather [hbm4b:s14+s2], $0x80, v33, vm0, $0xb8;
	[tilespmem:$0x13E00] =	vst v63  }
0x97a: {  	v38 =	vperm.xlane v17, v10;
	v37 =	vadd.s32 v3, v36;
	s30 =	simm.s32 $0x9080  }
0x97b: {  	[tilespmem:s30], [sflag:$0x1] =	stream.indirect_vreg.gather [hbm4b:s14+s2], $0x80, v18, vm0, $0xb8;
	[tilespmem:$0x13E00] =	vst v63  }
0x97c: {  	v39 =	vperm.xlane v17, v11;
	s31 =	simm.s32 $0x9100;
	v18 =	vadd.s32 v3, v38  }
0x97d: {  	[tilespmem:s31], [sflag:$0x1] =	stream.indirect_vreg.gather [hbm4b:s14+s2], $0x80, v19, vm0, $0xb8;
	[tilespmem:$0x13E00] =	vst v63  }
0x97e: {  	v40 =	vperm.xlane v17, v12;
	s30 =	simm.s32 $0x9180;
	v19 =	vadd.s32 v3, v39  }
0x97f: {  	[tilespmem:s30], [sflag:$0x1] =	stream.indirect_vreg.gather [hbm4b:s14+s2], $0x80, v37, vm0, $0xb8;
	[tilespmem:$0x13E00] =	vst v63  }
0x980: {  	v42 =	vperm.xlane v17, v13;
	v41 =	vadd.s32 v3, v40;
	s31 =	simm.s32 $0x9200  }
0x981: {  	[tilespmem:s31], [sflag:$0x1] =	stream.indirect_vreg.gather [hbm4b:s14+s2], $0x80, v18, vm0, $0xb8;
	[tilespmem:$0x13E00] =	vst v63  }
0x982: {  	v43 =	vperm.xlane v17, v14;
	s30 =	simm.s32 $0x9280;
	v18 =	vadd.s32 v3, v42  }
0x983: {  	[tilespmem:s30], [sflag:$0x1] =	stream.indirect_vreg.gather [hbm4b:s14+s2], $0x80, v19, vm0, $0xb8;
	[tilespmem:$0x13E00] =	vst v63  }
0x984: {  	v44 =	vperm.xlane v17, v15;
	s31 =	simm.s32 $0x9300;
	v19 =	vadd.s32 v3, v43  }
0x985: {  	[tilespmem:s31], [sflag:$0x1] =	stream.indirect_vreg.gather [hbm4b:s14+s2], $0x80, v41, vm0, $0xb8;
	[tilespmem:$0x13E00] =	vst v63  }
0x986: {  	v17 =	vperm.xlane v17, v16;
	v45 =	vadd.s32 v3, v44;
	s30 =	simm.s32 $0x9380  }
0x987: {  	[tilespmem:s30], [sflag:$0x1] =	stream.indirect_vreg.gather [hbm4b:s14+s2], $0x80, v18, vm0, $0xb8;
	[tilespmem:$0x13E00] =	vst v63  }
0x988: {  	v17 =	vadd.s32 v3, v17;
	s31 =	simm.s32 $0x9400  }
0x989: {  	[tilespmem:s31], [sflag:$0x1] =	stream.indirect_vreg.gather [hbm4b:s14+s2], $0x80, v19, vm0, $0xb8;
	[tilespmem:$0x13E00] =	vst v63  }
0x98a: {  	s30 =	simm.s32 $0x9480  }
0x98b: {  	[tilespmem:s30], [sflag:$0x1] =	stream.indirect_vreg.gather [hbm4b:s14+s2], $0x80, v45, vm0, $0xb8;
	[tilespmem:$0x13E00] =	vst v63  }
0x98c: {  	s31 =	simm.s32 $0x9500  }
0x98d: {  	[tilespmem:s31], [sflag:$0x1] =	stream.indirect_vreg.gather [hbm4b:s14+s2], $0x80, v17, vm0, $0xb8;
	[tilespmem:$0x13E00] =	vst v63  }
0x98e: {  	v17 =	vld [tilespmem:$0x550];
	_ =	sdelay $0x4  }
0x98f: {  	v18 =	vshrl.u32 v17, $0x3  }
0x990: {  	v18 =	vmul.u32 $0x278, v18  }
0x991: {  	v17 =	vand.u32 $0x7, v17  }
0x992: {  	v17 =	vor.u32 v17, v18  }
0x993: {  	v18 =	vperm.xlane v17, v2;
	_ =	sdelay $0x1  }
0x994: {  	v19 =	vperm.xlane v17, v4;
	v18 =	vadd.s32 v3, v18;
	_ =	sdelay $0x1  }
0x995: {  	v46 =	vperm.xlane v17, v5;
	v19 =	vadd.s32 v3, v19;
	_ =	sdelay $0x1  }
0x996: {  	s30 =	simm.s32 $0x9580;
	v47 =	vperm.xlane v17, v0;
	v20 =	vadd.s32 v3, v46  }
0x997: {  	[tilespmem:s30], [sflag:$0x1] =	stream.indirect_vreg.gather [hbm4b:s14+s2], $0x80, v18, vm0, $0xb8;
	[tilespmem:$0x13E00] =	vst v63  }
0x998: {  	s31 =	simm.s32 $0x9600;
	v48 =	vperm.xlane v17, v6;
	v18 =	vadd.s32 v3, v47  }
0x999: {  	[tilespmem:s31], [sflag:$0x1] =	stream.indirect_vreg.gather [hbm4b:s14+s2], $0x80, v19, vm0, $0xb8;
	[tilespmem:$0x13E00] =	vst v63  }
0x99a: {  	v49 =	vperm.xlane v17, v7;
	s30 =	simm.s32 $0x9680;
	v19 =	vadd.s32 v3, v48  }
0x99b: {  	[tilespmem:s30], [sflag:$0x1] =	stream.indirect_vreg.gather [hbm4b:s14+s2], $0x80, v20, vm0, $0xb8;
	[tilespmem:$0x13E00] =	vst v63  }
0x99c: {  	v51 =	vperm.xlane v17, v8;
	v50 =	vadd.s32 v3, v49;
	s31 =	simm.s32 $0x9700  }
0x99d: {  	[tilespmem:s31], [sflag:$0x1] =	stream.indirect_vreg.gather [hbm4b:s14+s2], $0x80, v18, vm0, $0xb8;
	[tilespmem:$0x13E00] =	vst v63  }
0x99e: {  	v52 =	vperm.xlane v17, v1;
	s30 =	simm.s32 $0x9780;
	v18 =	vadd.s32 v3, v51  }
0x99f: {  	[tilespmem:s30], [sflag:$0x1] =	stream.indirect_vreg.gather [hbm4b:s14+s2], $0x80, v19, vm0, $0xb8;
	[tilespmem:$0x13E00] =	vst v63  }
0x9a0: {  	v53 =	vperm.xlane v17, v9;
	s31 =	simm.s32 $0x9800;
	v19 =	vadd.s32 v3, v52  }
0x9a1: {  	[tilespmem:s31], [sflag:$0x1] =	stream.indirect_vreg.gather [hbm4b:s14+s2], $0x80, v50, vm0, $0xb8;
	[tilespmem:$0x13E00] =	vst v63  }
0x9a2: {  	v55 =	vperm.xlane v17, v10;
	v54 =	vadd.s32 v3, v53;
	s30 =	simm.s32 $0x9880  }
0x9a3: {  	[tilespmem:s30], [sflag:$0x1] =	stream.indirect_vreg.gather [hbm4b:s14+s2], $0x80, v18, vm0, $0xb8;
	[tilespmem:$0x13E00] =	vst v63  }
0x9a4: {  	v56 =	vperm.xlane v17, v11;
	s31 =	simm.s32 $0x9900;
	v18 =	vadd.s32 v3, v55  }
0x9a5: {  	[tilespmem:s31], [sflag:$0x1] =	stream.indirect_vreg.gather [hbm4b:s14+s2], $0x80, v19, vm0, $0xb8;
	[tilespmem:$0x13E00] =	vst v63  }
0x9a6: {  	v57 =	vperm.xlane v17, v12;
	s30 =	simm.s32 $0x9980;
	v19 =	vadd.s32 v3, v56  }
0x9a7: {  	[tilespmem:s30], [sflag:$0x1] =	stream.indirect_vreg.gather [hbm4b:s14+s2], $0x80, v54, vm0, $0xb8;
	[tilespmem:$0x13E00] =	vst v63  }
0x9a8: {  	v59 =	vperm.xlane v17, v13;
	v58 =	vadd.s32 v3, v57;
	s31 =	simm.s32 $0x9A00  }
0x9a9: {  	[tilespmem:s31], [sflag:$0x1] =	stream.indirect_vreg.gather [hbm4b:s14+s2], $0x80, v18, vm0, $0xb8;
	[tilespmem:$0x13E00] =	vst v63  }
0x9aa: {  	v60 =	vperm.xlane v17, v14;
	s30 =	simm.s32 $0x9A80;
	v18 =	vadd.s32 v3, v59  }
0x9ab: {  	[tilespmem:s30], [sflag:$0x1] =	stream.indirect_vreg.gather [hbm4b:s14+s2], $0x80, v19, vm0, $0xb8;
	[tilespmem:$0x13E00] =	vst v63  }
0x9ac: {  	v61 =	vperm.xlane v17, v15;
	s31 =	simm.s32 $0x9B00;
	v19 =	vadd.s32 v3, v60  }
0x9ad: {  	[tilespmem:s31], [sflag:$0x1] =	stream.indirect_vreg.gather [hbm4b:s14+s2], $0x80, v58, vm0, $0xb8;
	[tilespmem:$0x13E00] =	vst v63  }
0x9ae: {  	v17 =	vperm.xlane v17, v16;
	v62 =	vadd.s32 v3, v61;
	s30 =	simm.s32 $0x9B80  }
0x9af: {  	[tilespmem:s30], [sflag:$0x1] =	stream.indirect_vreg.gather [hbm4b:s14+s2], $0x80, v18, vm0, $0xb8;
	[tilespmem:$0x13E00] =	vst v63  }
0x9b0: {  	v17 =	vadd.s32 v3, v17;
	s31 =	simm.s32 $0x9C00  }
0x9b1: {  	[tilespmem:s31], [sflag:$0x1] =	stream.indirect_vreg.gather [hbm4b:s14+s2], $0x80, v19, vm0, $0xb8;
	[tilespmem:$0x13E00] =	vst v63  }
0x9b2: {  	s30 =	simm.s32 $0x9C80  }
0x9b3: {  	[tilespmem:s30], [sflag:$0x1] =	stream.indirect_vreg.gather [hbm4b:s14+s2], $0x80, v62, vm0, $0xb8;
	[tilespmem:$0x13E00] =	vst v63  }
0x9b4: {  	s31 =	simm.s32 $0x9D00  }
0x9b5: {  	[tilespmem:s31], [sflag:$0x1] =	stream.indirect_vreg.gather [hbm4b:s14+s2], $0x80, v17, vm0, $0xb8;
	[tilespmem:$0x13E00] =	vst v63  }
0x9b6: {  	v17 =	vld.msk [tilespmem:$0x560], $0xf;
	_ =	sdelay $0x4  }
0x9b7: {  	v18 =	vshrl.u32 v17, $0x3  }
0x9b8: {  	v18 =	vmul.u32 $0x278, v18  }
0x9b9: {  	v17 =	vand.u32 $0x7, v17  }
0x9ba: {  	v17 =	vor.u32 v17, v18  }
0x9bb: {  	v18 =	vperm.xlane v17, v2;
	_ =	sdelay $0x1  }
0x9bc: {  	v19 =	vperm.xlane v17, v4;
	v18 =	vadd.s32 v3, v18;
	_ =	sdelay $0x1  }
0x9bd: {  	v63 =	vperm.xlane v17, v5;
	v19 =	vadd.s32 v3, v19;
	_ =	sdelay $0x1  }
0x9be: {  	s30 =	simm.s32 $0x9D80;
	v17 =	vperm.xlane v17, v0;
	v20 =	vadd.s32 v3, v63  }
0x9bf: {  	[tilespmem:s30], [sflag:$0x1] =	stream.indirect_vreg.gather [hbm4b:s14+s2], $0x80, v18, vm0, $0xb8;
	[tilespmem:$0x13E00] =	vst v63  }
0x9c0: {  	s31 =	simm.s32 $0x9E00;
	v17 =	vadd.s32 v3, v17  }
0x9c1: {  	[tilespmem:s31], [sflag:$0x1] =	stream.indirect_vreg.gather [hbm4b:s14+s2], $0x80, v19, vm0, $0xb8;
	[tilespmem:$0x13E00] =	vst v63  }
0x9c2: {  	s30 =	simm.s32 $0x9E80  }
0x9c3: {  	[tilespmem:s30], [sflag:$0x1] =	stream.indirect_vreg.gather [hbm4b:s14+s2], $0x80, v20, vm0, $0xb8;
	[tilespmem:$0x13E00] =	vst v63  }
0x9c4: {  	s31 =	simm.s32 $0x9F00  }
0x9c5: {  	[tilespmem:s31], [sflag:$0x1] =	stream.indirect_vreg.gather [hbm4b:s14+s2], $0x80, v17, vm0, $0xb8;
	[tilespmem:$0x13E00] =	vst v63  }
.LBB2_12:
0x9c6: {  	v17 =	vld @!p4 [tilespmem:$0x480]  }
0x9c7: {  	v18 =	vld @!p4 [tilespmem:$0x490]  }
0x9c8: {  	v19 =	vld @!p4 [tilespmem:$0x4A0]  }
0x9c9: {  	v20 =	vld @!p4 [tilespmem:$0x4B0]  }
0x9ca: {  	v21 =	vld @!p4 [tilespmem:$0x4C0]  }
0x9cb: {  	v22 =	vld @!p4 [tilespmem:$0x4D0];
	v17 =	vadd.s32 @!p4 $0x3E8, v17  }
0x9cc: {  	[tilespmem:$0x480] =	vst @!p4 v17;
	v17 =	vadd.s32 @!p4 $0x3E8, v18;
	v18 =	vld @!p4 [tilespmem:$0x4E0]  }
0x9cd: {  	[tilespmem:$0x490] =	vst @!p4 v17;
	v17 =	vadd.s32 @!p4 $0x3E8, v19;
	v19 =	vld @!p4 [tilespmem:$0x500]  }
0x9ce: {  	[tilespmem:$0x4A0] =	vst @!p4 v17;
	v17 =	vadd.s32 @!p4 $0x3E8, v20;
	v20 =	vld @!p4 [tilespmem:$0x510]  }
0x9cf: {  	[tilespmem:$0x4B0] =	vst @!p4 v17;
	v17 =	vadd.s32 @!p4 $0x3E8, v21;
	v21 =	vld @!p4 [tilespmem:$0x520]  }
0x9d0: {  	[tilespmem:$0x4C0] =	vst @!p4 v17;
	v17 =	vadd.s32 @!p4 $0x3E8, v22;
	v22 =	vld @!p4 [tilespmem:$0x530]  }
0x9d1: {  	[tilespmem:$0x4D0] =	vst @!p4 v17;
	v17 =	vadd.s32 @!p4 $0x3E8, v18;
	v18 =	vld @!p4 [tilespmem:$0x540]  }
0x9d2: {  	[tilespmem:$0x4E0] =	vst @!p4 v17;
	v17 =	vadd.s32 @!p4 $0x7D0, v19;
	v19 =	vld @!p4 [tilespmem:$0x550]  }
0x9d3: {  	[tilespmem:$0x500] =	vst @!p4 v17;
	v17 =	vadd.s32 @!p4 $0x7D0, v20;
	v20 =	vld @!p4 [tilespmem:$0x560]  }
0x9d4: {  	[tilespmem:$0x510] =	vst @!p4 v17;
	v17 =	vadd.s32 @!p4 $0x7D0, v21  }
0x9d5: {  	[tilespmem:$0x520] =	vst @!p4 v17;
	v17 =	vadd.s32 @!p4 $0x7D0, v22  }
0x9d6: {  	[tilespmem:$0x530] =	vst @!p4 v17;
	v17 =	vadd.s32 @!p4 $0x7D0, v18  }
0x9d7: {  	[tilespmem:$0x540] =	vst @!p4 v17;
	v17 =	vadd.s32 @!p4 $0x7D0, v19  }
0x9d8: {  	[tilespmem:$0x550] =	vst @!p4 v17;
	v17 =	vadd.s32 @!p4 $0x7D0, v20  }
0x9d9: {  	s30 =	simm.s32 @!p4 $0x64;
	s31 =	simm.s32 @!p4 $0x400;
	s1 =	simm.s32 @!p4 $0x580;
	[tilespmem:$0x560] =	vst @!p4 v17  }
0x9da: {  	[tilespmem:s1], [sflag:$0x1] =	stream.indirect.gather @!p4 [hbm4b:s4+s30], $0x80, s31, s30, $0xb8;
	[tilespmem:$0x13E00] =	vst v63  }
0x9db: {  	s1 =	simm.s32 @!p4 $0x480;
	s31 =	simm.s32 @!p4 $0x3980  }
0x9dc: {  	[tilespmem:s31], [sflag:$0x1] =	stream.indirect.gather @!p4 [hbm4b:s4+s30], $0x80, s1, s30, $0xb8;
	[tilespmem:$0x13E00] =	vst v63  }
0x9dd: {  	s1 =	simm.s32 @!p4 $0x500;
	s31 =	simm.s32 @!p4 $0x6D80  }
0x9de: {  	[tilespmem:s31], [sflag:$0x1] =	stream.indirect.gather @!p4 [hbm4b:s4+s30], $0x80, s1, s30, $0xb8;
	[tilespmem:$0x13E00] =	vst v63  }
.LBB2_13:
.Ltmp8:
0x9df: {  	(pc) =	sbr.rel @p1 .LBB2_17-.Ltmp8, $1  }
0x9e0: {  	_ =	sdelay $0x3  }
0x9e1: {  	_ =	swait.ge [sflag:s28], $0x3200  }
0x9e2: {  	[sflag:s28] =	ssyncset.done $0x0  }
0x9e3: {  	[sflag:s28] =	ssyncadd.s32 $0xFFFFCE00  }
0x9e4: {  	_ =	swait.ge [sflag:s28], $0x3200  }
0x9e5: {  	[sflag:s28] =	ssyncset.done $0x0  }
0x9e6: {  	[sflag:s28] =	ssyncadd.s32 $0xFFFFCE00  }
0x9e7: {  	_ =	swait.ge [sflag:s28], $0x3200  }
0x9e8: {  	[sflag:s28] =	ssyncset.done $0x0  }
0x9e9: {  	s1 =	simm.s32 $0x0;
	[sflag:s28] =	ssyncadd.s32 $0xFFFFCE00  }
0x9ea: {  	v17 =	vld [tilespmem:s1+$0xA1F0]  }
0x9eb: {  	v18 =	vld [tilespmem:s1+$0xD5F0]  }
0x9ec: {  	v19 =	vld [tilespmem:s1+$0xA180]  }
0x9ed: {  	v20 =	vld [tilespmem:s1+$0x109F0]  }
0x9ee: {  	v21 =	vld [tilespmem:s1+$0xD580]  }
0x9ef: {  	v22 =	vld [tilespmem:s1+$0xA190]  }
0x9f0: {  	v23 =	vld [tilespmem:s1+$0xD590]  }
0x9f1: {  	v24 =	vld [tilespmem:s1+$0xA1A0]  }
0x9f2: {  	v25 =	vld [tilespmem:s1+$0xD5A0]  }
0x9f3: {  	v26 =	vld [tilespmem:s1+$0xA1B0]  }
0x9f4: {  	v27 =	vld [tilespmem:s1+$0xD5B0]  }
0x9f5: {  	v28 =	vld [tilespmem:s1+$0xA1C0]  }
0x9f6: {  	v29 =	vld [tilespmem:s1+$0xD5C0]  }
0x9f7: {  	v31 =	vld [tilespmem:s1+$0xA1D0]  }
0x9f8: {  	v32 =	vld [tilespmem:s1+$0xD5D0]  }
0x9f9: {  	v34 =	vld [tilespmem:s1+$0xA1E0]  }
0x9fa: {  	v33 =	vld [tilespmem:s1+$0x10980]  }
0x9fb: {  	v35 =	vld [tilespmem:s1+$0x10990]  }
0x9fc: {  	v17 =	vadd.f32 v18, v17;
	v18 =	vld [tilespmem:s1+$0xD5E0];
	v19 =	vadd.f32 v21, v19  }
0x9fd: {  	v21 =	vld [tilespmem:s1+$0x109A0];
	v22 =	vadd.f32 v23, v22;
	v23 =	vadd.f32 v25, v24  }
0x9fe: {  	v26 =	vadd.f32 v27, v26;
	v29 =	vadd.f32 v29, v28  }
0x9ff: {  	v30 =	vld [tilespmem:s1+$0x109B0];
	v17 =	vadd.f32 v20, v17;
	v19 =	vadd.f32 v33, v19  }
0xa00: {  	v28 =	vadd.f32 v32, v31;
	v24 =	vimm.f32 $1.000000000e+00;
	v20 =	vimm.f32 $1.000000000e+00;
	v33 =	vld [tilespmem:s1+$0x109C0]  }
0xa01: {  	v32 =	vld [tilespmem:s1+$0x109D0];
	v17 =	vmul.f32 v17, v20;
	v19 =	vmul.f32 v19, v20;
	v27 =	vadd.f32 v18, v34  }
0xa02: {  	s30 =	simm.s32 $0x80;
	v31 =	vld [tilespmem:s1+$0x109E0];
	v34 =	vadd.f32 v35, v22;
	v35 =	vadd.f32 v21, v23;
	v23 =	vimm.f32 $1.000000000e+00  }
0xa03: {  	s31 =	simm.s32 $0x400;
	v25 =	vld [tilespmem:s30+$0xA1F0];
	v22 =	vimm.f32 $1.000000000e+00;
	v21 =	vimm.f32 $1.000000000e+00;
	v18 =	vimm.f32 $1.000000000e+00  }
.LBB2_15:
0xa04: {  	p5 =	sne.s32 s31, $0xC600;
	v36 =	vld [tilespmem:s30+$0xD5F0];
	v20 =	vmul.f32 v34, v20;
	v26 =	vadd.f32 v30, v26  }
0xa05: {  	v30 =	vld [tilespmem:s30+$0xA180];
	v24 =	vmul.f32 v35, v24;
	v29 =	vadd.f32 v33, v29  }
0xa06: {  	v33 =	vld [tilespmem:s30+$0x109F0];
	v23 =	vmul.f32 v26, v23;
	v26 =	vadd.f32 v32, v28  }
0xa07: {  	v28 =	vld [tilespmem:s30+$0xD580];
	v22 =	vmul.f32 v29, v22;
	v27 =	vadd.f32 v31, v27  }
0xa08: {  	v29 =	vld [tilespmem:s30+$0xA190];
	v21 =	vmul.f32 v26, v21  }
0xa09: {  	v26 =	vld [tilespmem:s30+$0xD590];
	v25 =	vadd.f32 v36, v25;
	v18 =	vmul.f32 v27, v18  }
0xa0a: {  	v27 =	vld [tilespmem:s30+$0xA1A0]  }
0xa0b: {  	v31 =	vld [tilespmem:s30+$0xD5A0];
	v25 =	vadd.f32 v33, v25  }
0xa0c: {  	v32 =	vadd.f32 v28, v30;
	v28 =	vld [tilespmem:s30+$0xA1B0]  }
0xa0d: {  	v30 =	vld [tilespmem:s30+$0xD5B0];
	v17 =	vmul.f32 v25, v17  }
0xa0e: {  	v25 =	vadd.f32 v26, v29;
	v29 =	vld [tilespmem:s30+$0xA1C0]  }
0xa0f: {  	v33 =	vld [tilespmem:s30+$0xD5C0]  }
0xa10: {  	v35 =	vadd.f32 v31, v27;
	v27 =	vld [tilespmem:s30+$0xA1D0]  }
0xa11: {  	v31 =	vld [tilespmem:s30+$0xD5D0]  }
0xa12: {  	v26 =	vadd.f32 v30, v28;
	v34 =	vld [tilespmem:s30+$0xA1E0]  }
0xa13: {  	v36 =	vld [tilespmem:s30+$0xD5E0]  }
0xa14: {  	v37 =	vld [tilespmem:s30+$0x10980];
	v29 =	vadd.f32 v33, v29  }
0xa15: {  	v38 =	vld [tilespmem:s30+$0x10990]  }
0xa16: {  	v39 =	vld [tilespmem:s30+$0x109A0];
	v28 =	vadd.f32 v31, v27  }
.Ltmp9:
0xa17: {  	v30 =	vld [tilespmem:s30+$0x109B0];
	(pc) =	sbr.rel @p5 .LBB2_15-.Ltmp9, $4  }
0xa18: {  	v33 =	vld [tilespmem:s30+$0x109C0];
	v27 =	vadd.f32 v36, v34  }
0xa19: {  	v36 =	vadd.f32 v37, v32;
	v32 =	vld [tilespmem:s30+$0x109D0]  }
0xa1a: {  	v34 =	vadd.f32 v38, v25;
	v31 =	vld [tilespmem:s30+$0x109E0];
	s30 =	sshra.s32 s31, $0x2  }
0xa1b: {  	s31 =	sadd.s32 $0x200, s31;
	v25 =	vld [tilespmem:s30+$0xA1F0];
	v19 =	vmul.f32 v36, v19;
	v35 =	vadd.f32 v39, v35  }
0xa1c: {  	v36 =	vld [tilespmem:s30+$0xD5F0]  }
0xa1d: {  	v37 =	vld [tilespmem:s30+$0xA180]  }
0xa1e: {  	v38 =	vld [tilespmem:s30+$0xD580]  }
0xa1f: {  	v39 =	vld [tilespmem:s30+$0xA190]  }
0xa20: {  	v40 =	vld [tilespmem:s30+$0xD590]  }
0xa21: {  	v41 =	vld [tilespmem:s30+$0xA1A0]  }
0xa22: {  	v42 =	vld [tilespmem:s30+$0xD5A0]  }
0xa23: {  	v43 =	vld [tilespmem:s30+$0xA1B0]  }
0xa24: {  	v44 =	vld [tilespmem:s30+$0xD5B0]  }
0xa25: {  	v45 =	vld [tilespmem:s30+$0xA1C0]  }
0xa26: {  	v46 =	vld [tilespmem:s30+$0xD5C0]  }
0xa27: {  	v47 =	vld [tilespmem:s30+$0xA1D0]  }
0xa28: {  	v48 =	vld [tilespmem:s30+$0xD5D0]  }
0xa29: {  	v49 =	vld [tilespmem:s30+$0xA1E0]  }
0xa2a: {  	v50 =	vld [tilespmem:s30+$0xD5E0]  }
0xa2b: {  	v51 =	vld [tilespmem:s30+$0x10980]  }
0xa2c: {  	v52 =	vld [tilespmem:s30+$0x10990];
	v26 =	vadd.f32 v30, v26  }
0xa2d: {  	v60 =	vld [tilespmem:s30+$0x109A0];
	v29 =	vadd.f32 v33, v29;
	v28 =	vadd.f32 v32, v28  }
0xa2e: {  	v20 =	vmul.f32 v34, v20;
	v62 =	vld [tilespmem:s30+$0x109B0];
	v63 =	vadd.f32 v31, v27;
	v61 =	vadd.f32 v38, v37  }
0xa2f: {  	v54 =	vld [tilespmem:s30+$0x109E0];
	v24 =	vmul.f32 v35, v24;
	v39 =	vadd.f32 v40, v39;
	v42 =	vadd.f32 v42, v41  }
0xa30: {  	v23 =	vmul.f32 v26, v23;
	v40 =	vld [tilespmem:s30+$0x109C0];
	v53 =	vadd.f32 v44, v43;
	v32 =	vadd.f32 v51, v61  }
0xa31: {  	v22 =	vmul.f32 v29, v22;
	v55 =	vadd.f32 v46, v45;
	v51 =	vld [tilespmem:s30+$0x109D0];
	v27 =	vadd.f32 v52, v39  }
0xa32: {  	v56 =	vld [tilespmem:s30+$0x109F0];
	v59 =	vadd.f32 v50, v49;
	v29 =	vadd.f32 v60, v42;
	v19 =	vmul.f32 v32, v19  }
0xa33: {  	v57 =	vadd.f32 v48, v47;
	v58 =	vadd.f32 v62, v53;
	v20 =	vmul.f32 v27, v20  }
0xa34: {  	v18 =	vmul.f32 v63, v18;
	v63 =	vadd.f32 v54, v59;
	v24 =	vmul.f32 v29, v24;
	[tilespmem:$0x13D80] =	vst v19  }
0xa35: {  	v23 =	vmul.f32 v58, v23;
	v60 =	vadd.f32 v40, v55;
	v19 =	vadd.f32 v36, v25;
	[tilespmem:$0x13D90] =	vst v20  }
0xa36: {  	v21 =	vmul.f32 v28, v21;
	v18 =	vmul.f32 v63, v18;
	[tilespmem:$0x13DA0] =	vst v24;
	v61 =	vadd.f32 v51, v57  }
0xa37: {  	[tilespmem:$0x13DB0] =	vst v23;
	v62 =	vmul.f32 v60, v22;
	v19 =	vadd.f32 v56, v19  }
0xa38: {  	[tilespmem:$0x13DE0] =	vst v18;
	v21 =	vmul.f32 v61, v21  }
0xa39: {  	[tilespmem:$0x13DC0] =	vst v62;
	v17 =	vmul.f32 v19, v17  }
0xa3a: {  	[tilespmem:$0x13DD0] =	vst v21  }
0xa3b: {  	[tilespmem:$0x13DF0] =	vst v17  }
0xa3c: {  	[hbm4b:s15+s2] =	stream.linear.scatter [tilespmem:s26], [sflag:$0x3], $0x80, $0x38;
	[tilespmem:$0x13E00] =	vst v63  }
0xa3d: {  	_ =	swait.ge [sflag:s18], $0x80  }
0xa3e: {  	[sflag:s18] =	ssyncset.done $0x0  }
0xa3f: {  	[sflag:s18] =	ssyncadd.s32 $0xFFFFFF80  }
.LBB2_17:
.Ltmp10:
0xa40: {  	(pc) =	sbr.rel @p2 .LBB2_21-.Ltmp10, $1  }
0xa41: {  	_ =	sdelay $0x3  }
0xa42: {  	_ =	swait.ge [sflag:s25], $0x3200  }
0xa43: {  	[sflag:s25] =	ssyncset.done $0x0  }
0xa44: {  	[sflag:s25] =	ssyncadd.s32 $0xFFFFCE00  }
0xa45: {  	_ =	swait.ge [sflag:s25], $0x3200  }
0xa46: {  	[sflag:s25] =	ssyncset.done $0x0  }
0xa47: {  	[sflag:s25] =	ssyncadd.s32 $0xFFFFCE00  }
0xa48: {  	_ =	swait.ge [sflag:s25], $0x3200  }
0xa49: {  	[sflag:s25] =	ssyncset.done $0x0  }
0xa4a: {  	s1 =	simm.s32 $0x0;
	[sflag:s25] =	ssyncadd.s32 $0xFFFFCE00  }
0xa4b: {  	v17 =	vld [tilespmem:s1+$0x5F0]  }
0xa4c: {  	v18 =	vld [tilespmem:s1+$0x39F0]  }
0xa4d: {  	v19 =	vld [tilespmem:s1+$0x580]  }
0xa4e: {  	v20 =	vld [tilespmem:s1+$0x6DF0]  }
0xa4f: {  	v21 =	vld [tilespmem:s1+$0x3980]  }
0xa50: {  	v22 =	vld [tilespmem:s1+$0x590]  }
0xa51: {  	v23 =	vld [tilespmem:s1+$0x3990]  }
0xa52: {  	v24 =	vld [tilespmem:s1+$0x5A0]  }
0xa53: {  	v25 =	vld [tilespmem:s1+$0x39A0]  }
0xa54: {  	v26 =	vld [tilespmem:s1+$0x5B0]  }
0xa55: {  	v27 =	vld [tilespmem:s1+$0x39B0]  }
0xa56: {  	v28 =	vld [tilespmem:s1+$0x5C0]  }
0xa57: {  	v29 =	vld [tilespmem:s1+$0x39C0]  }
0xa58: {  	v31 =	vld [tilespmem:s1+$0x5D0]  }
0xa59: {  	v32 =	vld [tilespmem:s1+$0x39D0]  }
0xa5a: {  	v34 =	vld [tilespmem:s1+$0x5E0]  }
0xa5b: {  	v33 =	vld [tilespmem:s1+$0x6D80]  }
0xa5c: {  	v35 =	vld [tilespmem:s1+$0x6D90]  }
0xa5d: {  	v17 =	vadd.f32 v18, v17;
	v18 =	vld [tilespmem:s1+$0x39E0];
	v19 =	vadd.f32 v21, v19  }
0xa5e: {  	v21 =	vld [tilespmem:s1+$0x6DA0];
	v22 =	vadd.f32 v23, v22;
	v23 =	vadd.f32 v25, v24  }
0xa5f: {  	v26 =	vadd.f32 v27, v26;
	v29 =	vadd.f32 v29, v28  }
0xa60: {  	v30 =	vld [tilespmem:s1+$0x6DB0];
	v17 =	vadd.f32 v20, v17;
	v19 =	vadd.f32 v33, v19  }
0xa61: {  	v28 =	vadd.f32 v32, v31;
	v24 =	vimm.f32 $1.000000000e+00;
	v20 =	vimm.f32 $1.000000000e+00;
	v33 =	vld [tilespmem:s1+$0x6DC0]  }
0xa62: {  	v32 =	vld [tilespmem:s1+$0x6DD0];
	v17 =	vmul.f32 v17, v20;
	v19 =	vmul.f32 v19, v20;
	v27 =	vadd.f32 v18, v34  }
0xa63: {  	s30 =	simm.s32 $0x80;
	v31 =	vld [tilespmem:s1+$0x6DE0];
	v34 =	vadd.f32 v35, v22;
	v35 =	vadd.f32 v21, v23;
	v23 =	vimm.f32 $1.000000000e+00  }
0xa64: {  	s31 =	simm.s32 $0x400;
	v25 =	vld [tilespmem:s30+$0x5F0];
	v22 =	vimm.f32 $1.000000000e+00;
	v21 =	vimm.f32 $1.000000000e+00;
	v18 =	vimm.f32 $1.000000000e+00  }
.LBB2_19:
0xa65: {  	p5 =	sne.s32 s31, $0xC600;
	v36 =	vld [tilespmem:s30+$0x39F0];
	v20 =	vmul.f32 v34, v20;
	v26 =	vadd.f32 v30, v26  }
0xa66: {  	v24 =	vmul.f32 v35, v24;
	v29 =	vadd.f32 v33, v29;
	v30 =	vld [tilespmem:s30+$0x580]  }
0xa67: {  	v33 =	vld [tilespmem:s30+$0x6DF0];
	v23 =	vmul.f32 v26, v23;
	v26 =	vadd.f32 v32, v28  }
0xa68: {  	v27 =	vadd.f32 v31, v27;
	v22 =	vmul.f32 v29, v22;
	v28 =	vld [tilespmem:s30+$0x3980]  }
0xa69: {  	v29 =	vld [tilespmem:s30+$0x590];
	v21 =	vmul.f32 v26, v21  }
0xa6a: {  	v18 =	vmul.f32 v27, v18;
	v26 =	vld [tilespmem:s30+$0x3990];
	v25 =	vadd.f32 v36, v25  }
0xa6b: {  	v27 =	vld [tilespmem:s30+$0x5A0]  }
0xa6c: {  	v31 =	vld [tilespmem:s30+$0x39A0];
	v25 =	vadd.f32 v33, v25  }
0xa6d: {  	v32 =	vadd.f32 v28, v30;
	v28 =	vld [tilespmem:s30+$0x5B0]  }
0xa6e: {  	v30 =	vld [tilespmem:s30+$0x39B0];
	v17 =	vmul.f32 v25, v17  }
0xa6f: {  	v25 =	vadd.f32 v26, v29;
	v29 =	vld [tilespmem:s30+$0x5C0]  }
0xa70: {  	v33 =	vld [tilespmem:s30+$0x39C0]  }
0xa71: {  	v35 =	vadd.f32 v31, v27;
	v27 =	vld [tilespmem:s30+$0x5D0]  }
0xa72: {  	v31 =	vld [tilespmem:s30+$0x39D0]  }
0xa73: {  	v26 =	vadd.f32 v30, v28;
	v34 =	vld [tilespmem:s30+$0x5E0]  }
0xa74: {  	v36 =	vld [tilespmem:s30+$0x39E0]  }
0xa75: {  	v37 =	vld [tilespmem:s30+$0x6D80];
	v29 =	vadd.f32 v33, v29  }
0xa76: {  	v38 =	vld [tilespmem:s30+$0x6D90]  }
0xa77: {  	v39 =	vld [tilespmem:s30+$0x6DA0];
	v28 =	vadd.f32 v31, v27  }
.Ltmp11:
0xa78: {  	v30 =	vld [tilespmem:s30+$0x6DB0];
	(pc) =	sbr.rel @p5 .LBB2_19-.Ltmp11, $4  }
0xa79: {  	v33 =	vld [tilespmem:s30+$0x6DC0];
	v27 =	vadd.f32 v36, v34  }
0xa7a: {  	v36 =	vadd.f32 v37, v32;
	v32 =	vld [tilespmem:s30+$0x6DD0]  }
0xa7b: {  	v34 =	vadd.f32 v38, v25;
	v31 =	vld [tilespmem:s30+$0x6DE0];
	s30 =	sshra.s32 s31, $0x2  }
0xa7c: {  	s31 =	sadd.s32 $0x200, s31;
	v25 =	vld [tilespmem:s30+$0x5F0];
	v19 =	vmul.f32 v36, v19;
	v35 =	vadd.f32 v39, v35  }
.Ltmp12:
0xa7d: {  	_ = 	snop;
	(pc) =	sbr.rel .LBB2_20-.Ltmp12, $1  }
0xa7e: {  	_ =	sdelay $0x3  }
.LBB2_22:
0xa7f: {  	_ =	sfence.sel $0x180000  }
0xa80: {  	[bflag:$0x0] =	sbarrier.arrive $0xFFFF  }
0xa81: {  	_ =	strace $0x90000047  }
0xa82: {  	s0 =	stileid.u32;
	[bflag:$0x2] =	sbarrier.arrive $0xFFFF  }
0xa83: {  	p0 =	sne.s32 s0, $0x0;
	s0 =	rddreg [dreg:$0x5]  }
0xa84: {  	s0 =	sadd.s32 @!p0 $0x100000, s0  }
0xa85: {  	[sflag:s0] =	ssyncadd.tile.s32 @!p0 $0x1;
	_ =	shalt  }
.Lfunc_end2:
_tile_overlayer_lowered:
.L_overlay_start_2:
0xa86: {  	(tag) =	ssettag $0x2  }
0xa87: {  	s0 =	rddreg [dreg:$0x0];
	s2 =	stileid.u32  }
0xa88: {  	s1 =	rddreg [dreg:$0x1];
	p0 =	sne.s32 s2, $0x0  }
0xa89: {  	s3 =	rddreg [dreg:$0x2];
	[bflag:$0x3] =	sbarrier.arrive $0xFFFF;
	s2 =	simm.s32 @!p0 $0x1C03  }
0xa8a: {  	[timem:s3], [sflag:s2] =	dma.local @!p0 [hbm:s0], s1  }
0xa8b: {  	s0 =	simm.s32 @!p0 $0x3  }
0xa8c: {  	_ =	swait.ge @!p0 [sflag:s0], s1  }
0xa8d: {  	s1 =	ssub.s32 @!p0 $0x0, s1;
	[sflag:s0] =	ssyncset.done @!p0 $0x0  }
0xa8e: {  	[sflag:s0] =	ssyncadd.s32 @!p0 s1  }
0xa8f: {  	[bflag:$0x3] =	sbarrier.arrive $0xFFFF  }
0xa90: {  	_ =	shalt  }

</sc_bundles>
